<compile_context>
chip_gen: v7x
topology: tpu7x:2x2x1
jax: 0.10.2.dev20260603
libtpu: 0.0.44.dev20260713+nightly
codegen_flags: <defaults>
</compile_context>

<pallas_src>
import jax
import jax.numpy as jnp
from jax import lax
from jax.experimental import pallas as pl
from jax.experimental.pallas import tpu as pltpu
from jax.experimental.pallas import tpu_sc as plsc

_TE = 2000
_CH = 128
_NEG = -3.0e38


def _segmax_body(lg_hbm, row_hbm, col_hbm, out_hbm,
                 lgbuf, idxbuf, lgtail, idxtail, mt0, mt1, mt2, mt3):
    E = lg_hbm.shape[0] // 8
    N = mt0.shape[0]
    c = lax.axis_index("c")
    s = lax.axis_index("s")
    w = s * 2 + c
    mts = (mt0, mt1, mt2, mt3)

    def _init(i, _):
        mt0[pl.ds(i * 16, 16)] = jnp.full((16,), _NEG, jnp.float32)
        mt1[pl.ds(i * 16, 16)] = jnp.full((16,), _NEG, jnp.float32)
        mt2[pl.ds(i * 16, 16)] = jnp.full((16,), _NEG, jnp.float32)
        mt3[pl.ds(i * 16, 16)] = jnp.full((16,), _NEG, jnp.float32)
        return 0
    lax.fori_loop(0, N // 16, _init, 0)

    lanes = lax.iota(jnp.int32, 16)

    def _scatter_max(mt, idxv, val):
        cur = plsc.load_gather(mt, [idxv])
        tgt = jnp.maximum(cur, val)
        plsc.store_scatter(mt, [idxv], tgt)

        def cond(st):
            return st[0]

        def body(st):
            _, t = st
            cur2 = plsc.load_gather(mt, [idxv])
            need = cur2 < t
            plsc.store_scatter(mt, [idxv], jnp.maximum(cur2, t), mask=need)
            cur3 = plsc.load_gather(mt, [idxv])
            return (jnp.any(cur3 < t), t)

        first = plsc.load_gather(mt, [idxv])
        lax.while_loop(cond, body, (jnp.any(first < tgt), tgt))

    def _fields(lbuf, ibuf, g, fs):
        ids8 = (lanes + g * 16) * 8
        idxv = ibuf[pl.ds(g * 16, 16)]
        for f in fs:
            val = plsc.load_gather(lbuf, [ids8 + f])
            _scatter_max(mts[f], idxv, val)

    per_tile = (E // 32) // 16 * 16
    n_chunks = per_tile // _CH

    def _chunk(k, _):
        base = w * per_tile + k * _CH

        def _grp_row(g, _):
            _fields(lgbuf, idxbuf, g, (0, 1))
            return 0

        def _grp_col(g, _):
            _fields(lgbuf, idxbuf, g, (2, 3))
            return 0

        pltpu.sync_copy(lg_hbm.at[pl.ds(base * 8, _CH * 8)], lgbuf)
        pltpu.sync_copy(row_hbm.at[pl.ds(base, _CH)], idxbuf)
        lax.fori_loop(0, _CH // 16, _grp_row, 0)
        pltpu.sync_copy(col_hbm.at[pl.ds(base, _CH)], idxbuf)
        lax.fori_loop(0, _CH // 16, _grp_col, 0)
        return 0
    lax.fori_loop(0, n_chunks, _chunk, 0)

    rem = E - 32 * per_tile
    n_rem_groups = rem // 16
    if rem:
        @pl.when(w < n_rem_groups)
        def _():
            base = 32 * per_tile + w * 16
            pltpu.sync_copy(lg_hbm.at[pl.ds(base * 8, 128)], lgtail)
            pltpu.sync_copy(row_hbm.at[pl.ds(base, 16)], idxtail)
            _fields(lgtail, idxtail, 0, (0, 1))
            pltpu.sync_copy(col_hbm.at[pl.ds(base, 16)], idxtail)
            _fields(lgtail, idxtail, 0, (2, 3))

    pltpu.sync_copy(mt0, out_hbm.at[w, 0])
    pltpu.sync_copy(mt1, out_hbm.at[w, 1])
    pltpu.sync_copy(mt2, out_hbm.at[w, 2])
    pltpu.sync_copy(mt3, out_hbm.at[w, 3])


def _sc_segmax(lg, row, col, N):
    mesh = plsc.VectorSubcoreMesh(core_axis_name="c", subcore_axis_name="s")
    f = pl.kernel(
        _segmax_body,
        out_type=jax.ShapeDtypeStruct((32, 4, N), jnp.float32),
        mesh=mesh,
        compiler_params=pltpu.CompilerParams(needs_layout_passes=False),
        scratch_types=[
            pltpu.VMEM((_CH * 8,), jnp.float32),
            pltpu.VMEM((_CH,), jnp.int32),
            pltpu.VMEM((128,), jnp.float32),
            pltpu.VMEM((16,), jnp.int32),
            pltpu.VMEM((N,), jnp.float32),
            pltpu.VMEM((N,), jnp.float32),
            pltpu.VMEM((N,), jnp.float32),
            pltpu.VMEM((N,), jnp.float32),
        ],
    )
    return f(lg.reshape(-1), row, col)


def _edge_dense_body(ea_ref, meo_ref, ms_ref, mr_ref, we0_ref, w1c_ref,
                     w3b_ref, w2m_ref, consts_ref, eo_ref, f_ref, lg_ref):
    c0 = consts_ref[0, :]
    b1 = consts_ref[1, :]
    ea = ea_ref[...]
    eo = jnp.dot(ea, we0_ref[...], preferred_element_type=jnp.float32)
    eo = eo + meo_ref[...] + c0[None, :]
    eo_ref[...] = eo
    C = jnp.dot(eo, w1c_ref[...], preferred_element_type=jnp.float32)
    f_ref[...] = jnp.dot(eo, w3b_ref[...], preferred_element_type=jnp.float32)
    xs = ms_ref[...] + C + b1[None, :]
    xr = mr_ref[...] + C + b1[None, :]
    xs = jnp.where(xs > 0, xs, 0.01 * xs)
    xr = jnp.where(xr > 0, xr, 0.01 * xr)
    w2m = w2m_ref[...]
    ls = jnp.dot(xs, w2m, preferred_element_type=jnp.float32)
    lr = jnp.dot(xr, w2m, preferred_element_type=jnp.float32)
    lg_ref[...] = jnp.concatenate([ls[:, :2], lr[:, :2], ls[:, :2], lr[:, :2]],
                                  axis=1)


def _edge_dense(edge_attr, m_eo, m_s, m_r, We0, w1c, w3b, W2m, consts):
    E, D = edge_attr.shape
    grid = E // _TE
    blk = lambda i: (i, 0)
    whole = lambda i: (0, 0)
    return pl.pallas_call(
        _edge_dense_body,
        grid=(grid,),
        in_specs=[
            pl.BlockSpec((_TE, D), blk),
            pl.BlockSpec((_TE, D), blk),
            pl.BlockSpec((_TE, D), blk),
            pl.BlockSpec((_TE, D), blk),
            pl.BlockSpec((D, D), whole),
            pl.BlockSpec((D, D), whole),
            pl.BlockSpec((D, D), whole),
            pl.BlockSpec((D, 8), whole),
            pl.BlockSpec((8, D), whole),
        ],
        out_specs=[
            pl.BlockSpec((_TE, D), blk),
            pl.BlockSpec((_TE, D), blk),
            pl.BlockSpec((_TE, 8), blk),
        ],
        out_shape=[
            jax.ShapeDtypeStruct((E, D), jnp.float32),
            jax.ShapeDtypeStruct((E, D), jnp.float32),
            jax.ShapeDtypeStruct((E, 8), jnp.float32),
        ],
    )(edge_attr, m_eo, m_s, m_r, We0, w1c, w3b, W2m, consts)


def _node_dense_body(na_ref, sr_ref, rr_ref, ds_ref, dr_ref, wn0_ref,
                     wn1_ref, wn2_ref, consts_ref, out_ref):
    cn = consts_ref[2, :]
    sent = sr_ref[...] / (ds_ref[...] + 1e-16)
    recv = rr_ref[...] / (dr_ref[...] + 1e-16)
    out = jnp.dot(na_ref[...], wn0_ref[...],
                  preferred_element_type=jnp.float32)
    out += jnp.dot(sent, wn1_ref[...], preferred_element_type=jnp.float32)
    out += jnp.dot(recv, wn2_ref[...], preferred_element_type=jnp.float32)
    out_ref[...] = out + cn[None, :]


def _node_dense(node_attr, sent_raw, recv_raw, den_sb, den_rb,
                Wn0, Wn1, Wn2, consts):
    N, D = node_attr.shape
    TN = 2000
    blk = lambda i: (i, 0)
    whole = lambda i: (0, 0)
    return pl.pallas_call(
        _node_dense_body,
        grid=(N // TN,),
        in_specs=[
            pl.BlockSpec((TN, D), blk),
            pl.BlockSpec((TN, D), blk),
            pl.BlockSpec((TN, D), blk),
            pl.BlockSpec((TN, D), blk),
            pl.BlockSpec((TN, D), blk),
            pl.BlockSpec((D, D), whole),
            pl.BlockSpec((D, D), whole),
            pl.BlockSpec((D, D), whole),
            pl.BlockSpec((8, D), whole),
        ],
        out_specs=pl.BlockSpec((TN, D), blk),
        out_shape=jax.ShapeDtypeStruct((N, D), jnp.float32),
    )(node_attr, sent_raw, recv_raw, den_sb, den_rb, Wn0, Wn1, Wn2, consts)


def kernel(node_attr, edge_attr, global_attr, edge_index, node_batch,
           edge_batch, num_nodes, num_edges, W_edge, b_edge, W_node, b_node,
           w1, b1, w2, w3, b3):
    N, D = node_attr.shape
    E = edge_attr.shape[0]
    H, HD = w2.shape
    row = edge_index[0]
    col = edge_index[1]

    A_e = node_attr @ W_edge[D:2 * D]
    B_e = edge_attr[:N] @ W_edge[2 * D:3 * D]
    c0 = global_attr @ W_edge[3 * D:] + b_edge
    A1 = node_attr @ w1[:D]
    B1 = node_attr @ w1[D:2 * D]
    Dv = node_attr @ w3[:D]
    cn = global_attr @ W_node[3 * D:] + b_node

    W2m = jnp.zeros((D, 8), jnp.float32)
    for h in range(H):
        W2m = W2m.at[h * HD:(h + 1) * HD, h].set(w2[h])

    consts = jnp.zeros((8, D), jnp.float32)
    consts = consts.at[0].set(c0[0]).at[1].set(b1).at[2].set(cn[0])

    m_eo = A_e[row] + B_e[col]
    m_s = A1[row] + B1[col]
    m_r = B1[row] + A1[col]
    dv_c = Dv[col]
    dv_r = Dv[row]

    edge_out, F, lg = _edge_dense(edge_attr, m_eo, m_s, m_r, W_edge[:D],
                                  w1[2 * D:], w3[D:], W2m, consts)
    ls = lg[:, 0:2]
    lr = lg[:, 2:4]

    partials = _sc_segmax(lg, row, col, N)
    maxes = jnp.max(partials, axis=0)
    max_s = maxes[0:2].T
    max_r = maxes[2:4].T

    ex_s = jnp.exp(ls - max_s[row])
    ex_r = jnp.exp(lr - max_r[col])

    v_s = (dv_c + F + b3[None, :]).reshape(E, H, HD)
    v_r = (dv_r + F + b3[None, :]).reshape(E, H, HD)
    u_s = (ex_s[:, :, None] * v_s).reshape(E, D)
    u_r = (ex_r[:, :, None] * v_r).reshape(E, D)

    us_ext = jnp.concatenate([u_s, ex_s], axis=1)
    ur_ext = jnp.concatenate([u_r, ex_r], axis=1)
    sent_ext = jax.ops.segment_sum(us_ext, row, N)
    recv_ext = jax.ops.segment_sum(ur_ext, col, N)
    sent_raw = sent_ext[:, :D]
    recv_raw = recv_ext[:, :D]
    den_s = sent_ext[:, D:]
    den_r = recv_ext[:, D:]

    den_sb = jnp.repeat(den_s, HD, axis=1)
    den_rb = jnp.repeat(den_r, HD, axis=1)
    node_out = _node_dense(node_attr, sent_raw, recv_raw, den_sb, den_rb,
                           W_node[:D], W_node[D:2 * D], W_node[2 * D:3 * D],
                           consts)
    return (node_out, edge_out, global_attr)

# --- scband reference (transcript-rebuilt; emitter-appended) ---
"""Pipeline reference for scband-meta-layer-56367150792721 (READ-ONLY COPY).

The authoritative reference and input builder live on the scoring server;
editing this copy changes nothing except your own understanding.
"""

import jax, jax.numpy as jnp
import numpy as np

N = 10000
E = 160000
D = 128
H = 2
HD = 64


def setup_inputs(seed: int = 0):
    key = jax.random.key(seed)
    ks = jax.random.split(key, 12)
    node_attr = jax.random.normal(ks[0], (N, D), dtype=jnp.float32)
    edge_attr = jax.random.normal(ks[1], (E, D), dtype=jnp.float32)
    global_attr = jax.random.normal(ks[2], (1, D), dtype=jnp.float32)
    edge_index = jax.random.randint(ks[3], (2, E), 0, N, dtype=jnp.int32)
    node_batch = jnp.zeros((N,), dtype=jnp.int32)
    edge_batch = jnp.zeros((E,), dtype=jnp.int32)
    W_edge = jax.random.normal(ks[4], (4 * D, D), dtype=jnp.float32) / np.sqrt(4 * D)
    b_edge = jnp.zeros((D,), dtype=jnp.float32)
    W_node = jax.random.normal(ks[5], (4 * D, D), dtype=jnp.float32) / np.sqrt(4 * D)
    b_node = jnp.zeros((D,), dtype=jnp.float32)
    w1 = jax.random.normal(ks[6], (3 * D, D), dtype=jnp.float32) / np.sqrt(3 * D)
    b1 = jnp.zeros((D,), dtype=jnp.float32)
    w2 = jax.random.normal(ks[7], (H, HD), dtype=jnp.float32) / np.sqrt(HD)
    w3 = jax.random.normal(ks[8], (2 * D, D), dtype=jnp.float32) / np.sqrt(2 * D)
    b3 = jnp.zeros((D,), dtype=jnp.float32)
    return {
        'node_attr': node_attr, 'edge_attr': edge_attr, 'global_attr': global_attr,
        'edge_index': edge_index, 'node_batch': node_batch, 'edge_batch': edge_batch,
        'num_nodes': N, 'num_edges': E,
        'W_edge': W_edge, 'b_edge': b_edge, 'W_node': W_node, 'b_node': b_node,
        'w1': w1, 'b1': b1, 'w2': w2, 'w3': w3, 'b3': b3,
    }


def _segment_softmax(logits, index, num_segments):
    seg_max = jax.ops.segment_max(logits, index, num_segments)
    seg_max = jnp.where(jnp.isfinite(seg_max), seg_max, 0.0)
    ex = jnp.exp(logits - seg_max[index])
    denom = jax.ops.segment_sum(ex, index, num_segments)
    return ex / (denom[index] + 1e-16)


def _node_attn(q, k_v, k_e, index, nnode, w1, b1, w2, w3, b3):
    x = jnp.concatenate([q, k_v, k_e], axis=1) @ w1 + b1
    x = jax.nn.leaky_relu(x.reshape(-1, H, HD), 0.01)
    aw = jnp.einsum('nhc,hc->nh', x, w2)[..., None]
    aw = _segment_softmax(aw, index, nnode)
    v = (jnp.concatenate([k_v, k_e], axis=1) @ w3 + b3).reshape(-1, H, HD)
    out = (aw * v).reshape(-1, D)
    return jax.ops.segment_sum(out, index, nnode)


def reference(node_attr, edge_attr, global_attr, edge_index, node_batch, edge_batch, num_nodes, num_edges, W_edge, b_edge, W_node, b_node, w1, b1, w2, w3, b3):
    row = edge_index[0]
    col = edge_index[1]
    # edge model: concat([edge_attr, node_attr[row], edge_attr[col], global_edges]) -> Linear
    sent_attributes = node_attr[row]
    receive_attributes = edge_attr[col]  # faithful to original (indexes edge_attr with col)
    global_edges = jnp.repeat(global_attr, num_edges, axis=0, total_repeat_length=edge_attr.shape[0])
    concat_feat = jnp.concatenate([edge_attr, sent_attributes, receive_attributes, global_edges], axis=1)
    edge_out = concat_feat @ W_edge + b_edge
    # node model with NodeAttn aggregation
    nnode = node_attr.shape[0]
    sent_attr = _node_attn(node_attr[row], node_attr[col], edge_out, row, nnode, w1, b1, w2, w3, b3)
    recv_attr = _node_attn(node_attr[col], node_attr[row], edge_out, col, nnode, w1, b1, w2, w3, b3)
    global_nodes = jnp.repeat(global_attr, num_nodes, axis=0, total_repeat_length=node_attr.shape[0])
    concat_feat = jnp.concatenate([node_attr, sent_attr, recv_attr, global_nodes], axis=1)
    node_out = concat_feat @ W_node + b_node
    # global_model is None -> global_attr passes through
    return (node_out, edge_out, global_attr)

if __name__ == "__main__":
    import jax
    _d = setup_inputs()
    print(jax.jit(kernel)(*tuple(_d.values())))

</pallas_src>

<mosaic_0001>
#map = affine_map<(d0, d1) -> (0)>
#map1 = affine_map<(d0, d1) -> (0, 0, 0)>
module attributes {stable_mosaic.version = 14 : i64} {
  func.func @_segmax_body(%arg0: i32, %arg1: i32, %arg2: memref<1280000xf32, #tpu.memory_space<hbm>>, %arg3: memref<160000xi32, #tpu.memory_space<hbm>>, %arg4: memref<160000xi32, #tpu.memory_space<hbm>>, %arg5: memref<32x4x10000xf32, #tpu.memory_space<hbm>>, %arg6: memref<1024xf32, #tpu.memory_space<vmem>>, %arg7: memref<128xi32, #tpu.memory_space<vmem>>, %arg8: memref<128xf32, #tpu.memory_space<vmem>>, %arg9: memref<16xi32, #tpu.memory_space<vmem>>, %arg10: memref<10000xf32, #tpu.memory_space<vmem>>, %arg11: memref<10000xf32, #tpu.memory_space<vmem>>, %arg12: memref<10000xf32, #tpu.memory_space<vmem>>, %arg13: memref<10000xf32, #tpu.memory_space<vmem>>) attributes {dimension_semantics = [#tpu.dimension_semantics<core_parallel>, #tpu.dimension_semantics<subcore_parallel>], iteration_bounds = array<i64: 2, 16>, scalar_prefetch = 0 : i64, scratch_operands = 8 : i64, tpu.core_type = #tpu.core_type<sc_vector_subcore>, window_params = [{transform_indices = #map}, {transform_indices = #map}, {transform_indices = #map}, {transform_indices = #map1}]} {
    %mul3A = arith.constant 2 : i32
    %mul3A_0 = arith.muli %arg1, %mul3A : i32
    %add3A = arith.addi %mul3A_0, %arg0 : i32
    %scan3A = arith.constant 0 : i32
    %scan3A_1 = arith.constant 0 : i32
    %scan3A_2 = arith.constant 625 : i32
    %scan3A_3 = arith.addi %scan3A_1, %scan3A_2 : i32
    %scan3A_4 = arith.constant 1 : i32
    %scan3A_5 = scf.for %scan3A_19 = %scan3A_1 to %scan3A_3 step %scan3A_4 iter_args(%scan3A_20 = %scan3A) -> (i32)  : i32 {
      %broadcast_in_dim3A = arith.constant -3.000000e+38 : f32
      %broadcast_in_dim3A_21 = vector.broadcast %broadcast_in_dim3A : f32 to vector<16xf32>
      %mul3A_22 = arith.constant 16 : i32
      %mul3A_23 = arith.muli %scan3A_19, %mul3A_22 : i32
      %swap3A = arith.index_cast %mul3A_23 : i32 to index
      %swap3A_24 = tpu.vector_load %arg10[%swap3A] {strides = array<i32>} : memref<10000xf32, #tpu.memory_space<vmem>>, vector<16xf32>,
      tpu.vector_store %arg10[%swap3A], %broadcast_in_dim3A_21 {strides = array<i32>} : memref<10000xf32, #tpu.memory_space<vmem>>, vector<16xf32>,
      %broadcast_in_dim3A_25 = arith.constant -3.000000e+38 : f32
      %broadcast_in_dim3A_26 = vector.broadcast %broadcast_in_dim3A_25 : f32 to vector<16xf32>
      %mul3A_27 = arith.constant 16 : i32
      %mul3A_28 = arith.muli %scan3A_19, %mul3A_27 : i32
      %swap3A_29 = arith.index_cast %mul3A_28 : i32 to index
      %swap3A_30 = tpu.vector_load %arg11[%swap3A_29] {strides = array<i32>} : memref<10000xf32, #tpu.memory_space<vmem>>, vector<16xf32>,
      tpu.vector_store %arg11[%swap3A_29], %broadcast_in_dim3A_26 {strides = array<i32>} : memref<10000xf32, #tpu.memory_space<vmem>>, vector<16xf32>,
      %broadcast_in_dim3A_31 = arith.constant -3.000000e+38 : f32
      %broadcast_in_dim3A_32 = vector.broadcast %broadcast_in_dim3A_31 : f32 to vector<16xf32>
      %mul3A_33 = arith.constant 16 : i32
      %mul3A_34 = arith.muli %scan3A_19, %mul3A_33 : i32
      %swap3A_35 = arith.index_cast %mul3A_34 : i32 to index
      %swap3A_36 = tpu.vector_load %arg12[%swap3A_35] {strides = array<i32>} : memref<10000xf32, #tpu.memory_space<vmem>>, vector<16xf32>,
      tpu.vector_store %arg12[%swap3A_35], %broadcast_in_dim3A_32 {strides = array<i32>} : memref<10000xf32, #tpu.memory_space<vmem>>, vector<16xf32>,
      %broadcast_in_dim3A_37 = arith.constant -3.000000e+38 : f32
      %broadcast_in_dim3A_38 = vector.broadcast %broadcast_in_dim3A_37 : f32 to vector<16xf32>
      %mul3A_39 = arith.constant 16 : i32
      %mul3A_40 = arith.muli %scan3A_19, %mul3A_39 : i32
      %swap3A_41 = arith.index_cast %mul3A_40 : i32 to index
      %swap3A_42 = tpu.vector_load %arg13[%swap3A_41] {strides = array<i32>} : memref<10000xf32, #tpu.memory_space<vmem>>, vector<16xf32>,
      tpu.vector_store %arg13[%swap3A_41], %broadcast_in_dim3A_38 {strides = array<i32>} : memref<10000xf32, #tpu.memory_space<vmem>>, vector<16xf32>,
      %scan3A_43 = arith.constant 0 : i32
      scf.yield %scan3A_43 : i32
    }
    %scan3A_6 = arith.constant 625 : i32
    %iota3A = tpu.iota {dimensions = array<i32: 0>} : vector<16xi32>
    %scan3A_7 = arith.constant 0 : i32
    %scan3A_8 = arith.constant 0 : i32
    %scan3A_9 = arith.constant 39 : i32
    %scan3A_10 = arith.addi %scan3A_8, %scan3A_9 : i32
    %scan3A_11 = arith.constant 1 : i32
    %scan3A_12 = scf.for %scan3A_19 = %scan3A_8 to %scan3A_10 step %scan3A_11 iter_args(%scan3A_20 = %scan3A_7) -> (i32)  : i32 {
      %mul3A_21 = arith.constant 4992 : i32
      %mul3A_22 = arith.muli %add3A, %mul3A_21 : i32
      %mul3A_23 = arith.constant 128 : i32
      %mul3A_24 = arith.muli %scan3A_19, %mul3A_23 : i32
      %add3A_25 = arith.addi %mul3A_22, %mul3A_24 : i32
      %mul3A_26 = arith.constant 8 : i32
      %mul3A_27 = arith.muli %add3A_25, %mul3A_26 : i32
      "tpu.region"() ({
        %run_scoped3A_43 = tpu.sem_alloc : memref<!tpu.dma_semaphore, #tpu.memory_space<semaphore_mem>>
        %dma_start3A = tpu.memref_slice %arg2[%mul3A_27] : memref<1280000xf32, #tpu.memory_space<hbm>> -> memref<1024xf32, #tpu.memory_space<hbm>>
        %dma_start3A_44 = tpu.memref_slice %arg2[%mul3A_27] : memref<1280000xf32, #tpu.memory_space<hbm>> -> memref<1024xf32, #tpu.memory_space<hbm>>
        tpu.enqueue_dma source(%dma_start3A_44 : memref<1024xf32, #tpu.memory_space<hbm>>) target(%arg6 : memref<1024xf32, #tpu.memory_space<vmem>>) target_semaphore(%run_scoped3A_43 : memref<!tpu.dma_semaphore, #tpu.memory_space<semaphore_mem>>)
        %dma_wait3A = tpu.memref_slice %arg2[%mul3A_27] : memref<1280000xf32, #tpu.memory_space<hbm>> -> memref<1024xf32, #tpu.memory_space<hbm>>
        %dma_wait3A_45 = tpu.memref_slice %arg2[%mul3A_27] : memref<1280000xf32, #tpu.memory_space<hbm>> -> memref<1024xf32, #tpu.memory_space<hbm>>
        tpu.wait_dma2 semaphore(%run_scoped3A_43 : memref<!tpu.dma_semaphore, #tpu.memory_space<semaphore_mem>>) src(%dma_wait3A_45 : memref<1024xf32, #tpu.memory_space<hbm>>) dst(%arg6 : memref<1024xf32, #tpu.memory_space<vmem>>)
        tpu.yield
      }) : () -> ()
      "tpu.region"() ({
        %run_scoped3A_43 = tpu.sem_alloc : memref<!tpu.dma_semaphore, #tpu.memory_space<semaphore_mem>>
        %dma_start3A = tpu.memref_slice %arg3[%add3A_25] : memref<160000xi32, #tpu.memory_space<hbm>> -> memref<128xi32, #tpu.memory_space<hbm>>
        %dma_start3A_44 = tpu.memref_slice %arg3[%add3A_25] : memref<160000xi32, #tpu.memory_space<hbm>> -> memref<128xi32, #tpu.memory_space<hbm>>
        tpu.enqueue_dma source(%dma_start3A_44 : memref<128xi32, #tpu.memory_space<hbm>>) target(%arg7 : memref<128xi32, #tpu.memory_space<vmem>>) target_semaphore(%run_scoped3A_43 : memref<!tpu.dma_semaphore, #tpu.memory_space<semaphore_mem>>)
        %dma_wait3A = tpu.memref_slice %arg3[%add3A_25] : memref<160000xi32, #tpu.memory_space<hbm>> -> memref<128xi32, #tpu.memory_space<hbm>>
        %dma_wait3A_45 = tpu.memref_slice %arg3[%add3A_25] : memref<160000xi32, #tpu.memory_space<hbm>> -> memref<128xi32, #tpu.memory_space<hbm>>
        tpu.wait_dma2 semaphore(%run_scoped3A_43 : memref<!tpu.dma_semaphore, #tpu.memory_space<semaphore_mem>>) src(%dma_wait3A_45 : memref<128xi32, #tpu.memory_space<hbm>>) dst(%arg7 : memref<128xi32, #tpu.memory_space<vmem>>)
        tpu.yield
      }) : () -> ()
      %scan3A_28 = arith.constant 0 : i32
      %scan3A_29 = arith.constant 0 : i32
      %scan3A_30 = arith.constant 8 : i32
      %scan3A_31 = arith.addi %scan3A_29, %scan3A_30 : i32
      %scan3A_32 = arith.constant 1 : i32
      %scan3A_33 = scf.for %scan3A_43 = %scan3A_29 to %scan3A_31 step %scan3A_32 iter_args(%scan3A_44 = %scan3A_28) -> (i32)  : i32 {
        %mul3A_45 = arith.constant 16 : i32
        %mul3A_46 = arith.muli %scan3A_43, %mul3A_45 : i32
        %add3A_47 = vector.broadcast %mul3A_46 : i32 to vector<16xi32>
        %add3A_48 = arith.addi %iota3A, %add3A_47 : vector<16xi32>
        %mul3A_49 = arith.constant 8 : i32
        %mul3A_50 = vector.broadcast %mul3A_49 : i32 to vector<16xi32>
        %mul3A_51 = arith.muli %add3A_48, %mul3A_50 : vector<16xi32>
        %mul3A_52 = arith.constant 16 : i32
        %mul3A_53 = arith.muli %scan3A_43, %mul3A_52 : i32
        %get3A = arith.index_cast %mul3A_53 : i32 to index
        %get3A_54 = tpu.vector_load %arg7[%get3A] {strides = array<i32>} : memref<128xi32, #tpu.memory_space<vmem>>, vector<16xi32>,
        %add3A_55 = arith.constant 0 : i32
        %add3A_56 = vector.broadcast %add3A_55 : i32 to vector<16xi32>
        %add3A_57 = arith.addi %mul3A_51, %add3A_56 : vector<16xi32>
        %gather3A = tpu.vector_load_idx %arg6[%add3A_57] : memref<1024xf32, #tpu.memory_space<vmem>>[vector<16xi32>], vector<16xf32>,
        %gather3A_58 = tpu.vector_load_idx %arg10[%get3A_54] : memref<10000xf32, #tpu.memory_space<vmem>>[vector<16xi32>], vector<16xf32>,
        %max3A = arith.maximumf %gather3A_58, %gather3A : vector<16xf32>
        tpu.vector_store_idx %arg10[%get3A_54], %max3A : memref<10000xf32, #tpu.memory_space<vmem>>[vector<16xi32>], vector<16xf32>,
        %gather3A_59 = tpu.vector_load_idx %arg10[%get3A_54] : memref<10000xf32, #tpu.memory_space<vmem>>[vector<16xi32>], vector<16xf32>,
        %lt3A_60 = arith.cmpf olt, %gather3A_59, %max3A : vector<16xf32>
        %reduce_or3A = arith.constant 1.000000e+00 : f32
        %reduce_or3A_61 = arith.constant 0.000000e+00 : f32
        %reduce_or3A_62 = vector.broadcast %reduce_or3A : f32 to vector<16xf32>
        %reduce_or3A_63 = vector.broadcast %reduce_or3A_61 : f32 to vector<16xf32>
        %reduce_or3A_64 = arith.select %lt3A_60, %reduce_or3A_62, %reduce_or3A_63 : vector<16xi1>, vector<16xf32>
        %reduce_or3A_65 = arith.constant true
        %reduce_or3A_66 = vector.broadcast %reduce_or3A_65 : i1 to vector<16xi1>
        %reduce_or3A_67 = tpu.scan <max>, %reduce_or3A_64 masked %reduce_or3A_66 : vector<16xf32>, vector<16xi1> -> vector<16xf32>
        %reduce_or3A_68 = vector.extract %reduce_or3A_67[15] : f32 from vector<16xf32>
        %reduce_or3A_69 = arith.constant 0.000000e+00 : f32
        %reduce_or3A_70 = arith.cmpf ogt, %reduce_or3A_68, %reduce_or3A_69 : f32
        %while3A = scf.while (%while3A_92 = %reduce_or3A_70) : (i1) -> i1 {
          scf.condition(%while3A_92) %while3A_92 : i1
        } do {
        ^bb0(%while3A_92: i1):
          %gather3A_93 = tpu.vector_load_idx %arg10[%get3A_54] : memref<10000xf32, #tpu.memory_space<vmem>>[vector<16xi32>], vector<16xf32>,
          %lt3A_94 = arith.cmpf olt, %gather3A_93, %max3A : vector<16xf32>
          %max3A_95 = arith.maximumf %gather3A_93, %max3A : vector<16xf32>
          tpu.vector_store_idx %arg10[%get3A_54], %max3A_95 masked %lt3A_94 : memref<10000xf32, #tpu.memory_space<vmem>>[vector<16xi32>], vector<16xf32>, vector<16xi1>
          %gather3A_96 = tpu.vector_load_idx %arg10[%get3A_54] : memref<10000xf32, #tpu.memory_space<vmem>>[vector<16xi32>], vector<16xf32>,
          %lt3A_97 = arith.cmpf olt, %gather3A_96, %max3A : vector<16xf32>
          %reduce_or3A_98 = arith.constant 1.000000e+00 : f32
          %reduce_or3A_99 = arith.constant 0.000000e+00 : f32
          %reduce_or3A_100 = vector.broadcast %reduce_or3A_98 : f32 to vector<16xf32>
          %reduce_or3A_101 = vector.broadcast %reduce_or3A_99 : f32 to vector<16xf32>
          %reduce_or3A_102 = arith.select %lt3A_97, %reduce_or3A_100, %reduce_or3A_101 : vector<16xi1>, vector<16xf32>
          %reduce_or3A_103 = arith.constant true
          %reduce_or3A_104 = vector.broadcast %reduce_or3A_103 : i1 to vector<16xi1>
          %reduce_or3A_105 = tpu.scan <max>, %reduce_or3A_102 masked %reduce_or3A_104 : vector<16xf32>, vector<16xi1> -> vector<16xf32>
          %reduce_or3A_106 = vector.extract %reduce_or3A_105[15] : f32 from vector<16xf32>
          %reduce_or3A_107 = arith.constant 0.000000e+00 : f32
          %reduce_or3A_108 = arith.cmpf ogt, %reduce_or3A_106, %reduce_or3A_107 : f32
          scf.yield %reduce_or3A_108 : i1
        }
        %add3A_71 = arith.constant 1 : i32
        %add3A_72 = vector.broadcast %add3A_71 : i32 to vector<16xi32>
        %add3A_73 = arith.addi %mul3A_51, %add3A_72 : vector<16xi32>
        %gather3A_74 = tpu.vector_load_idx %arg6[%add3A_73] : memref<1024xf32, #tpu.memory_space<vmem>>[vector<16xi32>], vector<16xf32>,
        %gather3A_75 = tpu.vector_load_idx %arg11[%get3A_54] : memref<10000xf32, #tpu.memory_space<vmem>>[vector<16xi32>], vector<16xf32>,
        %max3A_76 = arith.maximumf %gather3A_75, %gather3A_74 : vector<16xf32>
        tpu.vector_store_idx %arg11[%get3A_54], %max3A_76 : memref<10000xf32, #tpu.memory_space<vmem>>[vector<16xi32>], vector<16xf32>,
        %gather3A_77 = tpu.vector_load_idx %arg11[%get3A_54] : memref<10000xf32, #tpu.memory_space<vmem>>[vector<16xi32>], vector<16xf32>,
        %lt3A_78 = arith.cmpf olt, %gather3A_77, %max3A_76 : vector<16xf32>
        %reduce_or3A_79 = arith.constant 1.000000e+00 : f32
        %reduce_or3A_80 = arith.constant 0.000000e+00 : f32
        %reduce_or3A_81 = vector.broadcast %reduce_or3A_79 : f32 to vector<16xf32>
        %reduce_or3A_82 = vector.broadcast %reduce_or3A_80 : f32 to vector<16xf32>
        %reduce_or3A_83 = arith.select %lt3A_78, %reduce_or3A_81, %reduce_or3A_82 : vector<16xi1>, vector<16xf32>
        %reduce_or3A_84 = arith.constant true
        %reduce_or3A_85 = vector.broadcast %reduce_or3A_84 : i1 to vector<16xi1>
        %reduce_or3A_86 = tpu.scan <max>, %reduce_or3A_83 masked %reduce_or3A_85 : vector<16xf32>, vector<16xi1> -> vector<16xf32>
        %reduce_or3A_87 = vector.extract %reduce_or3A_86[15] : f32 from vector<16xf32>
        %reduce_or3A_88 = arith.constant 0.000000e+00 : f32
        %reduce_or3A_89 = arith.cmpf ogt, %reduce_or3A_87, %reduce_or3A_88 : f32
        %while3A_90 = scf.while (%while3A_92 = %reduce_or3A_89) : (i1) -> i1 {
          scf.condition(%while3A_92) %while3A_92 : i1
        } do {
        ^bb0(%while3A_92: i1):
          %gather3A_93 = tpu.vector_load_idx %arg11[%get3A_54] : memref<10000xf32, #tpu.memory_space<vmem>>[vector<16xi32>], vector<16xf32>,
          %lt3A_94 = arith.cmpf olt, %gather3A_93, %max3A_76 : vector<16xf32>
          %max3A_95 = arith.maximumf %gather3A_93, %max3A_76 : vector<16xf32>
          tpu.vector_store_idx %arg11[%get3A_54], %max3A_95 masked %lt3A_94 : memref<10000xf32, #tpu.memory_space<vmem>>[vector<16xi32>], vector<16xf32>, vector<16xi1>
          %gather3A_96 = tpu.vector_load_idx %arg11[%get3A_54] : memref<10000xf32, #tpu.memory_space<vmem>>[vector<16xi32>], vector<16xf32>,
          %lt3A_97 = arith.cmpf olt, %gather3A_96, %max3A_76 : vector<16xf32>
          %reduce_or3A_98 = arith.constant 1.000000e+00 : f32
          %reduce_or3A_99 = arith.constant 0.000000e+00 : f32
          %reduce_or3A_100 = vector.broadcast %reduce_or3A_98 : f32 to vector<16xf32>
          %reduce_or3A_101 = vector.broadcast %reduce_or3A_99 : f32 to vector<16xf32>
          %reduce_or3A_102 = arith.select %lt3A_97, %reduce_or3A_100, %reduce_or3A_101 : vector<16xi1>, vector<16xf32>
          %reduce_or3A_103 = arith.constant true
          %reduce_or3A_104 = vector.broadcast %reduce_or3A_103 : i1 to vector<16xi1>
          %reduce_or3A_105 = tpu.scan <max>, %reduce_or3A_102 masked %reduce_or3A_104 : vector<16xf32>, vector<16xi1> -> vector<16xf32>
          %reduce_or3A_106 = vector.extract %reduce_or3A_105[15] : f32 from vector<16xf32>
          %reduce_or3A_107 = arith.constant 0.000000e+00 : f32
          %reduce_or3A_108 = arith.cmpf ogt, %reduce_or3A_106, %reduce_or3A_107 : f32
          scf.yield %reduce_or3A_108 : i1
        }
        %scan3A_91 = arith.constant 0 : i32
        scf.yield %scan3A_91 : i32
      }
      %scan3A_34 = arith.constant 8 : i32
      "tpu.region"() ({
        %run_scoped3A_43 = tpu.sem_alloc : memref<!tpu.dma_semaphore, #tpu.memory_space<semaphore_mem>>
        %dma_start3A = tpu.memref_slice %arg4[%add3A_25] : memref<160000xi32, #tpu.memory_space<hbm>> -> memref<128xi32, #tpu.memory_space<hbm>>
        %dma_start3A_44 = tpu.memref_slice %arg4[%add3A_25] : memref<160000xi32, #tpu.memory_space<hbm>> -> memref<128xi32, #tpu.memory_space<hbm>>
        tpu.enqueue_dma source(%dma_start3A_44 : memref<128xi32, #tpu.memory_space<hbm>>) target(%arg7 : memref<128xi32, #tpu.memory_space<vmem>>) target_semaphore(%run_scoped3A_43 : memref<!tpu.dma_semaphore, #tpu.memory_space<semaphore_mem>>)
        %dma_wait3A = tpu.memref_slice %arg4[%add3A_25] : memref<160000xi32, #tpu.memory_space<hbm>> -> memref<128xi32, #tpu.memory_space<hbm>>
        %dma_wait3A_45 = tpu.memref_slice %arg4[%add3A_25] : memref<160000xi32, #tpu.memory_space<hbm>> -> memref<128xi32, #tpu.memory_space<hbm>>
        tpu.wait_dma2 semaphore(%run_scoped3A_43 : memref<!tpu.dma_semaphore, #tpu.memory_space<semaphore_mem>>) src(%dma_wait3A_45 : memref<128xi32, #tpu.memory_space<hbm>>) dst(%arg7 : memref<128xi32, #tpu.memory_space<vmem>>)
        tpu.yield
      }) : () -> ()
      %scan3A_35 = arith.constant 0 : i32
      %scan3A_36 = arith.constant 0 : i32
      %scan3A_37 = arith.constant 8 : i32
      %scan3A_38 = arith.addi %scan3A_36, %scan3A_37 : i32
      %scan3A_39 = arith.constant 1 : i32
      %scan3A_40 = scf.for %scan3A_43 = %scan3A_36 to %scan3A_38 step %scan3A_39 iter_args(%scan3A_44 = %scan3A_35) -> (i32)  : i32 {
        %mul3A_45 = arith.constant 16 : i32
        %mul3A_46 = arith.muli %scan3A_43, %mul3A_45 : i32
        %add3A_47 = vector.broadcast %mul3A_46 : i32 to vector<16xi32>
        %add3A_48 = arith.addi %iota3A, %add3A_47 : vector<16xi32>
        %mul3A_49 = arith.constant 8 : i32
        %mul3A_50 = vector.broadcast %mul3A_49 : i32 to vector<16xi32>
        %mul3A_51 = arith.muli %add3A_48, %mul3A_50 : vector<16xi32>
        %mul3A_52 = arith.constant 16 : i32
        %mul3A_53 = arith.muli %scan3A_43, %mul3A_52 : i32
        %get3A = arith.index_cast %mul3A_53 : i32 to index
        %get3A_54 = tpu.vector_load %arg7[%get3A] {strides = array<i32>} : memref<128xi32, #tpu.memory_space<vmem>>, vector<16xi32>,
        %add3A_55 = arith.constant 2 : i32
        %add3A_56 = vector.broadcast %add3A_55 : i32 to vector<16xi32>
        %add3A_57 = arith.addi %mul3A_51, %add3A_56 : vector<16xi32>
        %gather3A = tpu.vector_load_idx %arg6[%add3A_57] : memref<1024xf32, #tpu.memory_space<vmem>>[vector<16xi32>], vector<16xf32>,
        %gather3A_58 = tpu.vector_load_idx %arg12[%get3A_54] : memref<10000xf32, #tpu.memory_space<vmem>>[vector<16xi32>], vector<16xf32>,
        %max3A = arith.maximumf %gather3A_58, %gather3A : vector<16xf32>
        tpu.vector_store_idx %arg12[%get3A_54], %max3A : memref<10000xf32, #tpu.memory_space<vmem>>[vector<16xi32>], vector<16xf32>,
        %gather3A_59 = tpu.vector_load_idx %arg12[%get3A_54] : memref<10000xf32, #tpu.memory_space<vmem>>[vector<16xi32>], vector<16xf32>,
        %lt3A_60 = arith.cmpf olt, %gather3A_59, %max3A : vector<16xf32>
        %reduce_or3A = arith.constant 1.000000e+00 : f32
        %reduce_or3A_61 = arith.constant 0.000000e+00 : f32
        %reduce_or3A_62 = vector.broadcast %reduce_or3A : f32 to vector<16xf32>
        %reduce_or3A_63 = vector.broadcast %reduce_or3A_61 : f32 to vector<16xf32>
        %reduce_or3A_64 = arith.select %lt3A_60, %reduce_or3A_62, %reduce_or3A_63 : vector<16xi1>, vector<16xf32>
        %reduce_or3A_65 = arith.constant true
        %reduce_or3A_66 = vector.broadcast %reduce_or3A_65 : i1 to vector<16xi1>
        %reduce_or3A_67 = tpu.scan <max>, %reduce_or3A_64 masked %reduce_or3A_66 : vector<16xf32>, vector<16xi1> -> vector<16xf32>
        %reduce_or3A_68 = vector.extract %reduce_or3A_67[15] : f32 from vector<16xf32>
        %reduce_or3A_69 = arith.constant 0.000000e+00 : f32
        %reduce_or3A_70 = arith.cmpf ogt, %reduce_or3A_68, %reduce_or3A_69 : f32
        %while3A = scf.while (%while3A_92 = %reduce_or3A_70) : (i1) -> i1 {
          scf.condition(%while3A_92) %while3A_92 : i1
        } do {
        ^bb0(%while3A_92: i1):
          %gather3A_93 = tpu.vector_load_idx %arg12[%get3A_54] : memref<10000xf32, #tpu.memory_space<vmem>>[vector<16xi32>], vector<16xf32>,
          %lt3A_94 = arith.cmpf olt, %gather3A_93, %max3A : vector<16xf32>
          %max3A_95 = arith.maximumf %gather3A_93, %max3A : vector<16xf32>
          tpu.vector_store_idx %arg12[%get3A_54], %max3A_95 masked %lt3A_94 : memref<10000xf32, #tpu.memory_space<vmem>>[vector<16xi32>], vector<16xf32>, vector<16xi1>
          %gather3A_96 = tpu.vector_load_idx %arg12[%get3A_54] : memref<10000xf32, #tpu.memory_space<vmem>>[vector<16xi32>], vector<16xf32>,
          %lt3A_97 = arith.cmpf olt, %gather3A_96, %max3A : vector<16xf32>
          %reduce_or3A_98 = arith.constant 1.000000e+00 : f32
          %reduce_or3A_99 = arith.constant 0.000000e+00 : f32
          %reduce_or3A_100 = vector.broadcast %reduce_or3A_98 : f32 to vector<16xf32>
          %reduce_or3A_101 = vector.broadcast %reduce_or3A_99 : f32 to vector<16xf32>
          %reduce_or3A_102 = arith.select %lt3A_97, %reduce_or3A_100, %reduce_or3A_101 : vector<16xi1>, vector<16xf32>
          %reduce_or3A_103 = arith.constant true
          %reduce_or3A_104 = vector.broadcast %reduce_or3A_103 : i1 to vector<16xi1>
          %reduce_or3A_105 = tpu.scan <max>, %reduce_or3A_102 masked %reduce_or3A_104 : vector<16xf32>, vector<16xi1> -> vector<16xf32>
          %reduce_or3A_106 = vector.extract %reduce_or3A_105[15] : f32 from vector<16xf32>
          %reduce_or3A_107 = arith.constant 0.000000e+00 : f32
          %reduce_or3A_108 = arith.cmpf ogt, %reduce_or3A_106, %reduce_or3A_107 : f32
          scf.yield %reduce_or3A_108 : i1
        }
        %add3A_71 = arith.constant 3 : i32
        %add3A_72 = vector.broadcast %add3A_71 : i32 to vector<16xi32>
        %add3A_73 = arith.addi %mul3A_51, %add3A_72 : vector<16xi32>
        %gather3A_74 = tpu.vector_load_idx %arg6[%add3A_73] : memref<1024xf32, #tpu.memory_space<vmem>>[vector<16xi32>], vector<16xf32>,
        %gather3A_75 = tpu.vector_load_idx %arg13[%get3A_54] : memref<10000xf32, #tpu.memory_space<vmem>>[vector<16xi32>], vector<16xf32>,
        %max3A_76 = arith.maximumf %gather3A_75, %gather3A_74 : vector<16xf32>
        tpu.vector_store_idx %arg13[%get3A_54], %max3A_76 : memref<10000xf32, #tpu.memory_space<vmem>>[vector<16xi32>], vector<16xf32>,
        %gather3A_77 = tpu.vector_load_idx %arg13[%get3A_54] : memref<10000xf32, #tpu.memory_space<vmem>>[vector<16xi32>], vector<16xf32>,
        %lt3A_78 = arith.cmpf olt, %gather3A_77, %max3A_76 : vector<16xf32>
        %reduce_or3A_79 = arith.constant 1.000000e+00 : f32
        %reduce_or3A_80 = arith.constant 0.000000e+00 : f32
        %reduce_or3A_81 = vector.broadcast %reduce_or3A_79 : f32 to vector<16xf32>
        %reduce_or3A_82 = vector.broadcast %reduce_or3A_80 : f32 to vector<16xf32>
        %reduce_or3A_83 = arith.select %lt3A_78, %reduce_or3A_81, %reduce_or3A_82 : vector<16xi1>, vector<16xf32>
        %reduce_or3A_84 = arith.constant true
        %reduce_or3A_85 = vector.broadcast %reduce_or3A_84 : i1 to vector<16xi1>
        %reduce_or3A_86 = tpu.scan <max>, %reduce_or3A_83 masked %reduce_or3A_85 : vector<16xf32>, vector<16xi1> -> vector<16xf32>
        %reduce_or3A_87 = vector.extract %reduce_or3A_86[15] : f32 from vector<16xf32>
        %reduce_or3A_88 = arith.constant 0.000000e+00 : f32
        %reduce_or3A_89 = arith.cmpf ogt, %reduce_or3A_87, %reduce_or3A_88 : f32
        %while3A_90 = scf.while (%while3A_92 = %reduce_or3A_89) : (i1) -> i1 {
          scf.condition(%while3A_92) %while3A_92 : i1
        } do {
        ^bb0(%while3A_92: i1):
          %gather3A_93 = tpu.vector_load_idx %arg13[%get3A_54] : memref<10000xf32, #tpu.memory_space<vmem>>[vector<16xi32>], vector<16xf32>,
          %lt3A_94 = arith.cmpf olt, %gather3A_93, %max3A_76 : vector<16xf32>
          %max3A_95 = arith.maximumf %gather3A_93, %max3A_76 : vector<16xf32>
          tpu.vector_store_idx %arg13[%get3A_54], %max3A_95 masked %lt3A_94 : memref<10000xf32, #tpu.memory_space<vmem>>[vector<16xi32>], vector<16xf32>, vector<16xi1>
          %gather3A_96 = tpu.vector_load_idx %arg13[%get3A_54] : memref<10000xf32, #tpu.memory_space<vmem>>[vector<16xi32>], vector<16xf32>,
          %lt3A_97 = arith.cmpf olt, %gather3A_96, %max3A_76 : vector<16xf32>
          %reduce_or3A_98 = arith.constant 1.000000e+00 : f32
          %reduce_or3A_99 = arith.constant 0.000000e+00 : f32
          %reduce_or3A_100 = vector.broadcast %reduce_or3A_98 : f32 to vector<16xf32>
          %reduce_or3A_101 = vector.broadcast %reduce_or3A_99 : f32 to vector<16xf32>
          %reduce_or3A_102 = arith.select %lt3A_97, %reduce_or3A_100, %reduce_or3A_101 : vector<16xi1>, vector<16xf32>
          %reduce_or3A_103 = arith.constant true
          %reduce_or3A_104 = vector.broadcast %reduce_or3A_103 : i1 to vector<16xi1>
          %reduce_or3A_105 = tpu.scan <max>, %reduce_or3A_102 masked %reduce_or3A_104 : vector<16xf32>, vector<16xi1> -> vector<16xf32>
          %reduce_or3A_106 = vector.extract %reduce_or3A_105[15] : f32 from vector<16xf32>
          %reduce_or3A_107 = arith.constant 0.000000e+00 : f32
          %reduce_or3A_108 = arith.cmpf ogt, %reduce_or3A_106, %reduce_or3A_107 : f32
          scf.yield %reduce_or3A_108 : i1
        }
        %scan3A_91 = arith.constant 0 : i32
        scf.yield %scan3A_91 : i32
      }
      %scan3A_41 = arith.constant 8 : i32
      %scan3A_42 = arith.constant 0 : i32
      scf.yield %scan3A_42 : i32
    }
    %scan3A_13 = arith.constant 39 : i32
    %lt3A = arith.constant 16 : i32
    %lt3A_14 = arith.cmpi slt, %add3A, %lt3A : i32
    %convert_element_type3A = arith.extui %lt3A_14 : i1 to i32
    %cond3A = arith.constant 0 : i32
    %cond3A_15 = arith.cmpi ne, %convert_element_type3A, %cond3A : i32
    scf.if %cond3A_15 {
      %mul3A_19 = arith.constant 16 : i32
      %mul3A_20 = arith.muli %add3A, %mul3A_19 : i32
      %add3A_21 = arith.constant 159744 : i32
      %add3A_22 = arith.addi %add3A_21, %mul3A_20 : i32
      %mul3A_23 = arith.constant 8 : i32
      %mul3A_24 = arith.muli %add3A_22, %mul3A_23 : i32
      "tpu.region"() ({
        %run_scoped3A_116 = tpu.sem_alloc : memref<!tpu.dma_semaphore, #tpu.memory_space<semaphore_mem>>
        %dma_start3A = tpu.memref_slice %arg2[%mul3A_24] : memref<1280000xf32, #tpu.memory_space<hbm>> -> memref<128xf32, #tpu.memory_space<hbm>>
        %dma_start3A_117 = tpu.memref_slice %arg2[%mul3A_24] : memref<1280000xf32, #tpu.memory_space<hbm>> -> memref<128xf32, #tpu.memory_space<hbm>>
        tpu.enqueue_dma source(%dma_start3A_117 : memref<128xf32, #tpu.memory_space<hbm>>) target(%arg8 : memref<128xf32, #tpu.memory_space<vmem>>) target_semaphore(%run_scoped3A_116 : memref<!tpu.dma_semaphore, #tpu.memory_space<semaphore_mem>>)
        %dma_wait3A = tpu.memref_slice %arg2[%mul3A_24] : memref<1280000xf32, #tpu.memory_space<hbm>> -> memref<128xf32, #tpu.memory_space<hbm>>
        %dma_wait3A_118 = tpu.memref_slice %arg2[%mul3A_24] : memref<1280000xf32, #tpu.memory_space<hbm>> -> memref<128xf32, #tpu.memory_space<hbm>>
        tpu.wait_dma2 semaphore(%run_scoped3A_116 : memref<!tpu.dma_semaphore, #tpu.memory_space<semaphore_mem>>) src(%dma_wait3A_118 : memref<128xf32, #tpu.memory_space<hbm>>) dst(%arg8 : memref<128xf32, #tpu.memory_space<vmem>>)
        tpu.yield
      }) : () -> ()
      "tpu.region"() ({
        %run_scoped3A_116 = tpu.sem_alloc : memref<!tpu.dma_semaphore, #tpu.memory_space<semaphore_mem>>
        %dma_start3A = tpu.memref_slice %arg3[%add3A_22] : memref<160000xi32, #tpu.memory_space<hbm>> -> memref<16xi32, #tpu.memory_space<hbm>>
        %dma_start3A_117 = tpu.memref_slice %arg3[%add3A_22] : memref<160000xi32, #tpu.memory_space<hbm>> -> memref<16xi32, #tpu.memory_space<hbm>>
        tpu.enqueue_dma source(%dma_start3A_117 : memref<16xi32, #tpu.memory_space<hbm>>) target(%arg9 : memref<16xi32, #tpu.memory_space<vmem>>) target_semaphore(%run_scoped3A_116 : memref<!tpu.dma_semaphore, #tpu.memory_space<semaphore_mem>>)
        %dma_wait3A = tpu.memref_slice %arg3[%add3A_22] : memref<160000xi32, #tpu.memory_space<hbm>> -> memref<16xi32, #tpu.memory_space<hbm>>
        %dma_wait3A_118 = tpu.memref_slice %arg3[%add3A_22] : memref<160000xi32, #tpu.memory_space<hbm>> -> memref<16xi32, #tpu.memory_space<hbm>>
        tpu.wait_dma2 semaphore(%run_scoped3A_116 : memref<!tpu.dma_semaphore, #tpu.memory_space<semaphore_mem>>) src(%dma_wait3A_118 : memref<16xi32, #tpu.memory_space<hbm>>) dst(%arg9 : memref<16xi32, #tpu.memory_space<vmem>>)
        tpu.yield
      }) : () -> ()
      %add3A_25 = arith.constant 0 : i32
      %add3A_26 = vector.broadcast %add3A_25 : i32 to vector<16xi32>
      %add3A_27 = arith.addi %iota3A, %add3A_26 : vector<16xi32>
      %mul3A_28 = arith.constant 8 : i32
      %mul3A_29 = vector.broadcast %mul3A_28 : i32 to vector<16xi32>
      %mul3A_30 = arith.muli %add3A_27, %mul3A_29 : vector<16xi32>
      %get3A = arith.constant 0 : index
      %get3A_31 = tpu.vector_load %arg9[%get3A] {strides = array<i32>} : memref<16xi32, #tpu.memory_space<vmem>>, vector<16xi32>,
      %add3A_32 = arith.constant 0 : i32
      %add3A_33 = vector.broadcast %add3A_32 : i32 to vector<16xi32>
      %add3A_34 = arith.addi %mul3A_30, %add3A_33 : vector<16xi32>
      %gather3A = tpu.vector_load_idx %arg8[%add3A_34] : memref<128xf32, #tpu.memory_space<vmem>>[vector<16xi32>], vector<16xf32>,
      %gather3A_35 = tpu.vector_load_idx %arg10[%get3A_31] : memref<10000xf32, #tpu.memory_space<vmem>>[vector<16xi32>], vector<16xf32>,
      %max3A = arith.maximumf %gather3A_35, %gather3A : vector<16xf32>
      tpu.vector_store_idx %arg10[%get3A_31], %max3A : memref<10000xf32, #tpu.memory_space<vmem>>[vector<16xi32>], vector<16xf32>,
      %gather3A_36 = tpu.vector_load_idx %arg10[%get3A_31] : memref<10000xf32, #tpu.memory_space<vmem>>[vector<16xi32>], vector<16xf32>,
      %lt3A_37 = arith.cmpf olt, %gather3A_36, %max3A : vector<16xf32>
      %reduce_or3A = arith.constant 1.000000e+00 : f32
      %reduce_or3A_38 = arith.constant 0.000000e+00 : f32
      %reduce_or3A_39 = vector.broadcast %reduce_or3A : f32 to vector<16xf32>
      %reduce_or3A_40 = vector.broadcast %reduce_or3A_38 : f32 to vector<16xf32>
      %reduce_or3A_41 = arith.select %lt3A_37, %reduce_or3A_39, %reduce_or3A_40 : vector<16xi1>, vector<16xf32>
      %reduce_or3A_42 = arith.constant true
      %reduce_or3A_43 = vector.broadcast %reduce_or3A_42 : i1 to vector<16xi1>
      %reduce_or3A_44 = tpu.scan <max>, %reduce_or3A_41 masked %reduce_or3A_43 : vector<16xf32>, vector<16xi1> -> vector<16xf32>
      %reduce_or3A_45 = vector.extract %reduce_or3A_44[15] : f32 from vector<16xf32>
      %reduce_or3A_46 = arith.constant 0.000000e+00 : f32
      %reduce_or3A_47 = arith.cmpf ogt, %reduce_or3A_45, %reduce_or3A_46 : f32
      %while3A = scf.while (%while3A_116 = %reduce_or3A_47) : (i1) -> i1 {
        scf.condition(%while3A_116) %while3A_116 : i1
      } do {
      ^bb0(%while3A_116: i1):
        %gather3A_117 = tpu.vector_load_idx %arg10[%get3A_31] : memref<10000xf32, #tpu.memory_space<vmem>>[vector<16xi32>], vector<16xf32>,
        %lt3A_118 = arith.cmpf olt, %gather3A_117, %max3A : vector<16xf32>
        %max3A_119 = arith.maximumf %gather3A_117, %max3A : vector<16xf32>
        tpu.vector_store_idx %arg10[%get3A_31], %max3A_119 masked %lt3A_118 : memref<10000xf32, #tpu.memory_space<vmem>>[vector<16xi32>], vector<16xf32>, vector<16xi1>
        %gather3A_120 = tpu.vector_load_idx %arg10[%get3A_31] : memref<10000xf32, #tpu.memory_space<vmem>>[vector<16xi32>], vector<16xf32>,
        %lt3A_121 = arith.cmpf olt, %gather3A_120, %max3A : vector<16xf32>
        %reduce_or3A_122 = arith.constant 1.000000e+00 : f32
        %reduce_or3A_123 = arith.constant 0.000000e+00 : f32
        %reduce_or3A_124 = vector.broadcast %reduce_or3A_122 : f32 to vector<16xf32>
        %reduce_or3A_125 = vector.broadcast %reduce_or3A_123 : f32 to vector<16xf32>
        %reduce_or3A_126 = arith.select %lt3A_121, %reduce_or3A_124, %reduce_or3A_125 : vector<16xi1>, vector<16xf32>
        %reduce_or3A_127 = arith.constant true
        %reduce_or3A_128 = vector.broadcast %reduce_or3A_127 : i1 to vector<16xi1>
        %reduce_or3A_129 = tpu.scan <max>, %reduce_or3A_126 masked %reduce_or3A_128 : vector<16xf32>, vector<16xi1> -> vector<16xf32>
        %reduce_or3A_130 = vector.extract %reduce_or3A_129[15] : f32 from vector<16xf32>
        %reduce_or3A_131 = arith.constant 0.000000e+00 : f32
        %reduce_or3A_132 = arith.cmpf ogt, %reduce_or3A_130, %reduce_or3A_131 : f32
        scf.yield %reduce_or3A_132 : i1
      }
      %add3A_48 = arith.constant 1 : i32
      %add3A_49 = vector.broadcast %add3A_48 : i32 to vector<16xi32>
      %add3A_50 = arith.addi %mul3A_30, %add3A_49 : vector<16xi32>
      %gather3A_51 = tpu.vector_load_idx %arg8[%add3A_50] : memref<128xf32, #tpu.memory_space<vmem>>[vector<16xi32>], vector<16xf32>,
      %gather3A_52 = tpu.vector_load_idx %arg11[%get3A_31] : memref<10000xf32, #tpu.memory_space<vmem>>[vector<16xi32>], vector<16xf32>,
      %max3A_53 = arith.maximumf %gather3A_52, %gather3A_51 : vector<16xf32>
      tpu.vector_store_idx %arg11[%get3A_31], %max3A_53 : memref<10000xf32, #tpu.memory_space<vmem>>[vector<16xi32>], vector<16xf32>,
      %gather3A_54 = tpu.vector_load_idx %arg11[%get3A_31] : memref<10000xf32, #tpu.memory_space<vmem>>[vector<16xi32>], vector<16xf32>,
      %lt3A_55 = arith.cmpf olt, %gather3A_54, %max3A_53 : vector<16xf32>
      %reduce_or3A_56 = arith.constant 1.000000e+00 : f32
      %reduce_or3A_57 = arith.constant 0.000000e+00 : f32
      %reduce_or3A_58 = vector.broadcast %reduce_or3A_56 : f32 to vector<16xf32>
      %reduce_or3A_59 = vector.broadcast %reduce_or3A_57 : f32 to vector<16xf32>
      %reduce_or3A_60 = arith.select %lt3A_55, %reduce_or3A_58, %reduce_or3A_59 : vector<16xi1>, vector<16xf32>
      %reduce_or3A_61 = arith.constant true
      %reduce_or3A_62 = vector.broadcast %reduce_or3A_61 : i1 to vector<16xi1>
      %reduce_or3A_63 = tpu.scan <max>, %reduce_or3A_60 masked %reduce_or3A_62 : vector<16xf32>, vector<16xi1> -> vector<16xf32>
      %reduce_or3A_64 = vector.extract %reduce_or3A_63[15] : f32 from vector<16xf32>
      %reduce_or3A_65 = arith.constant 0.000000e+00 : f32
      %reduce_or3A_66 = arith.cmpf ogt, %reduce_or3A_64, %reduce_or3A_65 : f32
      %while3A_67 = scf.while (%while3A_116 = %reduce_or3A_66) : (i1) -> i1 {
        scf.condition(%while3A_116) %while3A_116 : i1
      } do {
      ^bb0(%while3A_116: i1):
        %gather3A_117 = tpu.vector_load_idx %arg11[%get3A_31] : memref<10000xf32, #tpu.memory_space<vmem>>[vector<16xi32>], vector<16xf32>,
        %lt3A_118 = arith.cmpf olt, %gather3A_117, %max3A_53 : vector<16xf32>
        %max3A_119 = arith.maximumf %gather3A_117, %max3A_53 : vector<16xf32>
        tpu.vector_store_idx %arg11[%get3A_31], %max3A_119 masked %lt3A_118 : memref<10000xf32, #tpu.memory_space<vmem>>[vector<16xi32>], vector<16xf32>, vector<16xi1>
        %gather3A_120 = tpu.vector_load_idx %arg11[%get3A_31] : memref<10000xf32, #tpu.memory_space<vmem>>[vector<16xi32>], vector<16xf32>,
        %lt3A_121 = arith.cmpf olt, %gather3A_120, %max3A_53 : vector<16xf32>
        %reduce_or3A_122 = arith.constant 1.000000e+00 : f32
        %reduce_or3A_123 = arith.constant 0.000000e+00 : f32
        %reduce_or3A_124 = vector.broadcast %reduce_or3A_122 : f32 to vector<16xf32>
        %reduce_or3A_125 = vector.broadcast %reduce_or3A_123 : f32 to vector<16xf32>
        %reduce_or3A_126 = arith.select %lt3A_121, %reduce_or3A_124, %reduce_or3A_125 : vector<16xi1>, vector<16xf32>
        %reduce_or3A_127 = arith.constant true
        %reduce_or3A_128 = vector.broadcast %reduce_or3A_127 : i1 to vector<16xi1>
        %reduce_or3A_129 = tpu.scan <max>, %reduce_or3A_126 masked %reduce_or3A_128 : vector<16xf32>, vector<16xi1> -> vector<16xf32>
        %reduce_or3A_130 = vector.extract %reduce_or3A_129[15] : f32 from vector<16xf32>
        %reduce_or3A_131 = arith.constant 0.000000e+00 : f32
        %reduce_or3A_132 = arith.cmpf ogt, %reduce_or3A_130, %reduce_or3A_131 : f32
        scf.yield %reduce_or3A_132 : i1
      }
      "tpu.region"() ({
        %run_scoped3A_116 = tpu.sem_alloc : memref<!tpu.dma_semaphore, #tpu.memory_space<semaphore_mem>>
        %dma_start3A = tpu.memref_slice %arg4[%add3A_22] : memref<160000xi32, #tpu.memory_space<hbm>> -> memref<16xi32, #tpu.memory_space<hbm>>
        %dma_start3A_117 = tpu.memref_slice %arg4[%add3A_22] : memref<160000xi32, #tpu.memory_space<hbm>> -> memref<16xi32, #tpu.memory_space<hbm>>
        tpu.enqueue_dma source(%dma_start3A_117 : memref<16xi32, #tpu.memory_space<hbm>>) target(%arg9 : memref<16xi32, #tpu.memory_space<vmem>>) target_semaphore(%run_scoped3A_116 : memref<!tpu.dma_semaphore, #tpu.memory_space<semaphore_mem>>)
        %dma_wait3A = tpu.memref_slice %arg4[%add3A_22] : memref<160000xi32, #tpu.memory_space<hbm>> -> memref<16xi32, #tpu.memory_space<hbm>>
        %dma_wait3A_118 = tpu.memref_slice %arg4[%add3A_22] : memref<160000xi32, #tpu.memory_space<hbm>> -> memref<16xi32, #tpu.memory_space<hbm>>
        tpu.wait_dma2 semaphore(%run_scoped3A_116 : memref<!tpu.dma_semaphore, #tpu.memory_space<semaphore_mem>>) src(%dma_wait3A_118 : memref<16xi32, #tpu.memory_space<hbm>>) dst(%arg9 : memref<16xi32, #tpu.memory_space<vmem>>)
        tpu.yield
      }) : () -> ()
      %add3A_68 = arith.constant 0 : i32
      %add3A_69 = vector.broadcast %add3A_68 : i32 to vector<16xi32>
      %add3A_70 = arith.addi %iota3A, %add3A_69 : vector<16xi32>
      %mul3A_71 = arith.constant 8 : i32
      %mul3A_72 = vector.broadcast %mul3A_71 : i32 to vector<16xi32>
      %mul3A_73 = arith.muli %add3A_70, %mul3A_72 : vector<16xi32>
      %get3A_74 = arith.constant 0 : index
      %get3A_75 = tpu.vector_load %arg9[%get3A_74] {strides = array<i32>} : memref<16xi32, #tpu.memory_space<vmem>>, vector<16xi32>,
      %add3A_76 = arith.constant 2 : i32
      %add3A_77 = vector.broadcast %add3A_76 : i32 to vector<16xi32>
      %add3A_78 = arith.addi %mul3A_73, %add3A_77 : vector<16xi32>
      %gather3A_79 = tpu.vector_load_idx %arg8[%add3A_78] : memref<128xf32, #tpu.memory_space<vmem>>[vector<16xi32>], vector<16xf32>,
      %gather3A_80 = tpu.vector_load_idx %arg12[%get3A_75] : memref<10000xf32, #tpu.memory_space<vmem>>[vector<16xi32>], vector<16xf32>,
      %max3A_81 = arith.maximumf %gather3A_80, %gather3A_79 : vector<16xf32>
      tpu.vector_store_idx %arg12[%get3A_75], %max3A_81 : memref<10000xf32, #tpu.memory_space<vmem>>[vector<16xi32>], vector<16xf32>,
      %gather3A_82 = tpu.vector_load_idx %arg12[%get3A_75] : memref<10000xf32, #tpu.memory_space<vmem>>[vector<16xi32>], vector<16xf32>,
      %lt3A_83 = arith.cmpf olt, %gather3A_82, %max3A_81 : vector<16xf32>
      %reduce_or3A_84 = arith.constant 1.000000e+00 : f32
      %reduce_or3A_85 = arith.constant 0.000000e+00 : f32
      %reduce_or3A_86 = vector.broadcast %reduce_or3A_84 : f32 to vector<16xf32>
      %reduce_or3A_87 = vector.broadcast %reduce_or3A_85 : f32 to vector<16xf32>
      %reduce_or3A_88 = arith.select %lt3A_83, %reduce_or3A_86, %reduce_or3A_87 : vector<16xi1>, vector<16xf32>
      %reduce_or3A_89 = arith.constant true
      %reduce_or3A_90 = vector.broadcast %reduce_or3A_89 : i1 to vector<16xi1>
      %reduce_or3A_91 = tpu.scan <max>, %reduce_or3A_88 masked %reduce_or3A_90 : vector<16xf32>, vector<16xi1> -> vector<16xf32>
      %reduce_or3A_92 = vector.extract %reduce_or3A_91[15] : f32 from vector<16xf32>
      %reduce_or3A_93 = arith.constant 0.000000e+00 : f32
      %reduce_or3A_94 = arith.cmpf ogt, %reduce_or3A_92, %reduce_or3A_93 : f32
      %while3A_95 = scf.while (%while3A_116 = %reduce_or3A_94) : (i1) -> i1 {
        scf.condition(%while3A_116) %while3A_116 : i1
      } do {
      ^bb0(%while3A_116: i1):
        %gather3A_117 = tpu.vector_load_idx %arg12[%get3A_75] : memref<10000xf32, #tpu.memory_space<vmem>>[vector<16xi32>], vector<16xf32>,
        %lt3A_118 = arith.cmpf olt, %gather3A_117, %max3A_81 : vector<16xf32>
        %max3A_119 = arith.maximumf %gather3A_117, %max3A_81 : vector<16xf32>
        tpu.vector_store_idx %arg12[%get3A_75], %max3A_119 masked %lt3A_118 : memref<10000xf32, #tpu.memory_space<vmem>>[vector<16xi32>], vector<16xf32>, vector<16xi1>
        %gather3A_120 = tpu.vector_load_idx %arg12[%get3A_75] : memref<10000xf32, #tpu.memory_space<vmem>>[vector<16xi32>], vector<16xf32>,
        %lt3A_121 = arith.cmpf olt, %gather3A_120, %max3A_81 : vector<16xf32>
        %reduce_or3A_122 = arith.constant 1.000000e+00 : f32
        %reduce_or3A_123 = arith.constant 0.000000e+00 : f32
        %reduce_or3A_124 = vector.broadcast %reduce_or3A_122 : f32 to vector<16xf32>
        %reduce_or3A_125 = vector.broadcast %reduce_or3A_123 : f32 to vector<16xf32>
        %reduce_or3A_126 = arith.select %lt3A_121, %reduce_or3A_124, %reduce_or3A_125 : vector<16xi1>, vector<16xf32>
        %reduce_or3A_127 = arith.constant true
        %reduce_or3A_128 = vector.broadcast %reduce_or3A_127 : i1 to vector<16xi1>
        %reduce_or3A_129 = tpu.scan <max>, %reduce_or3A_126 masked %reduce_or3A_128 : vector<16xf32>, vector<16xi1> -> vector<16xf32>
        %reduce_or3A_130 = vector.extract %reduce_or3A_129[15] : f32 from vector<16xf32>
        %reduce_or3A_131 = arith.constant 0.000000e+00 : f32
        %reduce_or3A_132 = arith.cmpf ogt, %reduce_or3A_130, %reduce_or3A_131 : f32
        scf.yield %reduce_or3A_132 : i1
      }
      %add3A_96 = arith.constant 3 : i32
      %add3A_97 = vector.broadcast %add3A_96 : i32 to vector<16xi32>
      %add3A_98 = arith.addi %mul3A_73, %add3A_97 : vector<16xi32>
      %gather3A_99 = tpu.vector_load_idx %arg8[%add3A_98] : memref<128xf32, #tpu.memory_space<vmem>>[vector<16xi32>], vector<16xf32>,
      %gather3A_100 = tpu.vector_load_idx %arg13[%get3A_75] : memref<10000xf32, #tpu.memory_space<vmem>>[vector<16xi32>], vector<16xf32>,
      %max3A_101 = arith.maximumf %gather3A_100, %gather3A_99 : vector<16xf32>
      tpu.vector_store_idx %arg13[%get3A_75], %max3A_101 : memref<10000xf32, #tpu.memory_space<vmem>>[vector<16xi32>], vector<16xf32>,
      %gather3A_102 = tpu.vector_load_idx %arg13[%get3A_75] : memref<10000xf32, #tpu.memory_space<vmem>>[vector<16xi32>], vector<16xf32>,
      %lt3A_103 = arith.cmpf olt, %gather3A_102, %max3A_101 : vector<16xf32>
      %reduce_or3A_104 = arith.constant 1.000000e+00 : f32
      %reduce_or3A_105 = arith.constant 0.000000e+00 : f32
      %reduce_or3A_106 = vector.broadcast %reduce_or3A_104 : f32 to vector<16xf32>
      %reduce_or3A_107 = vector.broadcast %reduce_or3A_105 : f32 to vector<16xf32>
      %reduce_or3A_108 = arith.select %lt3A_103, %reduce_or3A_106, %reduce_or3A_107 : vector<16xi1>, vector<16xf32>
      %reduce_or3A_109 = arith.constant true
      %reduce_or3A_110 = vector.broadcast %reduce_or3A_109 : i1 to vector<16xi1>
      %reduce_or3A_111 = tpu.scan <max>, %reduce_or3A_108 masked %reduce_or3A_110 : vector<16xf32>, vector<16xi1> -> vector<16xf32>
      %reduce_or3A_112 = vector.extract %reduce_or3A_111[15] : f32 from vector<16xf32>
      %reduce_or3A_113 = arith.constant 0.000000e+00 : f32
      %reduce_or3A_114 = arith.cmpf ogt, %reduce_or3A_112, %reduce_or3A_113 : f32
      %while3A_115 = scf.while (%while3A_116 = %reduce_or3A_114) : (i1) -> i1 {
        scf.condition(%while3A_116) %while3A_116 : i1
      } do {
      ^bb0(%while3A_116: i1):
        %gather3A_117 = tpu.vector_load_idx %arg13[%get3A_75] : memref<10000xf32, #tpu.memory_space<vmem>>[vector<16xi32>], vector<16xf32>,
        %lt3A_118 = arith.cmpf olt, %gather3A_117, %max3A_101 : vector<16xf32>
        %max3A_119 = arith.maximumf %gather3A_117, %max3A_101 : vector<16xf32>
        tpu.vector_store_idx %arg13[%get3A_75], %max3A_119 masked %lt3A_118 : memref<10000xf32, #tpu.memory_space<vmem>>[vector<16xi32>], vector<16xf32>, vector<16xi1>
        %gather3A_120 = tpu.vector_load_idx %arg13[%get3A_75] : memref<10000xf32, #tpu.memory_space<vmem>>[vector<16xi32>], vector<16xf32>,
        %lt3A_121 = arith.cmpf olt, %gather3A_120, %max3A_101 : vector<16xf32>
        %reduce_or3A_122 = arith.constant 1.000000e+00 : f32
        %reduce_or3A_123 = arith.constant 0.000000e+00 : f32
        %reduce_or3A_124 = vector.broadcast %reduce_or3A_122 : f32 to vector<16xf32>
        %reduce_or3A_125 = vector.broadcast %reduce_or3A_123 : f32 to vector<16xf32>
        %reduce_or3A_126 = arith.select %lt3A_121, %reduce_or3A_124, %reduce_or3A_125 : vector<16xi1>, vector<16xf32>
        %reduce_or3A_127 = arith.constant true
        %reduce_or3A_128 = vector.broadcast %reduce_or3A_127 : i1 to vector<16xi1>
        %reduce_or3A_129 = tpu.scan <max>, %reduce_or3A_126 masked %reduce_or3A_128 : vector<16xf32>, vector<16xi1> -> vector<16xf32>
        %reduce_or3A_130 = vector.extract %reduce_or3A_129[15] : f32 from vector<16xf32>
        %reduce_or3A_131 = arith.constant 0.000000e+00 : f32
        %reduce_or3A_132 = arith.cmpf ogt, %reduce_or3A_130, %reduce_or3A_131 : f32
        scf.yield %reduce_or3A_132 : i1
      }
    } else {
    }
    %run_scoped3A = arith.constant 0 : i32
    "tpu.region"() ({
      %run_scoped3A_19 = tpu.sem_alloc : memref<!tpu.dma_semaphore, #tpu.memory_space<semaphore_mem>>
      %dma_start3A = arith.constant 0 : i32
      %dma_start3A_20 = tpu.memref_slice %arg5[%add3A, %run_scoped3A, %dma_start3A] : memref<32x4x10000xf32, #tpu.memory_space<hbm>> -> memref<1x1x10000xf32, #tpu.memory_space<hbm>>
      %dma_start3A_21 = tpu.memref_squeeze %dma_start3A_20 : memref<1x1x10000xf32, #tpu.memory_space<hbm>> -> memref<10000xf32, #tpu.memory_space<hbm>>
      %dma_start3A_22 = arith.constant 0 : i32
      %dma_start3A_23 = tpu.memref_slice %arg5[%add3A, %run_scoped3A, %dma_start3A_22] : memref<32x4x10000xf32, #tpu.memory_space<hbm>> -> memref<1x1x10000xf32, #tpu.memory_space<hbm>>
      %dma_start3A_24 = tpu.memref_squeeze %dma_start3A_23 : memref<1x1x10000xf32, #tpu.memory_space<hbm>> -> memref<10000xf32, #tpu.memory_space<hbm>>
      tpu.enqueue_dma source(%arg10 : memref<10000xf32, #tpu.memory_space<vmem>>) target(%dma_start3A_24 : memref<10000xf32, #tpu.memory_space<hbm>>) target_semaphore(%run_scoped3A_19 : memref<!tpu.dma_semaphore, #tpu.memory_space<semaphore_mem>>)
      %dma_wait3A = arith.constant 0 : i32
      %dma_wait3A_25 = tpu.memref_slice %arg5[%add3A, %run_scoped3A, %dma_wait3A] : memref<32x4x10000xf32, #tpu.memory_space<hbm>> -> memref<1x1x10000xf32, #tpu.memory_space<hbm>>
      %dma_wait3A_26 = tpu.memref_squeeze %dma_wait3A_25 : memref<1x1x10000xf32, #tpu.memory_space<hbm>> -> memref<10000xf32, #tpu.memory_space<hbm>>
      %dma_wait3A_27 = arith.constant 0 : i32
      %dma_wait3A_28 = tpu.memref_slice %arg5[%add3A, %run_scoped3A, %dma_wait3A_27] : memref<32x4x10000xf32, #tpu.memory_space<hbm>> -> memref<1x1x10000xf32, #tpu.memory_space<hbm>>
      %dma_wait3A_29 = tpu.memref_squeeze %dma_wait3A_28 : memref<1x1x10000xf32, #tpu.memory_space<hbm>> -> memref<10000xf32, #tpu.memory_space<hbm>>
      tpu.wait_dma2 semaphore(%run_scoped3A_19 : memref<!tpu.dma_semaphore, #tpu.memory_space<semaphore_mem>>) src(%arg10 : memref<10000xf32, #tpu.memory_space<vmem>>) dst(%dma_wait3A_29 : memref<10000xf32, #tpu.memory_space<hbm>>)
      tpu.yield
    }) : () -> ()
    %run_scoped3A_16 = arith.constant 1 : i32
    "tpu.region"() ({
      %run_scoped3A_19 = tpu.sem_alloc : memref<!tpu.dma_semaphore, #tpu.memory_space<semaphore_mem>>
      %dma_start3A = arith.constant 0 : i32
      %dma_start3A_20 = tpu.memref_slice %arg5[%add3A, %run_scoped3A_16, %dma_start3A] : memref<32x4x10000xf32, #tpu.memory_space<hbm>> -> memref<1x1x10000xf32, #tpu.memory_space<hbm>>
      %dma_start3A_21 = tpu.memref_squeeze %dma_start3A_20 : memref<1x1x10000xf32, #tpu.memory_space<hbm>> -> memref<10000xf32, #tpu.memory_space<hbm>>
      %dma_start3A_22 = arith.constant 0 : i32
      %dma_start3A_23 = tpu.memref_slice %arg5[%add3A, %run_scoped3A_16, %dma_start3A_22] : memref<32x4x10000xf32, #tpu.memory_space<hbm>> -> memref<1x1x10000xf32, #tpu.memory_space<hbm>>
      %dma_start3A_24 = tpu.memref_squeeze %dma_start3A_23 : memref<1x1x10000xf32, #tpu.memory_space<hbm>> -> memref<10000xf32, #tpu.memory_space<hbm>>
      tpu.enqueue_dma source(%arg11 : memref<10000xf32, #tpu.memory_space<vmem>>) target(%dma_start3A_24 : memref<10000xf32, #tpu.memory_space<hbm>>) target_semaphore(%run_scoped3A_19 : memref<!tpu.dma_semaphore, #tpu.memory_space<semaphore_mem>>)
      %dma_wait3A = arith.constant 0 : i32
      %dma_wait3A_25 = tpu.memref_slice %arg5[%add3A, %run_scoped3A_16, %dma_wait3A] : memref<32x4x10000xf32, #tpu.memory_space<hbm>> -> memref<1x1x10000xf32, #tpu.memory_space<hbm>>
      %dma_wait3A_26 = tpu.memref_squeeze %dma_wait3A_25 : memref<1x1x10000xf32, #tpu.memory_space<hbm>> -> memref<10000xf32, #tpu.memory_space<hbm>>
      %dma_wait3A_27 = arith.constant 0 : i32
      %dma_wait3A_28 = tpu.memref_slice %arg5[%add3A, %run_scoped3A_16, %dma_wait3A_27] : memref<32x4x10000xf32, #tpu.memory_space<hbm>> -> memref<1x1x10000xf32, #tpu.memory_space<hbm>>
      %dma_wait3A_29 = tpu.memref_squeeze %dma_wait3A_28 : memref<1x1x10000xf32, #tpu.memory_space<hbm>> -> memref<10000xf32, #tpu.memory_space<hbm>>
      tpu.wait_dma2 semaphore(%run_scoped3A_19 : memref<!tpu.dma_semaphore, #tpu.memory_space<semaphore_mem>>) src(%arg11 : memref<10000xf32, #tpu.memory_space<vmem>>) dst(%dma_wait3A_29 : memref<10000xf32, #tpu.memory_space<hbm>>)
      tpu.yield
    }) : () -> ()
    %run_scoped3A_17 = arith.constant 2 : i32
    "tpu.region"() ({
      %run_scoped3A_19 = tpu.sem_alloc : memref<!tpu.dma_semaphore, #tpu.memory_space<semaphore_mem>>
      %dma_start3A = arith.constant 0 : i32
      %dma_start3A_20 = tpu.memref_slice %arg5[%add3A, %run_scoped3A_17, %dma_start3A] : memref<32x4x10000xf32, #tpu.memory_space<hbm>> -> memref<1x1x10000xf32, #tpu.memory_space<hbm>>
      %dma_start3A_21 = tpu.memref_squeeze %dma_start3A_20 : memref<1x1x10000xf32, #tpu.memory_space<hbm>> -> memref<10000xf32, #tpu.memory_space<hbm>>
      %dma_start3A_22 = arith.constant 0 : i32
      %dma_start3A_23 = tpu.memref_slice %arg5[%add3A, %run_scoped3A_17, %dma_start3A_22] : memref<32x4x10000xf32, #tpu.memory_space<hbm>> -> memref<1x1x10000xf32, #tpu.memory_space<hbm>>
      %dma_start3A_24 = tpu.memref_squeeze %dma_start3A_23 : memref<1x1x10000xf32, #tpu.memory_space<hbm>> -> memref<10000xf32, #tpu.memory_space<hbm>>
      tpu.enqueue_dma source(%arg12 : memref<10000xf32, #tpu.memory_space<vmem>>) target(%dma_start3A_24 : memref<10000xf32, #tpu.memory_space<hbm>>) target_semaphore(%run_scoped3A_19 : memref<!tpu.dma_semaphore, #tpu.memory_space<semaphore_mem>>)
      %dma_wait3A = arith.constant 0 : i32
      %dma_wait3A_25 = tpu.memref_slice %arg5[%add3A, %run_scoped3A_17, %dma_wait3A] : memref<32x4x10000xf32, #tpu.memory_space<hbm>> -> memref<1x1x10000xf32, #tpu.memory_space<hbm>>
      %dma_wait3A_26 = tpu.memref_squeeze %dma_wait3A_25 : memref<1x1x10000xf32, #tpu.memory_space<hbm>> -> memref<10000xf32, #tpu.memory_space<hbm>>
      %dma_wait3A_27 = arith.constant 0 : i32
      %dma_wait3A_28 = tpu.memref_slice %arg5[%add3A, %run_scoped3A_17, %dma_wait3A_27] : memref<32x4x10000xf32, #tpu.memory_space<hbm>> -> memref<1x1x10000xf32, #tpu.memory_space<hbm>>
      %dma_wait3A_29 = tpu.memref_squeeze %dma_wait3A_28 : memref<1x1x10000xf32, #tpu.memory_space<hbm>> -> memref<10000xf32, #tpu.memory_space<hbm>>
      tpu.wait_dma2 semaphore(%run_scoped3A_19 : memref<!tpu.dma_semaphore, #tpu.memory_space<semaphore_mem>>) src(%arg12 : memref<10000xf32, #tpu.memory_space<vmem>>) dst(%dma_wait3A_29 : memref<10000xf32, #tpu.memory_space<hbm>>)
      tpu.yield
    }) : () -> ()
    %run_scoped3A_18 = arith.constant 3 : i32
    "tpu.region"() ({
      %run_scoped3A_19 = tpu.sem_alloc : memref<!tpu.dma_semaphore, #tpu.memory_space<semaphore_mem>>
      %dma_start3A = arith.constant 0 : i32
      %dma_start3A_20 = tpu.memref_slice %arg5[%add3A, %run_scoped3A_18, %dma_start3A] : memref<32x4x10000xf32, #tpu.memory_space<hbm>> -> memref<1x1x10000xf32, #tpu.memory_space<hbm>>
      %dma_start3A_21 = tpu.memref_squeeze %dma_start3A_20 : memref<1x1x10000xf32, #tpu.memory_space<hbm>> -> memref<10000xf32, #tpu.memory_space<hbm>>
      %dma_start3A_22 = arith.constant 0 : i32
      %dma_start3A_23 = tpu.memref_slice %arg5[%add3A, %run_scoped3A_18, %dma_start3A_22] : memref<32x4x10000xf32, #tpu.memory_space<hbm>> -> memref<1x1x10000xf32, #tpu.memory_space<hbm>>
      %dma_start3A_24 = tpu.memref_squeeze %dma_start3A_23 : memref<1x1x10000xf32, #tpu.memory_space<hbm>> -> memref<10000xf32, #tpu.memory_space<hbm>>
      tpu.enqueue_dma source(%arg13 : memref<10000xf32, #tpu.memory_space<vmem>>) target(%dma_start3A_24 : memref<10000xf32, #tpu.memory_space<hbm>>) target_semaphore(%run_scoped3A_19 : memref<!tpu.dma_semaphore, #tpu.memory_space<semaphore_mem>>)
      %dma_wait3A = arith.constant 0 : i32
      %dma_wait3A_25 = tpu.memref_slice %arg5[%add3A, %run_scoped3A_18, %dma_wait3A] : memref<32x4x10000xf32, #tpu.memory_space<hbm>> -> memref<1x1x10000xf32, #tpu.memory_space<hbm>>
      %dma_wait3A_26 = tpu.memref_squeeze %dma_wait3A_25 : memref<1x1x10000xf32, #tpu.memory_space<hbm>> -> memref<10000xf32, #tpu.memory_space<hbm>>
      %dma_wait3A_27 = arith.constant 0 : i32
      %dma_wait3A_28 = tpu.memref_slice %arg5[%add3A, %run_scoped3A_18, %dma_wait3A_27] : memref<32x4x10000xf32, #tpu.memory_space<hbm>> -> memref<1x1x10000xf32, #tpu.memory_space<hbm>>
      %dma_wait3A_29 = tpu.memref_squeeze %dma_wait3A_28 : memref<1x1x10000xf32, #tpu.memory_space<hbm>> -> memref<10000xf32, #tpu.memory_space<hbm>>
      tpu.wait_dma2 semaphore(%run_scoped3A_19 : memref<!tpu.dma_semaphore, #tpu.memory_space<semaphore_mem>>) src(%arg13 : memref<10000xf32, #tpu.memory_space<vmem>>) dst(%dma_wait3A_29 : memref<10000xf32, #tpu.memory_space<hbm>>)
      tpu.yield
    }) : () -> ()
    return
  }
}

module attributes {stable_mosaic.version = 14 : i64} {
  func.func @_edge_dense_body(%arg0: i32, %arg1: memref<2000x128xf32, #tpu.memory_space<vmem>>, %arg2: memref<2000x128xf32, #tpu.memory_space<vmem>>, %arg3: memref<2000x128xf32, #tpu.memory_space<vmem>>, %arg4: memref<2000x128xf32, #tpu.memory_space<vmem>>, %arg5: memref<128x128xf32, #tpu.memory_space<vmem>>, %arg6: memref<128x128xf32, #tpu.memory_space<vmem>>, %arg7: memref<128x128xf32, #tpu.memory_space<vmem>>, %arg8: memref<128x8xf32, #tpu.memory_space<vmem>>, %arg9: memref<8x128xf32, #tpu.memory_space<vmem>>, %arg10: memref<2000x128xf32, #tpu.memory_space<vmem>>, %arg11: memref<2000x128xf32, #tpu.memory_space<vmem>>, %arg12: memref<2000x8xf32, #tpu.memory_space<vmem>>) attributes {dimension_semantics = [#tpu.dimension_semantics<arbitrary>], iteration_bounds = array<i64: 80>, scalar_prefetch = 0 : i64, scratch_operands = 0 : i64, tpu.core_type = #tpu.core_type<tc>, window_params = [{transform_indices = @transform_0, window_bounds = array<i64: 2000, 128>}, {transform_indices = @transform_1, window_bounds = array<i64: 2000, 128>}, {transform_indices = @transform_2, window_bounds = array<i64: 2000, 128>}, {transform_indices = @transform_3, window_bounds = array<i64: 2000, 128>}, {pipeline_mode = #tpu.pipeline_mode<synchronous>, transform_indices = @transform_4, window_bounds = array<i64: 128, 128>}, {pipeline_mode = #tpu.pipeline_mode<synchronous>, transform_indices = @transform_5, window_bounds = array<i64: 128, 128>}, {pipeline_mode = #tpu.pipeline_mode<synchronous>, transform_indices = @transform_6, window_bounds = array<i64: 128, 128>}, {pipeline_mode = #tpu.pipeline_mode<synchronous>, transform_indices = @transform_7, window_bounds = array<i64: 128, 8>}, {pipeline_mode = #tpu.pipeline_mode<synchronous>, transform_indices = @transform_8, window_bounds = array<i64: 8, 128>}, {transform_indices = @transform_9, window_bounds = array<i64: 2000, 128>}, {transform_indices = @transform_10, window_bounds = array<i64: 2000, 128>}, {transform_indices = @transform_11, window_bounds = array<i64: 2000, 8>}]} {
    %get3A = arith.constant 0 : index
    %get3A_0 = arith.constant 0 : index
    %get3A_1 = vector.load %arg9[%get3A, %get3A_0] : memref<8x128xf32, #tpu.memory_space<vmem>>, vector<1x128xf32>
    %get3A_2 = vector.shape_cast %get3A_1 : vector<1x128xf32> to vector<128xf32>
    %get3A_3 = arith.constant 1 : index
    %get3A_4 = arith.constant 0 : index
    %get3A_5 = vector.load %arg9[%get3A_3, %get3A_4] : memref<8x128xf32, #tpu.memory_space<vmem>>, vector<1x128xf32>
    %get3A_6 = vector.shape_cast %get3A_5 : vector<1x128xf32> to vector<128xf32>
    %get3A_7 = arith.constant 0 : index
    %get3A_8 = arith.constant 0 : index
    %get3A_9 = vector.load %arg1[%get3A_7, %get3A_8] : memref<2000x128xf32, #tpu.memory_space<vmem>>, vector<2000x128xf32>
    %get3A_10 = arith.constant 0 : index
    %get3A_11 = arith.constant 0 : index
    %get3A_12 = vector.load %arg5[%get3A_10, %get3A_11] : memref<128x128xf32, #tpu.memory_space<vmem>>, vector<128x128xf32>
    %dot_general3A = arith.constant dense<0.000000e+00> : vector<2000x128xf32>
    %dot_general3A_13 = tpu.matmul %get3A_9, %get3A_12, %dot_general3A {dimension_numbers = #tpu.dot_dimension_numbers<[1], [0], [0], [1], [0, 0, 1, 1], [], []>, transpose_lhs_hint = false} : vector<2000x128xf32>, vector<128x128xf32>, vector<2000x128xf32> -> vector<2000x128xf32>
    %get3A_14 = arith.constant 0 : index
    %get3A_15 = arith.constant 0 : index
    %get3A_16 = vector.load %arg2[%get3A_14, %get3A_15] : memref<2000x128xf32, #tpu.memory_space<vmem>>, vector<2000x128xf32>
    %add3A = arith.addf %dot_general3A_13, %get3A_16 : vector<2000x128xf32>
    %broadcast_in_dim3A = vector.shape_cast %get3A_2 : vector<128xf32> to vector<1x128xf32>
    %add3A_17 = vector.broadcast %broadcast_in_dim3A : vector<1x128xf32> to vector<2000x128xf32>
    %add3A_18 = arith.addf %add3A, %add3A_17 : vector<2000x128xf32>
    %swap3A = arith.constant 0 : index
    %swap3A_19 = arith.constant 0 : index
    %swap3A_20 = vector.load %arg10[%swap3A, %swap3A_19] : memref<2000x128xf32, #tpu.memory_space<vmem>>, vector<2000x128xf32>
    tpu.vector_store %arg10[%swap3A, %swap3A_19], %add3A_18 {strides = array<i32>} : memref<2000x128xf32, #tpu.memory_space<vmem>>, vector<2000x128xf32>,
    %get3A_21 = arith.constant 0 : index
    %get3A_22 = arith.constant 0 : index
    %get3A_23 = vector.load %arg6[%get3A_21, %get3A_22] : memref<128x128xf32, #tpu.memory_space<vmem>>, vector<128x128xf32>
    %dot_general3A_24 = arith.constant dense<0.000000e+00> : vector<2000x128xf32>
    %dot_general3A_25 = tpu.matmul %add3A_18, %get3A_23, %dot_general3A_24 {dimension_numbers = #tpu.dot_dimension_numbers<[1], [0], [0], [1], [0, 0, 1, 1], [], []>, transpose_lhs_hint = false} : vector<2000x128xf32>, vector<128x128xf32>, vector<2000x128xf32> -> vector<2000x128xf32>
    %get3A_26 = arith.constant 0 : index
    %get3A_27 = arith.constant 0 : index
    %get3A_28 = vector.load %arg7[%get3A_26, %get3A_27] : memref<128x128xf32, #tpu.memory_space<vmem>>, vector<128x128xf32>
    %dot_general3A_29 = arith.constant dense<0.000000e+00> : vector<2000x128xf32>
    %dot_general3A_30 = tpu.matmul %add3A_18, %get3A_28, %dot_general3A_29 {dimension_numbers = #tpu.dot_dimension_numbers<[1], [0], [0], [1], [0, 0, 1, 1], [], []>, transpose_lhs_hint = false} : vector<2000x128xf32>, vector<128x128xf32>, vector<2000x128xf32> -> vector<2000x128xf32>
    %swap3A_31 = arith.constant 0 : index
    %swap3A_32 = arith.constant 0 : index
    %swap3A_33 = vector.load %arg11[%swap3A_31, %swap3A_32] : memref<2000x128xf32, #tpu.memory_space<vmem>>, vector<2000x128xf32>
    tpu.vector_store %arg11[%swap3A_31, %swap3A_32], %dot_general3A_30 {strides = array<i32>} : memref<2000x128xf32, #tpu.memory_space<vmem>>, vector<2000x128xf32>,
    %get3A_34 = arith.constant 0 : index
    %get3A_35 = arith.constant 0 : index
    %get3A_36 = vector.load %arg3[%get3A_34, %get3A_35] : memref<2000x128xf32, #tpu.memory_space<vmem>>, vector<2000x128xf32>
    %add3A_37 = arith.addf %get3A_36, %dot_general3A_25 : vector<2000x128xf32>
    %broadcast_in_dim3A_38 = vector.shape_cast %get3A_6 : vector<128xf32> to vector<1x128xf32>
    %add3A_39 = vector.broadcast %broadcast_in_dim3A_38 : vector<1x128xf32> to vector<2000x128xf32>
    %add3A_40 = arith.addf %add3A_37, %add3A_39 : vector<2000x128xf32>
    %get3A_41 = arith.constant 0 : index
    %get3A_42 = arith.constant 0 : index
    %get3A_43 = vector.load %arg4[%get3A_41, %get3A_42] : memref<2000x128xf32, #tpu.memory_space<vmem>>, vector<2000x128xf32>
    %add3A_44 = arith.addf %get3A_43, %dot_general3A_25 : vector<2000x128xf32>
    %broadcast_in_dim3A_45 = vector.shape_cast %get3A_6 : vector<128xf32> to vector<1x128xf32>
    %add3A_46 = vector.broadcast %broadcast_in_dim3A_45 : vector<1x128xf32> to vector<2000x128xf32>
    %add3A_47 = arith.addf %add3A_44, %add3A_46 : vector<2000x128xf32>
    %gt3A = arith.constant 0.000000e+00 : f32
    %gt3A_48 = vector.broadcast %gt3A : f32 to vector<2000x128xf32>
    %gt3A_49 = arith.cmpf ogt, %add3A_40, %gt3A_48 : vector<2000x128xf32>
    %mul3A = arith.constant 0.00999999977 : f32
    %mul3A_50 = vector.broadcast %mul3A : f32 to vector<2000x128xf32>
    %mul3A_51 = arith.mulf %mul3A_50, %add3A_40 : vector<2000x128xf32>
    %select_n3A = arith.select %gt3A_49, %add3A_40, %mul3A_51 : vector<2000x128xi1>, vector<2000x128xf32>
    %gt3A_52 = arith.constant 0.000000e+00 : f32
    %gt3A_53 = vector.broadcast %gt3A_52 : f32 to vector<2000x128xf32>
    %gt3A_54 = arith.cmpf ogt, %add3A_47, %gt3A_53 : vector<2000x128xf32>
    %mul3A_55 = arith.constant 0.00999999977 : f32
    %mul3A_56 = vector.broadcast %mul3A_55 : f32 to vector<2000x128xf32>
    %mul3A_57 = arith.mulf %mul3A_56, %add3A_47 : vector<2000x128xf32>
    %select_n3A_58 = arith.select %gt3A_54, %add3A_47, %mul3A_57 : vector<2000x128xi1>, vector<2000x128xf32>
    %get3A_59 = arith.constant 0 : index
    %get3A_60 = arith.constant 0 : index
    %get3A_61 = vector.load %arg8[%get3A_59, %get3A_60] : memref<128x8xf32, #tpu.memory_space<vmem>>, vector<128x8xf32>
    %dot_general3A_62 = arith.constant dense<0.000000e+00> : vector<2000x8xf32>
    %dot_general3A_63 = tpu.matmul %select_n3A, %get3A_61, %dot_general3A_62 {dimension_numbers = #tpu.dot_dimension_numbers<[1], [0], [0], [1], [0, 0, 1, 1], [], []>, transpose_lhs_hint = false} : vector<2000x128xf32>, vector<128x8xf32>, vector<2000x8xf32> -> vector<2000x8xf32>
    %dot_general3A_64 = arith.constant dense<0.000000e+00> : vector<2000x8xf32>
    %dot_general3A_65 = tpu.matmul %select_n3A_58, %get3A_61, %dot_general3A_64 {dimension_numbers = #tpu.dot_dimension_numbers<[1], [0], [0], [1], [0, 0, 1, 1], [], []>, transpose_lhs_hint = false} : vector<2000x128xf32>, vector<128x8xf32>, vector<2000x8xf32> -> vector<2000x8xf32>
    %slice3A = vector.extract_strided_slice %dot_general3A_63 {offsets = [0, 0], sizes = [2000, 2], strides = [1, 1]} : vector<2000x8xf32> to vector<2000x2xf32>
    %slice3A_66 = vector.extract_strided_slice %dot_general3A_65 {offsets = [0, 0], sizes = [2000, 2], strides = [1, 1]} : vector<2000x8xf32> to vector<2000x2xf32>
    %slice3A_67 = vector.extract_strided_slice %dot_general3A_63 {offsets = [0, 0], sizes = [2000, 2], strides = [1, 1]} : vector<2000x8xf32> to vector<2000x2xf32>
    %slice3A_68 = vector.extract_strided_slice %dot_general3A_65 {offsets = [0, 0], sizes = [2000, 2], strides = [1, 1]} : vector<2000x8xf32> to vector<2000x2xf32>
    %concatenate3A = tpu.concatenate %slice3A, %slice3A_66, %slice3A_67, %slice3A_68 in 1 : vector<2000x2xf32>, vector<2000x2xf32>, vector<2000x2xf32>, vector<2000x2xf32> -> vector<2000x8xf32>
    %swap3A_69 = arith.constant 0 : index
    %swap3A_70 = arith.constant 0 : index
    %swap3A_71 = vector.load %arg12[%swap3A_69, %swap3A_70] : memref<2000x8xf32, #tpu.memory_space<vmem>>, vector<2000x8xf32>
    tpu.vector_store %arg12[%swap3A_69, %swap3A_70], %concatenate3A {strides = array<i32>} : memref<2000x8xf32, #tpu.memory_space<vmem>>, vector<2000x8xf32>,
    return
  }
  func.func @transform_0(%arg0: i32) -> (i32, i32) {
    %c0_i32 = arith.constant 0 : i32
    %c0_i32_0 = arith.constant 0 : i32
    return %arg0, %c0_i32 : i32, i32
  }
  func.func @transform_1(%arg0: i32) -> (i32, i32) {
    %c0_i32 = arith.constant 0 : i32
    %c0_i32_0 = arith.constant 0 : i32
    return %arg0, %c0_i32 : i32, i32
  }
  func.func @transform_2(%arg0: i32) -> (i32, i32) {
    %c0_i32 = arith.constant 0 : i32
    %c0_i32_0 = arith.constant 0 : i32
    return %arg0, %c0_i32 : i32, i32
  }
  func.func @transform_3(%arg0: i32) -> (i32, i32) {
    %c0_i32 = arith.constant 0 : i32
    %c0_i32_0 = arith.constant 0 : i32
    return %arg0, %c0_i32 : i32, i32
  }
  func.func @transform_4(%arg0: i32) -> (i32, i32) {
    %c0_i32 = arith.constant 0 : i32
    %c0_i32_0 = arith.constant 0 : i32
    %c0_i32_1 = arith.constant 0 : i32
    return %c0_i32, %c0_i32_0 : i32, i32
  }
  func.func @transform_5(%arg0: i32) -> (i32, i32) {
    %c0_i32 = arith.constant 0 : i32
    %c0_i32_0 = arith.constant 0 : i32
    %c0_i32_1 = arith.constant 0 : i32
    return %c0_i32, %c0_i32_0 : i32, i32
  }
  func.func @transform_6(%arg0: i32) -> (i32, i32) {
    %c0_i32 = arith.constant 0 : i32
    %c0_i32_0 = arith.constant 0 : i32
    %c0_i32_1 = arith.constant 0 : i32
    return %c0_i32, %c0_i32_0 : i32, i32
  }
  func.func @transform_7(%arg0: i32) -> (i32, i32) {
    %c0_i32 = arith.constant 0 : i32
    %c0_i32_0 = arith.constant 0 : i32
    %c0_i32_1 = arith.constant 0 : i32
    return %c0_i32, %c0_i32_0 : i32, i32
  }
  func.func @transform_8(%arg0: i32) -> (i32, i32) {
    %c0_i32 = arith.constant 0 : i32
    %c0_i32_0 = arith.constant 0 : i32
    %c0_i32_1 = arith.constant 0 : i32
    return %c0_i32, %c0_i32_0 : i32, i32
  }
  func.func @transform_9(%arg0: i32) -> (i32, i32) {
    %c0_i32 = arith.constant 0 : i32
    %c0_i32_0 = arith.constant 0 : i32
    return %arg0, %c0_i32 : i32, i32
  }
  func.func @transform_10(%arg0: i32) -> (i32, i32) {
    %c0_i32 = arith.constant 0 : i32
    %c0_i32_0 = arith.constant 0 : i32
    return %arg0, %c0_i32 : i32, i32
  }
  func.func @transform_11(%arg0: i32) -> (i32, i32) {
    %c0_i32 = arith.constant 0 : i32
    %c0_i32_0 = arith.constant 0 : i32
    return %arg0, %c0_i32 : i32, i32
  }
}

module attributes {stable_mosaic.version = 14 : i64} {
  func.func @_node_dense_body(%arg0: i32, %arg1: memref<2000x128xf32, #tpu.memory_space<vmem>>, %arg2: memref<2000x128xf32, #tpu.memory_space<vmem>>, %arg3: memref<2000x128xf32, #tpu.memory_space<vmem>>, %arg4: memref<2000x128xf32, #tpu.memory_space<vmem>>, %arg5: memref<2000x128xf32, #tpu.memory_space<vmem>>, %arg6: memref<128x128xf32, #tpu.memory_space<vmem>>, %arg7: memref<128x128xf32, #tpu.memory_space<vmem>>, %arg8: memref<128x128xf32, #tpu.memory_space<vmem>>, %arg9: memref<8x128xf32, #tpu.memory_space<vmem>>, %arg10: memref<2000x128xf32, #tpu.memory_space<vmem>>) attributes {dimension_semantics = [#tpu.dimension_semantics<arbitrary>], iteration_bounds = array<i64: 5>, scalar_prefetch = 0 : i64, scratch_operands = 0 : i64, tpu.core_type = #tpu.core_type<tc>, window_params = [{transform_indices = @transform_0, window_bounds = array<i64: 2000, 128>}, {transform_indices = @transform_1, window_bounds = array<i64: 2000, 128>}, {transform_indices = @transform_2, window_bounds = array<i64: 2000, 128>}, {transform_indices = @transform_3, window_bounds = array<i64: 2000, 128>}, {transform_indices = @transform_4, window_bounds = array<i64: 2000, 128>}, {pipeline_mode = #tpu.pipeline_mode<synchronous>, transform_indices = @transform_5, window_bounds = array<i64: 128, 128>}, {pipeline_mode = #tpu.pipeline_mode<synchronous>, transform_indices = @transform_6, window_bounds = array<i64: 128, 128>}, {pipeline_mode = #tpu.pipeline_mode<synchronous>, transform_indices = @transform_7, window_bounds = array<i64: 128, 128>}, {pipeline_mode = #tpu.pipeline_mode<synchronous>, transform_indices = @transform_8, window_bounds = array<i64: 8, 128>}, {transform_indices = @transform_9, window_bounds = array<i64: 2000, 128>}]} {
    %get3A = arith.constant 2 : index
    %get3A_0 = arith.constant 0 : index
    %get3A_1 = vector.load %arg9[%get3A, %get3A_0] : memref<8x128xf32, #tpu.memory_space<vmem>>, vector<1x128xf32>
    %get3A_2 = vector.shape_cast %get3A_1 : vector<1x128xf32> to vector<128xf32>
    %get3A_3 = arith.constant 0 : index
    %get3A_4 = arith.constant 0 : index
    %get3A_5 = vector.load %arg2[%get3A_3, %get3A_4] : memref<2000x128xf32, #tpu.memory_space<vmem>>, vector<2000x128xf32>
    %get3A_6 = arith.constant 0 : index
    %get3A_7 = arith.constant 0 : index
    %get3A_8 = vector.load %arg4[%get3A_6, %get3A_7] : memref<2000x128xf32, #tpu.memory_space<vmem>>, vector<2000x128xf32>
    %add3A = arith.constant 1.000000e-16 : f32
    %add3A_9 = vector.broadcast %add3A : f32 to vector<2000x128xf32>
    %add3A_10 = arith.addf %get3A_8, %add3A_9 : vector<2000x128xf32>
    %div3A = arith.divf %get3A_5, %add3A_10 : vector<2000x128xf32>
    %get3A_11 = arith.constant 0 : index
    %get3A_12 = arith.constant 0 : index
    %get3A_13 = vector.load %arg3[%get3A_11, %get3A_12] : memref<2000x128xf32, #tpu.memory_space<vmem>>, vector<2000x128xf32>
    %get3A_14 = arith.constant 0 : index
    %get3A_15 = arith.constant 0 : index
    %get3A_16 = vector.load %arg5[%get3A_14, %get3A_15] : memref<2000x128xf32, #tpu.memory_space<vmem>>, vector<2000x128xf32>
    %add3A_17 = arith.constant 1.000000e-16 : f32
    %add3A_18 = vector.broadcast %add3A_17 : f32 to vector<2000x128xf32>
    %add3A_19 = arith.addf %get3A_16, %add3A_18 : vector<2000x128xf32>
    %div3A_20 = arith.divf %get3A_13, %add3A_19 : vector<2000x128xf32>
    %get3A_21 = arith.constant 0 : index
    %get3A_22 = arith.constant 0 : index
    %get3A_23 = vector.load %arg1[%get3A_21, %get3A_22] : memref<2000x128xf32, #tpu.memory_space<vmem>>, vector<2000x128xf32>
    %get3A_24 = arith.constant 0 : index
    %get3A_25 = arith.constant 0 : index
    %get3A_26 = vector.load %arg6[%get3A_24, %get3A_25] : memref<128x128xf32, #tpu.memory_space<vmem>>, vector<128x128xf32>
    %dot_general3A = arith.constant dense<0.000000e+00> : vector<2000x128xf32>
    %dot_general3A_27 = tpu.matmul %get3A_23, %get3A_26, %dot_general3A {dimension_numbers = #tpu.dot_dimension_numbers<[1], [0], [0], [1], [0, 0, 1, 1], [], []>, transpose_lhs_hint = false} : vector<2000x128xf32>, vector<128x128xf32>, vector<2000x128xf32> -> vector<2000x128xf32>
    %get3A_28 = arith.constant 0 : index
    %get3A_29 = arith.constant 0 : index
    %get3A_30 = vector.load %arg7[%get3A_28, %get3A_29] : memref<128x128xf32, #tpu.memory_space<vmem>>, vector<128x128xf32>
    %dot_general3A_31 = arith.constant dense<0.000000e+00> : vector<2000x128xf32>
    %dot_general3A_32 = tpu.matmul %div3A, %get3A_30, %dot_general3A_31 {dimension_numbers = #tpu.dot_dimension_numbers<[1], [0], [0], [1], [0, 0, 1, 1], [], []>, transpose_lhs_hint = false} : vector<2000x128xf32>, vector<128x128xf32>, vector<2000x128xf32> -> vector<2000x128xf32>
    %add3A_33 = arith.addf %dot_general3A_27, %dot_general3A_32 : vector<2000x128xf32>
    %get3A_34 = arith.constant 0 : index
    %get3A_35 = arith.constant 0 : index
    %get3A_36 = vector.load %arg8[%get3A_34, %get3A_35] : memref<128x128xf32, #tpu.memory_space<vmem>>, vector<128x128xf32>
    %dot_general3A_37 = arith.constant dense<0.000000e+00> : vector<2000x128xf32>
    %dot_general3A_38 = tpu.matmul %div3A_20, %get3A_36, %dot_general3A_37 {dimension_numbers = #tpu.dot_dimension_numbers<[1], [0], [0], [1], [0, 0, 1, 1], [], []>, transpose_lhs_hint = false} : vector<2000x128xf32>, vector<128x128xf32>, vector<2000x128xf32> -> vector<2000x128xf32>
    %add3A_39 = arith.addf %add3A_33, %dot_general3A_38 : vector<2000x128xf32>
    %broadcast_in_dim3A = vector.shape_cast %get3A_2 : vector<128xf32> to vector<1x128xf32>
    %add3A_40 = vector.broadcast %broadcast_in_dim3A : vector<1x128xf32> to vector<2000x128xf32>
    %add3A_41 = arith.addf %add3A_39, %add3A_40 : vector<2000x128xf32>
    %swap3A = arith.constant 0 : index
    %swap3A_42 = arith.constant 0 : index
    %swap3A_43 = vector.load %arg10[%swap3A, %swap3A_42] : memref<2000x128xf32, #tpu.memory_space<vmem>>, vector<2000x128xf32>
    tpu.vector_store %arg10[%swap3A, %swap3A_42], %add3A_41 {strides = array<i32>} : memref<2000x128xf32, #tpu.memory_space<vmem>>, vector<2000x128xf32>,
    return
  }
  func.func @transform_0(%arg0: i32) -> (i32, i32) {
    %c0_i32 = arith.constant 0 : i32
    %c0_i32_0 = arith.constant 0 : i32
    return %arg0, %c0_i32 : i32, i32
  }
  func.func @transform_1(%arg0: i32) -> (i32, i32) {
    %c0_i32 = arith.constant 0 : i32
    %c0_i32_0 = arith.constant 0 : i32
    return %arg0, %c0_i32 : i32, i32
  }
  func.func @transform_2(%arg0: i32) -> (i32, i32) {
    %c0_i32 = arith.constant 0 : i32
    %c0_i32_0 = arith.constant 0 : i32
    return %arg0, %c0_i32 : i32, i32
  }
  func.func @transform_3(%arg0: i32) -> (i32, i32) {
    %c0_i32 = arith.constant 0 : i32
    %c0_i32_0 = arith.constant 0 : i32
    return %arg0, %c0_i32 : i32, i32
  }
  func.func @transform_4(%arg0: i32) -> (i32, i32) {
    %c0_i32 = arith.constant 0 : i32
    %c0_i32_0 = arith.constant 0 : i32
    return %arg0, %c0_i32 : i32, i32
  }
  func.func @transform_5(%arg0: i32) -> (i32, i32) {
    %c0_i32 = arith.constant 0 : i32
    %c0_i32_0 = arith.constant 0 : i32
    %c0_i32_1 = arith.constant 0 : i32
    return %c0_i32, %c0_i32_0 : i32, i32
  }
  func.func @transform_6(%arg0: i32) -> (i32, i32) {
    %c0_i32 = arith.constant 0 : i32
    %c0_i32_0 = arith.constant 0 : i32
    %c0_i32_1 = arith.constant 0 : i32
    return %c0_i32, %c0_i32_0 : i32, i32
  }
  func.func @transform_7(%arg0: i32) -> (i32, i32) {
    %c0_i32 = arith.constant 0 : i32
    %c0_i32_0 = arith.constant 0 : i32
    %c0_i32_1 = arith.constant 0 : i32
    return %c0_i32, %c0_i32_0 : i32, i32
  }
  func.func @transform_8(%arg0: i32) -> (i32, i32) {
    %c0_i32 = arith.constant 0 : i32
    %c0_i32_0 = arith.constant 0 : i32
    %c0_i32_1 = arith.constant 0 : i32
    return %c0_i32, %c0_i32_0 : i32, i32
  }
  func.func @transform_9(%arg0: i32) -> (i32, i32) {
    %c0_i32 = arith.constant 0 : i32
    %c0_i32_0 = arith.constant 0 : i32
    return %arg0, %c0_i32 : i32, i32
  }
}

</mosaic_0001>

<sc_bundles>
// kernel: kernel.5.cloned.1.call-start
scs
__scs_entry_jumppad:
0x0: {  	(pc) =	sbr.rel $0x88, $3  }
0x1: {  	(tag) =	ssettag $0x0;
	lr =	simm.s32 $0x1  }
0x2: {  	[smem:$0x3F94] =	sst lr;
	_ =	strace $0xD0000000  }
0x3: {  	_ = 	snop  }
0x4: {  	_ = 	snop  }
0x5: {  	_ = 	snop  }
0x6: {  	_ = 	snop  }
0x7: {  	_ = 	snop  }
__scs_overlays_trampoline_lowered:
0x8: {  	[smem:$0x3FA3] =	sst s0  }
0x9: {  	[smem:$0x3FA4] =	sst s1  }
0xa: {  	[smem:$0x3FA5] =	sst s2  }
0xb: {  	[smem:$0x3FA6] =	sst s3  }
0xc: {  	[smem:$0x3FA7] =	sst s4  }
0xd: {  	[smem:$0x3FA8] =	sst s5  }
0xe: {  	[smem:$0x3FA9] =	sst s6  }
0xf: {  	[smem:$0x3FAA] =	sst s7  }
0x10: {  	[smem:$0x3FAB] =	sst s8  }
0x11: {  	[smem:$0x3FAC] =	sst s9;
	s0 =	simm.s32 @!p0 $0x0  }
0x12: {  	s1 =	sld [smem:$0x3F92];
	s0 =	simm.s32 @p0 $0x1  }
0x13: {  	[smem:$0x3FAD] =	sst s0;
	s0 =	simm.s32 @!p1 $0x0  }
0x14: {  	s2 =	sld [smem:$0x3F91];
	s0 =	simm.s32 @p1 $0x1  }
0x15: {  	[smem:$0x3FAE] =	sst s0;
	s0 =	simm.s32 @!p2 $0x0  }
0x16: {  	s3 =	sld [smem:$0x3FDB];
	s0 =	simm.s32 @p2 $0x1  }
0x17: {  	s4 =	simm.s32 $0x1BF5;
	[smem:$0x3FB0] =	sst s0  }
0x18: {  	s0 =	sld [smem:$0x3F93];
	_ =	swait.ge [sflag:s4], $0x0  }
0x19: {  	s7 =	sld [smem:$0x3F94]  }
0x1a: {  	s8 =	sadd.s32 $0xFFFFE003, lr  }
0x1b: {  	s9 =	sadd.s32 $0xFFFFFEF7, lr;
	s5 =	simm.s32 $0xFFFFFFFF;
	p2 =	slt.u32 s8, $0xFFFFF086  }
0x1c: {  	p1 =	slt.u32 s9, $0xF7A;
	s5 =	simm.s32 @!p2 $0x0  }
0x1d: {  	s5 =	simm.s32 @p1 $0x1;
	p0 =	seq.s32 s7, s2  }
0x1e: {  	s7 =	smul.u32 @!p0 $0xF7A, s2;
	p2 =	seq.s32 @!p0 s5, $0x0  }
0x1f: {  	s9 =	smul.u32 $0xF7A, s1;
	s8 =	simm.s32 @!p0 $0x1BF5;
	p2 =	por !p2, p0  }
0x20: {  	[sflag:s8] =	ssyncset.s32 @!p0 $0xFFFFF086;
	s6 =	sadd.s32 @!p0 s3, s7;
	s7 =	simm.s32 @!p0 $0x108  }
0x21: {  	s3 =	sadd.s32 s3, s9;
	s6 =	sadd.s32 @!p0 $0x88, s6;
	s7 =	simm.s32 @p2 $0x1082  }
0x22: {  	[simem:s7], [sflag:s8] =	dma.local @!p0 [hbm:s6], $0xF7A  }
0x23: {  	s9 =	sor.u32 $0xD0000000, s2;
	s6 =	simm.s32 $0x108;
	_ =	swait.ge @!p0 [sflag:s8], $0x0  }
0x24: {  	s3 =	sadd.s32 $0x88, s3;
	s6 =	simm.s32 @!p1 $0x1082;
	[sflag:s4] =	ssyncset.s32 $0xFFFFF086  }
0x25: {  	[simem:s6], [sflag:s4] =	dma.local [hbm:s3], $0xF7A  }
0x26: {  	[smem:$0x3F94] =	sst s1;
	(tag) =	ssettag s2;
	_ =	strace s9  }
0x27: {  	s1 =	sld [smem:$0x3FA4]  }
0x28: {  	s2 =	sld [smem:$0x3FA5]  }
0x29: {  	s4 =	sld [smem:$0x3FA7]  }
0x2a: {  	p0 =	seq.s32 s5, $0x0;
	s5 =	sld [smem:$0x3FA8]  }
0x2b: {  	s6 =	sld [smem:$0x3FA9]  }
0x2c: {  	s7 =	sld [smem:$0x3FAA]  }
0x2d: {  	s3 =	simm.s32 $0x108;
	s8 =	sld [smem:$0x3FAB]  }
0x2e: {  	s3 =	simm.s32 @!p0 $0x1082;
	s9 =	sld [smem:$0x3FAC]  }
0x2f: {  	lr =	sadd.s32 s0, s3;
	s0 =	sld [smem:$0x3FA3]  }
0x30: {  	s3 =	sld [smem:$0x3FA6]  }
0x31: {  	[smem:$0x3FAF] =	sst s10  }
0x32: {  	s10 =	sld [smem:$0x3FAD];
	_ =	sdelay $0x3  }
0x33: {  	p0 =	seq.s32 s10, $0x1;
	s10 =	sld [smem:$0x3FAF];
	_ =	sdelay $0x3  }
0x34: {  	[smem:$0x3FAF] =	sst s10  }
0x35: {  	s10 =	sld [smem:$0x3FAE];
	_ =	sdelay $0x3  }
0x36: {  	p1 =	seq.s32 s10, $0x1;
	s10 =	sld [smem:$0x3FAF];
	_ =	sdelay $0x3  }
0x37: {  	[smem:$0x3FAF] =	sst s10  }
0x38: {  	s10 =	sld [smem:$0x3FB0]  }
0x39: {  	_ = 	snop;
	(pc) =	sbr.ind lr, $3  }
0x3a: {  	_ = 	snop  }
0x3b: {  	_ = 	snop  }
0x3c: {  	p2 =	seq.s32 s10, $0x1;
	s10 =	sld [smem:$0x3FAF]  }
0x3d: {  	_ =	shalt  }
0x3e: {  	_ =	shalt  }
0x3f: {  	_ =	shalt  }
0x40: {  	_ =	shalt  }
0x41: {  	_ =	shalt  }
0x42: {  	_ =	shalt  }
0x43: {  	_ =	shalt  }
0x44: {  	_ =	shalt  }
0x45: {  	_ =	shalt  }
0x46: {  	_ =	shalt  }
0x47: {  	_ =	shalt  }
0x48: {  	_ =	shalt  }
0x49: {  	_ =	shalt  }
0x4a: {  	_ =	shalt  }
0x4b: {  	_ =	shalt  }
0x4c: {  	_ =	shalt  }
0x4d: {  	_ =	shalt  }
0x4e: {  	_ =	shalt  }
0x4f: {  	_ =	shalt  }
0x50: {  	_ =	shalt  }
0x51: {  	_ =	shalt  }
0x52: {  	_ =	shalt  }
0x53: {  	_ =	shalt  }
0x54: {  	_ =	shalt  }
0x55: {  	_ =	shalt  }
0x56: {  	_ =	shalt  }
0x57: {  	_ =	shalt  }
0x58: {  	_ =	shalt  }
0x59: {  	_ =	shalt  }
0x5a: {  	_ =	shalt  }
0x5b: {  	_ =	shalt  }
0x5c: {  	_ =	shalt  }
0x5d: {  	_ =	shalt  }
0x5e: {  	_ =	shalt  }
0x5f: {  	_ =	shalt  }
0x60: {  	_ =	shalt  }
0x61: {  	_ =	shalt  }
0x62: {  	_ =	shalt  }
0x63: {  	_ =	shalt  }
0x64: {  	_ =	shalt  }
0x65: {  	_ =	shalt  }
0x66: {  	_ =	shalt  }
0x67: {  	_ =	shalt  }
0x68: {  	_ =	shalt  }
0x69: {  	_ =	shalt  }
0x6a: {  	_ =	shalt  }
0x6b: {  	_ =	shalt  }
0x6c: {  	_ =	shalt  }
0x6d: {  	_ =	shalt  }
0x6e: {  	_ =	shalt  }
0x6f: {  	_ =	shalt  }
0x70: {  	_ =	shalt  }
0x71: {  	_ =	shalt  }
0x72: {  	_ =	shalt  }
0x73: {  	_ =	shalt  }
0x74: {  	_ =	shalt  }
0x75: {  	_ =	shalt  }
0x76: {  	_ =	shalt  }
0x77: {  	_ =	shalt  }
0x78: {  	_ =	shalt  }
0x79: {  	_ =	shalt  }
0x7a: {  	_ =	shalt  }
0x7b: {  	_ =	shalt  }
0x7c: {  	_ =	shalt  }
0x7d: {  	_ =	shalt  }
0x7e: {  	_ =	shalt  }
0x7f: {  	_ =	shalt  }
0x80: {  	_ =	shalt  }
0x81: {  	_ =	shalt  }
0x82: {  	_ =	shalt  }
0x83: {  	_ =	shalt  }
0x84: {  	_ =	shalt  }
0x85: {  	_ =	shalt  }
0x86: {  	_ =	shalt  }
0x87: {  	_ =	shalt  }
.Lfunc_end0:
.L_simem_size_0:
called_computation.4_lowered:
.L_overlay_start_0:
0x88: {  	s2 =	sld [smem:$0x3FD9]  }
0x89: {  	s3 =	sld [smem:$0x3FFE];
	_ =	sdelay $0x1  }
0x8a: {  	s1 =	srdreg.scid  }
0x8b: {  	s0 =	sand.u32 $0x1, s1  }
0x8c: {  	s14 =	sshll.u32 s0, $0xA;
	s2 =	sadd.s32 s3, s2  }
0x8d: {  	s2 =	sadd.s32 s2, s14  }
0x8e: {  	[smem:$0x3FBB] =	sst s2  }
0x8f: {  	_ = 	snop  }
0x90: {  	s2 =	sld [smem:$0x3FD0];
	_ =	sdelay $0x2  }
0x91: {  	s15 =	simm.s32 $0xD;
	s4 =	simm.s32 $0x10  }
0x92: {  	[smem:s4], [sflag:s15] =	dma.local [hbm:s2], $0x1  }
0x93: {  	_ =	swait.eq [sflag:s15], $0x1  }
0x94: {  	[sflag:s15] =	ssyncset.done $0x0  }
0x95: {  	[sflag:s15] =	ssyncadd.s32 $0xFFFFFFFF  }
0x96: {  	s16 =	sld [smem:$0x10];
	(tm) =	ssettm $0x1  }
0x97: {  	s17 =	sld [smem:$0x3FFB];
	_ =	sdelay $0x3  }
0x98: {  	_ =	strace s17  }
0x99: {  	s3 =	sld [smem:$0x3FFC];
	_ =	sdelay $0x3  }
0x9a: {  	_ =	strace s3  }
0x9b: {  	s3 =	sld [smem:$0x3FFD];
	_ =	sdelay $0x3  }
0x9c: {  	_ =	strace s3  }
0x9d: {  	_ =	strace $0x8FFFFFFF  }
0x9e: {  	s18 =	sld [smem:$0x3FDB];
	_ =	sdelay $0x1  }
0x9f: {  	s19 =	simm.s32 $_scs_section_size  }
0xa0: {  	s5 =	simm.s32 $_size__tile_overlayer_lowered;
	s6 =	simm.s32 $_tile_overlayer_lowered  }
0xa1: {  	s22 =	simm.s32 $0x1BFF;
	s21 =	sshll.u32 s6, $0x1;
	s3 =	sadd.s32 s19, s18  }
0xa2: {  	s7 =	simm.s32 $0x0;
	s20 =	sshll.u32 s5, $0x1;
	s5 =	sadd.s32 s21, s3  }
0xa3: {  	[timem:s7], [sflag:s22] =	dma.local [hbm:s5], s20  }
0xa4: {  	_ =	swait.ge [sflag:s22], s20  }
0xa5: {  	s4 =	ssub.s32 $0x0, s20;
	[sflag:s22] =	ssyncset.done $0x0  }
0xa6: {  	[sflag:s22] =	ssyncadd.s32 s4;
	_ =	sdelay $0x1  }
0xa7: {  	s23 =	simm.s32 $0x1B8B  }
0xa8: {  	_ =	swait.ge [sflag:s23], $0x1  }
0xa9: {  	[sflag:s23] =	ssyncset.done $0x0  }
0xaa: {  	s25 =	simm.s32 $0x1B8E;
	s24 =	sld [smem:$0x3FFE];
	[sflag:s23] =	ssyncadd.s32 $0xFFFFFFFF  }
0xab: {  	s26 =	simm.s32 $execute0_lowered;
	[smem:$0x3FD2] =	sst s25  }
0xac: {  	s5 =	sshll.u32 s26, $0x1;
	_ =	strace $0x80000046;
	[dreg:$0x1] =	wrdreg $0xFFFFFFFF  }
0xad: {  	s28 =	simm.s32 $_size_execute0_lowered;
	s3 =	sadd.s32 s3, s5;
	[dreg:$0x0] =	wrdreg $0x0  }
0xae: {  	s5 =	sshll.u32 s28, $0x1;
	[dreg:$0x2] =	wrdreg s3  }
0xaf: {  	[dreg:$0x3] =	wrdreg s5  }
0xb0: {  	[dreg:$0x4] =	wrdreg $0xC0  }
0xb1: {  	_ =	task [dreg:s7], $0x5FFFF  }
0xb2: {  	[dreg:$0x1] =	wrdreg $0xFFFFFFFF  }
0xb3: {  	[dreg:$0x0] =	wrdreg $0x60  }
0xb4: {  	[dreg:$0x2] =	wrdreg s16  }
0xb5: {  	[dreg:$0x3] =	wrdreg s24  }
0xb6: {  	[dreg:$0x4] =	wrdreg $0x9  }
0xb7: {  	_ =	task.clear_ibuf [dreg:s7], $0x5FFFF;
	_ =	strace $0x90000046  }
0xb8: {  	s29 =	simm.s32 $0x9;
	_ =	strace $0x80000048  }
0xb9: {  	_ =	swait.ge [sflag:s29], $0x1  }
0xba: {  	[sflag:s29] =	ssyncadd.s32 $0xFFFFFFFF  }
0xbb: {  	_ =	strace $0x90000048  }
0xbc: {  	_ =	sfence  }
0xbd: {  	s30 =	sld [smem:$0x0];
	_ =	sdelay $0x2  }
0xbe: {  	s31 =	sshll.u32 s1, $0xD;
	s1 =	sshrl.u32 s1, $0x2  }
0xbf: {  	s3 =	sand.u32 $0x4000, s31;
	s1 =	sadd.s32 s1, s30  }
0xc0: {  	s0 =	sor.u32 s3, s0;
	s1 =	sshll.u32 s1, $0x11  }
0xc1: {  	s0 =	sor.u32 s1, s0  }
0xc2: {  	s0 =	sadd.s32 $0x8F2B, s0  }
0xc3: {  	[sflag:s0] =	ssyncadd.remote.s32 $0x1  }
0xc4: {  	_ =	sfence.sel $0xFFFF  }
0xc5: {  	[dreg:$0x0] =	wrdreg $0xFFFFFFFF;
	(pc) =	sbr.abs _section_cstart, $3  }
0xc6: {  	[dreg:$0x1] =	wrdreg $0xFFFFFFFF  }
0xc7: {  	_ =	task.clear_ibuf [dreg:s7], $0x2FFFF;
	_ =	strace $0x9FFFFFFF  }
0xc8: {  	(tm) =	ssettm $0x7FFFFFFF  }
0xc9: {  	_ =	shalt  }
tec
execute0_lowered:
.L_overlay_start_1:
0x0: {  	(tag) =	ssettag $0x1  }
0x1: {  	s1 =	rddreg [dreg:$0x0]  }
0x2: {  	s6 =	rddreg [dreg:$0x1]  }
0x3: {  	s0 =	rddreg [dreg:$0x2];
	s3 =	simm.s32 $0x0  }
0x4: {  	s4 =	srdreg.scid;
	s2 =	stileid.u32;
	s15 =	simm.s32 $0x1  }
0x5: {  	s16 =	simm.s32 $0x400;
	s17 =	simm.s32 $0x580;
	s18 =	simm.s32 $0x2D00  }
0x6: {  	s19 =	simm.s32 $0x5480;
	s20 =	simm.s32 $0x7C00;
	s21 =	simm.s32 $0x480  }
0x7: {  	s22 =	simm.s32 $0x500;
	s23 =	simm.s32 $0x80;
	s24 =	simm.s32 $0x200  }
0x8: {  	s25 =	simm.s32 $0x0;
	[smem:$0x7FF] =	sst s3;
	s5 =	sand.u32 $0x1, s4  }
0x9: {  	s7 =	sshll.u32 s2, $0x1;
	s4 =	sadd.s32 $0x9D6800, s6;
	p0 =	sgt.u32 s2, $0x7  }
0xa: {  	_ =	strace $0x80000047;
	s7 =	sor.u32 s5, s7;
	s9 =	ssub.s32 $0x2, s5  }
0xb: {  	s5 =	sadd.s32 $0x9D1800, s6;
	s8 =	smul.u32 $0x13C0, s7;
	s10 =	sshll.u32 s7, $0x4  }
.Ltmp0:
0xc: {  	s11 =	sshrl.u32 s9, $0x1;
	s10 =	sor.u32 $0x27000, s10;
	(pc) =	sbr.rel .LBB2_1-.Ltmp0, $4  }
0xd: {  	v0 =	vlaneseq.u32;
	s14 =	ssub.s32 s9, s11;
	s13 =	sadd.s32 s8, s6;
	s31 =	sshrl.u32 s10, $0x3  }
0xe: {  	v0 =	vmul.u32 $0x8, v0;
	s6 =	smul.u32 $0x1380, s7;
	s7 =	sadd.s32 s1, s10;
	s14 =	smax.u32 s14, $0x1  }
0xf: {  	v1 =	vimm.f32 $-3.000000010e+38;
	v2 =	vimm.f32 $0.0e+00;
	s8 =	sadd.s32 s4, s31;
	s9 =	sadd.s32 s5, s31;
	s10 =	sadd.s32 $0xD000, s13  }
0x10: {  	v3 =	vor.u32 $0x1, v0;
	v4 =	vor.u32 $0x2, v0;
	v5 =	vor.u32 $0x3, v0;
	s11 =	sadd.s32 $0xD010, s13;
	s12 =	sadd.s32 $0xD020, s13;
	s13 =	sadd.s32 $0xD030, s13  }
.LBB2_26:
0x11: {  	[hbm4b:s10+s23] =	stream.strided.scatter [tilespmem:s17], [sflag:$0x1], $0x2780, s24, s23, $0x38;
	[tilespmem:$0xA380] =	vst v63  }
0x12: {  	_ =	swait.ge [sflag:s15], $0x2780  }
0x13: {  	[sflag:s15] =	ssyncset.done $0x0  }
0x14: {  	[sflag:s15] =	ssyncadd.s32 $0xFFFFD880  }
0x15: {  	[hbm4b:s11+s23] =	stream.strided.scatter [tilespmem:s18], [sflag:$0x1], $0x2780, s24, s23, $0x38;
	[tilespmem:$0xA380] =	vst v63  }
0x16: {  	_ =	swait.ge [sflag:s15], $0x2780  }
0x17: {  	[sflag:s15] =	ssyncset.done $0x0  }
0x18: {  	[sflag:s15] =	ssyncadd.s32 $0xFFFFD880  }
0x19: {  	[hbm4b:s12+s23] =	stream.strided.scatter [tilespmem:s19], [sflag:$0x1], $0x2780, s24, s23, $0x38;
	[tilespmem:$0xA380] =	vst v63  }
0x1a: {  	s25 =	sadd.s32 $0x1, s25;
	_ =	swait.ge [sflag:s15], $0x2780  }
0x1b: {  	p1 =	sne.s32 s25, s14;
	[sflag:s15] =	ssyncset.done $0x0  }
.Ltmp1:
0x1c: {  	[sflag:s15] =	ssyncadd.s32 $0xFFFFD880;
	(pc) =	sbr.rel @!p1 .LBB2_27-.Ltmp1, $4  }
0x1d: {  	[hbm4b:s13+s23] =	stream.strided.scatter [tilespmem:s20], [sflag:$0x1], $0x2780, s24, s23, $0x38;
	[tilespmem:$0xA380] =	vst v63  }
0x1e: {  	_ =	swait.ge [sflag:s15], $0x2780  }
0x1f: {  	[sflag:s15] =	ssyncset.done $0x0  }
0x20: {  	[sflag:s15] =	ssyncadd.s32 $0xFFFFD880  }
.LBB2_1:
0x21: {  	s26 =	simm.s32 $0x40;
	s28 =	simm.s32 $0x0  }
.LBB2_2:
0x22: {  	p1 =	sne.s32 s26, $0x9C00;
	[tilespmem:s28+$0x7C00] =	vst v1;
	s29 =	smov.u32 s26;
	s26 =	sadd.s32 $0x40, s26  }
.Ltmp2:
0x23: {  	[tilespmem:s28+$0x5480] =	vst v1;
	(pc) =	sbr.rel @p1 .LBB2_2-.Ltmp2, $3  }
0x24: {  	[tilespmem:s28+$0x580] =	vst v1  }
0x25: {  	[tilespmem:s28+$0x2D00] =	vst v1;
	_ =	sdelay $0x1  }
0x26: {  	s28 =	sshra.s32 s29, $0x2  }
.Ltmp3:
0x27: {  	(pc) =	sbr.rel .LBB2_4-.Ltmp3, $4  }
0x28: {  	[tilespmem:s28+$0x7C00] =	vst v1  }
0x29: {  	[tilespmem:s28+$0x5480] =	vst v1  }
0x2a: {  	[tilespmem:s28+$0x580] =	vst v1  }
0x2b: {  	s26 =	simm.s32 $0x0;
	[tilespmem:s28+$0x2D00] =	vst v1;
	s28 =	simm.s32 $0x0  }
.LBB2_16:
0x2c: {  	s28 =	sadd.s32 $0x1, s28  }
0x2d: {  	p1 =	sne.s32 s28, $0x27  }
.Ltmp4:
0x2e: {  	_ = 	snop;
	(pc) =	sbr.rel @!p1 .LBB2_17-.Ltmp4, $1  }
0x2f: {  	_ =	sdelay $0x3  }
.LBB2_4:
0x30: {  	s29 =	sshll.u32 s28, $0x7  }
0x31: {  	s29 =	sadd.s32 s6, s29  }
0x32: {  	s30 =	sadd.s32 s1, s29  }
0x33: {  	[tilespmem:s26], [sflag:$0x1] =	stream.linear.gather [hbm4b:s30+s26], $0x400, $0x38;
	[tilespmem:$0xA380] =	vst v63  }
0x34: {  	_ =	swait.ge [sflag:s15], $0x400  }
0x35: {  	s29 =	sshrl.u32 s29, $0x3;
	[sflag:s15] =	ssyncset.done $0x0  }
.Ltmp5:
0x36: {  	s30 =	sadd.s32 s4, s29;
	[sflag:s15] =	ssyncadd.s32 $0xFFFFFC00;
	(pc) =	sbr.rel .LBB2_5-.Ltmp5, $4  }
0x37: {  	[tilespmem:s16], [sflag:$0x1] =	stream.linear.gather [hbm4b:s30+s26], $0x80, $0x38;
	[tilespmem:$0xA380] =	vst v63  }
0x38: {  	_ =	swait.ge [sflag:s15], $0x80  }
0x39: {  	[sflag:s15] =	ssyncset.done $0x0  }
0x3a: {  	s30 =	simm.s32 $0x0;
	[sflag:s15] =	ssyncadd.s32 $0xFFFFFF80  }
.LBB2_9:
0x3b: {  	s30 =	sadd.s32 $0x1, s30  }
0x3c: {  	p1 =	sne.s32 s30, $0x8  }
.Ltmp6:
0x3d: {  	_ = 	snop;
	(pc) =	sbr.rel @!p1 .LBB2_10-.Ltmp6, $1  }
0x3e: {  	_ =	sdelay $0x3  }
.LBB2_5:
0x3f: {  	s31 =	sshll.u32 s30, $0x4  }
0x40: {  	v7 =	vmov s31;
	v6 =	vld [tilespmem:s31+$0x400]  }
0x41: {  	v7 =	vshll.u32 v7, $0x3  }
0x42: {  	v7 =	vor.u32 v0, v7;
	_ =	sdelay $0x4  }
0x43: {  	v8 =	vld.idx.msk [tilespmem:v7+s3+$0x0], $0xffff  }
0x44: {  	v9 =	vld.idx.msk [tilespmem:v6+s17+$0x0], $0xffff;
	_ =	sdelay $0x4  }
0x45: {  	v8 =	vmax.f32 v9, v8  }
0x46: {  	[tilespmem:v6+s17+$0x0] =	vst.idx.msk $0xffff, v8  }
0x47: {  	v9 =	vld.idx.msk [tilespmem:v6+s17+$0x0], $0xffff;
	_ =	sdelay $0x4  }
0x48: {  	vm0 =	vlt.f32 v9, v8  }
0x49: {  	v9 =	vsel vm0, $0x3F800000, v2  }
0x4a: {  	(xrf0) =	vmax.scan.msk.f32 $0xffff, v9;
	_ =	sdelay $0x5  }
0x4b: {  	v9, _, _ =	vpop (xrf0)  }
0x4c: {  	(v2sf) =	vpush v9, $0xF;
	_ =	sdelay $0xe  }
0x4d: {  	s31 =	spop (v2sf)  }
0x4e: {  	p1 =	sgt.f32 s31, $0.0e+00  }
.Ltmp7:
0x4f: {  	_ = 	snop;
	(pc) =	sbr.rel @!p1 .LBB2_7-.Ltmp7, $1  }
0x50: {  	_ =	sdelay $0x3  }
.LBB2_6:
0x51: {  	v9 =	vld.idx.msk [tilespmem:v6+s17+$0x0], $0xffff;
	_ =	sdelay $0x4  }
0x52: {  	vm0 =	vlt.f32 v9, v8;
	_ =	sdelay $0x4  }
0x53: {  	v9 =	vmax.f32 v9, v8  }
0x54: {  	[tilespmem:v6+s17+$0x0] =	vst.idx.msk vm0, v9  }
0x55: {  	v9 =	vld.idx.msk [tilespmem:v6+s17+$0x0], $0xffff;
	_ =	sdelay $0x4  }
0x56: {  	vm15 =	vlt.f32 v9, v8  }
0x57: {  	v9 =	vsel vm15, $0x3F800000, v2  }
0x58: {  	(xrf0) =	vmax.scan.msk.f32 $0xffff, v9;
	_ =	sdelay $0x5  }
0x59: {  	v9, _, _ =	vpop (xrf0)  }
0x5a: {  	(v2sf) =	vpush v9, $0xF;
	_ =	sdelay $0xe  }
0x5b: {  	s31 =	spop (v2sf)  }
0x5c: {  	p1 =	sgt.f32 s31, $0.0e+00  }
.Ltmp8:
0x5d: {  	_ = 	snop;
	(pc) =	sbr.rel @p1 .LBB2_6-.Ltmp8, $1  }
0x5e: {  	_ =	sdelay $0x3  }
.LBB2_7:
0x5f: {  	v7 =	vor.u32 $0x1, v7;
	_ =	sdelay $0x3  }
0x60: {  	v8 =	vld.idx.msk [tilespmem:v6+s18+$0x0], $0xffff  }
0x61: {  	v7 =	vld.idx.msk [tilespmem:v7+s3+$0x0], $0xffff;
	_ =	sdelay $0x4  }
0x62: {  	v7 =	vmax.f32 v8, v7  }
0x63: {  	[tilespmem:v6+s18+$0x0] =	vst.idx.msk $0xffff, v7  }
0x64: {  	v8 =	vld.idx.msk [tilespmem:v6+s18+$0x0], $0xffff;
	_ =	sdelay $0x4  }
0x65: {  	vm0 =	vlt.f32 v8, v7  }
0x66: {  	v8 =	vsel vm0, $0x3F800000, v2  }
0x67: {  	(xrf0) =	vmax.scan.msk.f32 $0xffff, v8;
	_ =	sdelay $0x5  }
0x68: {  	v8, _, _ =	vpop (xrf0)  }
0x69: {  	(v2sf) =	vpush v8, $0xF;
	_ =	sdelay $0xe  }
0x6a: {  	s31 =	spop (v2sf)  }
0x6b: {  	p1 =	sgt.f32 s31, $0.0e+00  }
.Ltmp9:
0x6c: {  	_ = 	snop;
	(pc) =	sbr.rel @!p1 .LBB2_9-.Ltmp9, $1  }
0x6d: {  	_ =	sdelay $0x3  }
.LBB2_8:
0x6e: {  	v8 =	vld.idx.msk [tilespmem:v6+s18+$0x0], $0xffff;
	_ =	sdelay $0x4  }
0x6f: {  	vm0 =	vlt.f32 v8, v7;
	_ =	sdelay $0x4  }
0x70: {  	v8 =	vmax.f32 v8, v7  }
0x71: {  	[tilespmem:v6+s18+$0x0] =	vst.idx.msk vm0, v8  }
0x72: {  	v8 =	vld.idx.msk [tilespmem:v6+s18+$0x0], $0xffff;
	_ =	sdelay $0x4  }
0x73: {  	vm15 =	vlt.f32 v8, v7  }
0x74: {  	v8 =	vsel vm15, $0x3F800000, v2  }
0x75: {  	(xrf0) =	vmax.scan.msk.f32 $0xffff, v8;
	_ =	sdelay $0x5  }
0x76: {  	v8, _, _ =	vpop (xrf0)  }
0x77: {  	(v2sf) =	vpush v8, $0xF;
	_ =	sdelay $0xe  }
0x78: {  	s31 =	spop (v2sf)  }
0x79: {  	p1 =	sgt.f32 s31, $0.0e+00  }
.Ltmp10:
0x7a: {  	_ = 	snop;
	(pc) =	sbr.rel @p1 .LBB2_8-.Ltmp10, $1  }
0x7b: {  	_ =	sdelay $0x3  }
.Ltmp11:
0x7c: {  	_ = 	snop;
	(pc) =	sbr.rel .LBB2_9-.Ltmp11, $1  }
0x7d: {  	_ =	sdelay $0x3  }
.LBB2_10:
.Ltmp12:
0x7e: {  	s30 =	sadd.s32 s5, s29;
	s29 =	simm.s32 $0x0;
	(pc) =	sbr.rel .LBB2_11-.Ltmp12, $4  }
0x7f: {  	[tilespmem:s16], [sflag:$0x1] =	stream.linear.gather [hbm4b:s30+s29], $0x80, $0x38;
	[tilespmem:$0xA380] =	vst v63  }
0x80: {  	_ =	swait.ge [sflag:s15], $0x80  }
0x81: {  	[sflag:s15] =	ssyncset.done $0x0  }
0x82: {  	[sflag:s15] =	ssyncadd.s32 $0xFFFFFF80  }
.LBB2_15:
0x83: {  	s29 =	sadd.s32 $0x1, s29  }
0x84: {  	p1 =	sne.s32 s29, $0x8  }
.Ltmp13:
0x85: {  	_ = 	snop;
	(pc) =	sbr.rel @!p1 .LBB2_16-.Ltmp13, $1  }
0x86: {  	_ =	sdelay $0x3  }
.LBB2_11:
0x87: {  	s30 =	sshll.u32 s29, $0x4  }
0x88: {  	v6 =	vmov s30  }
0x89: {  	v7 =	vshll.u32 v6, $0x3;
	v6 =	vld [tilespmem:s30+$0x400]  }
0x8a: {  	v7 =	vor.u32 v0, v7  }
0x8b: {  	v8 =	vor.u32 $0x2, v7;
	_ =	sdelay $0x4  }
0x8c: {  	v8 =	vld.idx.msk [tilespmem:v8+s3+$0x0], $0xffff  }
0x8d: {  	v9 =	vld.idx.msk [tilespmem:v6+s19+$0x0], $0xffff;
	_ =	sdelay $0x4  }
0x8e: {  	v8 =	vmax.f32 v9, v8  }
0x8f: {  	[tilespmem:v6+s19+$0x0] =	vst.idx.msk $0xffff, v8  }
0x90: {  	v9 =	vld.idx.msk [tilespmem:v6+s19+$0x0], $0xffff;
	_ =	sdelay $0x4  }
0x91: {  	vm0 =	vlt.f32 v9, v8  }
0x92: {  	v9 =	vsel vm0, $0x3F800000, v2  }
0x93: {  	(xrf0) =	vmax.scan.msk.f32 $0xffff, v9;
	_ =	sdelay $0x5  }
0x94: {  	v9, _, _ =	vpop (xrf0)  }
0x95: {  	(v2sf) =	vpush v9, $0xF;
	_ =	sdelay $0xe  }
0x96: {  	s31 =	spop (v2sf)  }
0x97: {  	p1 =	sgt.f32 s31, $0.0e+00  }
.Ltmp14:
0x98: {  	_ = 	snop;
	(pc) =	sbr.rel @!p1 .LBB2_13-.Ltmp14, $1  }
0x99: {  	_ =	sdelay $0x3  }
.LBB2_12:
0x9a: {  	v9 =	vld.idx.msk [tilespmem:v6+s19+$0x0], $0xffff;
	_ =	sdelay $0x4  }
0x9b: {  	vm0 =	vlt.f32 v9, v8;
	_ =	sdelay $0x4  }
0x9c: {  	v9 =	vmax.f32 v9, v8  }
0x9d: {  	[tilespmem:v6+s19+$0x0] =	vst.idx.msk vm0, v9  }
0x9e: {  	v9 =	vld.idx.msk [tilespmem:v6+s19+$0x0], $0xffff;
	_ =	sdelay $0x4  }
0x9f: {  	vm15 =	vlt.f32 v9, v8  }
0xa0: {  	v9 =	vsel vm15, $0x3F800000, v2  }
0xa1: {  	(xrf0) =	vmax.scan.msk.f32 $0xffff, v9;
	_ =	sdelay $0x5  }
0xa2: {  	v9, _, _ =	vpop (xrf0)  }
0xa3: {  	(v2sf) =	vpush v9, $0xF;
	_ =	sdelay $0xe  }
0xa4: {  	s30 =	spop (v2sf)  }
0xa5: {  	p1 =	sgt.f32 s30, $0.0e+00  }
.Ltmp15:
0xa6: {  	_ = 	snop;
	(pc) =	sbr.rel @p1 .LBB2_12-.Ltmp15, $1  }
0xa7: {  	_ =	sdelay $0x3  }
.LBB2_13:
0xa8: {  	v7 =	vor.u32 $0x3, v7;
	_ =	sdelay $0x3  }
0xa9: {  	v8 =	vld.idx.msk [tilespmem:v6+s20+$0x0], $0xffff  }
0xaa: {  	v7 =	vld.idx.msk [tilespmem:v7+s3+$0x0], $0xffff;
	_ =	sdelay $0x4  }
0xab: {  	v7 =	vmax.f32 v8, v7  }
0xac: {  	[tilespmem:v6+s20+$0x0] =	vst.idx.msk $0xffff, v7  }
0xad: {  	v8 =	vld.idx.msk [tilespmem:v6+s20+$0x0], $0xffff;
	_ =	sdelay $0x4  }
0xae: {  	vm0 =	vlt.f32 v8, v7  }
0xaf: {  	v8 =	vsel vm0, $0x3F800000, v2  }
0xb0: {  	(xrf0) =	vmax.scan.msk.f32 $0xffff, v8;
	_ =	sdelay $0x5  }
0xb1: {  	v8, _, _ =	vpop (xrf0)  }
0xb2: {  	(v2sf) =	vpush v8, $0xF;
	_ =	sdelay $0xe  }
0xb3: {  	s30 =	spop (v2sf)  }
0xb4: {  	p1 =	sgt.f32 s30, $0.0e+00  }
.Ltmp16:
0xb5: {  	_ = 	snop;
	(pc) =	sbr.rel @!p1 .LBB2_15-.Ltmp16, $1  }
0xb6: {  	_ =	sdelay $0x3  }
.LBB2_14:
0xb7: {  	v8 =	vld.idx.msk [tilespmem:v6+s20+$0x0], $0xffff;
	_ =	sdelay $0x4  }
0xb8: {  	vm0 =	vlt.f32 v8, v7;
	_ =	sdelay $0x4  }
0xb9: {  	v8 =	vmax.f32 v8, v7  }
0xba: {  	[tilespmem:v6+s20+$0x0] =	vst.idx.msk vm0, v8  }
0xbb: {  	v8 =	vld.idx.msk [tilespmem:v6+s20+$0x0], $0xffff;
	_ =	sdelay $0x4  }
0xbc: {  	vm15 =	vlt.f32 v8, v7  }
0xbd: {  	v8 =	vsel vm15, $0x3F800000, v2  }
0xbe: {  	(xrf0) =	vmax.scan.msk.f32 $0xffff, v8;
	_ =	sdelay $0x5  }
0xbf: {  	v8, _, _ =	vpop (xrf0)  }
0xc0: {  	(v2sf) =	vpush v8, $0xF;
	_ =	sdelay $0xe  }
0xc1: {  	s30 =	spop (v2sf)  }
0xc2: {  	p1 =	sgt.f32 s30, $0.0e+00  }
.Ltmp17:
0xc3: {  	_ = 	snop;
	(pc) =	sbr.rel @p1 .LBB2_14-.Ltmp17, $1  }
0xc4: {  	_ =	sdelay $0x3  }
.Ltmp18:
0xc5: {  	_ = 	snop;
	(pc) =	sbr.rel .LBB2_15-.Ltmp18, $1  }
0xc6: {  	_ =	sdelay $0x3  }
.LBB2_17:
.Ltmp19:
0xc7: {  	(pc) =	sbr.rel @p0 .LBB2_26-.Ltmp19, $1  }
0xc8: {  	_ =	sdelay $0x3  }
0xc9: {  	[tilespmem:s21], [sflag:$0x1] =	stream.linear.gather [hbm4b:s7+s3], $0x80, $0x38;
	[tilespmem:$0xA380] =	vst v63  }
0xca: {  	_ =	swait.ge [sflag:s15], $0x80  }
0xcb: {  	[sflag:s15] =	ssyncset.done $0x0  }
0xcc: {  	[sflag:s15] =	ssyncadd.s32 $0xFFFFFF80  }
0xcd: {  	[tilespmem:s22], [sflag:$0x1] =	stream.linear.gather [hbm4b:s8+s3], $0x10, $0x38;
	[tilespmem:$0xA380] =	vst v63  }
0xce: {  	_ =	swait.ge [sflag:s15], $0x10  }
0xcf: {  	[sflag:s15] =	ssyncset.done $0x0  }
0xd0: {  	[sflag:s15] =	ssyncadd.s32 $0xFFFFFFF0  }
0xd1: {  	v6 =	vld [tilespmem:$0x500];
	_ =	sdelay $0x6  }
0xd2: {  	v7 =	vld.idx.msk [tilespmem:v0+s21+$0x0], $0xffff  }
0xd3: {  	v8 =	vld.idx.msk [tilespmem:v6+s17+$0x0], $0xffff;
	_ =	sdelay $0x4  }
0xd4: {  	v7 =	vmax.f32 v8, v7  }
0xd5: {  	[tilespmem:v6+s17+$0x0] =	vst.idx.msk $0xffff, v7  }
0xd6: {  	v8 =	vld.idx.msk [tilespmem:v6+s17+$0x0], $0xffff;
	_ =	sdelay $0x4  }
0xd7: {  	vm0 =	vlt.f32 v8, v7  }
0xd8: {  	v8 =	vsel vm0, $0x3F800000, v2  }
0xd9: {  	(xrf0) =	vmax.scan.msk.f32 $0xffff, v8;
	_ =	sdelay $0x5  }
0xda: {  	v8, _, _ =	vpop (xrf0)  }
0xdb: {  	(v2sf) =	vpush v8, $0xF;
	_ =	sdelay $0xe  }
0xdc: {  	s26 =	spop (v2sf)  }
0xdd: {  	p1 =	sgt.f32 s26, $0.0e+00  }
.Ltmp20:
0xde: {  	_ = 	snop;
	(pc) =	sbr.rel @!p1 .LBB2_20-.Ltmp20, $1  }
0xdf: {  	_ =	sdelay $0x3  }
.LBB2_19:
0xe0: {  	v8 =	vld.idx.msk [tilespmem:v6+s17+$0x0], $0xffff;
	_ =	sdelay $0x4  }
0xe1: {  	vm0 =	vlt.f32 v8, v7;
	_ =	sdelay $0x4  }
0xe2: {  	v8 =	vmax.f32 v8, v7  }
0xe3: {  	[tilespmem:v6+s17+$0x0] =	vst.idx.msk vm0, v8  }
0xe4: {  	v8 =	vld.idx.msk [tilespmem:v6+s17+$0x0], $0xffff;
	_ =	sdelay $0x4  }
0xe5: {  	vm15 =	vlt.f32 v8, v7  }
0xe6: {  	v8 =	vsel vm15, $0x3F800000, v2  }
0xe7: {  	(xrf0) =	vmax.scan.msk.f32 $0xffff, v8;
	_ =	sdelay $0x5  }
0xe8: {  	v8, _, _ =	vpop (xrf0)  }
0xe9: {  	(v2sf) =	vpush v8, $0xF;
	_ =	sdelay $0xe  }
0xea: {  	s26 =	spop (v2sf)  }
0xeb: {  	p1 =	sgt.f32 s26, $0.0e+00  }
.Ltmp21:
0xec: {  	_ = 	snop;
	(pc) =	sbr.rel @p1 .LBB2_19-.Ltmp21, $1  }
0xed: {  	_ =	sdelay $0x3  }
.LBB2_20:
0xee: {  	_ =	sdelay $0x3  }
0xef: {  	v7 =	vld.idx.msk [tilespmem:v3+s21+$0x0], $0xffff  }
0xf0: {  	v8 =	vld.idx.msk [tilespmem:v6+s18+$0x0], $0xffff;
	_ =	sdelay $0x4  }
0xf1: {  	v7 =	vmax.f32 v8, v7  }
0xf2: {  	[tilespmem:v6+s18+$0x0] =	vst.idx.msk $0xffff, v7  }
0xf3: {  	v8 =	vld.idx.msk [tilespmem:v6+s18+$0x0], $0xffff;
	_ =	sdelay $0x4  }
0xf4: {  	vm0 =	vlt.f32 v8, v7  }
0xf5: {  	v8 =	vsel vm0, $0x3F800000, v2  }
0xf6: {  	(xrf0) =	vmax.scan.msk.f32 $0xffff, v8;
	_ =	sdelay $0x5  }
0xf7: {  	v8, _, _ =	vpop (xrf0)  }
0xf8: {  	(v2sf) =	vpush v8, $0xF;
	_ =	sdelay $0xe  }
0xf9: {  	s26 =	spop (v2sf)  }
0xfa: {  	p1 =	sgt.f32 s26, $0.0e+00  }
.Ltmp22:
0xfb: {  	_ = 	snop;
	(pc) =	sbr.rel @!p1 .LBB2_22-.Ltmp22, $1  }
0xfc: {  	_ =	sdelay $0x3  }
.LBB2_21:
0xfd: {  	v8 =	vld.idx.msk [tilespmem:v6+s18+$0x0], $0xffff;
	_ =	sdelay $0x4  }
0xfe: {  	vm0 =	vlt.f32 v8, v7;
	_ =	sdelay $0x4  }
0xff: {  	v8 =	vmax.f32 v8, v7  }
0x100: {  	[tilespmem:v6+s18+$0x0] =	vst.idx.msk vm0, v8  }
0x101: {  	v8 =	vld.idx.msk [tilespmem:v6+s18+$0x0], $0xffff;
	_ =	sdelay $0x4  }
0x102: {  	vm15 =	vlt.f32 v8, v7  }
0x103: {  	v8 =	vsel vm15, $0x3F800000, v2  }
0x104: {  	(xrf0) =	vmax.scan.msk.f32 $0xffff, v8;
	_ =	sdelay $0x5  }
0x105: {  	v8, _, _ =	vpop (xrf0)  }
0x106: {  	(v2sf) =	vpush v8, $0xF;
	_ =	sdelay $0xe  }
0x107: {  	s26 =	spop (v2sf)  }
0x108: {  	p1 =	sgt.f32 s26, $0.0e+00  }
.Ltmp23:
0x109: {  	_ = 	snop;
	(pc) =	sbr.rel @p1 .LBB2_21-.Ltmp23, $1  }
0x10a: {  	_ =	sdelay $0x3  }
.LBB2_22:
0x10b: {  	[tilespmem:s22], [sflag:$0x1] =	stream.linear.gather [hbm4b:s9+s3], $0x10, $0x38;
	[tilespmem:$0xA380] =	vst v63  }
0x10c: {  	_ =	swait.ge [sflag:s15], $0x10  }
0x10d: {  	[sflag:s15] =	ssyncset.done $0x0  }
0x10e: {  	[sflag:s15] =	ssyncadd.s32 $0xFFFFFFF0  }
0x10f: {  	v6 =	vld [tilespmem:$0x500];
	_ =	sdelay $0x6  }
0x110: {  	v7 =	vld.idx.msk [tilespmem:v4+s21+$0x0], $0xffff  }
0x111: {  	v8 =	vld.idx.msk [tilespmem:v6+s19+$0x0], $0xffff;
	_ =	sdelay $0x4  }
0x112: {  	v7 =	vmax.f32 v8, v7  }
0x113: {  	[tilespmem:v6+s19+$0x0] =	vst.idx.msk $0xffff, v7  }
0x114: {  	v8 =	vld.idx.msk [tilespmem:v6+s19+$0x0], $0xffff;
	_ =	sdelay $0x4  }
0x115: {  	vm0 =	vlt.f32 v8, v7  }
0x116: {  	v8 =	vsel vm0, $0x3F800000, v2  }
0x117: {  	(xrf0) =	vmax.scan.msk.f32 $0xffff, v8;
	_ =	sdelay $0x5  }
0x118: {  	v8, _, _ =	vpop (xrf0)  }
0x119: {  	(v2sf) =	vpush v8, $0xF;
	_ =	sdelay $0xe  }
0x11a: {  	s26 =	spop (v2sf)  }
0x11b: {  	p1 =	sgt.f32 s26, $0.0e+00  }
.Ltmp24:
0x11c: {  	_ = 	snop;
	(pc) =	sbr.rel @!p1 .LBB2_24-.Ltmp24, $1  }
0x11d: {  	_ =	sdelay $0x3  }
.LBB2_23:
0x11e: {  	v8 =	vld.idx.msk [tilespmem:v6+s19+$0x0], $0xffff;
	_ =	sdelay $0x4  }
0x11f: {  	vm0 =	vlt.f32 v8, v7;
	_ =	sdelay $0x4  }
0x120: {  	v8 =	vmax.f32 v8, v7  }
0x121: {  	[tilespmem:v6+s19+$0x0] =	vst.idx.msk vm0, v8  }
0x122: {  	v8 =	vld.idx.msk [tilespmem:v6+s19+$0x0], $0xffff;
	_ =	sdelay $0x4  }
0x123: {  	vm15 =	vlt.f32 v8, v7  }
0x124: {  	v8 =	vsel vm15, $0x3F800000, v2  }
0x125: {  	(xrf0) =	vmax.scan.msk.f32 $0xffff, v8;
	_ =	sdelay $0x5  }
0x126: {  	v8, _, _ =	vpop (xrf0)  }
0x127: {  	(v2sf) =	vpush v8, $0xF;
	_ =	sdelay $0xe  }
0x128: {  	s26 =	spop (v2sf)  }
0x129: {  	p1 =	sgt.f32 s26, $0.0e+00  }
.Ltmp25:
0x12a: {  	_ = 	snop;
	(pc) =	sbr.rel @p1 .LBB2_23-.Ltmp25, $1  }
0x12b: {  	_ =	sdelay $0x3  }
.LBB2_24:
0x12c: {  	_ =	sdelay $0x3  }
0x12d: {  	v7 =	vld.idx.msk [tilespmem:v5+s21+$0x0], $0xffff  }
0x12e: {  	v8 =	vld.idx.msk [tilespmem:v6+s20+$0x0], $0xffff;
	_ =	sdelay $0x4  }
0x12f: {  	v7 =	vmax.f32 v8, v7  }
0x130: {  	[tilespmem:v6+s20+$0x0] =	vst.idx.msk $0xffff, v7  }
0x131: {  	v8 =	vld.idx.msk [tilespmem:v6+s20+$0x0], $0xffff;
	_ =	sdelay $0x4  }
0x132: {  	vm0 =	vlt.f32 v8, v7  }
0x133: {  	v8 =	vsel vm0, $0x3F800000, v2  }
0x134: {  	(xrf0) =	vmax.scan.msk.f32 $0xffff, v8;
	_ =	sdelay $0x5  }
0x135: {  	v8, _, _ =	vpop (xrf0)  }
0x136: {  	(v2sf) =	vpush v8, $0xF;
	_ =	sdelay $0xe  }
0x137: {  	s26 =	spop (v2sf)  }
0x138: {  	p1 =	sgt.f32 s26, $0.0e+00  }
.Ltmp26:
0x139: {  	_ = 	snop;
	(pc) =	sbr.rel @!p1 .LBB2_26-.Ltmp26, $1  }
0x13a: {  	_ =	sdelay $0x3  }
.LBB2_25:
0x13b: {  	v8 =	vld.idx.msk [tilespmem:v6+s20+$0x0], $0xffff;
	_ =	sdelay $0x4  }
0x13c: {  	vm0 =	vlt.f32 v8, v7;
	_ =	sdelay $0x4  }
0x13d: {  	v8 =	vmax.f32 v8, v7  }
0x13e: {  	[tilespmem:v6+s20+$0x0] =	vst.idx.msk vm0, v8  }
0x13f: {  	v8 =	vld.idx.msk [tilespmem:v6+s20+$0x0], $0xffff;
	_ =	sdelay $0x4  }
0x140: {  	vm15 =	vlt.f32 v8, v7  }
0x141: {  	v8 =	vsel vm15, $0x3F800000, v2  }
0x142: {  	(xrf0) =	vmax.scan.msk.f32 $0xffff, v8;
	_ =	sdelay $0x5  }
0x143: {  	v8, _, _ =	vpop (xrf0)  }
0x144: {  	(v2sf) =	vpush v8, $0xF;
	_ =	sdelay $0xe  }
0x145: {  	s26 =	spop (v2sf)  }
0x146: {  	p1 =	sgt.f32 s26, $0.0e+00  }
.Ltmp27:
0x147: {  	_ = 	snop;
	(pc) =	sbr.rel @p1 .LBB2_25-.Ltmp27, $1  }
0x148: {  	_ =	sdelay $0x3  }
.Ltmp28:
0x149: {  	_ = 	snop;
	(pc) =	sbr.rel .LBB2_26-.Ltmp28, $1  }
0x14a: {  	_ =	sdelay $0x3  }
.LBB2_27:
0x14b: {  	_ =	sfence.sel $0x180000  }
0x14c: {  	[bflag:$0x0] =	sbarrier.arrive $0xFFFF  }
0x14d: {  	p0 =	sne.s32 s2, $0x0;
	_ =	strace $0x90000047  }
0x14e: {  	s0 =	sadd.s32 @!p0 $0x100000, s0;
	[bflag:$0x2] =	sbarrier.arrive $0xFFFF  }
0x14f: {  	[sflag:s0] =	ssyncadd.tile.s32 @!p0 $0x1;
	_ =	shalt  }
.Lfunc_end2:
_tile_overlayer_lowered:
.L_overlay_start_2:
0x150: {  	(tag) =	ssettag $0x2  }
0x151: {  	s0 =	rddreg [dreg:$0x0];
	s2 =	stileid.u32  }
0x152: {  	s1 =	rddreg [dreg:$0x1];
	p0 =	sne.s32 s2, $0x0  }
0x153: {  	s3 =	rddreg [dreg:$0x2];
	[bflag:$0x3] =	sbarrier.arrive $0xFFFF;
	s2 =	simm.s32 @!p0 $0x1C01  }
0x154: {  	[timem:s3], [sflag:s2] =	dma.local @!p0 [hbm:s0], s1  }
0x155: {  	s0 =	simm.s32 @!p0 $0x1  }
0x156: {  	_ =	swait.ge @!p0 [sflag:s0], s1  }
0x157: {  	s1 =	ssub.s32 @!p0 $0x0, s1;
	[sflag:s0] =	ssyncset.done @!p0 $0x0  }
0x158: {  	[sflag:s0] =	ssyncadd.s32 @!p0 s1  }
0x159: {  	[bflag:$0x3] =	sbarrier.arrive $0xFFFF  }
0x15a: {  	_ =	shalt  }

// kernel: scatter_offload_async_start.1
scs
__scs_entry_jumppad:
0x0: {  	(pc) =	sbr.rel $0x88, $3  }
0x1: {  	(tag) =	ssettag $0x0;
	lr =	simm.s32 $0x1  }
0x2: {  	[smem:$0x3F94] =	sst lr;
	_ =	strace $0xD0000000  }
0x3: {  	_ = 	snop  }
0x4: {  	_ = 	snop  }
0x5: {  	_ = 	snop  }
0x6: {  	_ = 	snop  }
0x7: {  	_ = 	snop  }
__scs_overlays_trampoline_lowered:
0x8: {  	[smem:$0x3FA3] =	sst s0  }
0x9: {  	[smem:$0x3FA4] =	sst s1  }
0xa: {  	[smem:$0x3FA5] =	sst s2  }
0xb: {  	[smem:$0x3FA6] =	sst s3  }
0xc: {  	[smem:$0x3FA7] =	sst s4  }
0xd: {  	[smem:$0x3FA8] =	sst s5  }
0xe: {  	[smem:$0x3FA9] =	sst s6  }
0xf: {  	[smem:$0x3FAA] =	sst s7  }
0x10: {  	[smem:$0x3FAB] =	sst s8  }
0x11: {  	[smem:$0x3FAC] =	sst s9;
	s0 =	simm.s32 @!p0 $0x0  }
0x12: {  	s1 =	sld [smem:$0x3F92];
	s0 =	simm.s32 @p0 $0x1  }
0x13: {  	[smem:$0x3FAD] =	sst s0;
	s0 =	simm.s32 @!p1 $0x0  }
0x14: {  	s2 =	sld [smem:$0x3F91];
	s0 =	simm.s32 @p1 $0x1  }
0x15: {  	[smem:$0x3FAE] =	sst s0;
	s0 =	simm.s32 @!p2 $0x0  }
0x16: {  	s3 =	sld [smem:$0x3FDB];
	s0 =	simm.s32 @p2 $0x1  }
0x17: {  	s4 =	simm.s32 $0x1BF5;
	[smem:$0x3FB0] =	sst s0  }
0x18: {  	s0 =	sld [smem:$0x3F93];
	_ =	swait.ge [sflag:s4], $0x0  }
0x19: {  	s7 =	sld [smem:$0x3F94]  }
0x1a: {  	s8 =	sadd.s32 $0xFFFFE003, lr  }
0x1b: {  	s9 =	sadd.s32 $0xFFFFFEF7, lr;
	s5 =	simm.s32 $0xFFFFFFFF;
	p2 =	slt.u32 s8, $0xFFFFF086  }
0x1c: {  	p1 =	slt.u32 s9, $0xF7A;
	s5 =	simm.s32 @!p2 $0x0  }
0x1d: {  	s5 =	simm.s32 @p1 $0x1;
	p0 =	seq.s32 s7, s2  }
0x1e: {  	s7 =	smul.u32 @!p0 $0xF7A, s2;
	p2 =	seq.s32 @!p0 s5, $0x0  }
0x1f: {  	s9 =	smul.u32 $0xF7A, s1;
	s8 =	simm.s32 @!p0 $0x1BF5;
	p2 =	por !p2, p0  }
0x20: {  	[sflag:s8] =	ssyncset.s32 @!p0 $0xFFFFF086;
	s6 =	sadd.s32 @!p0 s3, s7;
	s7 =	simm.s32 @!p0 $0x108  }
0x21: {  	s3 =	sadd.s32 s3, s9;
	s6 =	sadd.s32 @!p0 $0x88, s6;
	s7 =	simm.s32 @p2 $0x1082  }
0x22: {  	[simem:s7], [sflag:s8] =	dma.local @!p0 [hbm:s6], $0xF7A  }
0x23: {  	s9 =	sor.u32 $0xD0000000, s2;
	s6 =	simm.s32 $0x108;
	_ =	swait.ge @!p0 [sflag:s8], $0x0  }
0x24: {  	s3 =	sadd.s32 $0x88, s3;
	s6 =	simm.s32 @!p1 $0x1082;
	[sflag:s4] =	ssyncset.s32 $0xFFFFF086  }
0x25: {  	[simem:s6], [sflag:s4] =	dma.local [hbm:s3], $0xF7A  }
0x26: {  	[smem:$0x3F94] =	sst s1;
	(tag) =	ssettag s2;
	_ =	strace s9  }
0x27: {  	s1 =	sld [smem:$0x3FA4]  }
0x28: {  	s2 =	sld [smem:$0x3FA5]  }
0x29: {  	s4 =	sld [smem:$0x3FA7]  }
0x2a: {  	p0 =	seq.s32 s5, $0x0;
	s5 =	sld [smem:$0x3FA8]  }
0x2b: {  	s6 =	sld [smem:$0x3FA9]  }
0x2c: {  	s7 =	sld [smem:$0x3FAA]  }
0x2d: {  	s3 =	simm.s32 $0x108;
	s8 =	sld [smem:$0x3FAB]  }
0x2e: {  	s3 =	simm.s32 @!p0 $0x1082;
	s9 =	sld [smem:$0x3FAC]  }
0x2f: {  	lr =	sadd.s32 s0, s3;
	s0 =	sld [smem:$0x3FA3]  }
0x30: {  	s3 =	sld [smem:$0x3FA6]  }
0x31: {  	[smem:$0x3FAF] =	sst s10  }
0x32: {  	s10 =	sld [smem:$0x3FAD];
	_ =	sdelay $0x3  }
0x33: {  	p0 =	seq.s32 s10, $0x1;
	s10 =	sld [smem:$0x3FAF];
	_ =	sdelay $0x3  }
0x34: {  	[smem:$0x3FAF] =	sst s10  }
0x35: {  	s10 =	sld [smem:$0x3FAE];
	_ =	sdelay $0x3  }
0x36: {  	p1 =	seq.s32 s10, $0x1;
	s10 =	sld [smem:$0x3FAF];
	_ =	sdelay $0x3  }
0x37: {  	[smem:$0x3FAF] =	sst s10  }
0x38: {  	s10 =	sld [smem:$0x3FB0]  }
0x39: {  	_ = 	snop;
	(pc) =	sbr.ind lr, $3  }
0x3a: {  	_ = 	snop  }
0x3b: {  	_ = 	snop  }
0x3c: {  	p2 =	seq.s32 s10, $0x1;
	s10 =	sld [smem:$0x3FAF]  }
0x3d: {  	_ =	shalt  }
0x3e: {  	_ =	shalt  }
0x3f: {  	_ =	shalt  }
0x40: {  	_ =	shalt  }
0x41: {  	_ =	shalt  }
0x42: {  	_ =	shalt  }
0x43: {  	_ =	shalt  }
0x44: {  	_ =	shalt  }
0x45: {  	_ =	shalt  }
0x46: {  	_ =	shalt  }
0x47: {  	_ =	shalt  }
0x48: {  	_ =	shalt  }
0x49: {  	_ =	shalt  }
0x4a: {  	_ =	shalt  }
0x4b: {  	_ =	shalt  }
0x4c: {  	_ =	shalt  }
0x4d: {  	_ =	shalt  }
0x4e: {  	_ =	shalt  }
0x4f: {  	_ =	shalt  }
0x50: {  	_ =	shalt  }
0x51: {  	_ =	shalt  }
0x52: {  	_ =	shalt  }
0x53: {  	_ =	shalt  }
0x54: {  	_ =	shalt  }
0x55: {  	_ =	shalt  }
0x56: {  	_ =	shalt  }
0x57: {  	_ =	shalt  }
0x58: {  	_ =	shalt  }
0x59: {  	_ =	shalt  }
0x5a: {  	_ =	shalt  }
0x5b: {  	_ =	shalt  }
0x5c: {  	_ =	shalt  }
0x5d: {  	_ =	shalt  }
0x5e: {  	_ =	shalt  }
0x5f: {  	_ =	shalt  }
0x60: {  	_ =	shalt  }
0x61: {  	_ =	shalt  }
0x62: {  	_ =	shalt  }
0x63: {  	_ =	shalt  }
0x64: {  	_ =	shalt  }
0x65: {  	_ =	shalt  }
0x66: {  	_ =	shalt  }
0x67: {  	_ =	shalt  }
0x68: {  	_ =	shalt  }
0x69: {  	_ =	shalt  }
0x6a: {  	_ =	shalt  }
0x6b: {  	_ =	shalt  }
0x6c: {  	_ =	shalt  }
0x6d: {  	_ =	shalt  }
0x6e: {  	_ =	shalt  }
0x6f: {  	_ =	shalt  }
0x70: {  	_ =	shalt  }
0x71: {  	_ =	shalt  }
0x72: {  	_ =	shalt  }
0x73: {  	_ =	shalt  }
0x74: {  	_ =	shalt  }
0x75: {  	_ =	shalt  }
0x76: {  	_ =	shalt  }
0x77: {  	_ =	shalt  }
0x78: {  	_ =	shalt  }
0x79: {  	_ =	shalt  }
0x7a: {  	_ =	shalt  }
0x7b: {  	_ =	shalt  }
0x7c: {  	_ =	shalt  }
0x7d: {  	_ =	shalt  }
0x7e: {  	_ =	shalt  }
0x7f: {  	_ =	shalt  }
0x80: {  	_ =	shalt  }
0x81: {  	_ =	shalt  }
0x82: {  	_ =	shalt  }
0x83: {  	_ =	shalt  }
0x84: {  	_ =	shalt  }
0x85: {  	_ =	shalt  }
0x86: {  	_ =	shalt  }
0x87: {  	_ =	shalt  }
.Lfunc_end0:
.L_simem_size_0:
called_computation.1_lowered:
.L_overlay_start_0:
0x88: {  	s2 =	sld [smem:$0x3FD9]  }
0x89: {  	s3 =	sld [smem:$0x3FFE];
	_ =	sdelay $0x1  }
0x8a: {  	s1 =	srdreg.scid  }
0x8b: {  	s0 =	sand.u32 $0x1, s1  }
0x8c: {  	s15 =	sshll.u32 s0, $0xA;
	s2 =	sadd.s32 s3, s2  }
0x8d: {  	s2 =	sadd.s32 s2, s15  }
0x8e: {  	[smem:$0x3FBB] =	sst s2  }
0x8f: {  	_ = 	snop  }
0x90: {  	(tm) =	ssettm $0x1  }
0x91: {  	s16 =	sld [smem:$0x3FFB];
	_ =	sdelay $0x3  }
0x92: {  	_ =	strace s16  }
0x93: {  	s2 =	sld [smem:$0x3FFC];
	_ =	sdelay $0x3  }
0x94: {  	_ =	strace s2  }
0x95: {  	s2 =	sld [smem:$0x3FFD];
	_ =	sdelay $0x3  }
0x96: {  	_ =	strace s2  }
0x97: {  	_ =	strace $0x8FFFFFFF  }
0x98: {  	s17 =	sld [smem:$0x3FDB];
	_ =	sdelay $0x1  }
0x99: {  	s18 =	simm.s32 $_scs_section_size  }
0x9a: {  	s4 =	simm.s32 $_size__tile_overlayer_lowered;
	s5 =	simm.s32 $_tile_overlayer_lowered  }
0x9b: {  	s6 =	simm.s32 $0x1BFF;
	s19 =	sshll.u32 s5, $0x1;
	s3 =	sadd.s32 s18, s17  }
0x9c: {  	s20 =	simm.s32 $0x0;
	s4 =	sshll.u32 s4, $0x1;
	s5 =	sadd.s32 s19, s3  }
0x9d: {  	[timem:s20], [sflag:s6] =	dma.local [hbm:s5], s4  }
0x9e: {  	_ =	swait.ge [sflag:s6], s4  }
0x9f: {  	s4 =	ssub.s32 $0x0, s4;
	[sflag:s6] =	ssyncset.done $0x0  }
0xa0: {  	[sflag:s6] =	ssyncadd.s32 s4;
	_ =	sdelay $0x1  }
0xa1: {  	s21 =	simm.s32 $0x1B8B  }
0xa2: {  	_ =	swait.ge [sflag:s21], $0x1  }
0xa3: {  	[sflag:s21] =	ssyncset.done $0x0  }
0xa4: {  	s22 =	sld [smem:$0x3FFE];
	[sflag:s21] =	ssyncadd.s32 $0xFFFFFFFF  }
0xa5: {  	s24 =	simm.s32 $0x1B8E;
	s23 =	sld [smem:$0x0]  }
0xa6: {  	s25 =	simm.s32 $execute0_lowered;
	[smem:$0x3FD2] =	sst s24  }
0xa7: {  	s6 =	sshll.u32 s25, $0x1;
	_ =	strace $0x8000004F;
	[dreg:$0x1] =	wrdreg $0xFFFFFFFF  }
0xa8: {  	s7 =	simm.s32 $_size_execute0_lowered;
	s6 =	sadd.s32 s3, s6;
	[dreg:$0x0] =	wrdreg $0x0  }
0xa9: {  	s7 =	sshll.u32 s7, $0x1;
	[dreg:$0x2] =	wrdreg s6  }
0xaa: {  	[dreg:$0x3] =	wrdreg s7  }
0xab: {  	[dreg:$0x4] =	wrdreg $0xC0  }
0xac: {  	s26 =	simm.s32 $execute1_lowered;
	_ =	task [dreg:s20], $0x5FFFF  }
0xad: {  	s6 =	sshll.u32 s26, $0x1;
	[dreg:$0x1] =	wrdreg $0xFFFFFFFF  }
0xae: {  	s3 =	sadd.s32 s3, s6;
	[dreg:$0x0] =	wrdreg $0x60  }
0xaf: {  	[dreg:$0x2] =	wrdreg s3  }
0xb0: {  	[dreg:$0x3] =	wrdreg s22  }
0xb1: {  	[dreg:$0x4] =	wrdreg $0xB  }
0xb2: {  	_ =	task.clear_ibuf [dreg:s20], $0x5FFFF;
	_ =	strace $0x9000004F  }
0xb3: {  	s28 =	simm.s32 $0xB;
	_ =	strace $0x80000051  }
0xb4: {  	_ =	swait.ge [sflag:s28], $0x1  }
0xb5: {  	[sflag:s28] =	ssyncadd.s32 $0xFFFFFFFF  }
0xb6: {  	_ =	strace $0x90000051  }
0xb7: {  	s3 =	sld [smem:$0x0]  }
0xb8: {  	s6 =	sand.u32 $0xFFFFFFFE, s1  }
0xb9: {  	p0 =	sne.s32 s1, s6  }
0xba: {  	s6 =	sshll.u32 @p0 s6, $0xE  }
0xbb: {  	s6 =	sadd.s32 @p0 $0x11BF3, s6;
	s7 =	sshll.u32 @p0 s3, $0x11  }
0xbc: {  	s6 =	sor.u32 @p0 s7, s6  }
0xbd: {  	[sflag:s6] =	ssyncadd.remote.s32 @p0 $0x1;
	_ =	sdelay $0x1  }
0xbe: {  	s6 =	simm.s32 @p0 $0x1BF3  }
0xbf: {  	_ =	swait.eq @p0 [sflag:s6], $0x1  }
0xc0: {  	[sflag:s6] =	ssyncadd.s32 @p0 $0xFFFFFFFF  }
0xc1: {  	s7 =	sshll.u32 @!p0 s1, $0xE  }
0xc2: {  	s7 =	sor.u32 @!p0 $0x4000, s7;
	s6 =	simm.s32 @!p0 $0x1BF3  }
0xc3: {  	s3 =	sshll.u32 @!p0 s3, $0x11;
	s7 =	sadd.s32 @!p0 $0x11BF3, s7;
	_ =	swait.eq @!p0 [sflag:s6], $0x1  }
0xc4: {  	s3 =	sor.u32 @!p0 s3, s7;
	[sflag:s6] =	ssyncadd.s32 @!p0 $0xFFFFFFFF  }
0xc5: {  	[sflag:s3] =	ssyncadd.remote.s32 @!p0 $0x1  }
0xc6: {  	_ =	strace $0x80000052;
	[dreg:$0x1] =	wrdreg $0xFFFFFFFF  }
0xc7: {  	[dreg:$0x0] =	wrdreg $0x2030  }
0xc8: {  	[dreg:$0x2] =	wrdreg s22  }
0xc9: {  	[dreg:$0x3] =	wrdreg s1  }
0xca: {  	[dreg:$0x4] =	wrdreg s23  }
0xcb: {  	[dreg:$0x5] =	wrdreg $0xC  }
0xcc: {  	_ =	task.clear_ibuf [dreg:s20], $0x6FFFF;
	_ =	strace $0x90000052  }
0xcd: {  	s29 =	simm.s32 $0xC;
	_ =	strace $0x80000054  }
0xce: {  	_ =	swait.ge [sflag:s29], $0x1  }
0xcf: {  	[sflag:s29] =	ssyncadd.s32 $0xFFFFFFFF  }
0xd0: {  	_ =	strace $0x90000054  }
0xd1: {  	_ =	sfence  }
0xd2: {  	s30 =	sld [smem:$0x0];
	_ =	sdelay $0x2  }
0xd3: {  	s31 =	sshll.u32 s1, $0xD;
	s1 =	sshrl.u32 s1, $0x2  }
0xd4: {  	s4 =	sand.u32 $0x4000, s31;
	s1 =	sadd.s32 s1, s30  }
0xd5: {  	s0 =	sor.u32 s4, s0;
	s1 =	sshll.u32 s1, $0x11  }
0xd6: {  	s0 =	sor.u32 s1, s0  }
0xd7: {  	s0 =	sadd.s32 $0x8F2B, s0  }
0xd8: {  	[sflag:s0] =	ssyncadd.remote.s32 $0x1  }
0xd9: {  	_ =	sfence.sel $0xFFFF  }
0xda: {  	[dreg:$0x0] =	wrdreg $0xFFFFFFFF;
	(pc) =	sbr.abs _section_cstart, $3  }
0xdb: {  	[dreg:$0x1] =	wrdreg $0xFFFFFFFF  }
0xdc: {  	_ =	task.clear_ibuf [dreg:s20], $0x2FFFF;
	_ =	strace $0x9FFFFFFF  }
0xdd: {  	(tm) =	ssettm $0x7FFFFFFF  }
tec
execute0_lowered:
.L_overlay_start_1:
0x0: {  	(tag) =	ssettag $0x1  }
0x1: {  	s2 =	rddreg [dreg:$0x0]  }
0x2: {  	s4 =	rddreg [dreg:$0x1]  }
0x3: {  	s0 =	rddreg [dreg:$0x2];
	s3 =	stileid.u32  }
0x4: {  	[bflag:$0x3] =	sbarrier.arrive $0xFFFF;
	s1 =	simm.s32 $_size_execute1_lowered;
	s29 =	srdreg.scid  }
0x5: {  	s7 =	simm.s32 $0x2;
	s8 =	simm.s32 $0x0;
	p0 =	sne.s32 s3, $0x0  }
0x6: {  	s1 =	sshll.u32 s1, $0x1;
	s5 =	simm.s32 @!p0 $0x1C3F;
	s6 =	simm.s32 @!p0 $0x4060  }
0x7: {  	[timem:s6], [sflag:s5] =	dma.local @!p0 [hbm:s2], s1  }
0x8: {  	s12 =	simm.s32 $0x0;
	s10 =	simm.s32 $0x0;
	s2 =	sshll.u32 s29, $0x6  }
.Ltmp0:
0x9: {  	s3 =	sshll.u32 s3, $0x7;
	s30 =	sand.u32 $0x40, s2;
	(pc) =	sbr.rel .LBB2_1-.Ltmp0, $4  }
0xa: {  	s11 =	simm.s32 $0x0;
	s5 =	simm.s32 $0x1;
	s3 =	sor.u32 s3, s30  }
0xb: {  	_ =	strace $0x80000050;
	s2 =	sadd.s32 $0x27E000, s4;
	s31 =	ssub.s32 $0x2700, s3  }
0xc: {  	s4 =	sadd.s32 $0x2CC200, s4;
	[sflag:s5] =	ssyncpa.u1 $0x0;
	s6 =	sshrl.u32 s31, $0xB  }
0xd: {  	[sflag:s7] =	ssyncpa.u1 $0x0;
	s9 =	smov.u32 s3;
	s7 =	sadd.s32 $0x2, s6  }
.LBB2_4:
0xe: {  	_ = 	snop  }
.LBB2_7:
0xf: {  	_ =	sdelay $0x3  }
0x10: {  	[tilespmem:v0+s17+$0x0 ss:$0x1] =	vst.idx.msk @p1 $0xffff, v2  }
0x11: {  	s23 =	sor.u32 s26, s25;
	v2 =	vld.idx.msk @p1 [tilespmem:v1+s15+$0x0 ss:$0x1], $0xffff;
	[tilespmem:v0+s16+$0x0 ss:$0x1] =	vst.idx.msk @p1 $0xffff, v3  }
0x12: {  	[tilespmem:v0+s18+$0x0 ss:$0x1] =	vst.idx.msk @p1 $0xffff, v4;
	v55 =	vld.idx.msk [tilespmem:v1+s23+$0x0 ss:$0x1], $0xffff;
	s24 =	sor.u32 $0x400, s23  }
0x13: {  	[tilespmem:v0+s19+$0x0 ss:$0x1] =	vst.idx.msk @p1 $0xffff, v5;
	s25 =	sor.u32 $0x10, s23;
	v56 =	vld.idx.msk [tilespmem:v1+s24+$0x0 ss:$0x1], $0xffff  }
0x14: {  	[tilespmem:v0+s20+$0x0 ss:$0x1] =	vst.idx.msk @p1 $0xffff, v6;
	s26 =	sor.u32 $0x20, s23;
	v57 =	vld.idx.msk [tilespmem:v1+s25+$0x0 ss:$0x1], $0xffff  }
0x15: {  	[tilespmem:v0+s21+$0x0 ss:$0x1] =	vst.idx.msk @p1 $0xffff, v7;
	s28 =	sor.u32 $0x30, s23;
	v58 =	vld.idx.msk [tilespmem:v1+s26+$0x0 ss:$0x1], $0xffff  }
0x16: {  	s29 =	sor.u32 $0x40, s23;
	v59 =	vld.idx.msk [tilespmem:v1+s28+$0x0 ss:$0x1], $0xffff;
	[tilespmem:v0+s15+$0x0 ss:$0x1] =	vst.idx.msk @p1 $0xffff, v2  }
0x17: {  	s30 =	sor.u32 $0x50, s23;
	v60 =	vld.idx.msk [tilespmem:v1+s29+$0x0 ss:$0x1], $0xffff;
	[tilespmem:v0+s23+$0x0 ss:$0x1] =	vst.idx.msk $0xffff, v55  }
0x18: {  	s22 =	sor.u32 $0x60, s23;
	v61 =	vld.idx.msk [tilespmem:v1+s30+$0x0 ss:$0x1], $0xffff;
	[tilespmem:v0+s24+$0x0 ss:$0x1] =	vst.idx.msk $0xffff, v56  }
0x19: {  	s31 =	sor.u32 $0x70, s23;
	v62 =	vld.idx.msk [tilespmem:v1+s22+$0x0 ss:$0x1], $0xffff;
	[tilespmem:v0+s25+$0x0 ss:$0x1] =	vst.idx.msk $0xffff, v57  }
0x1a: {  	v63 =	vld.idx.msk [tilespmem:v1+s31+$0x0 ss:$0x1], $0xffff;
	[tilespmem:v0+s26+$0x0 ss:$0x1] =	vst.idx.msk $0xffff, v58  }
0x1b: {  	[tilespmem:v0+s28+$0x0 ss:$0x1] =	vst.idx.msk $0xffff, v59  }
0x1c: {  	[tilespmem:v0+s29+$0x0 ss:$0x1] =	vst.idx.msk $0xffff, v60  }
0x1d: {  	[tilespmem:v0+s30+$0x0 ss:$0x1] =	vst.idx.msk $0xffff, v61  }
0x1e: {  	[tilespmem:v0+s22+$0x0 ss:$0x1] =	vst.idx.msk $0xffff, v62  }
0x1f: {  	[tilespmem:v0+s31+$0x0 ss:$0x1] =	vst.idx.msk $0xffff, v63  }
.LBB2_8:
0x20: {  	s15 =	sshll.u32 s10, $0x8;
	s16 =	sshll.u32 s10, $0x7  }
0x21: {  	s15 =	sand.u32 $0xFFFFF800, s15;
	s16 =	sand.u32 $0x300, s16  }
0x22: {  	s15 =	sor.u32 s16, s15  }
0x23: {  	s15 =	sshrl.u32 s15, $0x8  }
0x24: {  	s30 =	smulhi.u32 $0x1A36E3, s15;
	_ =	sdelay $0x1  }
0x25: {  	s16 =	sshrl.u32 s30, $0x2  }
0x26: {  	s16 =	smul.u32 $0x2710, s16  }
0x27: {  	s17 =	sshll.u32 s10, $0x4  }
0x28: {  	s31 =	sand.u32 $0x10, s17;
	s15 =	ssub.s32 s15, s16  }
0x29: {  	s16 =	sadd.s32 s4, s31;
	s15 =	sshll.u32 s15, $0x5  }
0x2a: {  	s15 =	sadd.s32 s15, s16  }
0x2b: {  	[hbm4b:s15+s8] =	stream.linear.scatter [tilespmem:s14], [sflag:$0x2], s13, $0x38;
	[tilespmem:$0x10000] =	vst v63  }
.LBB2_9:
0x2c: {  	p1 =	slt.u32 s11, $0x2  }
0x2d: {  	p2 =	sgt.s32 @!p1 s12, $0x26D0  }
0x2e: {  	s13 =	smov.u32 s12;
	s14 =	sshra.s32 @!p1 s12, $0x1F;
	p2 =	por !p2, p1  }
0x2f: {  	s12 =	sand.u32 @!p1 s14, s12;
	s13 =	simm.s32 @p2 $0x26D0  }
0x30: {  	s12 =	ssub.s32 @!p1 s13, s12  }
0x31: {  	s12 =	sadd.s32 @!p1 $0xFFFFD930, s12  }
0x32: {  	s13 =	sshll.u32 @!p1 s12, $0xA  }
0x33: {  	p2 =	sgt.s32 @!p1 s12, $0x3F;
	s12 =	ssub.s32 @!p1 $0x10000, s13  }
0x34: {  	s14 =	sadd.s32 $0x800, s9;
	p2 =	por !p2, p1;
	s12 =	sshrl.u32 @!p1 s12, $0x2  }
0x35: {  	s12 =	simm.s32 @!p2 $0x0;
	p2 =	sgt.s32 s14, $0x270F  }
0x36: {  	s14 =	smov.u32 @p2 s3;
	p2 =	sne.s32 s11, s7  }
.Ltmp1:
0x37: {  	_ = 	snop;
	(pc) =	sbr.rel @!p2 .LBB2_10-.Ltmp1, $4  }
0x38: {  	s13 =	simm.s32 @!p1 $0x2  }
0x39: {  	_ =	swait.ge @!p1 [sflag:s13], s12;
	s15 =	ssub.s32 @!p1 $0x0, s12  }
0x3a: {  	s12 =	smov.u32 s10;
	s11 =	sadd.s32 $0x1, s11;
	[sflag:s13] =	ssyncset.done @!p1 $0x0  }
0x3b: {  	s10 =	smov.u32 s9;
	s9 =	smov.u32 s14;
	[sflag:s13] =	ssyncadd.s32 @!p1 s15  }
.LBB2_1:
0x3c: {  	p1 =	sgt.u32 s11, s6  }
0x3d: {  	s13 =	sshll.u32 @!p1 s9, $0x8;
	s14 =	sshll.u32 @!p1 s9, $0x7  }
0x3e: {  	s13 =	sand.u32 @!p1 $0xFFFFF800, s13;
	s14 =	sand.u32 @!p1 $0x300, s14  }
0x3f: {  	s13 =	sor.u32 @!p1 s14, s13  }
0x40: {  	s15 =	smov.u32 s9;
	p2 =	sgt.s32 @!p1 s9, $0x26D0;
	s13 =	sshrl.u32 @!p1 s13, $0x8  }
0x41: {  	s16 =	sshra.s32 @!p1 s9, $0x1F;
	p2 =	por !p2, p1;
	s14 =	smulhi.u32 @!p1 $0x1A36E3, s13  }
0x42: {  	s16 =	sand.u32 @!p1 s16, s9;
	s15 =	simm.s32 @p2 $0x26D0  }
0x43: {  	s15 =	ssub.s32 @!p1 s15, s16;
	s16 =	sxor.u32 @!p1 $0xFFFFFFFF, s11;
	s14 =	sshrl.u32 @!p1 s14, $0x2  }
0x44: {  	s15 =	sadd.s32 @!p1 $0xFFFFD930, s15;
	s16 =	sshll.u32 @!p1 s16, $0xE;
	s14 =	smul.u32 @!p1 $0x2710, s14  }
0x45: {  	p2 =	sgt.s32 @!p1 s15, $0x3F;
	s16 =	sand.u32 @!p1 $0x4000, s16  }
0x46: {  	s13 =	ssub.s32 @!p1 s13, s14;
	s14 =	sshll.u32 @!p1 s15, $0xA;
	s15 =	sshll.u32 @!p1 s9, $0x4  }
0x47: {  	p2 =	por !p2, p1;
	s14 =	ssub.s32 @!p1 $0x10000, s14;
	s15 =	sand.u32 @!p1 $0x10, s15  }
0x48: {  	s13 =	sshll.u32 @!p1 s13, $0x5;
	s14 =	sshrl.u32 @!p1 s14, $0x2;
	s15 =	sadd.s32 @!p1 s2, s15  }
0x49: {  	s14 =	simm.s32 @!p2 $0x0;
	s13 =	sadd.s32 @!p1 s13, s15;
	s15 =	simm.s32 @!p1 $0x0  }
0x4a: {  	[tilespmem:s16], [sflag:$0x1] =	stream.linear.gather @!p1 [hbm4b:s13+s15], s14, $0x38;
	[tilespmem:$0x10000] =	vst v63  }
0x4b: {  	p1 =	seq.s32 s11, $0x0  }
0x4c: {  	p2 =	sge.u32 @!p1 s11, s7  }
0x4d: {  	p1 =	por p1, p2  }
.Ltmp2:
0x4e: {  	_ = 	snop;
	(pc) =	sbr.rel @p1 .LBB2_9-.Ltmp2, $1  }
0x4f: {  	_ =	sdelay $0x3  }
0x50: {  	p1 =	sgt.s32 s10, $0x26D0;
	s13 =	smov.u32 s10;
	s14 =	sshra.s32 s10, $0x1F  }
0x51: {  	s13 =	simm.s32 @!p1 $0x26D0;
	s14 =	sand.u32 s14, s10  }
0x52: {  	s13 =	ssub.s32 s13, s14  }
0x53: {  	s13 =	sadd.s32 $0xFFFFD930, s13  }
0x54: {  	s31 =	sshll.u32 s13, $0xA  }
0x55: {  	s14 =	ssub.s32 $0x10000, s31  }
0x56: {  	p1 =	sgt.s32 s13, $0x3F;
	s13 =	sshrl.u32 s14, $0x2;
	s14 =	sadd.s32 $0x40, s10  }
0x57: {  	s13 =	simm.s32 @p1 $0x0;
	p1 =	slt.s32 s14, $0x2710  }
0x58: {  	s14 =	simm.s32 @!p1 $0x2710  }
0x59: {  	s15 =	ssub.s32 s14, s10  }
0x5a: {  	p1 =	slt.s32 s15, $0x1  }
.Ltmp3:
0x5b: {  	_ = 	snop;
	(pc) =	sbr.rel @p1 .LBB2_8-.Ltmp3, $4  }
0x5c: {  	_ = 	snop  }
0x5d: {  	s16 =	sshll.u32 s11, $0xE;
	_ =	swait.ge [sflag:s5], s13  }
0x5e: {  	s16 =	sand.u32 $0x4000, s16;
	s17 =	ssub.s32 $0x0, s13;
	[sflag:s5] =	ssyncset.done $0x0  }
0x5f: {  	s14 =	sor.u32 $0x8000, s16;
	[sflag:s5] =	ssyncadd.s32 s17  }
0x60: {  	p2 =	sne.s32 s15, $0x1  }
.Ltmp4:
0x61: {  	v1 =	vmov s16;
	v0 =	vmov s14;
	(pc) =	sbr.rel @!p2 .LBB2_4-.Ltmp4, $3  }
0x62: {  	_ =	sdelay $0x1  }
0x63: {  	s17 =	simm.s32 $0x0;
	s24 =	sadd.s32 $0xFFFFFFFF, s15  }
0x64: {  	p1 =	por $0x0, $0x0;
	s25 =	sand.u32 $0x3800, s17;
	s26 =	sand.u32 $0x380, s17  }
0x65: {  	_ =	sdelay $0x2  }
0x66: {  	s23 =	sor.u32 s26, s25  }
0x67: {  	v6 =	vld.idx.msk [tilespmem:v1+s23+$0x0 ss:$0x1], $0xffff;
	s28 =	sor.u32 $0x400, s23  }
0x68: {  	s17 =	sor.u32 $0x10, s23;
	v8 =	vld.idx.msk [tilespmem:v1+s28+$0x0 ss:$0x1], $0xffff  }
0x69: {  	p2 =	sne.s32 s24, $0x1;
	s16 =	sor.u32 $0x20, s23;
	v2 =	vld.idx.msk [tilespmem:v1+s17+$0x0 ss:$0x1], $0xffff  }
.Ltmp5:
0x6a: {  	s18 =	sor.u32 $0x30, s23;
	v3 =	vld.idx.msk [tilespmem:v1+s16+$0x0 ss:$0x1], $0xffff;
	(pc) =	sbr.rel @!p2 .LBB2_7-.Ltmp5, $4  }
0x6b: {  	s19 =	sor.u32 $0x40, s23;
	v4 =	vld.idx.msk [tilespmem:v1+s18+$0x0 ss:$0x1], $0xffff  }
0x6c: {  	s22 =	simm.s32 $0x100;
	s24 =	sadd.s32 $0xFFFFFFFF, s24;
	s21 =	sor.u32 $0x60, s23;
	v5 =	vld.idx.msk [tilespmem:v1+s19+$0x0 ss:$0x1], $0xffff  }
0x6d: {  	s20 =	sor.u32 $0x50, s23;
	s15 =	sor.u32 $0x70, s23;
	v7 =	vld.idx.msk [tilespmem:v1+s21+$0x0 ss:$0x1], $0xffff;
	[tilespmem:v0+s23+$0x0 ss:$0x1] =	vst.idx.msk $0xffff, v6;
	s23 =	simm.s32 $0x80  }
0x6e: {  	p1 =	por $0x1, $0x1;
	s25 =	sand.u32 $0x3800, s22;
	v6 =	vld.idx.msk [tilespmem:v1+s20+$0x0 ss:$0x1], $0xffff;
	s26 =	sand.u32 $0x380, s23;
	[tilespmem:v0+s28+$0x0 ss:$0x1] =	vst.idx.msk $0xffff, v8  }
.LBB2_6:
0x6f: {  	p2 =	sne.s32 s24, $0x1;
	s25 =	sor.u32 s26, s25;
	[tilespmem:v0+s17+$0x0 ss:$0x1] =	vst.idx.msk $0xffff, v2;
	v8 =	vld.idx.msk [tilespmem:v1+s15+$0x0 ss:$0x1], $0xffff  }
0x70: {  	v9 =	vld.idx.msk [tilespmem:v1+s25+$0x0 ss:$0x1], $0xffff;
	s17 =	sor.u32 $0x10, s25;
	s28 =	sor.u32 $0x400, s25;
	[tilespmem:v0+s16+$0x0 ss:$0x1] =	vst.idx.msk $0xffff, v3;
	s16 =	sor.u32 $0x20, s25  }
0x71: {  	s26 =	sor.u32 $0x40, s25;
	s29 =	sor.u32 $0x50, s25;
	v10 =	vld.idx.msk [tilespmem:v1+s28+$0x0 ss:$0x1], $0xffff;
	[tilespmem:v0+s18+$0x0 ss:$0x1] =	vst.idx.msk $0xffff, v4;
	s18 =	sor.u32 $0x30, s25  }
0x72: {  	s30 =	sor.u32 $0x60, s25;
	s31 =	sor.u32 $0x70, s25;
	v2 =	vld.idx.msk [tilespmem:v1+s17+$0x0 ss:$0x1], $0xffff;
	[tilespmem:v0+s19+$0x0 ss:$0x1] =	vst.idx.msk $0xffff, v5;
	s19 =	smov.u32 s26  }
.Ltmp6:
0x73: {  	v3 =	vld.idx.msk [tilespmem:v1+s16+$0x0 ss:$0x1], $0xffff;
	[tilespmem:v0+s20+$0x0 ss:$0x1] =	vst.idx.msk $0xffff, v6;
	s20 =	smov.u32 s29;
	(pc) =	sbr.rel @p2 .LBB2_6-.Ltmp6, $4  }
0x74: {  	v4 =	vld.idx.msk [tilespmem:v1+s18+$0x0 ss:$0x1], $0xffff;
	[tilespmem:v0+s21+$0x0 ss:$0x1] =	vst.idx.msk $0xffff, v7;
	s21 =	smov.u32 s30  }
0x75: {  	v5 =	vld.idx.msk [tilespmem:v1+s19+$0x0 ss:$0x1], $0xffff;
	[tilespmem:v0+s15+$0x0 ss:$0x1] =	vst.idx.msk $0xffff, v8;
	s15 =	smov.u32 s31  }
0x76: {  	s23 =	sadd.s32 $0x80, s23;
	s22 =	sadd.s32 $0x100, s22;
	[tilespmem:v0+s25+$0x0 ss:$0x1] =	vst.idx.msk $0xffff, v9;
	v6 =	vld.idx.msk [tilespmem:v1+s20+$0x0 ss:$0x1], $0xffff  }
0x77: {  	s24 =	sadd.s32 $0xFFFFFFFF, s24;
	s26 =	sand.u32 $0x380, s23;
	s25 =	sand.u32 $0x3800, s22;
	v7 =	vld.idx.msk [tilespmem:v1+s21+$0x0 ss:$0x1], $0xffff;
	[tilespmem:v0+s28+$0x0 ss:$0x1] =	vst.idx.msk $0xffff, v10  }
.Ltmp7:
0x78: {  	_ = 	snop;
	(pc) =	sbr.rel .LBB2_7-.Ltmp7, $1  }
0x79: {  	_ =	sdelay $0x3  }
.LBB2_10:
0x7a: {  	_ =	sfence.sel $0x180000  }
0x7b: {  	s2 =	simm.s32 $0x1;
	[bflag:$0x0] =	sbarrier.arrive $0xFFFF  }
0x7c: {  	s31 =	simm.s32 $0x2;
	[sflag:s2] =	ssyncpa.u1 $0x1  }
0x7d: {  	[sflag:s31] =	ssyncpa.u1 $0x1  }
0x7e: {  	_ =	strace $0x90000050  }
0x7f: {  	s0 =	sadd.s32 @!p0 $0x100000, s0;
	[bflag:$0x2] =	sbarrier.arrive $0xFFFF  }
0x80: {  	[sflag:s0] =	ssyncadd.tile.s32 @!p0 $0x1;
	s0 =	simm.s32 @!p0 $0x3F  }
0x81: {  	_ =	swait.ge @!p0 [sflag:s0], s1  }
0x82: {  	s1 =	ssub.s32 @!p0 $0x0, s1;
	[sflag:s0] =	ssyncset.done @!p0 $0x0  }
0x83: {  	[sflag:s0] =	ssyncadd.s32 @!p0 s1  }
0x84: {  	[bflag:$0x3] =	sbarrier.arrive $0xFFFF  }
0x85: {  	_ =	shalt  }
.Lfunc_end2:
execute1_lowered:
.L_overlay_start_2:
0x86: {  	(tag) =	ssettag $0x2  }
0x87: {  	s4 =	rddreg [dreg:$0x0]  }
0x88: {  	s2 =	rddreg [dreg:$0x1];
	_ =	strace $0x80000053;
	s0 =	simm.s32 $0x1  }
0x89: {  	v0 =	vimm.s32 $0x0;
	[sflag:s0] =	ssyncpa.u1 $0x0  }
0x8a: {  	[tilespmem:$0x128] =	vst v0  }
0x8b: {  	[tilespmem:$0x138] =	vst v0  }
0x8c: {  	[tilespmem:$0x148] =	vst v0  }
0x8d: {  	[tilespmem:$0x158] =	vst v0  }
0x8e: {  	[tilespmem:$0x168] =	vst v0  }
0x8f: {  	[tilespmem:$0x178] =	vst v0  }
0x90: {  	[tilespmem:$0x188] =	vst v0  }
0x91: {  	[tilespmem:$0x198] =	vst v0  }
0x92: {  	[tilespmem:$0x1A8] =	vst v0  }
0x93: {  	[tilespmem:$0x1B8] =	vst v0  }
0x94: {  	[tilespmem:$0x1C8] =	vst v0  }
0x95: {  	[tilespmem:$0x1D8] =	vst v0  }
0x96: {  	[tilespmem:$0x1E8] =	vst v0  }
0x97: {  	[tilespmem:$0x1F8] =	vst v0  }
0x98: {  	[tilespmem:$0x208] =	vst v0  }
0x99: {  	[tilespmem:$0x218] =	vst v0  }
0x9a: {  	[tilespmem:$0x228] =	vst v0  }
0x9b: {  	[tilespmem:$0x238] =	vst v0  }
0x9c: {  	[tilespmem:$0x248] =	vst v0  }
0x9d: {  	[tilespmem:$0x258] =	vst v0  }
0x9e: {  	[tilespmem:$0x268] =	vst v0  }
0x9f: {  	[tilespmem:$0x278] =	vst v0  }
0xa0: {  	[tilespmem:$0x288] =	vst v0  }
0xa1: {  	[tilespmem:$0x298] =	vst v0  }
0xa2: {  	[tilespmem:$0x2A8] =	vst v0  }
0xa3: {  	[tilespmem:$0x2B8] =	vst v0  }
0xa4: {  	[tilespmem:$0x2C8] =	vst v0  }
0xa5: {  	[tilespmem:$0x2D8] =	vst v0  }
0xa6: {  	[tilespmem:$0x2E8] =	vst v0  }
0xa7: {  	[tilespmem:$0x2F8] =	vst v0  }
0xa8: {  	[tilespmem:$0x308] =	vst v0  }
0xa9: {  	[tilespmem:$0x318] =	vst v0  }
0xaa: {  	[tilespmem:$0x328] =	vst v0  }
0xab: {  	[tilespmem:$0x338] =	vst v0  }
0xac: {  	[tilespmem:$0x348] =	vst v0  }
0xad: {  	[tilespmem:$0x358] =	vst v0  }
0xae: {  	[tilespmem:$0x368] =	vst v0  }
0xaf: {  	[tilespmem:$0x378] =	vst v0  }
0xb0: {  	[tilespmem:$0x388] =	vst v0  }
0xb1: {  	[tilespmem:$0x398] =	vst v0  }
0xb2: {  	[tilespmem:$0x3A8] =	vst v0  }
0xb3: {  	[tilespmem:$0x3B8] =	vst v0  }
0xb4: {  	[tilespmem:$0x3C8] =	vst v0  }
0xb5: {  	[tilespmem:$0x3D8] =	vst v0  }
0xb6: {  	[tilespmem:$0x3E8] =	vst v0  }
0xb7: {  	[tilespmem:$0x3F8] =	vst v0  }
0xb8: {  	[tilespmem:$0x408] =	vst v0  }
0xb9: {  	[tilespmem:$0x418] =	vst v0  }
0xba: {  	[tilespmem:$0x428] =	vst v0  }
0xbb: {  	[tilespmem:$0x438] =	vst v0  }
0xbc: {  	[tilespmem:$0x448] =	vst v0  }
0xbd: {  	[tilespmem:$0x458] =	vst v0  }
0xbe: {  	[tilespmem:$0x468] =	vst v0  }
0xbf: {  	[tilespmem:$0x478] =	vst v0  }
0xc0: {  	[tilespmem:$0x488] =	vst v0  }
0xc1: {  	[tilespmem:$0x498] =	vst v0  }
0xc2: {  	[tilespmem:$0x4A8] =	vst v0  }
0xc3: {  	[tilespmem:$0x4B8] =	vst v0  }
0xc4: {  	[tilespmem:$0x4C8] =	vst v0  }
0xc5: {  	[tilespmem:$0x4D8] =	vst v0  }
0xc6: {  	[tilespmem:$0x4E8] =	vst v0  }
0xc7: {  	[tilespmem:$0x4F8] =	vst v0  }
0xc8: {  	[tilespmem:$0x508] =	vst v0  }
0xc9: {  	[tilespmem:$0x518] =	vst v0  }
0xca: {  	[tilespmem:$0x528] =	vst v0  }
0xcb: {  	[tilespmem:$0x538] =	vst v0  }
0xcc: {  	[tilespmem:$0x548] =	vst v0  }
0xcd: {  	[tilespmem:$0x558] =	vst v0  }
0xce: {  	[tilespmem:$0x568] =	vst v0  }
0xcf: {  	[tilespmem:$0x578] =	vst v0  }
0xd0: {  	[tilespmem:$0x588] =	vst v0  }
0xd1: {  	[tilespmem:$0x598] =	vst v0  }
0xd2: {  	[tilespmem:$0x5A8] =	vst v0  }
0xd3: {  	[tilespmem:$0x5B8] =	vst v0  }
0xd4: {  	[tilespmem:$0x5C8] =	vst v0  }
0xd5: {  	[tilespmem:$0x5D8] =	vst v0  }
0xd6: {  	[tilespmem:$0x5E8] =	vst v0  }
0xd7: {  	[tilespmem:$0x5F8] =	vst v0  }
0xd8: {  	[tilespmem:$0x608] =	vst v0  }
0xd9: {  	[tilespmem:$0x618] =	vst v0  }
0xda: {  	[tilespmem:$0x628] =	vst v0  }
0xdb: {  	[tilespmem:$0x638] =	vst v0  }
0xdc: {  	[tilespmem:$0x648] =	vst v0  }
0xdd: {  	[tilespmem:$0x658] =	vst v0  }
0xde: {  	[tilespmem:$0x668] =	vst v0  }
0xdf: {  	[tilespmem:$0x678] =	vst v0  }
0xe0: {  	[tilespmem:$0x688] =	vst v0  }
0xe1: {  	[tilespmem:$0x698] =	vst v0  }
0xe2: {  	[tilespmem:$0x6A8] =	vst v0  }
0xe3: {  	[tilespmem:$0x6B8] =	vst v0  }
0xe4: {  	[tilespmem:$0x6C8] =	vst v0  }
0xe5: {  	[tilespmem:$0x6D8] =	vst v0  }
0xe6: {  	[tilespmem:$0x6E8] =	vst v0  }
0xe7: {  	[tilespmem:$0x6F8] =	vst v0  }
0xe8: {  	[tilespmem:$0x708] =	vst v0  }
0xe9: {  	[tilespmem:$0x718] =	vst v0  }
0xea: {  	[tilespmem:$0x728] =	vst v0  }
0xeb: {  	[tilespmem:$0x738] =	vst v0  }
0xec: {  	[tilespmem:$0x748] =	vst v0  }
0xed: {  	[tilespmem:$0x758] =	vst v0  }
0xee: {  	[tilespmem:$0x768] =	vst v0  }
0xef: {  	[tilespmem:$0x778] =	vst v0  }
0xf0: {  	[tilespmem:$0x788] =	vst v0  }
0xf1: {  	[tilespmem:$0x798] =	vst v0  }
0xf2: {  	[tilespmem:$0x7A8] =	vst v0  }
0xf3: {  	[tilespmem:$0x7B8] =	vst v0  }
0xf4: {  	[tilespmem:$0x7C8] =	vst v0  }
0xf5: {  	[tilespmem:$0x7D8] =	vst v0  }
0xf6: {  	[tilespmem:$0x7E8] =	vst v0  }
0xf7: {  	[tilespmem:$0x7F8] =	vst v0  }
0xf8: {  	[tilespmem:$0x808] =	vst v0  }
0xf9: {  	[tilespmem:$0x818] =	vst v0  }
0xfa: {  	[tilespmem:$0x828] =	vst v0  }
0xfb: {  	[tilespmem:$0x838] =	vst v0  }
0xfc: {  	[tilespmem:$0x848] =	vst v0  }
0xfd: {  	[tilespmem:$0x858] =	vst v0  }
0xfe: {  	[tilespmem:$0x868] =	vst v0  }
0xff: {  	[tilespmem:$0x878] =	vst v0  }
0x100: {  	[tilespmem:$0x888] =	vst v0  }
0x101: {  	[tilespmem:$0x898] =	vst v0  }
0x102: {  	[tilespmem:$0x8A8] =	vst v0  }
0x103: {  	[tilespmem:$0x8B8] =	vst v0  }
0x104: {  	[tilespmem:$0x8C8] =	vst v0  }
0x105: {  	[tilespmem:$0x8D8] =	vst v0  }
0x106: {  	[tilespmem:$0x8E8] =	vst v0  }
0x107: {  	[tilespmem:$0x8F8] =	vst v0  }
0x108: {  	[tilespmem:$0x908] =	vst v0  }
0x109: {  	[tilespmem:$0x918] =	vst v0  }
0x10a: {  	[tilespmem:$0x928] =	vst v0  }
0x10b: {  	[tilespmem:$0x938] =	vst v0  }
0x10c: {  	[tilespmem:$0x948] =	vst v0  }
0x10d: {  	[tilespmem:$0x958] =	vst v0  }
0x10e: {  	[tilespmem:$0x968] =	vst v0  }
0x10f: {  	[tilespmem:$0x978] =	vst v0  }
0x110: {  	[tilespmem:$0x988] =	vst v0  }
0x111: {  	[tilespmem:$0x998] =	vst v0  }
0x112: {  	[tilespmem:$0x9A8] =	vst v0  }
0x113: {  	[tilespmem:$0x9B8] =	vst v0  }
0x114: {  	[tilespmem:$0x9C8] =	vst v0  }
0x115: {  	[tilespmem:$0x9D8] =	vst v0  }
0x116: {  	[tilespmem:$0x9E8] =	vst v0  }
0x117: {  	[tilespmem:$0x9F8] =	vst v0  }
0x118: {  	[tilespmem:$0xA08] =	vst v0  }
0x119: {  	[tilespmem:$0xA18] =	vst v0  }
0x11a: {  	[tilespmem:$0xA28] =	vst v0  }
0x11b: {  	[tilespmem:$0xA38] =	vst v0  }
0x11c: {  	[tilespmem:$0xA48] =	vst v0  }
0x11d: {  	[tilespmem:$0xA58] =	vst v0  }
0x11e: {  	[tilespmem:$0xA68] =	vst v0  }
0x11f: {  	[tilespmem:$0xA78] =	vst v0  }
0x120: {  	[tilespmem:$0xA88] =	vst v0  }
0x121: {  	[tilespmem:$0xA98] =	vst v0  }
0x122: {  	[tilespmem:$0xAA8] =	vst v0  }
0x123: {  	[tilespmem:$0xAB8] =	vst v0  }
0x124: {  	[tilespmem:$0xAC8] =	vst v0  }
0x125: {  	[tilespmem:$0xAD8] =	vst v0  }
0x126: {  	[tilespmem:$0xAE8] =	vst v0  }
0x127: {  	[tilespmem:$0xAF8] =	vst v0  }
0x128: {  	[tilespmem:$0xB08] =	vst v0  }
0x129: {  	[tilespmem:$0xB18] =	vst v0  }
0x12a: {  	[tilespmem:$0xB28] =	vst v0  }
0x12b: {  	[tilespmem:$0xB38] =	vst v0  }
0x12c: {  	[tilespmem:$0xB48] =	vst v0  }
0x12d: {  	[tilespmem:$0xB58] =	vst v0  }
0x12e: {  	[tilespmem:$0xB68] =	vst v0  }
0x12f: {  	[tilespmem:$0xB78] =	vst v0  }
0x130: {  	[tilespmem:$0xB88] =	vst v0  }
0x131: {  	[tilespmem:$0xB98] =	vst v0  }
0x132: {  	[tilespmem:$0xBA8] =	vst v0  }
0x133: {  	[tilespmem:$0xBB8] =	vst v0  }
0x134: {  	[tilespmem:$0xBC8] =	vst v0  }
0x135: {  	[tilespmem:$0xBD8] =	vst v0  }
0x136: {  	[tilespmem:$0xBE8] =	vst v0  }
0x137: {  	[tilespmem:$0xBF8] =	vst v0  }
0x138: {  	[tilespmem:$0xC08] =	vst v0  }
0x139: {  	[tilespmem:$0xC18] =	vst v0  }
0x13a: {  	[tilespmem:$0xC28] =	vst v0  }
0x13b: {  	[tilespmem:$0xC38] =	vst v0  }
0x13c: {  	[tilespmem:$0xC48] =	vst v0  }
0x13d: {  	[tilespmem:$0xC58] =	vst v0  }
0x13e: {  	[tilespmem:$0xC68] =	vst v0  }
0x13f: {  	[tilespmem:$0xC78] =	vst v0  }
0x140: {  	[tilespmem:$0xC88] =	vst v0  }
0x141: {  	[tilespmem:$0xC98] =	vst v0  }
0x142: {  	[tilespmem:$0xCA8] =	vst v0  }
0x143: {  	[tilespmem:$0xCB8] =	vst v0  }
0x144: {  	[tilespmem:$0xCC8] =	vst v0  }
0x145: {  	[tilespmem:$0xCD8] =	vst v0  }
0x146: {  	[tilespmem:$0xCE8] =	vst v0  }
0x147: {  	[tilespmem:$0xCF8] =	vst v0  }
0x148: {  	[tilespmem:$0xD08] =	vst v0  }
0x149: {  	[tilespmem:$0xD18] =	vst v0  }
0x14a: {  	[tilespmem:$0xD28] =	vst v0  }
0x14b: {  	[tilespmem:$0xD38] =	vst v0  }
0x14c: {  	[tilespmem:$0xD48] =	vst v0  }
0x14d: {  	[tilespmem:$0xD58] =	vst v0  }
0x14e: {  	[tilespmem:$0xD68] =	vst v0  }
0x14f: {  	[tilespmem:$0xD78] =	vst v0  }
0x150: {  	[tilespmem:$0xD88] =	vst v0  }
0x151: {  	[tilespmem:$0xD98] =	vst v0  }
0x152: {  	[tilespmem:$0xDA8] =	vst v0  }
0x153: {  	[tilespmem:$0xDB8] =	vst v0  }
0x154: {  	[tilespmem:$0xDC8] =	vst v0  }
0x155: {  	[tilespmem:$0xDD8] =	vst v0  }
0x156: {  	[tilespmem:$0xDE8] =	vst v0  }
0x157: {  	[tilespmem:$0xDF8] =	vst v0  }
0x158: {  	[tilespmem:$0xE08] =	vst v0  }
0x159: {  	[tilespmem:$0xE18] =	vst v0  }
0x15a: {  	[tilespmem:$0xE28] =	vst v0  }
0x15b: {  	[tilespmem:$0xE38] =	vst v0  }
0x15c: {  	[tilespmem:$0xE48] =	vst v0  }
0x15d: {  	[tilespmem:$0xE58] =	vst v0  }
0x15e: {  	[tilespmem:$0xE68] =	vst v0  }
0x15f: {  	[tilespmem:$0xE78] =	vst v0  }
0x160: {  	[tilespmem:$0xE88] =	vst v0  }
0x161: {  	[tilespmem:$0xE98] =	vst v0  }
0x162: {  	[tilespmem:$0xEA8] =	vst v0  }
0x163: {  	[tilespmem:$0xEB8] =	vst v0  }
0x164: {  	[tilespmem:$0xEC8] =	vst v0  }
0x165: {  	[tilespmem:$0xED8] =	vst v0  }
0x166: {  	[tilespmem:$0xEE8] =	vst v0  }
0x167: {  	[tilespmem:$0xEF8] =	vst v0  }
0x168: {  	[tilespmem:$0xF08] =	vst v0  }
0x169: {  	[tilespmem:$0xF18] =	vst v0  }
0x16a: {  	[tilespmem:$0xF28] =	vst v0  }
0x16b: {  	[tilespmem:$0xF38] =	vst v0  }
0x16c: {  	[tilespmem:$0xF48] =	vst v0  }
0x16d: {  	[tilespmem:$0xF58] =	vst v0  }
0x16e: {  	[tilespmem:$0xF68] =	vst v0  }
0x16f: {  	[tilespmem:$0xF78] =	vst v0  }
0x170: {  	[tilespmem:$0xF88] =	vst v0  }
0x171: {  	[tilespmem:$0xF98] =	vst v0  }
0x172: {  	[tilespmem:$0xFA8] =	vst v0  }
0x173: {  	[tilespmem:$0xFB8] =	vst v0  }
0x174: {  	[tilespmem:$0xFC8] =	vst v0  }
0x175: {  	[tilespmem:$0xFD8] =	vst v0  }
0x176: {  	[tilespmem:$0xFE8] =	vst v0  }
0x177: {  	[tilespmem:$0xFF8] =	vst v0  }
0x178: {  	[tilespmem:$0x1008] =	vst v0  }
0x179: {  	[tilespmem:$0x1018] =	vst v0  }
0x17a: {  	[tilespmem:$0x1028] =	vst v0  }
0x17b: {  	[tilespmem:$0x1038] =	vst v0  }
0x17c: {  	[tilespmem:$0x1048] =	vst v0  }
0x17d: {  	[tilespmem:$0x1058] =	vst v0  }
0x17e: {  	[tilespmem:$0x1068] =	vst v0  }
0x17f: {  	[tilespmem:$0x1078] =	vst v0  }
0x180: {  	[tilespmem:$0x1088] =	vst v0  }
0x181: {  	[tilespmem:$0x1098] =	vst v0  }
0x182: {  	[tilespmem:$0x10A8] =	vst v0  }
0x183: {  	[tilespmem:$0x10B8] =	vst v0  }
0x184: {  	[tilespmem:$0x10C8] =	vst v0  }
0x185: {  	[tilespmem:$0x10D8] =	vst v0  }
0x186: {  	[tilespmem:$0x10E8] =	vst v0  }
0x187: {  	[tilespmem:$0x10F8] =	vst v0  }
0x188: {  	[tilespmem:$0x1108] =	vst v0  }
0x189: {  	[tilespmem:$0x1478] =	vst v0  }
0x18a: {  	[tilespmem:$0x1118] =	vst v0  }
0x18b: {  	[tilespmem:$0x1128] =	vst v0  }
0x18c: {  	[tilespmem:$0x1138] =	vst v0  }
0x18d: {  	[tilespmem:$0x1148] =	vst v0  }
0x18e: {  	[tilespmem:$0x1158] =	vst v0  }
0x18f: {  	[tilespmem:$0x1168] =	vst v0  }
0x190: {  	[tilespmem:$0x1178] =	vst v0  }
0x191: {  	[tilespmem:$0x1188] =	vst v0  }
0x192: {  	[tilespmem:$0x1198] =	vst v0  }
0x193: {  	[tilespmem:$0x11A8] =	vst v0  }
0x194: {  	[tilespmem:$0x11B8] =	vst v0  }
0x195: {  	[tilespmem:$0x11C8] =	vst v0  }
0x196: {  	[tilespmem:$0x11D8] =	vst v0  }
0x197: {  	[tilespmem:$0x11E8] =	vst v0  }
0x198: {  	[tilespmem:$0x11F8] =	vst v0  }
0x199: {  	[tilespmem:$0x1208] =	vst v0  }
0x19a: {  	[tilespmem:$0x1218] =	vst v0  }
0x19b: {  	[tilespmem:$0x1228] =	vst v0  }
0x19c: {  	[tilespmem:$0x1238] =	vst v0  }
0x19d: {  	[tilespmem:$0x1248] =	vst v0  }
0x19e: {  	[tilespmem:$0x1258] =	vst v0  }
0x19f: {  	[tilespmem:$0x1268] =	vst v0  }
0x1a0: {  	[tilespmem:$0x1278] =	vst v0  }
0x1a1: {  	[tilespmem:$0x1288] =	vst v0  }
0x1a2: {  	[tilespmem:$0x1298] =	vst v0  }
0x1a3: {  	[tilespmem:$0x12A8] =	vst v0  }
0x1a4: {  	[tilespmem:$0x12B8] =	vst v0  }
0x1a5: {  	[tilespmem:$0x12C8] =	vst v0  }
0x1a6: {  	[tilespmem:$0x12D8] =	vst v0  }
0x1a7: {  	[tilespmem:$0x12E8] =	vst v0  }
0x1a8: {  	[tilespmem:$0x12F8] =	vst v0  }
0x1a9: {  	[tilespmem:$0x1308] =	vst v0  }
0x1aa: {  	[tilespmem:$0x1318] =	vst v0  }
0x1ab: {  	[tilespmem:$0x1328] =	vst v0  }
0x1ac: {  	[tilespmem:$0x1338] =	vst v0  }
0x1ad: {  	[tilespmem:$0x1348] =	vst v0  }
0x1ae: {  	[tilespmem:$0x1358] =	vst v0  }
0x1af: {  	[tilespmem:$0x1368] =	vst v0  }
0x1b0: {  	[tilespmem:$0x1378] =	vst v0  }
0x1b1: {  	[tilespmem:$0x1388] =	vst v0  }
0x1b2: {  	[tilespmem:$0x1398] =	vst v0  }
0x1b3: {  	[tilespmem:$0x13A8] =	vst v0  }
0x1b4: {  	[tilespmem:$0x13B8] =	vst v0  }
0x1b5: {  	[tilespmem:$0x13C8] =	vst v0  }
0x1b6: {  	[tilespmem:$0x13D8] =	vst v0  }
0x1b7: {  	[tilespmem:$0x13E8] =	vst v0  }
0x1b8: {  	[tilespmem:$0x13F8] =	vst v0  }
0x1b9: {  	[tilespmem:$0x1408] =	vst v0  }
0x1ba: {  	[tilespmem:$0x1418] =	vst v0  }
0x1bb: {  	[tilespmem:$0x1428] =	vst v0  }
0x1bc: {  	[tilespmem:$0x1438] =	vst v0  }
0x1bd: {  	[tilespmem:$0x1448] =	vst v0  }
0x1be: {  	[tilespmem:$0x1458] =	vst v0  }
0x1bf: {  	[tilespmem:$0x1468] =	vst v0  }
0x1c0: {  	[tilespmem:$0x1488] =	vst v0  }
0x1c1: {  	[tilespmem:$0x1498] =	vst v0  }
0x1c2: {  	[tilespmem:$0x14A8] =	vst v0  }
0x1c3: {  	[tilespmem:$0x14B8] =	vst v0  }
0x1c4: {  	[tilespmem:$0x14C8] =	vst v0  }
0x1c5: {  	[tilespmem:$0x14D8] =	vst v0  }
0x1c6: {  	[tilespmem:$0x14E8] =	vst v0  }
0x1c7: {  	[tilespmem:$0x14F8] =	vst v0  }
0x1c8: {  	[tilespmem:$0x1508] =	vst v0  }
0x1c9: {  	[tilespmem:$0x1518] =	vst v0  }
0x1ca: {  	[tilespmem:$0x1528] =	vst v0  }
0x1cb: {  	[tilespmem:$0x1538] =	vst v0  }
0x1cc: {  	[tilespmem:$0x1548] =	vst v0  }
0x1cd: {  	[tilespmem:$0x1558] =	vst v0  }
0x1ce: {  	[tilespmem:$0x1568] =	vst v0  }
0x1cf: {  	[tilespmem:$0x1578] =	vst v0  }
0x1d0: {  	[tilespmem:$0x1588] =	vst v0  }
0x1d1: {  	[tilespmem:$0x1598] =	vst v0  }
0x1d2: {  	[tilespmem:$0x15A8] =	vst v0  }
0x1d3: {  	[tilespmem:$0x15B8] =	vst v0  }
0x1d4: {  	[tilespmem:$0x15C8] =	vst v0  }
0x1d5: {  	[tilespmem:$0x15D8] =	vst v0  }
0x1d6: {  	[tilespmem:$0x15E8] =	vst v0  }
0x1d7: {  	[tilespmem:$0x15F8] =	vst v0  }
0x1d8: {  	[tilespmem:$0x1608] =	vst v0  }
0x1d9: {  	[tilespmem:$0x1618] =	vst v0  }
0x1da: {  	[tilespmem:$0x1628] =	vst v0  }
0x1db: {  	[tilespmem:$0x1638] =	vst v0  }
0x1dc: {  	[tilespmem:$0x1648] =	vst v0  }
0x1dd: {  	[tilespmem:$0x1658] =	vst v0  }
0x1de: {  	[tilespmem:$0x1668] =	vst v0  }
0x1df: {  	[tilespmem:$0x1678] =	vst v0  }
0x1e0: {  	[tilespmem:$0x1688] =	vst v0  }
0x1e1: {  	[tilespmem:$0x1698] =	vst v0  }
0x1e2: {  	[tilespmem:$0x16A8] =	vst v0  }
0x1e3: {  	[tilespmem:$0x16B8] =	vst v0  }
0x1e4: {  	[tilespmem:$0x16C8] =	vst v0  }
0x1e5: {  	[tilespmem:$0x16D8] =	vst v0  }
0x1e6: {  	[tilespmem:$0x16E8] =	vst v0  }
0x1e7: {  	[tilespmem:$0x16F8] =	vst v0  }
0x1e8: {  	[tilespmem:$0x1708] =	vst v0  }
0x1e9: {  	[tilespmem:$0x1718] =	vst v0  }
0x1ea: {  	[tilespmem:$0x1728] =	vst v0  }
0x1eb: {  	[tilespmem:$0x1738] =	vst v0  }
0x1ec: {  	[tilespmem:$0x1748] =	vst v0  }
0x1ed: {  	[tilespmem:$0x1758] =	vst v0  }
0x1ee: {  	[tilespmem:$0x1768] =	vst v0  }
0x1ef: {  	[tilespmem:$0x1778] =	vst v0  }
0x1f0: {  	[tilespmem:$0x1788] =	vst v0  }
0x1f1: {  	[tilespmem:$0x1798] =	vst v0  }
0x1f2: {  	[tilespmem:$0x17A8] =	vst v0  }
0x1f3: {  	[tilespmem:$0x17B8] =	vst v0  }
0x1f4: {  	[tilespmem:$0x17C8] =	vst v0  }
0x1f5: {  	[tilespmem:$0x17D8] =	vst v0  }
0x1f6: {  	[tilespmem:$0x17E8] =	vst v0  }
0x1f7: {  	[tilespmem:$0x17F8] =	vst v0  }
0x1f8: {  	[tilespmem:$0x1808] =	vst v0  }
0x1f9: {  	[tilespmem:$0x1818] =	vst v0  }
0x1fa: {  	[tilespmem:$0x1828] =	vst v0  }
0x1fb: {  	[tilespmem:$0x1838] =	vst v0  }
0x1fc: {  	[tilespmem:$0x1848] =	vst v0  }
0x1fd: {  	[tilespmem:$0x1858] =	vst v0  }
0x1fe: {  	[tilespmem:$0x1868] =	vst v0  }
0x1ff: {  	[tilespmem:$0x1878] =	vst v0  }
0x200: {  	[tilespmem:$0x1888] =	vst v0  }
0x201: {  	[tilespmem:$0x1898] =	vst v0  }
0x202: {  	[tilespmem:$0x18A8] =	vst v0  }
0x203: {  	[tilespmem:$0x18B8] =	vst v0  }
0x204: {  	[tilespmem:$0x18C8] =	vst v0  }
0x205: {  	[tilespmem:$0x18D8] =	vst v0  }
0x206: {  	[tilespmem:$0x18E8] =	vst v0  }
0x207: {  	[tilespmem:$0x18F8] =	vst v0  }
0x208: {  	[tilespmem:$0x1908] =	vst v0  }
0x209: {  	[tilespmem:$0x1918] =	vst v0  }
0x20a: {  	[tilespmem:$0x1928] =	vst v0  }
0x20b: {  	[tilespmem:$0x1938] =	vst v0  }
0x20c: {  	[tilespmem:$0x1948] =	vst v0  }
0x20d: {  	[tilespmem:$0x1958] =	vst v0  }
0x20e: {  	[tilespmem:$0x1968] =	vst v0  }
0x20f: {  	[tilespmem:$0x1978] =	vst v0  }
0x210: {  	[tilespmem:$0x1988] =	vst v0  }
0x211: {  	[tilespmem:$0x1998] =	vst v0  }
0x212: {  	[tilespmem:$0x19A8] =	vst v0  }
0x213: {  	[tilespmem:$0x19B8] =	vst v0  }
0x214: {  	[tilespmem:$0x19C8] =	vst v0  }
0x215: {  	[tilespmem:$0x19D8] =	vst v0  }
0x216: {  	[tilespmem:$0x19E8] =	vst v0  }
0x217: {  	[tilespmem:$0x19F8] =	vst v0  }
0x218: {  	[tilespmem:$0x1A08] =	vst v0  }
0x219: {  	[tilespmem:$0x1A18] =	vst v0  }
0x21a: {  	[tilespmem:$0x1A28] =	vst v0  }
0x21b: {  	[tilespmem:$0x1A38] =	vst v0  }
0x21c: {  	[tilespmem:$0x1A48] =	vst v0  }
0x21d: {  	[tilespmem:$0x1A58] =	vst v0  }
0x21e: {  	[tilespmem:$0x1A68] =	vst v0  }
0x21f: {  	[tilespmem:$0x1A78] =	vst v0  }
0x220: {  	[tilespmem:$0x1A88] =	vst v0  }
0x221: {  	[tilespmem:$0x1A98] =	vst v0  }
0x222: {  	[tilespmem:$0x1AA8] =	vst v0  }
0x223: {  	[tilespmem:$0x1AB8] =	vst v0  }
0x224: {  	[tilespmem:$0x1AC8] =	vst v0  }
0x225: {  	[tilespmem:$0x1AD8] =	vst v0  }
0x226: {  	[tilespmem:$0x1AE8] =	vst v0  }
0x227: {  	[tilespmem:$0x1AF8] =	vst v0  }
0x228: {  	[tilespmem:$0x1B08] =	vst v0  }
0x229: {  	[tilespmem:$0x1B18] =	vst v0  }
0x22a: {  	[tilespmem:$0x1B28] =	vst v0  }
0x22b: {  	[tilespmem:$0x1B38] =	vst v0  }
0x22c: {  	[tilespmem:$0x1B48] =	vst v0  }
0x22d: {  	[tilespmem:$0x1B58] =	vst v0  }
0x22e: {  	[tilespmem:$0x1B68] =	vst v0  }
0x22f: {  	[tilespmem:$0x1B78] =	vst v0  }
0x230: {  	[tilespmem:$0x1B88] =	vst v0  }
0x231: {  	[tilespmem:$0x1B98] =	vst v0  }
0x232: {  	[tilespmem:$0x1BA8] =	vst v0  }
0x233: {  	[tilespmem:$0x1BB8] =	vst v0  }
0x234: {  	[tilespmem:$0x1BC8] =	vst v0  }
0x235: {  	[tilespmem:$0x1BD8] =	vst v0  }
0x236: {  	[tilespmem:$0x1BE8] =	vst v0  }
0x237: {  	[tilespmem:$0x1BF8] =	vst v0  }
0x238: {  	[tilespmem:$0x1C08] =	vst v0  }
0x239: {  	[tilespmem:$0x1C18] =	vst v0  }
0x23a: {  	[tilespmem:$0x1C28] =	vst v0  }
0x23b: {  	[tilespmem:$0x1C38] =	vst v0  }
0x23c: {  	[tilespmem:$0x1C48] =	vst v0  }
0x23d: {  	[tilespmem:$0x1C58] =	vst v0  }
0x23e: {  	[tilespmem:$0x1C68] =	vst v0  }
0x23f: {  	[tilespmem:$0x1C78] =	vst v0  }
0x240: {  	[tilespmem:$0x1C88] =	vst v0  }
0x241: {  	[tilespmem:$0x1C98] =	vst v0  }
0x242: {  	[tilespmem:$0x1CA8] =	vst v0  }
0x243: {  	[tilespmem:$0x1CB8] =	vst v0  }
0x244: {  	[tilespmem:$0x1CC8] =	vst v0  }
0x245: {  	[tilespmem:$0x1CD8] =	vst v0  }
0x246: {  	[tilespmem:$0x1CE8] =	vst v0  }
0x247: {  	[tilespmem:$0x1CF8] =	vst v0  }
0x248: {  	[tilespmem:$0x1D08] =	vst v0  }
0x249: {  	[tilespmem:$0x1D18] =	vst v0  }
0x24a: {  	[tilespmem:$0x1D28] =	vst v0  }
0x24b: {  	[tilespmem:$0x1D38] =	vst v0  }
0x24c: {  	[tilespmem:$0x1D48] =	vst v0  }
0x24d: {  	[tilespmem:$0x1D58] =	vst v0  }
0x24e: {  	[tilespmem:$0x1D68] =	vst v0  }
0x24f: {  	[tilespmem:$0x1D78] =	vst v0  }
0x250: {  	[tilespmem:$0x1D88] =	vst v0  }
0x251: {  	[tilespmem:$0x1D98] =	vst v0  }
0x252: {  	[tilespmem:$0x1DA8] =	vst v0  }
0x253: {  	[tilespmem:$0x1DB8] =	vst v0  }
0x254: {  	[tilespmem:$0x1DC8] =	vst v0  }
0x255: {  	[tilespmem:$0x1DD8] =	vst v0  }
0x256: {  	[tilespmem:$0x1DE8] =	vst v0  }
0x257: {  	[tilespmem:$0x1DF8] =	vst v0  }
0x258: {  	[tilespmem:$0x1E08] =	vst v0  }
0x259: {  	[tilespmem:$0x1E18] =	vst v0  }
0x25a: {  	[tilespmem:$0x1E28] =	vst v0  }
0x25b: {  	[tilespmem:$0x1E38] =	vst v0  }
0x25c: {  	[tilespmem:$0x1E48] =	vst v0  }
0x25d: {  	[tilespmem:$0x1E58] =	vst v0  }
0x25e: {  	[tilespmem:$0x1E68] =	vst v0  }
0x25f: {  	[tilespmem:$0x1E78] =	vst v0  }
0x260: {  	[tilespmem:$0x1E88] =	vst v0  }
0x261: {  	[tilespmem:$0x1E98] =	vst v0  }
0x262: {  	[tilespmem:$0x1EA8] =	vst v0  }
0x263: {  	[tilespmem:$0x1EB8] =	vst v0  }
0x264: {  	[tilespmem:$0x1EC8] =	vst v0  }
0x265: {  	[tilespmem:$0x1ED8] =	vst v0  }
0x266: {  	[tilespmem:$0x1EE8] =	vst v0  }
0x267: {  	[tilespmem:$0x1EF8] =	vst v0  }
0x268: {  	[tilespmem:$0x1F08] =	vst v0  }
0x269: {  	[tilespmem:$0x1F18] =	vst v0  }
0x26a: {  	[tilespmem:$0x1F28] =	vst v0  }
0x26b: {  	[tilespmem:$0x1F38] =	vst v0  }
0x26c: {  	[tilespmem:$0x1F48] =	vst v0  }
0x26d: {  	[tilespmem:$0x1F58] =	vst v0  }
0x26e: {  	[tilespmem:$0x1F68] =	vst v0  }
0x26f: {  	[tilespmem:$0x1F78] =	vst v0  }
0x270: {  	[tilespmem:$0x1F88] =	vst v0  }
0x271: {  	[tilespmem:$0x1F98] =	vst v0  }
0x272: {  	[tilespmem:$0x1FA8] =	vst v0  }
0x273: {  	[tilespmem:$0x1FB8] =	vst v0  }
0x274: {  	[tilespmem:$0x1FC8] =	vst v0  }
0x275: {  	[tilespmem:$0x1FD8] =	vst v0  }
0x276: {  	[tilespmem:$0x1FE8] =	vst v0  }
0x277: {  	[tilespmem:$0x1FF8] =	vst v0  }
0x278: {  	[tilespmem:$0x2008] =	vst v0  }
0x279: {  	[tilespmem:$0x2018] =	vst v0  }
0x27a: {  	[tilespmem:$0x2028] =	vst v0  }
0x27b: {  	[tilespmem:$0x2038] =	vst v0  }
0x27c: {  	[tilespmem:$0x2048] =	vst v0  }
0x27d: {  	[tilespmem:$0x2058] =	vst v0  }
0x27e: {  	[tilespmem:$0x2068] =	vst v0  }
0x27f: {  	[tilespmem:$0x2078] =	vst v0  }
0x280: {  	[tilespmem:$0x2088] =	vst v0  }
0x281: {  	[tilespmem:$0x2098] =	vst v0  }
0x282: {  	[tilespmem:$0x20A8] =	vst v0  }
0x283: {  	[tilespmem:$0x20B8] =	vst v0  }
0x284: {  	[tilespmem:$0x20C8] =	vst v0  }
0x285: {  	[tilespmem:$0x20D8] =	vst v0  }
0x286: {  	[tilespmem:$0x20E8] =	vst v0  }
0x287: {  	[tilespmem:$0x20F8] =	vst v0  }
0x288: {  	[tilespmem:$0x2108] =	vst v0  }
0x289: {  	[tilespmem:$0x2118] =	vst v0  }
0x28a: {  	[tilespmem:$0x2128] =	vst v0  }
0x28b: {  	[tilespmem:$0x2138] =	vst v0  }
0x28c: {  	[tilespmem:$0x2148] =	vst v0  }
0x28d: {  	[tilespmem:$0x2158] =	vst v0  }
0x28e: {  	[tilespmem:$0x2168] =	vst v0  }
0x28f: {  	[tilespmem:$0x2178] =	vst v0  }
0x290: {  	[tilespmem:$0x2188] =	vst v0  }
0x291: {  	[tilespmem:$0x2198] =	vst v0  }
0x292: {  	[tilespmem:$0x21A8] =	vst v0  }
0x293: {  	[tilespmem:$0x21B8] =	vst v0  }
0x294: {  	[tilespmem:$0x21C8] =	vst v0  }
0x295: {  	[tilespmem:$0x21D8] =	vst v0  }
0x296: {  	[tilespmem:$0x21E8] =	vst v0  }
0x297: {  	[tilespmem:$0x21F8] =	vst v0  }
0x298: {  	[tilespmem:$0x2208] =	vst v0  }
0x299: {  	[tilespmem:$0x2218] =	vst v0  }
0x29a: {  	[tilespmem:$0x2228] =	vst v0  }
0x29b: {  	[tilespmem:$0x2238] =	vst v0  }
0x29c: {  	[tilespmem:$0x2248] =	vst v0  }
0x29d: {  	[tilespmem:$0x2258] =	vst v0  }
0x29e: {  	[tilespmem:$0x2268] =	vst v0  }
0x29f: {  	[tilespmem:$0x2278] =	vst v0  }
0x2a0: {  	[tilespmem:$0x2288] =	vst v0  }
0x2a1: {  	[tilespmem:$0x2298] =	vst v0  }
0x2a2: {  	[tilespmem:$0x22A8] =	vst v0  }
0x2a3: {  	[tilespmem:$0x22B8] =	vst v0  }
0x2a4: {  	[tilespmem:$0x22C8] =	vst v0  }
0x2a5: {  	[tilespmem:$0x22D8] =	vst v0  }
0x2a6: {  	[tilespmem:$0x22E8] =	vst v0  }
0x2a7: {  	[tilespmem:$0x22F8] =	vst v0  }
0x2a8: {  	[tilespmem:$0x2308] =	vst v0  }
0x2a9: {  	[tilespmem:$0x2318] =	vst v0  }
0x2aa: {  	[tilespmem:$0x2328] =	vst v0  }
0x2ab: {  	[tilespmem:$0x2338] =	vst v0  }
0x2ac: {  	[tilespmem:$0x2348] =	vst v0  }
0x2ad: {  	[tilespmem:$0x2358] =	vst v0  }
0x2ae: {  	[tilespmem:$0x2368] =	vst v0  }
0x2af: {  	[tilespmem:$0x2378] =	vst v0  }
0x2b0: {  	[tilespmem:$0x2388] =	vst v0  }
0x2b1: {  	[tilespmem:$0x2398] =	vst v0  }
0x2b2: {  	[tilespmem:$0x23A8] =	vst v0  }
0x2b3: {  	[tilespmem:$0x23B8] =	vst v0  }
0x2b4: {  	[tilespmem:$0x23C8] =	vst v0  }
0x2b5: {  	[tilespmem:$0x23D8] =	vst v0  }
0x2b6: {  	[tilespmem:$0x23E8] =	vst v0  }
0x2b7: {  	[tilespmem:$0x23F8] =	vst v0  }
0x2b8: {  	[tilespmem:$0x2408] =	vst v0  }
0x2b9: {  	[tilespmem:$0x2418] =	vst v0  }
0x2ba: {  	[tilespmem:$0x2428] =	vst v0  }
0x2bb: {  	[tilespmem:$0x2438] =	vst v0  }
0x2bc: {  	[tilespmem:$0x2448] =	vst v0  }
0x2bd: {  	[tilespmem:$0x2458] =	vst v0  }
0x2be: {  	[tilespmem:$0x2468] =	vst v0  }
0x2bf: {  	[tilespmem:$0x2478] =	vst v0  }
0x2c0: {  	[tilespmem:$0x33A8] =	vst v0  }
0x2c1: {  	[tilespmem:$0x33B8] =	vst v0  }
0x2c2: {  	[tilespmem:$0x2488] =	vst v0  }
0x2c3: {  	[tilespmem:$0x2498] =	vst v0  }
0x2c4: {  	[tilespmem:$0x24A8] =	vst v0  }
0x2c5: {  	[tilespmem:$0x24B8] =	vst v0  }
0x2c6: {  	[tilespmem:$0x24C8] =	vst v0  }
0x2c7: {  	[tilespmem:$0x24D8] =	vst v0  }
0x2c8: {  	[tilespmem:$0x24E8] =	vst v0  }
0x2c9: {  	[tilespmem:$0x24F8] =	vst v0  }
0x2ca: {  	[tilespmem:$0x2508] =	vst v0  }
0x2cb: {  	[tilespmem:$0x2518] =	vst v0  }
0x2cc: {  	[tilespmem:$0x2528] =	vst v0  }
0x2cd: {  	[tilespmem:$0x2538] =	vst v0  }
0x2ce: {  	[tilespmem:$0x2548] =	vst v0  }
0x2cf: {  	[tilespmem:$0x2558] =	vst v0  }
0x2d0: {  	[tilespmem:$0x2568] =	vst v0  }
0x2d1: {  	[tilespmem:$0x2578] =	vst v0  }
0x2d2: {  	[tilespmem:$0x2588] =	vst v0  }
0x2d3: {  	[tilespmem:$0x2598] =	vst v0  }
0x2d4: {  	[tilespmem:$0x25A8] =	vst v0  }
0x2d5: {  	[tilespmem:$0x25B8] =	vst v0  }
0x2d6: {  	[tilespmem:$0x25C8] =	vst v0  }
0x2d7: {  	[tilespmem:$0x25D8] =	vst v0  }
0x2d8: {  	[tilespmem:$0x25E8] =	vst v0  }
0x2d9: {  	[tilespmem:$0x25F8] =	vst v0  }
0x2da: {  	[tilespmem:$0x2608] =	vst v0  }
0x2db: {  	[tilespmem:$0x2618] =	vst v0  }
0x2dc: {  	[tilespmem:$0x2628] =	vst v0  }
0x2dd: {  	[tilespmem:$0x2638] =	vst v0  }
0x2de: {  	[tilespmem:$0x2648] =	vst v0  }
0x2df: {  	[tilespmem:$0x2658] =	vst v0  }
0x2e0: {  	[tilespmem:$0x2668] =	vst v0  }
0x2e1: {  	[tilespmem:$0x2678] =	vst v0  }
0x2e2: {  	[tilespmem:$0x2688] =	vst v0  }
0x2e3: {  	[tilespmem:$0x2698] =	vst v0  }
0x2e4: {  	[tilespmem:$0x26A8] =	vst v0  }
0x2e5: {  	[tilespmem:$0x26B8] =	vst v0  }
0x2e6: {  	[tilespmem:$0x26C8] =	vst v0  }
0x2e7: {  	[tilespmem:$0x26D8] =	vst v0  }
0x2e8: {  	[tilespmem:$0x26E8] =	vst v0  }
0x2e9: {  	[tilespmem:$0x26F8] =	vst v0  }
0x2ea: {  	[tilespmem:$0x2708] =	vst v0  }
0x2eb: {  	[tilespmem:$0x2718] =	vst v0  }
0x2ec: {  	[tilespmem:$0x2728] =	vst v0  }
0x2ed: {  	[tilespmem:$0x2738] =	vst v0  }
0x2ee: {  	[tilespmem:$0x2748] =	vst v0  }
0x2ef: {  	[tilespmem:$0x2758] =	vst v0  }
0x2f0: {  	[tilespmem:$0x2768] =	vst v0  }
0x2f1: {  	[tilespmem:$0x2778] =	vst v0  }
0x2f2: {  	[tilespmem:$0x2788] =	vst v0  }
0x2f3: {  	[tilespmem:$0x2798] =	vst v0  }
0x2f4: {  	[tilespmem:$0x27A8] =	vst v0  }
0x2f5: {  	[tilespmem:$0x27B8] =	vst v0  }
0x2f6: {  	[tilespmem:$0x27C8] =	vst v0  }
0x2f7: {  	[tilespmem:$0x27D8] =	vst v0  }
0x2f8: {  	[tilespmem:$0x27E8] =	vst v0  }
0x2f9: {  	[tilespmem:$0x27F8] =	vst v0  }
0x2fa: {  	[tilespmem:$0x2808] =	vst v0  }
0x2fb: {  	[tilespmem:$0x2818] =	vst v0  }
0x2fc: {  	[tilespmem:$0x2828] =	vst v0  }
0x2fd: {  	[tilespmem:$0x2838] =	vst v0  }
0x2fe: {  	[tilespmem:$0x2848] =	vst v0  }
0x2ff: {  	[tilespmem:$0x2858] =	vst v0  }
0x300: {  	[tilespmem:$0x2868] =	vst v0  }
0x301: {  	[tilespmem:$0x2878] =	vst v0  }
0x302: {  	[tilespmem:$0x2888] =	vst v0  }
0x303: {  	[tilespmem:$0x2898] =	vst v0  }
0x304: {  	[tilespmem:$0x28A8] =	vst v0  }
0x305: {  	[tilespmem:$0x28B8] =	vst v0  }
0x306: {  	[tilespmem:$0x28C8] =	vst v0  }
0x307: {  	[tilespmem:$0x28D8] =	vst v0  }
0x308: {  	[tilespmem:$0x28E8] =	vst v0  }
0x309: {  	[tilespmem:$0x28F8] =	vst v0  }
0x30a: {  	[tilespmem:$0x2908] =	vst v0  }
0x30b: {  	[tilespmem:$0x2918] =	vst v0  }
0x30c: {  	[tilespmem:$0x2928] =	vst v0  }
0x30d: {  	[tilespmem:$0x2938] =	vst v0  }
0x30e: {  	[tilespmem:$0x2948] =	vst v0  }
0x30f: {  	[tilespmem:$0x2958] =	vst v0  }
0x310: {  	[tilespmem:$0x2968] =	vst v0  }
0x311: {  	[tilespmem:$0x2978] =	vst v0  }
0x312: {  	[tilespmem:$0x2988] =	vst v0  }
0x313: {  	[tilespmem:$0x2998] =	vst v0  }
0x314: {  	[tilespmem:$0x29A8] =	vst v0  }
0x315: {  	[tilespmem:$0x29B8] =	vst v0  }
0x316: {  	[tilespmem:$0x29C8] =	vst v0  }
0x317: {  	[tilespmem:$0x29D8] =	vst v0  }
0x318: {  	[tilespmem:$0x29E8] =	vst v0  }
0x319: {  	[tilespmem:$0x29F8] =	vst v0  }
0x31a: {  	[tilespmem:$0x2A08] =	vst v0  }
0x31b: {  	[tilespmem:$0x2A18] =	vst v0  }
0x31c: {  	[tilespmem:$0x2A28] =	vst v0  }
0x31d: {  	[tilespmem:$0x2A38] =	vst v0  }
0x31e: {  	[tilespmem:$0x2A48] =	vst v0  }
0x31f: {  	[tilespmem:$0x2A58] =	vst v0  }
0x320: {  	[tilespmem:$0x2A68] =	vst v0  }
0x321: {  	[tilespmem:$0x2A78] =	vst v0  }
0x322: {  	[tilespmem:$0x2A88] =	vst v0  }
0x323: {  	[tilespmem:$0x2A98] =	vst v0  }
0x324: {  	[tilespmem:$0x2AA8] =	vst v0  }
0x325: {  	[tilespmem:$0x2AB8] =	vst v0  }
0x326: {  	[tilespmem:$0x2AC8] =	vst v0  }
0x327: {  	[tilespmem:$0x2AD8] =	vst v0  }
0x328: {  	[tilespmem:$0x2AE8] =	vst v0  }
0x329: {  	[tilespmem:$0x2AF8] =	vst v0  }
0x32a: {  	[tilespmem:$0x2B08] =	vst v0  }
0x32b: {  	[tilespmem:$0x2B18] =	vst v0  }
0x32c: {  	[tilespmem:$0x2B28] =	vst v0  }
0x32d: {  	[tilespmem:$0x2B38] =	vst v0  }
0x32e: {  	[tilespmem:$0x2B48] =	vst v0  }
0x32f: {  	[tilespmem:$0x2B58] =	vst v0  }
0x330: {  	[tilespmem:$0x2B68] =	vst v0  }
0x331: {  	[tilespmem:$0x2B78] =	vst v0  }
0x332: {  	[tilespmem:$0x2B88] =	vst v0  }
0x333: {  	[tilespmem:$0x2B98] =	vst v0  }
0x334: {  	[tilespmem:$0x2BA8] =	vst v0  }
0x335: {  	[tilespmem:$0x2BB8] =	vst v0  }
0x336: {  	[tilespmem:$0x2BC8] =	vst v0  }
0x337: {  	[tilespmem:$0x2BD8] =	vst v0  }
0x338: {  	[tilespmem:$0x2BE8] =	vst v0  }
0x339: {  	[tilespmem:$0x2BF8] =	vst v0  }
0x33a: {  	[tilespmem:$0x2C08] =	vst v0  }
0x33b: {  	[tilespmem:$0x2C18] =	vst v0  }
0x33c: {  	[tilespmem:$0x2C28] =	vst v0  }
0x33d: {  	[tilespmem:$0x2C38] =	vst v0  }
0x33e: {  	[tilespmem:$0x2C48] =	vst v0  }
0x33f: {  	[tilespmem:$0x2C58] =	vst v0  }
0x340: {  	[tilespmem:$0x2C68] =	vst v0  }
0x341: {  	[tilespmem:$0x2C78] =	vst v0  }
0x342: {  	[tilespmem:$0x2C88] =	vst v0  }
0x343: {  	[tilespmem:$0x2C98] =	vst v0  }
0x344: {  	[tilespmem:$0x2CA8] =	vst v0  }
0x345: {  	[tilespmem:$0x2CB8] =	vst v0  }
0x346: {  	[tilespmem:$0x2CC8] =	vst v0  }
0x347: {  	[tilespmem:$0x2CD8] =	vst v0  }
0x348: {  	[tilespmem:$0x2CE8] =	vst v0  }
0x349: {  	[tilespmem:$0x2CF8] =	vst v0  }
0x34a: {  	[tilespmem:$0x2D08] =	vst v0  }
0x34b: {  	[tilespmem:$0x2D18] =	vst v0  }
0x34c: {  	[tilespmem:$0x2D28] =	vst v0  }
0x34d: {  	[tilespmem:$0x2D38] =	vst v0  }
0x34e: {  	[tilespmem:$0x2D48] =	vst v0  }
0x34f: {  	[tilespmem:$0x2D58] =	vst v0  }
0x350: {  	[tilespmem:$0x2D68] =	vst v0  }
0x351: {  	[tilespmem:$0x2D78] =	vst v0  }
0x352: {  	[tilespmem:$0x2D88] =	vst v0  }
0x353: {  	[tilespmem:$0x2D98] =	vst v0  }
0x354: {  	[tilespmem:$0x2DA8] =	vst v0  }
0x355: {  	[tilespmem:$0x2DB8] =	vst v0  }
0x356: {  	[tilespmem:$0x2DC8] =	vst v0  }
0x357: {  	[tilespmem:$0x2DD8] =	vst v0  }
0x358: {  	[tilespmem:$0x2DE8] =	vst v0  }
0x359: {  	[tilespmem:$0x2DF8] =	vst v0  }
0x35a: {  	[tilespmem:$0x2E08] =	vst v0  }
0x35b: {  	[tilespmem:$0x2E18] =	vst v0  }
0x35c: {  	[tilespmem:$0x2E28] =	vst v0  }
0x35d: {  	[tilespmem:$0x2E38] =	vst v0  }
0x35e: {  	[tilespmem:$0x2E48] =	vst v0  }
0x35f: {  	[tilespmem:$0x2E58] =	vst v0  }
0x360: {  	[tilespmem:$0x2E68] =	vst v0  }
0x361: {  	[tilespmem:$0x2E78] =	vst v0  }
0x362: {  	[tilespmem:$0x2E88] =	vst v0  }
0x363: {  	[tilespmem:$0x2E98] =	vst v0  }
0x364: {  	[tilespmem:$0x2EA8] =	vst v0  }
0x365: {  	[tilespmem:$0x2EB8] =	vst v0  }
0x366: {  	[tilespmem:$0x2EC8] =	vst v0  }
0x367: {  	[tilespmem:$0x2ED8] =	vst v0  }
0x368: {  	[tilespmem:$0x2EE8] =	vst v0  }
0x369: {  	[tilespmem:$0x2EF8] =	vst v0  }
0x36a: {  	[tilespmem:$0x2F08] =	vst v0  }
0x36b: {  	[tilespmem:$0x2F18] =	vst v0  }
0x36c: {  	[tilespmem:$0x2F28] =	vst v0  }
0x36d: {  	[tilespmem:$0x2F38] =	vst v0  }
0x36e: {  	[tilespmem:$0x2F48] =	vst v0  }
0x36f: {  	[tilespmem:$0x2F58] =	vst v0  }
0x370: {  	[tilespmem:$0x2F68] =	vst v0  }
0x371: {  	[tilespmem:$0x2F78] =	vst v0  }
0x372: {  	[tilespmem:$0x2F88] =	vst v0  }
0x373: {  	[tilespmem:$0x2F98] =	vst v0  }
0x374: {  	[tilespmem:$0x2FA8] =	vst v0  }
0x375: {  	[tilespmem:$0x2FB8] =	vst v0  }
0x376: {  	[tilespmem:$0x2FC8] =	vst v0  }
0x377: {  	[tilespmem:$0x2FD8] =	vst v0  }
0x378: {  	[tilespmem:$0x2FE8] =	vst v0  }
0x379: {  	[tilespmem:$0x2FF8] =	vst v0  }
0x37a: {  	[tilespmem:$0x3008] =	vst v0  }
0x37b: {  	[tilespmem:$0x3018] =	vst v0  }
0x37c: {  	[tilespmem:$0x3028] =	vst v0  }
0x37d: {  	[tilespmem:$0x3038] =	vst v0  }
0x37e: {  	[tilespmem:$0x3048] =	vst v0  }
0x37f: {  	[tilespmem:$0x3058] =	vst v0  }
0x380: {  	[tilespmem:$0x3068] =	vst v0  }
0x381: {  	[tilespmem:$0x3078] =	vst v0  }
0x382: {  	[tilespmem:$0x3088] =	vst v0  }
0x383: {  	[tilespmem:$0x3098] =	vst v0  }
0x384: {  	[tilespmem:$0x30A8] =	vst v0  }
0x385: {  	[tilespmem:$0x30B8] =	vst v0  }
0x386: {  	[tilespmem:$0x30C8] =	vst v0  }
0x387: {  	[tilespmem:$0x30D8] =	vst v0  }
0x388: {  	[tilespmem:$0x30E8] =	vst v0  }
0x389: {  	[tilespmem:$0x30F8] =	vst v0  }
0x38a: {  	[tilespmem:$0x3108] =	vst v0  }
0x38b: {  	[tilespmem:$0x3118] =	vst v0  }
0x38c: {  	[tilespmem:$0x3128] =	vst v0  }
0x38d: {  	[tilespmem:$0x3138] =	vst v0  }
0x38e: {  	[tilespmem:$0x3148] =	vst v0  }
0x38f: {  	[tilespmem:$0x3158] =	vst v0  }
0x390: {  	[tilespmem:$0x3168] =	vst v0  }
0x391: {  	[tilespmem:$0x3178] =	vst v0  }
0x392: {  	[tilespmem:$0x3188] =	vst v0  }
0x393: {  	[tilespmem:$0x3198] =	vst v0  }
0x394: {  	[tilespmem:$0x31A8] =	vst v0  }
0x395: {  	[tilespmem:$0x31B8] =	vst v0  }
0x396: {  	[tilespmem:$0x31C8] =	vst v0  }
0x397: {  	[tilespmem:$0x31D8] =	vst v0  }
0x398: {  	[tilespmem:$0x31E8] =	vst v0  }
0x399: {  	[tilespmem:$0x31F8] =	vst v0  }
0x39a: {  	[tilespmem:$0x3208] =	vst v0  }
0x39b: {  	[tilespmem:$0x3218] =	vst v0  }
0x39c: {  	[tilespmem:$0x3228] =	vst v0  }
0x39d: {  	[tilespmem:$0x3238] =	vst v0  }
0x39e: {  	[tilespmem:$0x3248] =	vst v0  }
0x39f: {  	[tilespmem:$0x3258] =	vst v0  }
0x3a0: {  	[tilespmem:$0x3268] =	vst v0  }
0x3a1: {  	[tilespmem:$0x3278] =	vst v0  }
0x3a2: {  	[tilespmem:$0x3288] =	vst v0  }
0x3a3: {  	[tilespmem:$0x3298] =	vst v0  }
0x3a4: {  	[tilespmem:$0x32A8] =	vst v0  }
0x3a5: {  	[tilespmem:$0x32B8] =	vst v0  }
0x3a6: {  	[tilespmem:$0x32C8] =	vst v0  }
0x3a7: {  	[tilespmem:$0x32D8] =	vst v0  }
0x3a8: {  	[tilespmem:$0x32E8] =	vst v0  }
0x3a9: {  	[tilespmem:$0x32F8] =	vst v0  }
0x3aa: {  	[tilespmem:$0x3308] =	vst v0  }
0x3ab: {  	[tilespmem:$0x3318] =	vst v0  }
0x3ac: {  	[tilespmem:$0x3328] =	vst v0  }
0x3ad: {  	[tilespmem:$0x3338] =	vst v0  }
0x3ae: {  	[tilespmem:$0x3348] =	vst v0  }
0x3af: {  	[tilespmem:$0x3358] =	vst v0  }
0x3b0: {  	[tilespmem:$0x3368] =	vst v0  }
0x3b1: {  	[tilespmem:$0x3378] =	vst v0  }
0x3b2: {  	[tilespmem:$0x3388] =	vst v0  }
0x3b3: {  	[tilespmem:$0x3398] =	vst v0  }
0x3b4: {  	[tilespmem:$0x33C8] =	vst v0  }
0x3b5: {  	[tilespmem:$0x33D8] =	vst v0  }
0x3b6: {  	[tilespmem:$0x33E8] =	vst v0  }
0x3b7: {  	[tilespmem:$0x33F8] =	vst v0  }
0x3b8: {  	[tilespmem:$0x3408] =	vst v0  }
0x3b9: {  	[tilespmem:$0x3418] =	vst v0  }
0x3ba: {  	[tilespmem:$0x3428] =	vst v0  }
0x3bb: {  	[tilespmem:$0x3438] =	vst v0  }
0x3bc: {  	[tilespmem:$0x3448] =	vst v0  }
0x3bd: {  	[tilespmem:$0x3458] =	vst v0  }
0x3be: {  	[tilespmem:$0x3468] =	vst v0  }
0x3bf: {  	[tilespmem:$0x3478] =	vst v0  }
0x3c0: {  	[tilespmem:$0x3488] =	vst v0  }
0x3c1: {  	[tilespmem:$0x3498] =	vst v0  }
0x3c2: {  	[tilespmem:$0x34A8] =	vst v0  }
0x3c3: {  	[tilespmem:$0x34B8] =	vst v0  }
0x3c4: {  	[tilespmem:$0x34C8] =	vst v0  }
0x3c5: {  	[tilespmem:$0x34D8] =	vst v0  }
0x3c6: {  	[tilespmem:$0x34E8] =	vst v0  }
0x3c7: {  	[tilespmem:$0x34F8] =	vst v0  }
0x3c8: {  	[tilespmem:$0x3508] =	vst v0  }
0x3c9: {  	[tilespmem:$0x3518] =	vst v0  }
0x3ca: {  	[tilespmem:$0x3528] =	vst v0  }
0x3cb: {  	[tilespmem:$0x3538] =	vst v0  }
0x3cc: {  	[tilespmem:$0x3548] =	vst v0  }
0x3cd: {  	[tilespmem:$0x3558] =	vst v0  }
0x3ce: {  	[tilespmem:$0x3568] =	vst v0  }
0x3cf: {  	[tilespmem:$0x3578] =	vst v0  }
0x3d0: {  	[tilespmem:$0x3588] =	vst v0  }
0x3d1: {  	[tilespmem:$0x3598] =	vst v0  }
0x3d2: {  	[tilespmem:$0x35A8] =	vst v0  }
0x3d3: {  	[tilespmem:$0x35B8] =	vst v0  }
0x3d4: {  	[tilespmem:$0x35C8] =	vst v0  }
0x3d5: {  	[tilespmem:$0x35D8] =	vst v0  }
0x3d6: {  	[tilespmem:$0x35E8] =	vst v0  }
0x3d7: {  	[tilespmem:$0x35F8] =	vst v0  }
0x3d8: {  	[tilespmem:$0x3608] =	vst v0  }
0x3d9: {  	[tilespmem:$0x3618] =	vst v0  }
0x3da: {  	[tilespmem:$0x3628] =	vst v0  }
0x3db: {  	[tilespmem:$0x3638] =	vst v0  }
0x3dc: {  	[tilespmem:$0x3648] =	vst v0  }
0x3dd: {  	[tilespmem:$0x3658] =	vst v0  }
0x3de: {  	[tilespmem:$0x3668] =	vst v0  }
0x3df: {  	[tilespmem:$0x3678] =	vst v0  }
0x3e0: {  	[tilespmem:$0x3688] =	vst v0  }
0x3e1: {  	[tilespmem:$0x3698] =	vst v0  }
0x3e2: {  	[tilespmem:$0x36A8] =	vst v0  }
0x3e3: {  	[tilespmem:$0x36B8] =	vst v0  }
0x3e4: {  	[tilespmem:$0x36C8] =	vst v0  }
0x3e5: {  	[tilespmem:$0x36D8] =	vst v0  }
0x3e6: {  	[tilespmem:$0x36E8] =	vst v0  }
0x3e7: {  	[tilespmem:$0x36F8] =	vst v0  }
0x3e8: {  	[tilespmem:$0x3708] =	vst v0  }
0x3e9: {  	[tilespmem:$0x3718] =	vst v0  }
0x3ea: {  	[tilespmem:$0x3728] =	vst v0  }
0x3eb: {  	[tilespmem:$0x3738] =	vst v0  }
0x3ec: {  	[tilespmem:$0x3748] =	vst v0  }
0x3ed: {  	[tilespmem:$0x3758] =	vst v0  }
0x3ee: {  	[tilespmem:$0x3768] =	vst v0  }
0x3ef: {  	[tilespmem:$0x3778] =	vst v0  }
0x3f0: {  	[tilespmem:$0x3788] =	vst v0  }
0x3f1: {  	[tilespmem:$0x3798] =	vst v0  }
0x3f2: {  	[tilespmem:$0x37A8] =	vst v0  }
0x3f3: {  	[tilespmem:$0x37B8] =	vst v0  }
0x3f4: {  	[tilespmem:$0x37C8] =	vst v0  }
0x3f5: {  	[tilespmem:$0x37D8] =	vst v0  }
0x3f6: {  	[tilespmem:$0x37E8] =	vst v0  }
0x3f7: {  	[tilespmem:$0x37F8] =	vst v0  }
0x3f8: {  	[tilespmem:$0x3808] =	vst v0  }
0x3f9: {  	[tilespmem:$0x3818] =	vst v0  }
0x3fa: {  	[tilespmem:$0x3828] =	vst v0  }
0x3fb: {  	[tilespmem:$0x3838] =	vst v0  }
0x3fc: {  	[tilespmem:$0x3848] =	vst v0  }
0x3fd: {  	[tilespmem:$0x3858] =	vst v0  }
0x3fe: {  	[tilespmem:$0x3868] =	vst v0  }
0x3ff: {  	[tilespmem:$0x3878] =	vst v0  }
0x400: {  	[tilespmem:$0x3888] =	vst v0  }
0x401: {  	[tilespmem:$0x3898] =	vst v0  }
0x402: {  	[tilespmem:$0x38A8] =	vst v0  }
0x403: {  	[tilespmem:$0x38B8] =	vst v0  }
0x404: {  	[tilespmem:$0x38C8] =	vst v0  }
0x405: {  	[tilespmem:$0x38D8] =	vst v0  }
0x406: {  	[tilespmem:$0x38E8] =	vst v0  }
0x407: {  	[tilespmem:$0x38F8] =	vst v0  }
0x408: {  	[tilespmem:$0x3908] =	vst v0  }
0x409: {  	[tilespmem:$0x3918] =	vst v0  }
0x40a: {  	[tilespmem:$0x3928] =	vst v0  }
0x40b: {  	[tilespmem:$0x3938] =	vst v0  }
0x40c: {  	[tilespmem:$0x3948] =	vst v0  }
0x40d: {  	[tilespmem:$0x3958] =	vst v0  }
0x40e: {  	[tilespmem:$0x3968] =	vst v0  }
0x40f: {  	[tilespmem:$0x3978] =	vst v0  }
0x410: {  	[tilespmem:$0x3988] =	vst v0  }
0x411: {  	[tilespmem:$0x3998] =	vst v0  }
0x412: {  	[tilespmem:$0x39A8] =	vst v0  }
0x413: {  	[tilespmem:$0x39B8] =	vst v0  }
0x414: {  	[tilespmem:$0x39C8] =	vst v0  }
0x415: {  	[tilespmem:$0x39D8] =	vst v0  }
0x416: {  	[tilespmem:$0x39E8] =	vst v0  }
0x417: {  	[tilespmem:$0x39F8] =	vst v0  }
0x418: {  	[tilespmem:$0x3A08] =	vst v0  }
0x419: {  	[tilespmem:$0x3A18] =	vst v0  }
0x41a: {  	[tilespmem:$0x3A28] =	vst v0  }
0x41b: {  	[tilespmem:$0x3A38] =	vst v0  }
0x41c: {  	[tilespmem:$0x3A48] =	vst v0  }
0x41d: {  	[tilespmem:$0x3A58] =	vst v0  }
0x41e: {  	[tilespmem:$0x3A68] =	vst v0  }
0x41f: {  	[tilespmem:$0x3A78] =	vst v0  }
0x420: {  	[tilespmem:$0x3A88] =	vst v0  }
0x421: {  	[tilespmem:$0x3A98] =	vst v0  }
0x422: {  	[tilespmem:$0x3AA8] =	vst v0  }
0x423: {  	[tilespmem:$0x3AB8] =	vst v0  }
0x424: {  	[tilespmem:$0x3AC8] =	vst v0  }
0x425: {  	[tilespmem:$0x3AD8] =	vst v0  }
0x426: {  	[tilespmem:$0x3AE8] =	vst v0  }
0x427: {  	[tilespmem:$0x3AF8] =	vst v0  }
0x428: {  	[tilespmem:$0x3B08] =	vst v0  }
0x429: {  	[tilespmem:$0x3B18] =	vst v0  }
0x42a: {  	[tilespmem:$0x3B28] =	vst v0  }
0x42b: {  	[tilespmem:$0x3B38] =	vst v0  }
0x42c: {  	[tilespmem:$0x3B48] =	vst v0  }
0x42d: {  	[tilespmem:$0x3B58] =	vst v0  }
0x42e: {  	[tilespmem:$0x3B68] =	vst v0  }
0x42f: {  	[tilespmem:$0x3B78] =	vst v0  }
0x430: {  	[tilespmem:$0x3B88] =	vst v0  }
0x431: {  	[tilespmem:$0x3B98] =	vst v0  }
0x432: {  	[tilespmem:$0x3BA8] =	vst v0  }
0x433: {  	[tilespmem:$0x3BB8] =	vst v0  }
0x434: {  	[tilespmem:$0x3BC8] =	vst v0  }
0x435: {  	[tilespmem:$0x3BD8] =	vst v0  }
0x436: {  	[tilespmem:$0x3BE8] =	vst v0  }
0x437: {  	[tilespmem:$0x3BF8] =	vst v0  }
0x438: {  	[tilespmem:$0x3C08] =	vst v0  }
0x439: {  	[tilespmem:$0x3C18] =	vst v0  }
0x43a: {  	[tilespmem:$0x3C28] =	vst v0  }
0x43b: {  	[tilespmem:$0x3C38] =	vst v0  }
0x43c: {  	[tilespmem:$0x3C48] =	vst v0  }
0x43d: {  	[tilespmem:$0x3C58] =	vst v0  }
0x43e: {  	[tilespmem:$0x3C68] =	vst v0  }
0x43f: {  	[tilespmem:$0x3C78] =	vst v0  }
0x440: {  	[tilespmem:$0x3C88] =	vst v0  }
0x441: {  	[tilespmem:$0x3C98] =	vst v0  }
0x442: {  	[tilespmem:$0x3CA8] =	vst v0  }
0x443: {  	[tilespmem:$0x3CB8] =	vst v0  }
0x444: {  	[tilespmem:$0x3CC8] =	vst v0  }
0x445: {  	[tilespmem:$0x3CD8] =	vst v0  }
0x446: {  	[tilespmem:$0x3CE8] =	vst v0  }
0x447: {  	[tilespmem:$0x3CF8] =	vst v0  }
0x448: {  	[tilespmem:$0x3D08] =	vst v0  }
0x449: {  	[tilespmem:$0x3D18] =	vst v0  }
0x44a: {  	[tilespmem:$0x3D28] =	vst v0  }
0x44b: {  	[tilespmem:$0x3D38] =	vst v0  }
0x44c: {  	[tilespmem:$0x3D48] =	vst v0  }
0x44d: {  	[tilespmem:$0x3D58] =	vst v0  }
0x44e: {  	[tilespmem:$0x3D68] =	vst v0  }
0x44f: {  	[tilespmem:$0x3D78] =	vst v0  }
0x450: {  	[tilespmem:$0x3D88] =	vst v0  }
0x451: {  	[tilespmem:$0x3D98] =	vst v0  }
0x452: {  	[tilespmem:$0x3DA8] =	vst v0  }
0x453: {  	[tilespmem:$0x3DB8] =	vst v0  }
0x454: {  	[tilespmem:$0x3DC8] =	vst v0  }
0x455: {  	[tilespmem:$0x3DD8] =	vst v0  }
0x456: {  	[tilespmem:$0x3DE8] =	vst v0  }
0x457: {  	[tilespmem:$0x3DF8] =	vst v0  }
0x458: {  	[tilespmem:$0x3E08] =	vst v0  }
0x459: {  	[tilespmem:$0x3E18] =	vst v0  }
0x45a: {  	[tilespmem:$0x3E28] =	vst v0  }
0x45b: {  	[tilespmem:$0x3E38] =	vst v0  }
0x45c: {  	[tilespmem:$0x3E48] =	vst v0  }
0x45d: {  	[tilespmem:$0x3E58] =	vst v0  }
0x45e: {  	[tilespmem:$0x3E68] =	vst v0  }
0x45f: {  	[tilespmem:$0x3E78] =	vst v0  }
0x460: {  	[tilespmem:$0x3E88] =	vst v0  }
0x461: {  	[tilespmem:$0x3E98] =	vst v0  }
0x462: {  	[tilespmem:$0x3EA8] =	vst v0  }
0x463: {  	[tilespmem:$0x3EB8] =	vst v0  }
0x464: {  	[tilespmem:$0x3EC8] =	vst v0  }
0x465: {  	[tilespmem:$0x3ED8] =	vst v0  }
0x466: {  	[tilespmem:$0x3EE8] =	vst v0  }
0x467: {  	[tilespmem:$0x3EF8] =	vst v0  }
0x468: {  	[tilespmem:$0x3F08] =	vst v0  }
0x469: {  	[tilespmem:$0x3F18] =	vst v0  }
0x46a: {  	[tilespmem:$0x3F28] =	vst v0  }
0x46b: {  	[tilespmem:$0x3F38] =	vst v0  }
0x46c: {  	[tilespmem:$0x3F48] =	vst v0  }
0x46d: {  	[tilespmem:$0x3F58] =	vst v0  }
0x46e: {  	[tilespmem:$0x3F68] =	vst v0  }
0x46f: {  	[tilespmem:$0x3F78] =	vst v0  }
0x470: {  	[tilespmem:$0x3F88] =	vst v0  }
0x471: {  	[tilespmem:$0x3F98] =	vst v0  }
0x472: {  	[tilespmem:$0x3FA8] =	vst v0  }
0x473: {  	[tilespmem:$0x3FB8] =	vst v0  }
0x474: {  	[tilespmem:$0x3FC8] =	vst v0  }
0x475: {  	[tilespmem:$0x3FD8] =	vst v0  }
0x476: {  	[tilespmem:$0x3FE8] =	vst v0  }
0x477: {  	[tilespmem:$0x3FF8] =	vst v0  }
0x478: {  	[tilespmem:$0x4008] =	vst v0  }
0x479: {  	[tilespmem:$0x4018] =	vst v0  }
0x47a: {  	[tilespmem:$0x4028] =	vst v0  }
0x47b: {  	[tilespmem:$0x4038] =	vst v0  }
0x47c: {  	[tilespmem:$0x4048] =	vst v0  }
0x47d: {  	[tilespmem:$0x4058] =	vst v0  }
0x47e: {  	[tilespmem:$0x4068] =	vst v0  }
0x47f: {  	[tilespmem:$0x4078] =	vst v0  }
0x480: {  	[tilespmem:$0x4088] =	vst v0  }
0x481: {  	[tilespmem:$0x4098] =	vst v0  }
0x482: {  	[tilespmem:$0x40A8] =	vst v0  }
0x483: {  	[tilespmem:$0x40B8] =	vst v0  }
0x484: {  	[tilespmem:$0x40C8] =	vst v0  }
0x485: {  	[tilespmem:$0x40D8] =	vst v0  }
0x486: {  	[tilespmem:$0x40E8] =	vst v0  }
0x487: {  	[tilespmem:$0x40F8] =	vst v0  }
0x488: {  	[tilespmem:$0x4108] =	vst v0  }
0x489: {  	[tilespmem:$0x4118] =	vst v0  }
0x48a: {  	[tilespmem:$0x4128] =	vst v0  }
0x48b: {  	[tilespmem:$0x4138] =	vst v0  }
0x48c: {  	[tilespmem:$0x4148] =	vst v0  }
0x48d: {  	[tilespmem:$0x4158] =	vst v0  }
0x48e: {  	[tilespmem:$0x4168] =	vst v0  }
0x48f: {  	[tilespmem:$0x4178] =	vst v0  }
0x490: {  	[tilespmem:$0x4188] =	vst v0  }
0x491: {  	[tilespmem:$0x4198] =	vst v0  }
0x492: {  	[tilespmem:$0x41A8] =	vst v0  }
0x493: {  	[tilespmem:$0x41B8] =	vst v0  }
0x494: {  	[tilespmem:$0x41C8] =	vst v0  }
0x495: {  	[tilespmem:$0x41D8] =	vst v0  }
0x496: {  	[tilespmem:$0x41E8] =	vst v0  }
0x497: {  	[tilespmem:$0x41F8] =	vst v0  }
0x498: {  	[tilespmem:$0x4208] =	vst v0  }
0x499: {  	[tilespmem:$0x4218] =	vst v0  }
0x49a: {  	[tilespmem:$0x4228] =	vst v0  }
0x49b: {  	[tilespmem:$0x4238] =	vst v0  }
0x49c: {  	[tilespmem:$0x4248] =	vst v0  }
0x49d: {  	[tilespmem:$0x4258] =	vst v0  }
0x49e: {  	[tilespmem:$0x4268] =	vst v0  }
0x49f: {  	[tilespmem:$0x4278] =	vst v0  }
0x4a0: {  	[tilespmem:$0x4288] =	vst v0  }
0x4a1: {  	[tilespmem:$0x4298] =	vst v0  }
0x4a2: {  	[tilespmem:$0x42A8] =	vst v0  }
0x4a3: {  	[tilespmem:$0x42B8] =	vst v0  }
0x4a4: {  	[tilespmem:$0x42C8] =	vst v0  }
0x4a5: {  	[tilespmem:$0x42D8] =	vst v0  }
0x4a6: {  	[tilespmem:$0x42E8] =	vst v0  }
0x4a7: {  	[tilespmem:$0x42F8] =	vst v0  }
0x4a8: {  	[tilespmem:$0x4308] =	vst v0  }
0x4a9: {  	[tilespmem:$0x4318] =	vst v0  }
0x4aa: {  	[tilespmem:$0x4328] =	vst v0  }
0x4ab: {  	[tilespmem:$0x4338] =	vst v0  }
0x4ac: {  	[tilespmem:$0x4348] =	vst v0  }
0x4ad: {  	[tilespmem:$0x4358] =	vst v0  }
0x4ae: {  	[tilespmem:$0x4368] =	vst v0  }
0x4af: {  	[tilespmem:$0x4378] =	vst v0  }
0x4b0: {  	[tilespmem:$0x4388] =	vst v0  }
0x4b1: {  	[tilespmem:$0x4398] =	vst v0  }
0x4b2: {  	[tilespmem:$0x43A8] =	vst v0  }
0x4b3: {  	[tilespmem:$0x43C8] =	vst v0  }
0x4b4: {  	[tilespmem:$0x4478] =	vst v0  }
0x4b5: {  	[tilespmem:$0x52A8] =	vst v0  }
0x4b6: {  	[tilespmem:$0x5298] =	vst v0  }
0x4b7: {  	[tilespmem:$0x5288] =	vst v0  }
0x4b8: {  	[tilespmem:$0x5278] =	vst v0  }
0x4b9: {  	[tilespmem:$0x5268] =	vst v0  }
0x4ba: {  	[tilespmem:$0x5258] =	vst v0  }
0x4bb: {  	[tilespmem:$0x5248] =	vst v0  }
0x4bc: {  	[tilespmem:$0x5238] =	vst v0  }
0x4bd: {  	[tilespmem:$0x5228] =	vst v0  }
0x4be: {  	[tilespmem:$0x5218] =	vst v0  }
0x4bf: {  	[tilespmem:$0x5208] =	vst v0  }
0x4c0: {  	[tilespmem:$0x51F8] =	vst v0  }
0x4c1: {  	[tilespmem:$0x51E8] =	vst v0  }
0x4c2: {  	[tilespmem:$0x51D8] =	vst v0  }
0x4c3: {  	[tilespmem:$0x51C8] =	vst v0  }
0x4c4: {  	[tilespmem:$0x51B8] =	vst v0  }
0x4c5: {  	[tilespmem:$0x51A8] =	vst v0  }
0x4c6: {  	[tilespmem:$0x5198] =	vst v0  }
0x4c7: {  	[tilespmem:$0x5188] =	vst v0  }
0x4c8: {  	[tilespmem:$0x5178] =	vst v0  }
0x4c9: {  	[tilespmem:$0x5168] =	vst v0  }
0x4ca: {  	[tilespmem:$0x5158] =	vst v0  }
0x4cb: {  	[tilespmem:$0x5148] =	vst v0  }
0x4cc: {  	[tilespmem:$0x5138] =	vst v0  }
0x4cd: {  	[tilespmem:$0x5128] =	vst v0  }
0x4ce: {  	[tilespmem:$0x5118] =	vst v0  }
0x4cf: {  	[tilespmem:$0x5108] =	vst v0  }
0x4d0: {  	[tilespmem:$0x50F8] =	vst v0  }
0x4d1: {  	[tilespmem:$0x50E8] =	vst v0  }
0x4d2: {  	[tilespmem:$0x50D8] =	vst v0  }
0x4d3: {  	[tilespmem:$0x50C8] =	vst v0  }
0x4d4: {  	[tilespmem:$0x50B8] =	vst v0  }
0x4d5: {  	[tilespmem:$0x50A8] =	vst v0  }
0x4d6: {  	[tilespmem:$0x5098] =	vst v0  }
0x4d7: {  	[tilespmem:$0x5088] =	vst v0  }
0x4d8: {  	[tilespmem:$0x5078] =	vst v0  }
0x4d9: {  	[tilespmem:$0x5068] =	vst v0  }
0x4da: {  	[tilespmem:$0x5058] =	vst v0  }
0x4db: {  	[tilespmem:$0x5048] =	vst v0  }
0x4dc: {  	[tilespmem:$0x5038] =	vst v0  }
0x4dd: {  	[tilespmem:$0x5028] =	vst v0  }
0x4de: {  	[tilespmem:$0x5018] =	vst v0  }
0x4df: {  	[tilespmem:$0x5008] =	vst v0  }
0x4e0: {  	[tilespmem:$0x4FF8] =	vst v0  }
0x4e1: {  	[tilespmem:$0x4FE8] =	vst v0  }
0x4e2: {  	[tilespmem:$0x4FD8] =	vst v0  }
0x4e3: {  	[tilespmem:$0x4FC8] =	vst v0  }
0x4e4: {  	[tilespmem:$0x4FB8] =	vst v0  }
0x4e5: {  	[tilespmem:$0x4FA8] =	vst v0  }
0x4e6: {  	[tilespmem:$0x4F98] =	vst v0  }
0x4e7: {  	[tilespmem:$0x4F88] =	vst v0  }
0x4e8: {  	[tilespmem:$0x4F78] =	vst v0  }
0x4e9: {  	[tilespmem:$0x4F68] =	vst v0  }
0x4ea: {  	[tilespmem:$0x4F58] =	vst v0  }
0x4eb: {  	[tilespmem:$0x4F48] =	vst v0  }
0x4ec: {  	[tilespmem:$0x4F38] =	vst v0  }
0x4ed: {  	[tilespmem:$0x4F28] =	vst v0  }
0x4ee: {  	[tilespmem:$0x4F18] =	vst v0  }
0x4ef: {  	[tilespmem:$0x4F08] =	vst v0  }
0x4f0: {  	[tilespmem:$0x4EF8] =	vst v0  }
0x4f1: {  	[tilespmem:$0x4EE8] =	vst v0  }
0x4f2: {  	[tilespmem:$0x4ED8] =	vst v0  }
0x4f3: {  	[tilespmem:$0x4EC8] =	vst v0  }
0x4f4: {  	[tilespmem:$0x4EB8] =	vst v0  }
0x4f5: {  	[tilespmem:$0x4EA8] =	vst v0  }
0x4f6: {  	[tilespmem:$0x4E98] =	vst v0  }
0x4f7: {  	[tilespmem:$0x4E88] =	vst v0  }
0x4f8: {  	[tilespmem:$0x4E78] =	vst v0  }
0x4f9: {  	[tilespmem:$0x4E68] =	vst v0  }
0x4fa: {  	[tilespmem:$0x4E58] =	vst v0  }
0x4fb: {  	[tilespmem:$0x4E48] =	vst v0  }
0x4fc: {  	[tilespmem:$0x4E38] =	vst v0  }
0x4fd: {  	[tilespmem:$0x4E28] =	vst v0  }
0x4fe: {  	[tilespmem:$0x4E18] =	vst v0  }
0x4ff: {  	[tilespmem:$0x4E08] =	vst v0  }
0x500: {  	[tilespmem:$0x4DF8] =	vst v0  }
0x501: {  	[tilespmem:$0x4DE8] =	vst v0  }
0x502: {  	[tilespmem:$0x4DD8] =	vst v0  }
0x503: {  	[tilespmem:$0x4DC8] =	vst v0  }
0x504: {  	[tilespmem:$0x4DB8] =	vst v0  }
0x505: {  	[tilespmem:$0x4DA8] =	vst v0  }
0x506: {  	[tilespmem:$0x4D98] =	vst v0  }
0x507: {  	[tilespmem:$0x4D88] =	vst v0  }
0x508: {  	[tilespmem:$0x4D78] =	vst v0  }
0x509: {  	[tilespmem:$0x4D68] =	vst v0  }
0x50a: {  	[tilespmem:$0x4D58] =	vst v0  }
0x50b: {  	[tilespmem:$0x4D48] =	vst v0  }
0x50c: {  	[tilespmem:$0x4D38] =	vst v0  }
0x50d: {  	[tilespmem:$0x4D28] =	vst v0  }
0x50e: {  	[tilespmem:$0x4D18] =	vst v0  }
0x50f: {  	[tilespmem:$0x4D08] =	vst v0  }
0x510: {  	[tilespmem:$0x4CF8] =	vst v0  }
0x511: {  	[tilespmem:$0x4CE8] =	vst v0  }
0x512: {  	[tilespmem:$0x4CD8] =	vst v0  }
0x513: {  	[tilespmem:$0x4CC8] =	vst v0  }
0x514: {  	[tilespmem:$0x4CB8] =	vst v0  }
0x515: {  	[tilespmem:$0x4CA8] =	vst v0  }
0x516: {  	[tilespmem:$0x4C98] =	vst v0  }
0x517: {  	[tilespmem:$0x4C88] =	vst v0  }
0x518: {  	[tilespmem:$0x4C78] =	vst v0  }
0x519: {  	[tilespmem:$0x4C68] =	vst v0  }
0x51a: {  	[tilespmem:$0x4C58] =	vst v0  }
0x51b: {  	[tilespmem:$0x4C48] =	vst v0  }
0x51c: {  	[tilespmem:$0x4C38] =	vst v0  }
0x51d: {  	[tilespmem:$0x4C28] =	vst v0  }
0x51e: {  	[tilespmem:$0x4C18] =	vst v0  }
0x51f: {  	[tilespmem:$0x4C08] =	vst v0  }
0x520: {  	[tilespmem:$0x4BF8] =	vst v0  }
0x521: {  	[tilespmem:$0x4BE8] =	vst v0  }
0x522: {  	[tilespmem:$0x4BD8] =	vst v0  }
0x523: {  	[tilespmem:$0x4BC8] =	vst v0  }
0x524: {  	[tilespmem:$0x4BB8] =	vst v0  }
0x525: {  	[tilespmem:$0x4BA8] =	vst v0  }
0x526: {  	[tilespmem:$0x4B98] =	vst v0  }
0x527: {  	[tilespmem:$0x4B88] =	vst v0  }
0x528: {  	[tilespmem:$0x4B78] =	vst v0  }
0x529: {  	[tilespmem:$0x4B68] =	vst v0  }
0x52a: {  	[tilespmem:$0x4B58] =	vst v0  }
0x52b: {  	[tilespmem:$0x4B48] =	vst v0  }
0x52c: {  	[tilespmem:$0x4B38] =	vst v0  }
0x52d: {  	[tilespmem:$0x4B28] =	vst v0  }
0x52e: {  	[tilespmem:$0x4B18] =	vst v0  }
0x52f: {  	[tilespmem:$0x4B08] =	vst v0  }
0x530: {  	[tilespmem:$0x4AF8] =	vst v0  }
0x531: {  	[tilespmem:$0x4AE8] =	vst v0  }
0x532: {  	[tilespmem:$0x4AD8] =	vst v0  }
0x533: {  	[tilespmem:$0x4AC8] =	vst v0  }
0x534: {  	[tilespmem:$0x4AB8] =	vst v0  }
0x535: {  	[tilespmem:$0x4AA8] =	vst v0  }
0x536: {  	[tilespmem:$0x4A98] =	vst v0  }
0x537: {  	[tilespmem:$0x4A88] =	vst v0  }
0x538: {  	[tilespmem:$0x4A78] =	vst v0  }
0x539: {  	[tilespmem:$0x4A68] =	vst v0  }
0x53a: {  	[tilespmem:$0x4A58] =	vst v0  }
0x53b: {  	[tilespmem:$0x4A48] =	vst v0  }
0x53c: {  	[tilespmem:$0x4A38] =	vst v0  }
0x53d: {  	[tilespmem:$0x4A28] =	vst v0  }
0x53e: {  	[tilespmem:$0x4A18] =	vst v0  }
0x53f: {  	[tilespmem:$0x4A08] =	vst v0  }
0x540: {  	[tilespmem:$0x49F8] =	vst v0  }
0x541: {  	[tilespmem:$0x49E8] =	vst v0  }
0x542: {  	[tilespmem:$0x49D8] =	vst v0  }
0x543: {  	[tilespmem:$0x49C8] =	vst v0  }
0x544: {  	[tilespmem:$0x49B8] =	vst v0  }
0x545: {  	[tilespmem:$0x49A8] =	vst v0  }
0x546: {  	[tilespmem:$0x4998] =	vst v0  }
0x547: {  	[tilespmem:$0x4988] =	vst v0  }
0x548: {  	[tilespmem:$0x4978] =	vst v0  }
0x549: {  	[tilespmem:$0x4968] =	vst v0  }
0x54a: {  	[tilespmem:$0x4958] =	vst v0  }
0x54b: {  	[tilespmem:$0x4948] =	vst v0  }
0x54c: {  	[tilespmem:$0x4938] =	vst v0  }
0x54d: {  	[tilespmem:$0x4928] =	vst v0  }
0x54e: {  	[tilespmem:$0x4918] =	vst v0  }
0x54f: {  	[tilespmem:$0x4908] =	vst v0  }
0x550: {  	[tilespmem:$0x48F8] =	vst v0  }
0x551: {  	[tilespmem:$0x48E8] =	vst v0  }
0x552: {  	[tilespmem:$0x48D8] =	vst v0  }
0x553: {  	[tilespmem:$0x48C8] =	vst v0  }
0x554: {  	[tilespmem:$0x48B8] =	vst v0  }
0x555: {  	[tilespmem:$0x48A8] =	vst v0  }
0x556: {  	[tilespmem:$0x4898] =	vst v0  }
0x557: {  	[tilespmem:$0x4888] =	vst v0  }
0x558: {  	[tilespmem:$0x4878] =	vst v0  }
0x559: {  	[tilespmem:$0x4868] =	vst v0  }
0x55a: {  	[tilespmem:$0x4858] =	vst v0  }
0x55b: {  	[tilespmem:$0x4848] =	vst v0  }
0x55c: {  	[tilespmem:$0x4838] =	vst v0  }
0x55d: {  	[tilespmem:$0x4828] =	vst v0  }
0x55e: {  	[tilespmem:$0x4818] =	vst v0  }
0x55f: {  	[tilespmem:$0x4808] =	vst v0  }
0x560: {  	[tilespmem:$0x47F8] =	vst v0  }
0x561: {  	[tilespmem:$0x47E8] =	vst v0  }
0x562: {  	[tilespmem:$0x47D8] =	vst v0  }
0x563: {  	[tilespmem:$0x47C8] =	vst v0  }
0x564: {  	[tilespmem:$0x47B8] =	vst v0  }
0x565: {  	[tilespmem:$0x47A8] =	vst v0  }
0x566: {  	[tilespmem:$0x4798] =	vst v0  }
0x567: {  	[tilespmem:$0x4788] =	vst v0  }
0x568: {  	[tilespmem:$0x4778] =	vst v0  }
0x569: {  	[tilespmem:$0x4768] =	vst v0  }
0x56a: {  	[tilespmem:$0x4758] =	vst v0  }
0x56b: {  	[tilespmem:$0x4748] =	vst v0  }
0x56c: {  	[tilespmem:$0x4738] =	vst v0  }
0x56d: {  	[tilespmem:$0x4728] =	vst v0  }
0x56e: {  	[tilespmem:$0x4718] =	vst v0  }
0x56f: {  	[tilespmem:$0x4708] =	vst v0  }
0x570: {  	[tilespmem:$0x46F8] =	vst v0  }
0x571: {  	[tilespmem:$0x46E8] =	vst v0  }
0x572: {  	[tilespmem:$0x46D8] =	vst v0  }
0x573: {  	[tilespmem:$0x46C8] =	vst v0  }
0x574: {  	[tilespmem:$0x46B8] =	vst v0  }
0x575: {  	[tilespmem:$0x46A8] =	vst v0  }
0x576: {  	[tilespmem:$0x4698] =	vst v0  }
0x577: {  	[tilespmem:$0x4688] =	vst v0  }
0x578: {  	[tilespmem:$0x4678] =	vst v0  }
0x579: {  	[tilespmem:$0x4668] =	vst v0  }
0x57a: {  	[tilespmem:$0x4658] =	vst v0  }
0x57b: {  	[tilespmem:$0x4648] =	vst v0  }
0x57c: {  	[tilespmem:$0x4638] =	vst v0  }
0x57d: {  	[tilespmem:$0x4628] =	vst v0  }
0x57e: {  	[tilespmem:$0x4618] =	vst v0  }
0x57f: {  	[tilespmem:$0x4608] =	vst v0  }
0x580: {  	[tilespmem:$0x45F8] =	vst v0  }
0x581: {  	[tilespmem:$0x45E8] =	vst v0  }
0x582: {  	[tilespmem:$0x45D8] =	vst v0  }
0x583: {  	[tilespmem:$0x45C8] =	vst v0  }
0x584: {  	[tilespmem:$0x45B8] =	vst v0  }
0x585: {  	[tilespmem:$0x45A8] =	vst v0  }
0x586: {  	[tilespmem:$0x4598] =	vst v0  }
0x587: {  	[tilespmem:$0x4588] =	vst v0  }
0x588: {  	[tilespmem:$0x4578] =	vst v0  }
0x589: {  	[tilespmem:$0x4568] =	vst v0  }
0x58a: {  	[tilespmem:$0x4558] =	vst v0  }
0x58b: {  	[tilespmem:$0x4548] =	vst v0  }
0x58c: {  	[tilespmem:$0x4538] =	vst v0  }
0x58d: {  	[tilespmem:$0x4528] =	vst v0  }
0x58e: {  	[tilespmem:$0x4518] =	vst v0  }
0x58f: {  	[tilespmem:$0x4508] =	vst v0  }
0x590: {  	[tilespmem:$0x44F8] =	vst v0  }
0x591: {  	[tilespmem:$0x44E8] =	vst v0  }
0x592: {  	[tilespmem:$0x44D8] =	vst v0  }
0x593: {  	[tilespmem:$0x44C8] =	vst v0  }
0x594: {  	[tilespmem:$0x44B8] =	vst v0  }
0x595: {  	s10 =	stileid.u32;
	[tilespmem:$0x44A8] =	vst v0  }
0x596: {  	s26 =	smul.u32 $0x22, s10;
	[tilespmem:$0x4498] =	vst v0  }
0x597: {  	s1 =	smin.u32 s10, $0xC;
	[tilespmem:$0x4488] =	vst v0  }
0x598: {  	[tilespmem:$0x4458] =	vst v0;
	s0 =	sadd.s32 s1, s26  }
0x599: {  	p0 =	slt.u32 s10, $0xC;
	[tilespmem:$0x4468] =	vst v0;
	s1 =	simm.s32 $0x13B0;
	s8 =	smul.u32 $0x90, s0  }
0x59a: {  	[tilespmem:$0x4448] =	vst v0;
	s1 =	simm.s32 @!p0 $0x1320  }
0x59b: {  	s5 =	simm.s32 $0x2;
	[tilespmem:$0x43D8] =	vst v0;
	s0 =	sadd.s32 s1, s8  }
0x59c: {  	s7 =	simm.s32 $0x9;
	s29 =	simm.s32 $0xA;
	[tilespmem:$0x4438] =	vst v0;
	s9 =	smin.u32 s0, $0x13880  }
0x59d: {  	s30 =	simm.s32 $0xB;
	s24 =	simm.s32 $0x0;
	[tilespmem:$0x4428] =	vst v0;
	s0 =	ssub.s32 s9, s8  }
0x59e: {  	p1 =	por $0x0, $0x0;
	s18 =	simm.s32 $0x80;
	[tilespmem:$0x4418] =	vst v0;
	p0 =	sgt.s32 s0, $0x0  }
0x59f: {  	s19 =	simm.s32 $0x400;
	s20 =	simm.s32 $0xC;
	[tilespmem:$0x4408] =	vst v0;
	s0 =	simm.s32 @!p0 $0x0  }
0x5a0: {  	s21 =	simm.s32 $0x0;
	s2 =	sand.u32 $0x1, s2;
	[tilespmem:$0x43F8] =	vst v0;
	s28 =	smulhi.u32 $0x38E38E39, s0  }
0x5a1: {  	s23 =	simm.s32 $0x0;
	s31 =	smul.u32 $0x480, s10;
	[dreg:$0x4] =	wrdreg s2;
	[tilespmem:$0x43E8] =	vst v0  }
0x5a2: {  	[tilespmem:$0x43B8] =	vst v0;
	s2 =	smul.u32 $0x2710, s2;
	[sflag:s5] =	ssyncpa.u1 $0x0;
	v0 =	vimm.s32 $0xFFFFFFFF;
	s1 =	sshrl.u32 s28, $0x5  }
0x5a3: {  	s5 =	sadd.s32 $0x2CC200, s4;
	[tilespmem:$0xA448] =	vst v0;
	[sflag:s7] =	ssyncpa.u1 $0x0;
	s6 =	smul.u32 $0x90, s1  }
.Ltmp8:
0x5a4: {  	s16 =	sshrl.u32 s31, $0x2;
	s2 =	sadd.s32 s2, s4;
	(pc) =	sbr.rel .LBB3_1-.Ltmp8, $4  }
0x5a5: {  	[sflag:s29] =	ssyncpa.u1 $0x0;
	p0 =	sne.s32 s0, s6;
	s0 =	simm.s32 $0x1  }
0x5a6: {  	s4 =	sadd.s32 $0x4EF200, s4;
	[sflag:s30] =	ssyncpa.u1 $0x0;
	s0 =	simm.s32 @!p0 $0x0  }
0x5a7: {  	s12 =	sadd.s32 $0x3000, s2;
	s17 =	sadd.s32 $0x9D1200, s2;
	s13 =	sadd.s32 s0, s1  }
0x5a8: {  	v0 =	vlaneseq.u32;
	s22 =	smov.u32 s8;
	p0 =	por $0x1, $0x1;
	s15 =	sadd.s32 $0x1, s13  }
.LBB3_22:
0x5a9: {  	s1 =	sshrl.u32 s1, $0x2  }
.LBB3_24:
0x5aa: {  	_ =	swait.ge [sflag:s20], s1  }
0x5ab: {  	s31 =	ssub.s32 $0x0, s1;
	v1 =	vmov s26;
	vm0 =	veq.s32 v0, $0x0;
	[sflag:s20] =	ssyncset.done $0x0  }
0x5ac: {  	vm15 =	veq.s32 v0, $0x2;
	v1 =	vsel vm0, s0, v1;
	[sflag:s20] =	ssyncadd.s32 s31  }
0x5ad: {  	v1 =	vsel vm15, s24, v1;
	[sflag:s20] =	ssyncpa.u1 $0x1  }
0x5ae: {  	[tilespmem:$0xA448] =	vst v1  }
.LBB3_25:
0x5af: {  	s0 =	sadd.s32 $0x90, s22  }
0x5b0: {  	s1 =	smov.u32 s8;
	p2 =	slt.s32 s0, s9  }
0x5b1: {  	s1 =	smov.u32 @p2 s0;
	p2 =	sne.s32 s23, s15  }
.Ltmp9:
0x5b2: {  	_ = 	snop;
	(pc) =	sbr.rel @!p2 .LBB3_26-.Ltmp9, $4  }
0x5b3: {  	_ = 	snop  }
0x5b4: {  	s24 =	smov.u32 s21  }
0x5b5: {  	s31 =	sadd.s32 $0x1, s23;
	s21 =	smov.u32 s22;
	p0 =	por !p0, !p0  }
0x5b6: {  	p1 =	por !p1, !p1;
	s23 =	smov.u32 s31;
	s22 =	smov.u32 s1  }
.LBB3_1:
0x5b7: {  	p2 =	sge.u32 s23, s13  }
0x5b8: {  	s0 =	smulhi.u32 @!p2 $0xAAAAAAAB, s23  }
0x5b9: {  	s1 =	smov.u32 s22;
	p3 =	sgt.s32 @!p2 s22, $0x137F0  }
0x5ba: {  	s2 =	sshra.s32 @!p2 s22, $0x1F;
	p3 =	por !p3, p2;
	s0 =	sshrl.u32 @!p2 s0, $0x1  }
0x5bb: {  	s2 =	sand.u32 @!p2 s2, s22;
	s1 =	simm.s32 @p3 $0x137F0;
	s0 =	smul.u32 @!p2 $0x3, s0  }
0x5bc: {  	s1 =	ssub.s32 @!p2 s1, s2  }
0x5bd: {  	s1 =	sadd.s32 @!p2 $0xFFFEC810, s1;
	s0 =	ssub.s32 @!p2 s23, s0  }
0x5be: {  	s2 =	sshll.u32 @!p2 s1, $0x2;
	p3 =	sgt.s32 @!p2 s1, $0x8F;
	s0 =	smul.u32 @!p2 $0x240, s0  }
0x5bf: {  	s6 =	sand.u32 @!p2 $0x7, s22;
	s1 =	ssub.s32 @!p2 $0x240, s2;
	p3 =	por !p3, p2  }
0x5c0: {  	s2 =	sshrl.u32 @!p2 s22, $0x3;
	s1 =	sshrl.u32 @!p2 s1, $0x2;
	s0 =	sshrl.u32 @!p2 s0, $0x2  }
0x5c1: {  	s2 =	sadd.s32 @!p2 s2, s12;
	s1 =	simm.s32 @!p3 $0x0;
	s0 =	sadd.s32 @!p2 $0xB688, s0  }
0x5c2: {  	[tilespmem:s0], [sflag:$0xA] =	stream.linear.gather @!p2 [hbm4b:s2+s6], s1, $0x38;
	[tilespmem:$0x1D958] =	vst v63  }
0x5c3: {  	s1 =	sadd.s32 $0xFFFFFFFF, s23  }
0x5c4: {  	p2 =	sge.u32 s1, s13  }
0x5c5: {  	p3 =	sgt.s32 @!p2 s21, $0x137F0  }
0x5c6: {  	s0 =	smov.u32 s21;
	s2 =	sshra.s32 @!p2 s21, $0x1F;
	p3 =	por !p3, p2  }
0x5c7: {  	s2 =	sand.u32 @!p2 s2, s21;
	s0 =	simm.s32 @p3 $0x137F0  }
0x5c8: {  	s0 =	ssub.s32 @!p2 s0, s2  }
0x5c9: {  	s0 =	sadd.s32 @!p2 $0xFFFEC810, s0  }
0x5ca: {  	s2 =	sshll.u32 @!p2 s0, $0x2  }
0x5cb: {  	p3 =	sgt.s32 @!p2 s0, $0x8F;
	s0 =	ssub.s32 @!p2 $0x240, s2  }
0x5cc: {  	p3 =	por !p3, p2;
	s0 =	sshrl.u32 @!p2 s0, $0x2  }
0x5cd: {  	s6 =	simm.s32 @!p2 $0xA;
	s2 =	sand.u32 @!p2 $0x1, s1;
	s0 =	simm.s32 @!p3 $0x0  }
0x5ce: {  	s2 =	smul.u32 @!p2 $0x240, s2;
	_ =	swait.ge @!p2 [sflag:s6], s0  }
0x5cf: {  	s7 =	ssub.s32 @!p2 $0x0, s0;
	[sflag:s6] =	ssyncset.done @!p2 $0x0  }
0x5d0: {  	s2 =	sshrl.u32 @!p2 s2, $0x2;
	[sflag:s6] =	ssyncadd.s32 @!p2 s7;
	s6 =	sshrl.u32 @!p2 s21, $0x3  }
0x5d1: {  	s2 =	sadd.s32 @!p2 $0xB838, s2;
	s7 =	sand.u32 @!p2 $0x7, s21;
	s6 =	sadd.s32 @!p2 s6, s17  }
0x5d2: {  	[tilespmem:s2], [sflag:$0xB] =	stream.linear.gather @!p2 [hbm4b:s6+s7], s0, $0x38;
	[tilespmem:$0x1D958] =	vst v63  }
0x5d3: {  	s0 =	ssub.s32 @!p2 $0x13880, s21  }
0x5d4: {  	p3 =	slt.s32 @!p2 s0, $0x1  }
0x5d5: {  	p3 =	por p2, p3  }
.Ltmp10:
0x5d6: {  	_ = 	snop;
	(pc) =	sbr.rel @p3 .LBB3_7-.Ltmp10, $1  }
0x5d7: {  	_ =	sdelay $0x3  }
0x5d8: {  	s2 =	smulhi.u32 $0xAAAAAAAB, s1;
	_ =	sdelay $0x1  }
0x5d9: {  	s2 =	sshrl.u32 s2, $0x1  }
0x5da: {  	s2 =	smul.u32 $0x3, s2;
	_ =	sdelay $0x1  }
0x5db: {  	s29 =	ssub.s32 s1, s2  }
0x5dc: {  	s6 =	simm.s32 $0x1;
	s1 =	smul.u32 $0x240, s29  }
.Ltmp11:
0x5dd: {  	s6 =	simm.s32 @!p0 $0x0;
	(pc) =	sbr.rel .LBB3_4-.Ltmp11, $4  }
0x5de: {  	s30 =	smul.u32 $0x24000, s6  }
0x5df: {  	p3 =	slt.s32 @!p2 s0, $0x90;
	s1 =	sshrl.u32 s1, $0x2  }
0x5e0: {  	p2 =	por !p3, p2;
	s2 =	sshrl.u32 s30, $0x2;
	s31 =	sadd.s32 $0xB688, s1  }
0x5e1: {  	s0 =	simm.s32 @p2 $0x90;
	s1 =	sadd.s32 $0xB958, s2;
	s2 =	simm.s32 $0x0;
	v1 =	vmov s31  }
.LBB3_3:
0x5e2: {  	p2 =	sge.s32 s2, s0  }
.Ltmp12:
0x5e3: {  	_ = 	snop;
	(pc) =	sbr.rel @p2 .LBB3_7-.Ltmp12, $2  }
0x5e4: {  	_ =	sdelay $0x2  }
0x5e5: {  	s1 =	sadd.s32 $0x1000, s1  }
.LBB3_4:
0x5e6: {  	p2 =	sle.s32 s0, s2  }
.Ltmp13:
0x5e7: {  	_ = 	snop;
	(pc) =	sbr.rel @p2 .LBB3_3-.Ltmp13, $2  }
0x5e8: {  	_ =	sdelay $0x2  }
0x5e9: {  	s7 =	smov.u32 s2;
	s2 =	sadd.s32 $0x10, s2  }
0x5ea: {  	s6 =	ssub.s32 s0, s7  }
0x5eb: {  	p2 =	slt.s32 s6, $0x10  }
0x5ec: {  	s6 =	simm.s32 @!p2 $0x10  }
0x5ed: {  	v2 =	vmov s6  }
0x5ee: {  	vm0 =	vgt.s32 v2, v0;
	_ =	sdelay $0x5  }
0x5ef: {  	v2 =	vld.idx.msk [tilespmem:v1+s7+$0x0 ss:$0x1], vm0;
	_ =	sdelay $0x2  }
0x5f0: {  	p2 =	slt.s32 s2, s0;
	s6 =	smov.u32 s0  }
0x5f1: {  	s10 =	smov.u32 s1;
	s25 =	simm.s32 $0x0;
	s6 =	smov.u32 @p2 s2  }
.LBB3_6:
0x5f2: {  	(v2sf) =	vpush v2, s25;
	_ =	sdelay $0xe  }
0x5f3: {  	s25 =	sadd.s32 $0x1, s25;
	s11 =	spop (v2sf)  }
0x5f4: {  	s31 =	sadd.s32 s25, s7;
	s26 =	sshll.u32 s11, $0x8;
	s11 =	sshll.u32 s11, $0x7  }
0x5f5: {  	p2 =	slt.s32 s31, s6;
	s26 =	sand.u32 $0xFFFFF800, s26;
	s11 =	sand.u32 $0x380, s11  }
.Ltmp14:
0x5f6: {  	s11 =	sor.u32 s11, s26;
	(pc) =	sbr.rel @p2 .LBB3_6-.Ltmp14, $4  }
0x5f7: {  	s11 =	sshrl.u32 s11, $0x3  }
0x5f8: {  	s11 =	sadd.s32 s4, s11  }
0x5f9: {  	[tilespmem:s10], [sflag:$0x9] =	stream.strided.gather [hbm4b:s11+s18], $0x100, s19, s18, $0x38;
	[tilespmem:$0x1D958] =	vst v63  }
0x5fa: {  	s10 =	sadd.s32 $0x100, s10  }
.Ltmp15:
0x5fb: {  	_ = 	snop;
	(pc) =	sbr.rel .LBB3_3-.Ltmp15, $1  }
0x5fc: {  	_ =	sdelay $0x3  }
.LBB3_7:
0x5fd: {  	p2 =	slt.u32 s23, $0x2  }
.Ltmp16:
0x5fe: {  	_ = 	snop;
	(pc) =	sbr.rel @p2 .LBB3_25-.Ltmp16, $1  }
0x5ff: {  	_ =	sdelay $0x3  }
0x600: {  	p2 =	sgt.s32 s24, $0x137F0  }
0x601: {  	s0 =	smov.u32 s24;
	s1 =	sshra.s32 s24, $0x1F;
	s2 =	ssub.s32 $0x13880, s24  }
0x602: {  	s0 =	simm.s32 @!p2 $0x137F0;
	s1 =	sand.u32 s1, s24;
	p2 =	slt.s32 s2, $0x90  }
0x603: {  	s0 =	ssub.s32 s0, s1;
	s2 =	simm.s32 @!p2 $0x90  }
0x604: {  	s0 =	sadd.s32 $0xFFFEC810, s0;
	s14 =	sshll.u32 s2, $0x8  }
0x605: {  	s29 =	simm.s32 $0x9;
	s25 =	sshll.u32 s0, $0x2;
	s1 =	sand.u32 $0x3FFFFF00, s14  }
0x606: {  	p2 =	sgt.s32 s0, $0x8F;
	s26 =	ssub.s32 $0x240, s25;
	_ =	swait.ge [sflag:s29], s1  }
0x607: {  	s1 =	ssub.s32 $0x0, s1;
	[sflag:s29] =	ssyncset.done $0x0;
	s0 =	sshrl.u32 s26, $0x2  }
0x608: {  	s30 =	simm.s32 $0xB;
	[sflag:s29] =	ssyncadd.s32 s1;
	s0 =	simm.s32 @p2 $0x0  }
0x609: {  	_ =	swait.ge [sflag:s30], s0  }
0x60a: {  	s0 =	ssub.s32 $0x0, s0;
	[sflag:s30] =	ssyncset.done $0x0  }
0x60b: {  	[sflag:s30] =	ssyncadd.s32 s0  }
0x60c: {  	v1 =	vld [tilespmem:$0xA448];
	_ =	sdelay $0x4  }
0x60d: {  	(v2sf) =	vpush v1, $0x0  }
0x60e: {  	(v2sf) =	vpush v1, $0x1  }
0x60f: {  	(v2sf) =	vpush v1, $0x2;
	_ =	sdelay $0x3  }
0x610: {  	s0 =	sadd.s32 $0x90, s24  }
0x611: {  	s6 =	ssub.s32 $0x27100, s24;
	p2 =	slt.s32 s9, s0  }
0x612: {  	s0 =	smov.u32 @p2 s9;
	p2 =	sgt.s32 s6, $0x0  }
0x613: {  	s0 =	ssub.s32 s0, s24;
	s6 =	simm.s32 @!p2 $0x0  }
0x614: {  	p2 =	slt.s32 s6, s0  }
0x615: {  	s0 =	smov.u32 @p2 s6  }
0x616: {  	s1 =	simm.s32 $0x1;
	p2 =	slt.s32 s0, $0x1  }
.Ltmp17:
0x617: {  	s1 =	simm.s32 @!p1 $0x0;
	(pc) =	sbr.rel @p2 .LBB3_12-.Ltmp17, $4  }
0x618: {  	s7 =	smul.u32 $0x240, s1  }
0x619: {  	s2 =	spop (v2sf)  }
0x61a: {  	s31 =	sshrl.u32 s7, $0x2;
	s28 =	spop (v2sf)  }
0x61b: {  	s25 =	sadd.s32 $0xB838, s31;
	s24 =	spop (v2sf)  }
0x61c: {  	s6 =	smin.u32 s0, $0x10  }
0x61d: {  	v1 =	vmov s6  }
0x61e: {  	vm1 =	vgt.u32 v1, v0  }
0x61f: {  	p3 =	sgt.s32 s0, $0x10  }
.Ltmp18:
0x620: {  	_ = 	snop;
	(pc) =	sbr.rel @!p3 .LBB3_11-.Ltmp18, $2  }
0x621: {  	_ =	sdelay $0x2  }
0x622: {  	s26 =	simm.s32 $0x10;
	s29 =	sadd.s32 $0xFFFFFFF0, s0;
	s7 =	smov.u32 s25;
	vm0 =	vmmov vm1;
	v1 =	vld.msk [tilespmem:s25+$0x0 ss:$0x1], vm1  }
.LBB3_10:
0x623: {  	s6 =	smin.u32 s29, $0x10;
	s26 =	sadd.s32 $0x10, s26  }
0x624: {  	v2 =	vmov s6;
	p3 =	slt.s32 s26, s0  }
0x625: {  	vm1 =	vgt.u32 v2, v0;
	_ =	sdelay $0x1  }
0x626: {  	v2 =	vshll.u32 v1, $0x5;
	v1 =	vshll.u32 v1, $0x4  }
.Ltmp19:
0x627: {  	v2 =	vand.u32 $0xFFFFFF00, v2;
	v1 =	vand.u32 $0x70, v1;
	(pc) =	sbr.rel @p3 .LBB3_10-.Ltmp19, $4  }
0x628: {  	v1 =	vor.u32 v1, v2  }
0x629: {  	[tilespmem:s7+$0x0] =	vst.msk vm0, v1;
	s7 =	sadd.s32 $0x10, s7;
	vm0 =	vmmov vm1  }
0x62a: {  	v1 =	vld.msk [tilespmem:s7+$0x0 ss:$0x1], vm1  }
0x62b: {  	s29 =	sadd.s32 $0xFFFFFFF0, s29  }
.LBB3_11:
0x62c: {  	_ =	sdelay $0x3  }
0x62d: {  	v2 =	vshll.u32 v1, $0x5;
	v1 =	vshll.u32 v1, $0x4  }
0x62e: {  	v2 =	vand.u32 $0xFFFFFF00, v2;
	v1 =	vand.u32 $0x70, v1  }
0x62f: {  	v1 =	vor.u32 v1, v2  }
0x630: {  	[tilespmem:s7+$0x0] =	vst.msk vm0, v1  }
.LBB3_12:
0x631: {  	s6 =	sand.u32 $0x1, s23  }
0x632: {  	s6 =	smul.u32 $0x90, s6  }
0x633: {  	p3 =	sne.s32 s28, $0xFFFFFFFF  }
0x634: {  	v1 =	vld.msk @!p3 [tilespmem:s6+$0xB838], $0x1;
	_ =	sdelay $0x4  }
0x635: {  	(v2sf) =	vpush @!p3 v1, $0x0;
	_ =	sdelay $0xc  }
.Ltmp20:
0x636: {  	_ = 	snop;
	(pc) =	sbr.rel @p2 .LBB3_23-.Ltmp20, $4  }
0x637: {  	_ = 	snop  }
0x638: {  	s31 =	spop @!p3 (v2sf)  }
0x639: {  	s24 =	simm.s32 @!p3 $0x0;
	s26 =	smov.u32 s31  }
0x63a: {  	[sflag:s20] =	ssyncpa.u1 $0x0;
	s31 =	smov.u32 @p3 s2;
	s26 =	smov.u32 @p3 s28  }
0x63b: {  	v1 =	vld.msk [tilespmem:s25+$0x0], $0x1;
	_ =	sdelay $0x4  }
0x63c: {  	(v2sf) =	vpush v1, $0x0;
	_ =	sdelay $0xd  }
0x63d: {  	s3 =	smov.u32 s8;
	s8 =	smov.u32 s15  }
0x63e: {  	s15 =	smov.u32 s12;
	s1 =	smul.u32 $0x24000, s1;
	s2 =	spop (v2sf)  }
0x63f: {  	s28 =	simm.s32 $0x0;
	s7 =	smov.u32 s31;
	p2 =	seq.s32 s31, s2  }
0x640: {  	s30 =	ssub.s32 $0x0, s0;
	p3 =	sgt.s32 @!p2 s31, $0x0;
	s6 =	smul.u32 @!p2 $0x240, s28  }
0x641: {  	s0 =	sadd.s32 $0x1, s30;
	s1 =	sshrl.u32 s1, $0x2;
	p3 =	por !p3, p2  }
0x642: {  	s29 =	sadd.s32 $0xB998, s1;
	s7 =	simm.s32 @p3 $0x0;
	s1 =	sshra.s32 @!p2 s6, $0x2  }
0x643: {  	p3 =	seq.s32 s0, $0x0;
	s6 =	smin.u32 @!p2 s7, $0x4E17F;
	s7 =	simm.s32 @!p2 $0x1  }
.Ltmp21:
0x644: {  	s10 =	sadd.s32 @!p2 $0x52B8, s1;
	s11 =	sand.u32 @!p2 $0x7FFF8, s6;
	(pc) =	sbr.rel @p3 .LBB3_15-.Ltmp21, $4  }
0x645: {  	s12 =	sadd.s32 @!p2 $0x80, s6;
	s6 =	sand.u32 @!p2 $0x7, s6;
	s11 =	sadd.s32 @!p2 s5, s11  }
0x646: {  	[tilespmem:s10], [sflag:$0x2] =	stream.linear.gather @!p2 [hbm4b:s11+s6], $0x80, $0x38;
	[tilespmem:$0x1D958] =	vst v63  }
0x647: {  	s7 =	smov.u32 @p2 s28;
	s11 =	sand.u32 @!p2 $0xFFFF8, s12  }
0x648: {  	s10 =	sadd.s32 @!p2 $0x5338, s1;
	s1 =	sadd.s32 $0x1, s25;
	s11 =	sadd.s32 @!p2 s5, s11  }
.LBB3_14:
0x649: {  	s12 =	smov.u32 s7  }
0x64a: {  	[tilespmem:s10], [sflag:$0x2] =	stream.linear.gather @!p2 [hbm4b:s11+s6], $0x2, $0x38;
	[tilespmem:$0x1D958] =	vst v63  }
0x64b: {  	s0 =	sadd.s32 $0x1, s0;
	s6 =	smov.u32 s2;
	v1 =	vld.msk [tilespmem:s1+$0x0], $0x1  }
0x64c: {  	p3 =	seq.s32 s0, $0x0;
	_ =	sdelay $0x3  }
0x64d: {  	(v2sf) =	vpush v1, $0x0;
	_ =	sdelay $0xe  }
0x64e: {  	s2 =	spop (v2sf)  }
0x64f: {  	p2 =	seq.s32 s6, s2  }
0x650: {  	p4 =	sgt.s32 @!p2 s6, $0x0;
	s10 =	smul.u32 @!p2 $0x240, s7;
	s7 =	sadd.s32 @!p2 $0x1, s7  }
0x651: {  	p4 =	por !p4, p2;
	s7 =	smov.u32 @p2 s12  }
0x652: {  	s6 =	simm.s32 @p4 $0x0;
	s10 =	sshra.s32 @!p2 s10, $0x2  }
.Ltmp22:
0x653: {  	s6 =	smin.u32 @!p2 s6, $0x4E17F;
	s11 =	sadd.s32 @!p2 $0x52B8, s10;
	(pc) =	sbr.rel @!p3 .LBB3_14-.Ltmp22, $4  }
0x654: {  	s10 =	sadd.s32 @!p2 $0x5338, s10;
	s12 =	sand.u32 @!p2 $0x7FFF8, s6;
	s14 =	sadd.s32 @!p2 $0x80, s6  }
0x655: {  	s6 =	sand.u32 @!p2 $0x7, s6;
	s12 =	sadd.s32 @!p2 s5, s12;
	s14 =	sand.u32 @!p2 $0xFFFF8, s14  }
0x656: {  	[tilespmem:s11], [sflag:$0x2] =	stream.linear.gather @!p2 [hbm4b:s12+s6], $0x80, $0x38;
	[tilespmem:$0x1D958] =	vst v63  }
0x657: {  	s1 =	sadd.s32 $0x1, s1;
	s11 =	sadd.s32 @!p2 s5, s14  }
.LBB3_15:
0x658: {  	s0 =	smul.u32 $0x208, s7  }
0x659: {  	[tilespmem:s10], [sflag:$0x2] =	stream.linear.gather @!p2 [hbm4b:s11+s6], $0x2, $0x38;
	[tilespmem:$0x1D958] =	vst v63  }
.Ltmp23:
0x65a: {  	_ = 	snop;
	(pc) =	sbr.rel .LBB3_16-.Ltmp23, $4  }
0x65b: {  	s1 =	simm.s32 $0x2;
	s0 =	sshrl.u32 s0, $0x2  }
0x65c: {  	s12 =	smov.u32 s15;
	s15 =	smov.u32 s8;
	_ =	swait.ge [sflag:s1], s0  }
0x65d: {  	s8 =	smov.u32 s3;
	s0 =	ssub.s32 $0x0, s0;
	[sflag:s1] =	ssyncset.done $0x0  }
0x65e: {  	s3 =	simm.s32 $0x1;
	[sflag:s1] =	ssyncadd.s32 s0;
	s1 =	simm.s32 $0x0  }
.LBB3_17:
0x65f: {  	v1 =	vld [tilespmem:s29+$0xFFFFFFC0];
	_ =	sdelay $0x4  }
0x660: {  	[tilespmem:s2+$0x128] =	vst.add.f32.msk $0xffff, v1  }
0x661: {  	v1 =	vld [tilespmem:s29+$0xFFFFFFD0];
	_ =	sdelay $0x4  }
0x662: {  	[tilespmem:s2+$0x138] =	vst.add.f32.msk $0xffff, v1  }
0x663: {  	v1 =	vld [tilespmem:s29+$0xFFFFFFE0];
	_ =	sdelay $0x4  }
0x664: {  	[tilespmem:s2+$0x148] =	vst.add.f32.msk $0xffff, v1  }
0x665: {  	v1 =	vld [tilespmem:s29+$0xFFFFFFF0];
	_ =	sdelay $0x4  }
0x666: {  	[tilespmem:s2+$0x158] =	vst.add.f32.msk $0xffff, v1  }
0x667: {  	v1 =	vld [tilespmem:s29+$0x0];
	_ =	sdelay $0x4  }
0x668: {  	[tilespmem:s2+$0x168] =	vst.add.f32.msk $0xffff, v1  }
0x669: {  	v1 =	vld [tilespmem:s29+$0x10];
	_ =	sdelay $0x4  }
0x66a: {  	[tilespmem:s2+$0x178] =	vst.add.f32.msk $0xffff, v1  }
0x66b: {  	v1 =	vld [tilespmem:s29+$0x20];
	_ =	sdelay $0x4  }
0x66c: {  	[tilespmem:s2+$0x188] =	vst.add.f32.msk $0xffff, v1  }
0x66d: {  	v1 =	vld [tilespmem:s29+$0x30];
	_ =	sdelay $0x4  }
0x66e: {  	[tilespmem:s2+$0x198] =	vst.add.f32.msk $0xffff, v1  }
0x66f: {  	v1 =	vld.msk [tilespmem:s29+$0x40], $0x3;
	_ =	sdelay $0x4  }
0x670: {  	[tilespmem:s2+$0x1A8] =	vst.add.f32.msk $0x3, v1  }
.LBB3_21:
0x671: {  	s30 =	sadd.s32 $0x1, s30  }
0x672: {  	p2 =	seq.s32 s30, $0x0  }
.Ltmp24:
0x673: {  	_ = 	snop;
	(pc) =	sbr.rel @p2 .LBB3_22-.Ltmp24, $2  }
0x674: {  	_ =	sdelay $0x2  }
0x675: {  	s25 =	sadd.s32 $0x1, s25;
	s29 =	sadd.s32 $0x100, s29;
	s31 =	smov.u32 s0  }
.LBB3_16:
0x676: {  	v1 =	vld.msk [tilespmem:s25+$0x0], $0x1;
	_ =	sdelay $0x4  }
0x677: {  	(v2sf) =	vpush v1, $0x0;
	_ =	sdelay $0xe  }
0x678: {  	s0 =	spop (v2sf)  }
0x679: {  	p2 =	sne.s32 s31, s0  }
.Ltmp25:
0x67a: {  	_ = 	snop;
	(pc) =	sbr.rel @!p2 .LBB3_17-.Ltmp25, $3  }
0x67b: {  	_ = 	snop  }
0x67c: {  	s2 =	smul.u32 $0x240, s24;
	_ =	sdelay $0x1  }
0x67d: {  	s2 =	sshra.s32 s2, $0x2  }
0x67e: {  	p2 =	seq.s32 s31, s26  }
.Ltmp26:
0x67f: {  	_ = 	snop;
	(pc) =	sbr.rel @!p2 .LBB3_19-.Ltmp26, $1  }
0x680: {  	_ =	sdelay $0x3  }
.Ltmp27:
0x681: {  	s2 =	sadd.s32 $0x128, s2;
	(pc) =	sbr.rel .LBB3_20-.Ltmp27, $4  }
0x682: {  	[spmem:s16] =	stream.linear.scatter [tilespmem:s2], [sflag:$0x1], $0x82, $0x38;
	[tilespmem:$0x1D958] =	vst v63  }
0x683: {  	_ =	swait.ge [sflag:s3], $0x82  }
0x684: {  	[sflag:s3] =	ssyncset.done $0x0  }
0x685: {  	[sflag:s3] =	ssyncadd.s32 $0xFFFFFF7E  }
.LBB3_19:
0x686: {  	s6 =	smul.u32 $0x240, s28;
	_ =	sdelay $0x1  }
0x687: {  	s6 =	sshra.s32 s6, $0x2  }
0x688: {  	v1 =	vld [tilespmem:s6+$0x52B8];
	_ =	sdelay $0x4  }
0x689: {  	[tilespmem:s2+$0x128] =	vst.add.f32.msk $0xffff, v1  }
0x68a: {  	v1 =	vld [tilespmem:s6+$0x52C8];
	_ =	sdelay $0x4  }
0x68b: {  	[tilespmem:s2+$0x138] =	vst.add.f32.msk $0xffff, v1  }
0x68c: {  	v1 =	vld [tilespmem:s6+$0x52D8];
	_ =	sdelay $0x4  }
0x68d: {  	[tilespmem:s2+$0x148] =	vst.add.f32.msk $0xffff, v1  }
0x68e: {  	v1 =	vld [tilespmem:s6+$0x52E8];
	_ =	sdelay $0x4  }
0x68f: {  	[tilespmem:s2+$0x158] =	vst.add.f32.msk $0xffff, v1  }
0x690: {  	v1 =	vld [tilespmem:s6+$0x52F8];
	_ =	sdelay $0x4  }
0x691: {  	[tilespmem:s2+$0x168] =	vst.add.f32.msk $0xffff, v1  }
0x692: {  	v1 =	vld [tilespmem:s6+$0x5308];
	_ =	sdelay $0x4  }
0x693: {  	[tilespmem:s2+$0x178] =	vst.add.f32.msk $0xffff, v1  }
0x694: {  	v1 =	vld [tilespmem:s6+$0x5318];
	_ =	sdelay $0x4  }
0x695: {  	[tilespmem:s2+$0x188] =	vst.add.f32.msk $0xffff, v1  }
0x696: {  	v1 =	vld [tilespmem:s6+$0x5328];
	_ =	sdelay $0x4  }
0x697: {  	[tilespmem:s2+$0x198] =	vst.add.f32.msk $0xffff, v1  }
0x698: {  	v1 =	vld.msk [tilespmem:s6+$0x5338], $0x3;
	_ =	sdelay $0x2  }
0x699: {  	p2 =	sgt.u32 s31, $0x4E17F  }
0x69a: {  	s6 =	sand.u32 @!p2 $0x7FFF8, s31  }
0x69b: {  	s7 =	sadd.s32 $0x128, s2;
	s10 =	sand.u32 @!p2 $0x7, s31;
	s6 =	sadd.s32 @!p2 s5, s6;
	[tilespmem:s2+$0x1A8] =	vst.add.f32.msk $0x3, v1  }
0x69c: {  	[hbm4b:s6+s10] =	stream.linear.scatter @!p2 [tilespmem:s7], [sflag:$0xC], $0x80, $0x38;
	[tilespmem:$0x1D958] =	vst v63  }
0x69d: {  	s6 =	sadd.s32 @!p2 $0x80, s31  }
0x69e: {  	s6 =	sand.u32 @!p2 $0xFFFF8, s6  }
0x69f: {  	s2 =	sadd.s32 $0x1A8, s2;
	s6 =	sadd.s32 @!p2 s5, s6  }
0x6a0: {  	[hbm4b:s6+s10] =	stream.linear.scatter @!p2 [tilespmem:s2], [sflag:$0xC], $0x2, $0x38;
	[tilespmem:$0x1D958] =	vst v63  }
0x6a1: {  	s2 =	simm.s32 $0x0  }
0x6a2: {  	s2 =	simm.s32 @!p2 $0x208  }
0x6a3: {  	s1 =	sadd.s32 s2, s1  }
.LBB3_20:
0x6a4: {  	s2 =	sadd.s32 $0x1, s24  }
0x6a5: {  	s6 =	smulhi.u32 $0x38E38E39, s2;
	_ =	sdelay $0x1  }
0x6a6: {  	s6 =	sshrl.u32 s6, $0x5  }
0x6a7: {  	s6 =	smul.u32 $0x90, s6  }
0x6a8: {  	v1 =	vld [tilespmem:s29+$0xFFFFFFC0]  }
0x6a9: {  	s24 =	ssub.s32 s2, s6  }
0x6aa: {  	s2 =	smul.u32 $0x240, s24;
	_ =	sdelay $0x1  }
0x6ab: {  	s2 =	sshrl.u32 s2, $0x2  }
0x6ac: {  	[tilespmem:s2+$0x128] =	vst v1  }
0x6ad: {  	v1 =	vld [tilespmem:s29+$0xFFFFFFD0];
	_ =	sdelay $0x4  }
0x6ae: {  	[tilespmem:s2+$0x138] =	vst v1  }
0x6af: {  	v1 =	vld [tilespmem:s29+$0xFFFFFFE0];
	_ =	sdelay $0x4  }
0x6b0: {  	[tilespmem:s2+$0x148] =	vst v1  }
0x6b1: {  	v1 =	vld [tilespmem:s29+$0xFFFFFFF0];
	_ =	sdelay $0x4  }
0x6b2: {  	[tilespmem:s2+$0x158] =	vst v1  }
0x6b3: {  	v1 =	vld [tilespmem:s29+$0x0];
	_ =	sdelay $0x4  }
0x6b4: {  	[tilespmem:s2+$0x168] =	vst v1  }
0x6b5: {  	v1 =	vld [tilespmem:s29+$0x10];
	_ =	sdelay $0x4  }
0x6b6: {  	[tilespmem:s2+$0x178] =	vst v1  }
0x6b7: {  	v1 =	vld [tilespmem:s29+$0x20];
	_ =	sdelay $0x4  }
0x6b8: {  	[tilespmem:s2+$0x188] =	vst v1  }
0x6b9: {  	v1 =	vld [tilespmem:s29+$0x30];
	_ =	sdelay $0x4  }
0x6ba: {  	[tilespmem:s2+$0x198] =	vst v1  }
0x6bb: {  	v1 =	vld.msk [tilespmem:s29+$0x40], $0x3  }
.Ltmp28:
0x6bc: {  	_ = 	snop;
	(pc) =	sbr.rel .LBB3_21-.Ltmp28, $2  }
0x6bd: {  	_ =	sdelay $0x2  }
0x6be: {  	s28 =	sadd.s32 $0x1, s28;
	[tilespmem:s2+$0x1A8] =	vst.msk $0x3, v1  }
.LBB3_23:
.Ltmp29:
0x6bf: {  	(pc) =	sbr.rel .LBB3_24-.Ltmp29, $4  }
0x6c0: {  	_ = 	snop  }
0x6c1: {  	s0 =	simm.s32 $0x2  }
0x6c2: {  	_ =	swait.ge [sflag:s0], $0x0  }
0x6c3: {  	s1 =	simm.s32 $0x0;
	[sflag:s0] =	ssyncset.done $0x0;
	s0 =	smov.u32 s31  }
.LBB3_26:
0x6c4: {  	_ =	sfence.sel $0x180000  }
0x6c5: {  	s0 =	simm.s32 $0x9;
	[bflag:$0x0] =	sbarrier.arrive $0xFFFF  }
0x6c6: {  	s24 =	simm.s32 $0xA;
	[sflag:s0] =	ssyncpa.u1 $0x1  }
0x6c7: {  	s25 =	simm.s32 $0xB;
	[sflag:s24] =	ssyncpa.u1 $0x1  }
0x6c8: {  	s26 =	simm.s32 $0x2;
	[sflag:s25] =	ssyncpa.u1 $0x1  }
0x6c9: {  	[sflag:s26] =	ssyncpa.u1 $0x1  }
0x6ca: {  	v0 =	vld [tilespmem:$0xA448];
	_ =	sdelay $0x4  }
0x6cb: {  	(v2sf) =	vpush v0, $0x0  }
0x6cc: {  	(v2sf) =	vpush v0, $0x1  }
0x6cd: {  	(v2sf) =	vpush v0, $0x2;
	_ =	sdelay $0xc  }
0x6ce: {  	s0 =	spop (v2sf)  }
0x6cf: {  	s1 =	spop (v2sf)  }
0x6d0: {  	s2 =	smov.u32 s0;
	p0 =	sne.s32 s0, s1;
	s3 =	spop (v2sf)  }
0x6d1: {  	s2 =	simm.s32 @!p0 $0xFFFFFFFF;
	p0 =	seq.s32 s3, $0xFFFFFFFF  }
0x6d2: {  	v2 =	vimm.s32 $0x1;
	v3 =	vlaneseq.u32;
	v1 =	vmov s2;
	p1 =	sne.s32 @!p0 s0, s1  }
0x6d3: {  	s14 =	stileid.u32;
	v0 =	vperm.xlane v0, v2;
	s0 =	simm.s32 @!p0 $0x1;
	v1 =	vperm.xlane v1, v3;
	p1 =	por !p1, p0  }
0x6d4: {  	vm0 =	vcmask $0x3F04;
	s2 =	sshll.u32 s14, $0x1;
	s1 =	smul.u32 @!p0 $0x240, s3;
	s0 =	simm.s32 @p1 $0x0  }
0x6d5: {  	s6 =	simm.s32 $0xA448;
	v0 =	vsel vm0, v1, v0;
	s0 =	sor.u32 @!p0 s0, s2  }
0x6d6: {  	s4 =	sor.u32 $0x1200, s2;
	s1 =	sshra.s32 @!p0 s1, $0x2;
	[tilespmem:$0xA448] =	vst v0;
	s0 =	smul.u32 @!p0 $0x240, s0  }
0x6d7: {  	[spmem:s4] =	stream.linear.scatter [tilespmem:s6], [sflag:$0x1], $0x2, $0x38;
	[tilespmem:$0x1D958] =	vst v63  }
0x6d8: {  	s1 =	sadd.s32 @!p0 $0x128, s1;
	s0 =	sshrl.u32 @!p0 s0, $0x2  }
0x6d9: {  	[spmem:s0] =	stream.linear.scatter @!p0 [tilespmem:s1], [sflag:$0x1], $0x90, $0x38;
	[tilespmem:$0x1D958] =	vst v63  }
0x6da: {  	s0 =	simm.s32 @!p0 $0x92  }
0x6db: {  	s28 =	simm.s32 $0x1;
	s0 =	simm.s32 @p0 $0x2  }
0x6dc: {  	_ =	swait.ge [sflag:s28], s0  }
0x6dd: {  	s0 =	ssub.s32 $0x0, s0;
	[sflag:s28] =	ssyncset.done $0x0  }
0x6de: {  	p0 =	sne.s32 s14, $0x0;
	[sflag:s28] =	ssyncadd.s32 s0  }
.Ltmp30:
0x6df: {  	_ =	sfence.stream.spmem;
	(pc) =	sbr.rel @p0 .LBB3_43-.Ltmp30, $4  }
0x6e0: {  	s29 =	simm.s32 $0x3;
	[bflag:$0x0] =	sbarrier.arrive $0xFFFF  }
0x6e1: {  	s30 =	simm.s32 $0x4;
	[sflag:s29] =	ssyncpa.u1 $0x1  }
0x6e2: {  	s31 =	simm.s32 $0x3C;
	[sflag:s30] =	ssyncpa.u1 $0x1  }
0x6e3: {  	s15 =	rddreg [dreg:$0x4];
	[sflag:s31] =	ssyncpa.u1 $0x1  }
0x6e4: {  	_ =	sfence.stream.spmem;
	s0 =	simm.s32 $0x5  }
0x6e5: {  	s1 =	simm.s32 $0x1200;
	s2 =	simm.s32 $0xA458;
	[sflag:s0] =	ssyncpa.u1 $0x0  }
0x6e6: {  	[tilespmem:s2], [sflag:$0x5] =	stream.linear.gather [spmem:s1], $0x20, $0x38;
	[tilespmem:$0x1D958] =	vst v63  }
0x6e7: {  	s26 =	simm.s32 $0x0;
	s28 =	simm.s32 $0xA478  }
0x6e8: {  	[tilespmem:s28], [sflag:$0x5] =	stream.linear.gather [spmem:s26], $0x1200, $0x38;
	[tilespmem:$0x1D958] =	vst v63  }
0x6e9: {  	_ =	swait.ge [sflag:s0], $0x1220  }
0x6ea: {  	[sflag:s0] =	ssyncset.done $0x0  }
0x6eb: {  	s29 =	simm.s32 $0x0;
	[sflag:s0] =	ssyncadd.s32 $0xFFFFEDE0  }
0x6ec: {  	v0 =	vld.msk [tilespmem:s29+$0xA458], $0x1;
	_ =	sdelay $0x1  }
0x6ed: {  	s30 =	simm.s32 $0x1  }
0x6ee: {  	v1 =	vld.msk [tilespmem:s30+$0xA458], $0x1;
	_ =	sdelay $0x1  }
0x6ef: {  	(v2sf) =	vpush v0, $0x0;
	_ =	sdelay $0x2  }
0x6f0: {  	(v2sf) =	vpush v1, $0x0;
	_ =	sdelay $0x2  }
0x6f1: {  	s31 =	simm.s32 $0x2  }
0x6f2: {  	v0 =	vld.msk [tilespmem:s31+$0xA458], $0x1;
	_ =	sdelay $0x2  }
0x6f3: {  	s1 =	simm.s32 $0xFFFFFFFF;
	s2 =	simm.s32 $0xFFFFFFFF;
	s0 =	simm.s32 $0xC  }
.LBB3_28:
0x6f4: {  	s3 =	smov.u32 s2;
	s4 =	smov.u32 s1  }
0x6f5: {  	s1 =	sshra.s32 s0, $0x2;
	p1 =	sne.s32 s0, $0x7C;
	s0 =	sadd.s32 $0x4, s0;
	(v2sf) =	vpush v0, $0x0  }
0x6f6: {  	v0 =	vld.msk [tilespmem:s1+$0xA458], $0x1  }
.Ltmp31:
0x6f7: {  	(pc) =	sbr.rel @p1 .LBB3_28-.Ltmp31, $4  }
0x6f8: {  	s2 =	spop (v2sf)  }
0x6f9: {  	p2 =	sne.s32 s4, $0xFFFFFFFF;
	s1 =	smov.u32 s2  }
0x6fa: {  	p3 =	seq.s32 s2, $0xFFFFFFFF;
	s1 =	smov.u32 @p2 s4  }
0x6fb: {  	s2 =	smov.u32 @p3 s3;
	s1 =	smov.u32 @p3 s4  }
0x6fc: {  	(v2sf) =	vpush v0, $0x0;
	_ =	sdelay $0x8  }
0x6fd: {  	s0 =	spop (v2sf)  }
0x6fe: {  	p1 =	sne.s32 s1, $0xFFFFFFFF;
	s9 =	simm.s32 $0x6;
	s3 =	smov.u32 s0  }
0x6ff: {  	s10 =	simm.s32 $0xA3B8;
	p2 =	seq.s32 s0, $0xFFFFFFFF;
	s3 =	smov.u32 @p1 s1  }
0x700: {  	s11 =	simm.s32 $0xA438;
	s3 =	smov.u32 @p2 s1;
	s1 =	spop (v2sf)  }
0x701: {  	s0 =	smov.u32 @p2 s2;
	p1 =	sne.s32 s3, $0xFFFFFFFF;
	s6 =	smov.u32 s1  }
.Ltmp32:
0x702: {  	p2 =	seq.s32 s1, $0xFFFFFFFF;
	s6 =	smov.u32 @p1 s3;
	(pc) =	sbr.rel .LBB3_30-.Ltmp32, $4  }
0x703: {  	s12 =	simm.s32 $0x0;
	s6 =	smov.u32 @p2 s3;
	s4 =	spop (v2sf)  }
0x704: {  	[sflag:s9] =	ssyncpa.u1 $0x0;
	p1 =	sne.s32 s6, $0xFFFFFFFF;
	s8 =	smov.u32 s4  }
0x705: {  	s1 =	smov.u32 @p2 s0;
	p2 =	seq.s32 s4, $0xFFFFFFFF;
	s8 =	smov.u32 @p1 s6  }
0x706: {  	s3 =	simm.s32 $0x0;
	s4 =	smov.u32 @p2 s1;
	s8 =	smov.u32 @p2 s6  }
.LBB3_36:
0x707: {  	p1 =	sgt.u32 s0, $0x4E17F  }
0x708: {  	p2 =	seq.s32 @!p1 s0, s8  }
0x709: {  	p1 =	por p1, p2  }
0x70a: {  	p2 =	sne.s32 @!p1 s0, s4  }
0x70b: {  	p1 =	por p1, !p2  }
0x70c: {  	s0 =	smul.u32 @p1 $0x240, s12;
	_ =	sdelay $0x1  }
0x70d: {  	s1 =	sand.u32 @!p1 $0x7FFF8, s0;
	s2 =	sand.u32 @!p1 $0x7, s0;
	s0 =	sadd.s32 @!p1 $0x80, s0  }
0x70e: {  	s1 =	sadd.s32 @!p1 s5, s1;
	s0 =	sand.u32 @!p1 $0xFFFF8, s0  }
0x70f: {  	[tilespmem:s10], [sflag:$0x6] =	stream.linear.gather @!p1 [hbm4b:s1+s2], $0x80, $0x38;
	[tilespmem:$0x1D958] =	vst v63  }
0x710: {  	s0 =	sadd.s32 @!p1 s5, s0  }
0x711: {  	[tilespmem:s11], [sflag:$0x6] =	stream.linear.gather @!p1 [hbm4b:s0+s2], $0x2, $0x38;
	[tilespmem:$0x1D958] =	vst v63  }
0x712: {  	_ =	swait.ge @!p1 [sflag:s9], $0x82  }
0x713: {  	[sflag:s9] =	ssyncset.done @!p1 $0x0  }
0x714: {  	[sflag:s9] =	ssyncadd.s32 @!p1 $0xFFFFFF7E  }
0x715: {  	v1 =	vld @!p1 [tilespmem:$0xA3B8];
	_ =	sdelay $0x1  }
0x716: {  	s0 =	smul.u32 @!p1 $0x240, s12;
	_ =	sdelay $0x1  }
0x717: {  	s1 =	sshra.s32 @!p1 s0, $0x2  }
0x718: {  	[tilespmem:s1+$0xA478] =	vst.add.f32.msk @!p1 $0xffff, v1  }
0x719: {  	v1 =	vld @!p1 [tilespmem:$0xA3C8];
	_ =	sdelay $0x4  }
0x71a: {  	[tilespmem:s1+$0xA488] =	vst.add.f32.msk @!p1 $0xffff, v1  }
0x71b: {  	v1 =	vld @!p1 [tilespmem:$0xA3D8];
	_ =	sdelay $0x4  }
0x71c: {  	[tilespmem:s1+$0xA498] =	vst.add.f32.msk @!p1 $0xffff, v1  }
0x71d: {  	v1 =	vld @!p1 [tilespmem:$0xA3E8];
	_ =	sdelay $0x4  }
0x71e: {  	[tilespmem:s1+$0xA4A8] =	vst.add.f32.msk @!p1 $0xffff, v1  }
0x71f: {  	v1 =	vld @!p1 [tilespmem:$0xA3F8];
	_ =	sdelay $0x4  }
0x720: {  	[tilespmem:s1+$0xA4B8] =	vst.add.f32.msk @!p1 $0xffff, v1  }
0x721: {  	v1 =	vld @!p1 [tilespmem:$0xA408];
	_ =	sdelay $0x4  }
0x722: {  	[tilespmem:s1+$0xA4C8] =	vst.add.f32.msk @!p1 $0xffff, v1  }
0x723: {  	v1 =	vld @!p1 [tilespmem:$0xA418];
	_ =	sdelay $0x4  }
0x724: {  	[tilespmem:s1+$0xA4D8] =	vst.add.f32.msk @!p1 $0xffff, v1  }
0x725: {  	v1 =	vld @!p1 [tilespmem:$0xA428];
	_ =	sdelay $0x4  }
0x726: {  	[tilespmem:s1+$0xA4E8] =	vst.add.f32.msk @!p1 $0xffff, v1  }
0x727: {  	v1 =	vld @!p1 [tilespmem:$0xA438];
	_ =	sdelay $0x4  }
0x728: {  	[tilespmem:s1+$0xA4F8] =	vst.add.f32.msk @!p1 $0xffff, v1  }
0x729: {  	s0 =	sshra.s32 s0, $0x2;
	[tilespmem:s3+$0xA458] =	vst.msk $0x1, v0  }
0x72a: {  	v0 =	vld [tilespmem:s0+$0xA478];
	_ =	sdelay $0x1  }
0x72b: {  	s31 =	smul.u32 $0x240, s3;
	_ =	sdelay $0x1  }
0x72c: {  	s1 =	sshra.s32 s31, $0x2  }
0x72d: {  	[tilespmem:s1+$0xA478] =	vst v0  }
0x72e: {  	v0 =	vld [tilespmem:s0+$0xA488];
	_ =	sdelay $0x4  }
0x72f: {  	[tilespmem:s1+$0xA488] =	vst v0  }
0x730: {  	v0 =	vld [tilespmem:s0+$0xA498];
	_ =	sdelay $0x4  }
0x731: {  	[tilespmem:s1+$0xA498] =	vst v0  }
0x732: {  	v0 =	vld [tilespmem:s0+$0xA4A8];
	_ =	sdelay $0x4  }
0x733: {  	[tilespmem:s1+$0xA4A8] =	vst v0  }
0x734: {  	v0 =	vld [tilespmem:s0+$0xA4B8];
	_ =	sdelay $0x4  }
0x735: {  	[tilespmem:s1+$0xA4B8] =	vst v0  }
0x736: {  	v0 =	vld [tilespmem:s0+$0xA4C8];
	_ =	sdelay $0x4  }
0x737: {  	[tilespmem:s1+$0xA4C8] =	vst v0  }
0x738: {  	v0 =	vld [tilespmem:s0+$0xA4D8];
	_ =	sdelay $0x4  }
0x739: {  	[tilespmem:s1+$0xA4D8] =	vst v0  }
0x73a: {  	v0 =	vld [tilespmem:s0+$0xA4E8];
	_ =	sdelay $0x4  }
0x73b: {  	[tilespmem:s1+$0xA4E8] =	vst v0  }
0x73c: {  	v0 =	vld [tilespmem:s0+$0xA4F8];
	_ =	sdelay $0x4  }
0x73d: {  	s3 =	sadd.s32 $0x1, s3;
	[tilespmem:s1+$0xA4F8] =	vst v0  }
.LBB3_37:
0x73e: {  	s12 =	sadd.s32 $0x1, s12  }
0x73f: {  	p1 =	sne.s32 s12, $0x20  }
.Ltmp33:
0x740: {  	_ = 	snop;
	(pc) =	sbr.rel @!p1 .LBB3_38-.Ltmp33, $1  }
0x741: {  	_ =	sdelay $0x3  }
.LBB3_30:
0x742: {  	v0 =	vld.msk [tilespmem:s12+$0xA458], $0x1;
	_ =	sdelay $0x4  }
0x743: {  	(v2sf) =	vpush v0, $0x0;
	_ =	sdelay $0xe  }
0x744: {  	s0 =	spop (v2sf)  }
0x745: {  	p1 =	seq.s32 s0, $0xFFFFFFFF  }
.Ltmp34:
0x746: {  	_ = 	snop;
	(pc) =	sbr.rel @p1 .LBB3_37-.Ltmp34, $1  }
0x747: {  	_ =	sdelay $0x3  }
0x748: {  	p1 =	slt.s32 s3, $0x1  }
.Ltmp35:
0x749: {  	_ = 	snop;
	(pc) =	sbr.rel @p1 .LBB3_36-.Ltmp35, $1  }
0x74a: {  	_ =	sdelay $0x3  }
0x74b: {  	s1 =	simm.s32 $0xA458;
	p1 =	por $0x0, $0x0  }
0x74c: {  	v1 =	vld.msk @!p1 [tilespmem:s1+$0x0], $0x1;
	_ =	sdelay $0x4  }
0x74d: {  	(v2sf) =	vpush @!p1 v1, $0x0;
	_ =	sdelay $0xd  }
0x74e: {  	p3 =	sne.s32 s3, $0x1  }
.Ltmp36:
0x74f: {  	s2 =	spop @!p1 (v2sf);
	(pc) =	sbr.rel @!p3 .LBB3_34-.Ltmp36, $4  }
0x750: {  	p2 =	seq.s32 @!p1 s0, s2  }
0x751: {  	s2 =	simm.s32 $0x0;
	p2 =	por !p2, p1  }
0x752: {  	s6 =	simm.s32 $0xFFFFFFFF;
	s2 =	simm.s32 @p2 $0xFFFFFFFF  }
0x753: {  	s13 =	simm.s32 $0x1;
	s2 =	smov.u32 @p1 s6  }
.LBB3_33:
0x754: {  	s6 =	smov.u32 s2;
	p1 =	sne.s32 s2, $0xFFFFFFFF  }
0x755: {  	s1 =	sadd.s32 $0x1, s1;
	s2 =	smov.u32 s13;
	s13 =	sadd.s32 $0x1, s13  }
0x756: {  	p2 =	sne.s32 s3, s13;
	v1 =	vld.msk @!p1 [tilespmem:s1+$0x0], $0x1;
	_ =	sdelay $0x4  }
0x757: {  	(v2sf) =	vpush @!p1 v1, $0x0;
	_ =	sdelay $0xe  }
.Ltmp37:
0x758: {  	s7 =	spop @!p1 (v2sf);
	(pc) =	sbr.rel @p2 .LBB3_33-.Ltmp37, $4  }
0x759: {  	p3 =	seq.s32 @!p1 s0, s7  }
0x75a: {  	p3 =	por !p3, p1  }
0x75b: {  	s2 =	simm.s32 @p3 $0xFFFFFFFF  }
0x75c: {  	s2 =	smov.u32 @p1 s6  }
.LBB3_34:
0x75d: {  	p1 =	seq.s32 s2, $0xFFFFFFFF  }
.Ltmp38:
0x75e: {  	_ = 	snop;
	(pc) =	sbr.rel @p1 .LBB3_36-.Ltmp38, $1  }
0x75f: {  	_ =	sdelay $0x3  }
0x760: {  	s0 =	smul.u32 $0x240, s12;
	_ =	sdelay $0x1  }
0x761: {  	s0 =	sshra.s32 s0, $0x2  }
0x762: {  	v0 =	vld [tilespmem:s0+$0xA478];
	_ =	sdelay $0x1  }
0x763: {  	s1 =	smul.u32 $0x240, s2;
	_ =	sdelay $0x1  }
0x764: {  	s1 =	sshra.s32 s1, $0x2  }
0x765: {  	[tilespmem:s1+$0xA478] =	vst.add.f32.msk $0xffff, v0  }
0x766: {  	v0 =	vld [tilespmem:s0+$0xA488];
	_ =	sdelay $0x4  }
0x767: {  	[tilespmem:s1+$0xA488] =	vst.add.f32.msk $0xffff, v0  }
0x768: {  	v0 =	vld [tilespmem:s0+$0xA498];
	_ =	sdelay $0x4  }
0x769: {  	[tilespmem:s1+$0xA498] =	vst.add.f32.msk $0xffff, v0  }
0x76a: {  	v0 =	vld [tilespmem:s0+$0xA4A8];
	_ =	sdelay $0x4  }
0x76b: {  	[tilespmem:s1+$0xA4A8] =	vst.add.f32.msk $0xffff, v0  }
0x76c: {  	v0 =	vld [tilespmem:s0+$0xA4B8];
	_ =	sdelay $0x4  }
0x76d: {  	[tilespmem:s1+$0xA4B8] =	vst.add.f32.msk $0xffff, v0  }
0x76e: {  	v0 =	vld [tilespmem:s0+$0xA4C8];
	_ =	sdelay $0x4  }
0x76f: {  	[tilespmem:s1+$0xA4C8] =	vst.add.f32.msk $0xffff, v0  }
0x770: {  	v0 =	vld [tilespmem:s0+$0xA4D8];
	_ =	sdelay $0x4  }
0x771: {  	[tilespmem:s1+$0xA4D8] =	vst.add.f32.msk $0xffff, v0  }
0x772: {  	v0 =	vld [tilespmem:s0+$0xA4E8];
	_ =	sdelay $0x4  }
0x773: {  	[tilespmem:s1+$0xA4E8] =	vst.add.f32.msk $0xffff, v0  }
0x774: {  	v0 =	vld [tilespmem:s0+$0xA4F8]  }
.Ltmp39:
0x775: {  	_ = 	snop;
	(pc) =	sbr.rel .LBB3_37-.Ltmp39, $2  }
0x776: {  	_ =	sdelay $0x2  }
0x777: {  	[tilespmem:s1+$0xA4F8] =	vst.add.f32.msk $0xffff, v0  }
.LBB3_38:
0x778: {  	s0 =	simm.s32 $0x6;
	p1 =	seq.s32 s3, $0x0  }
0x779: {  	[sflag:s0] =	ssyncpa.u1 $0x1;
	v0 =	vimm.s32 @p1 $0xFFFFFFFF  }
0x77a: {  	s0 =	sadd.s32 $0xFFFFFFFF, s3;
	[tilespmem:$0xB678] =	vst @p1 v0  }
0x77b: {  	v0 =	vld.msk @!p1 [tilespmem:s0+$0xA458], $0x1;
	_ =	sdelay $0x1  }
0x77c: {  	v1 =	vld.msk @!p1 [tilespmem:$0xA458], $0x1;
	_ =	sdelay $0x2  }
0x77d: {  	p2 =	seq.s32 @!p1 s0, $0x0;
	v0 =	vbroadcast @!p1 v0, $0x0  }
0x77e: {  	vm0 =	vmmov @!p1 $0x1;
	p3 =	por !p2, p1  }
0x77f: {  	p2 =	sne.s32 @!p1 s8, s4;
	v1 =	vnsel @!p1 vm0, $0xFFFFFFFF, v1;
	vm0 =	vcmask @!p1 $0x308;
	v0 =	vpsel !p3, $0xFFFFFFFF, v0  }
0x780: {  	p3 =	por !p2, p1;
	v0 =	vsel @!p1 vm0, v1, v0  }
0x781: {  	s1 =	simm.s32 @!p1 $0xA478;
	s2 =	simm.s32 @!p1 $0x0;
	s4 =	smul.u32 @!p3 $0x240, s0;
	[tilespmem:$0xB678] =	vst @!p1 v0  }
0x782: {  	[spmem:s2] =	stream.linear.scatter @!p1 [tilespmem:s1], [sflag:$0x1], $0x90, $0x38;
	[tilespmem:$0x1D958] =	vst v63  }
0x783: {  	s1 =	sshra.s32 @!p3 s4, $0x2  }
0x784: {  	s2 =	simm.s32 @!p3 $0x90;
	s1 =	sadd.s32 @!p3 $0xA478, s1  }
0x785: {  	[spmem:s2] =	stream.linear.scatter @!p3 [tilespmem:s1], [sflag:$0x1], $0x90, $0x38;
	[tilespmem:$0x1D958] =	vst v63  }
0x786: {  	s1 =	simm.s32 @!p3 $0x1  }
0x787: {  	_ =	swait.ge @!p3 [sflag:s1], $0x120  }
0x788: {  	p1 =	por p2, p1;
	[sflag:s1] =	ssyncset.done @!p3 $0x0  }
0x789: {  	[sflag:s1] =	ssyncadd.s32 @!p3 $0xFFFFFEE0;
	s1 =	simm.s32 @!p1 $0x1  }
0x78a: {  	_ =	swait.ge @!p1 [sflag:s1], $0x90  }
0x78b: {  	s29 =	simm.s32 $0xB678;
	[sflag:s1] =	ssyncset.done @!p1 $0x0  }
0x78c: {  	s30 =	simm.s32 $0x1200;
	s31 =	simm.s32 $0x1;
	[sflag:s1] =	ssyncadd.s32 @!p1 $0xFFFFFF70  }
0x78d: {  	[spmem:s30] =	stream.linear.scatter [tilespmem:s29], [sflag:$0x1], $0x10, $0x38;
	[tilespmem:$0x1D958] =	vst v63  }
0x78e: {  	_ =	swait.ge [sflag:s31], $0x10  }
0x78f: {  	[sflag:s31] =	ssyncset.done $0x0  }
0x790: {  	p1 =	seq.s32 s15, $0x0;
	s9 =	rddreg [dreg:$0x1];
	[sflag:s31] =	ssyncadd.s32 $0xFFFFFFF0  }
0x791: {  	s2 =	sshll.u32 @p1 s9, $0xE;
	s8 =	rddreg [dreg:$0x2]  }
0x792: {  	s1 =	sadd.s32 @p1 $0x15C3C, s2;
	s2 =	sshll.u32 @p1 s8, $0x11  }
0x793: {  	_ =	sfence.stream.spmem;
	s1 =	sor.u32 @p1 s2, s1  }
0x794: {  	[sflag:s1] =	ssyncadd.remote.s32 @p1 $0x1;
	s1 =	simm.s32 @p1 $0x4  }
0x795: {  	s4 =	simm.s32 @!p1 $0x3C;
	s2 =	sand.u32 $0xFFFFFFFE, s9;
	_ =	swait.ge @p1 [sflag:s1], $0x26  }
0x796: {  	s6 =	simm.s32 @!p1 $0x0;
	s2 =	sadd.s32 @!p1 $0x4, s2;
	[sflag:s1] =	ssyncset.done @p1 $0x0  }
0x797: {  	s7 =	simm.s32 @!p1 $0x120;
	[sflag:s1] =	ssyncadd.s32 @p1 $0xFFFFFFDA;
	s1 =	sshll.u32 @!p1 s2, $0x1A  }
0x798: {  	s2 =	sshll.u32 @!p1 s2, $0xD;
	s1 =	sor.u32 @!p1 s1, s8;
	_ =	swait.eq @!p1 [sflag:s4], $0x1  }
0x799: {  	s2 =	sor.u32 @!p1 $0x1C04, s2;
	s4 =	simm.s32 @!p1 $0x1C03;
	s1 =	sor.u32 @!p1 $0x80004000, s1  }
0x79a: {  	[spmem:s7], [sflag:s2] =	dma.general @!p1 [spmem:s6], [sflag:s4], length:$0x24, [dreg:$0x0], stride_count:$0x0, ici_dest:s1, dma_misc:DstOpCode:WRITE  }
0x79b: {  	p2 =	slt.s32 s0, $0x2;
	s6 =	simm.s32 @!p1 $0x240;
	s7 =	simm.s32 @!p1 $0x242  }
0x79c: {  	[spmem:s7], [sflag:s2] =	dma.general @!p1 [spmem:s6], [sflag:s4], length:$0x2, [dreg:$0x0], stride_count:$0x0, ici_dest:s1, dma_misc:DstOpCode:WRITE  }
.Ltmp40:
0x79d: {  	s1 =	simm.s32 @!p1 $0x3;
	(pc) =	sbr.rel @p2 .LBB3_42-.Ltmp40, $4  }
0x79e: {  	s2 =	sshll.u32 @!p1 s9, $0xE;
	_ =	swait.ge @!p1 [sflag:s1], $0x26  }
0x79f: {  	s4 =	sshll.u32 @!p1 s8, $0x11;
	s2 =	sadd.s32 @!p1 $0x11C3C, s2;
	[sflag:s1] =	ssyncset.done @!p1 $0x0  }
0x7a0: {  	[sflag:s1] =	ssyncadd.s32 @!p1 $0xFFFFFFDA;
	s1 =	sor.u32 @!p1 s4, s2  }
0x7a1: {  	s0 =	simm.s32 $0x0;
	[sflag:s1] =	ssyncadd.remote.s32 @!p1 $0xFFFFFFFF  }
0x7a2: {  	s0 =	simm.s32 $0xA459  }
0x7a3: {  	v0 =	vld.msk [tilespmem:s0+$0x0], $0x1;
	_ =	sdelay $0x4  }
0x7a4: {  	(v2sf) =	vpush v0, $0x0;
	_ =	sdelay $0xd  }
0x7a5: {  	s31 =	sadd.s32 $0xFFFFFFFE, s3  }
0x7a6: {  	s3 =	simm.s32 $0x0;
	s0 =	sadd.s32 $0xFFFFFFFF, s31;
	s2 =	spop (v2sf)  }
0x7a7: {  	s6 =	simm.s32 $0xA508;
	p1 =	sne.s32 s0, $0x0;
	p2 =	sgt.u32 s2, $0x4E17F  }
.Ltmp41:
0x7a8: {  	s1 =	simm.s32 $0xA598;
	s4 =	sand.u32 @!p2 $0x7FFF8, s2;
	(pc) =	sbr.rel @!p1 .LBB3_41-.Ltmp41, $4  }
0x7a9: {  	s7 =	sadd.s32 @!p2 $0x80, s2;
	s3 =	simm.s32 @!p2 $0x208;
	s8 =	sadd.s32 @!p2 s5, s4  }
0x7aa: {  	s4 =	sand.u32 @!p2 $0x7, s2;
	s2 =	simm.s32 $0xA45A;
	s7 =	sand.u32 @!p2 $0xFFFF8, s7  }
0x7ab: {  	[hbm4b:s8+s4] =	stream.linear.scatter @!p2 [tilespmem:s6], [sflag:$0x5], $0x80, $0x38;
	[tilespmem:$0x1D958] =	vst v63  }
0x7ac: {  	s3 =	sadd.s32 $0x0, s3;
	s6 =	simm.s32 @!p2 $0xA588;
	s7 =	sadd.s32 @!p2 s5, s7  }
.LBB3_40:
0x7ad: {  	[hbm4b:s7+s4] =	stream.linear.scatter @!p2 [tilespmem:s6], [sflag:$0x5], $0x2, $0x38;
	[tilespmem:$0x1D958] =	vst v63  }
0x7ae: {  	s0 =	sadd.s32 $0xFFFFFFFF, s0;
	s6 =	smov.u32 s1;
	v0 =	vld.msk [tilespmem:s2+$0x0], $0x1  }
0x7af: {  	p1 =	sne.s32 s0, $0x0;
	_ =	sdelay $0x3  }
0x7b0: {  	(v2sf) =	vpush v0, $0x0;
	_ =	sdelay $0xe  }
0x7b1: {  	s1 =	sadd.s32 $0x90, s1;
	s8 =	simm.s32 $0x0;
	s4 =	spop (v2sf)  }
.Ltmp42:
0x7b2: {  	s2 =	sadd.s32 $0x1, s2;
	p2 =	sgt.u32 s4, $0x4E17F;
	(pc) =	sbr.rel @p1 .LBB3_40-.Ltmp42, $4  }
0x7b3: {  	s8 =	simm.s32 @!p2 $0x208;
	s7 =	sand.u32 @!p2 $0x7FFF8, s4;
	s9 =	sadd.s32 @!p2 $0x80, s4  }
0x7b4: {  	s4 =	sand.u32 @!p2 $0x7, s4;
	s7 =	sadd.s32 @!p2 s5, s7;
	s9 =	sand.u32 @!p2 $0xFFFF8, s9  }
0x7b5: {  	[hbm4b:s7+s4] =	stream.linear.scatter @!p2 [tilespmem:s6], [sflag:$0x5], $0x80, $0x38;
	[tilespmem:$0x1D958] =	vst v63  }
0x7b6: {  	s3 =	sadd.s32 s3, s8;
	s6 =	sadd.s32 @!p2 $0x80, s6;
	s7 =	sadd.s32 @!p2 s5, s9  }
.LBB3_41:
0x7b7: {  	[hbm4b:s7+s4] =	stream.linear.scatter @!p2 [tilespmem:s6], [sflag:$0x5], $0x2, $0x38;
	[tilespmem:$0x1D958] =	vst v63  }
0x7b8: {  	s0 =	sshrl.u32 s3, $0x2  }
.LBB3_42:
0x7b9: {  	s1 =	simm.s32 $0x5  }
0x7ba: {  	_ =	swait.ge [sflag:s1], s0  }
0x7bb: {  	s31 =	ssub.s32 $0x0, s0;
	[sflag:s1] =	ssyncset.done $0x0  }
0x7bc: {  	[sflag:s1] =	ssyncadd.s32 s31  }
0x7bd: {  	[sflag:s1] =	ssyncpa.u1 $0x1  }
.LBB3_43:
0x7be: {  	s0 =	sor.u32 s15, s14  }
0x7bf: {  	p1 =	sne.s32 s0, $0x0  }
.Ltmp43:
0x7c0: {  	_ = 	snop;
	(pc) =	sbr.rel @p1 .LBB3_58-.Ltmp43, $3  }
0x7c1: {  	_ =	sdelay $0x1  }
0x7c2: {  	[bflag:$0x0] =	sbarrier.arrive $0xFFFF  }
0x7c3: {  	_ =	sfence  }
0x7c4: {  	s0 =	simm.s32 $0x7  }
0x7c5: {  	s1 =	simm.s32 $0x1200;
	s2 =	simm.s32 $0xA458;
	[sflag:s0] =	ssyncpa.u1 $0x0  }
0x7c6: {  	[tilespmem:s2], [sflag:$0x7] =	stream.linear.gather [spmem:s1], $0x20, $0x38;
	[tilespmem:$0x1D958] =	vst v63  }
0x7c7: {  	s30 =	simm.s32 $0xA478;
	s1 =	simm.s32 $0x0  }
0x7c8: {  	[tilespmem:s30], [sflag:$0x7] =	stream.linear.gather [spmem:s1], $0x1200, $0x38;
	[tilespmem:$0x1D958] =	vst v63  }
.Ltmp44:
0x7c9: {  	_ = 	snop;
	(pc) =	sbr.rel .LBB3_45-.Ltmp44, $4  }
0x7ca: {  	_ =	swait.ge [sflag:s0], $0x1220  }
0x7cb: {  	[sflag:s0] =	ssyncset.done $0x0  }
0x7cc: {  	s31 =	simm.s32 $0x8;
	[sflag:s0] =	ssyncadd.s32 $0xFFFFEDE0  }
0x7cd: {  	s2 =	simm.s32 $0x0;
	[sflag:s31] =	ssyncpa.u1 $0x0  }
.LBB3_51:
0x7ce: {  	p1 =	slt.u32 s0, $0x4E180  }
0x7cf: {  	s3 =	sand.u32 @p1 $0x7FFF8, s0;
	s4 =	sand.u32 @p1 $0x7, s0;
	s0 =	sadd.s32 @p1 $0x80, s0  }
0x7d0: {  	s6 =	simm.s32 @p1 $0xA3B8;
	s3 =	sadd.s32 @p1 s5, s3;
	s0 =	sand.u32 @p1 $0xFFFF8, s0  }
0x7d1: {  	[tilespmem:s6], [sflag:$0x8] =	stream.linear.gather @p1 [hbm4b:s3+s4], $0x80, $0x38;
	[tilespmem:$0x1D958] =	vst v63  }
0x7d2: {  	s0 =	sadd.s32 @p1 s5, s0;
	s3 =	simm.s32 @p1 $0xA438  }
0x7d3: {  	[tilespmem:s3], [sflag:$0x8] =	stream.linear.gather @p1 [hbm4b:s0+s4], $0x2, $0x38;
	[tilespmem:$0x1D958] =	vst v63  }
0x7d4: {  	s0 =	simm.s32 @p1 $0x8  }
0x7d5: {  	_ =	swait.ge @p1 [sflag:s0], $0x82  }
0x7d6: {  	[sflag:s0] =	ssyncset.done @p1 $0x0  }
0x7d7: {  	[sflag:s0] =	ssyncadd.s32 @p1 $0xFFFFFF7E  }
0x7d8: {  	v1 =	vld @p1 [tilespmem:$0xA3B8];
	_ =	sdelay $0x1  }
0x7d9: {  	s0 =	smul.u32 @p1 $0x240, s2;
	_ =	sdelay $0x1  }
0x7da: {  	s3 =	sshra.s32 @p1 s0, $0x2  }
0x7db: {  	[tilespmem:s3+$0xA478] =	vst.add.f32.msk @p1 $0xffff, v1  }
0x7dc: {  	v1 =	vld @p1 [tilespmem:$0xA3C8];
	_ =	sdelay $0x4  }
0x7dd: {  	[tilespmem:s3+$0xA488] =	vst.add.f32.msk @p1 $0xffff, v1  }
0x7de: {  	v1 =	vld @p1 [tilespmem:$0xA3D8];
	_ =	sdelay $0x4  }
0x7df: {  	[tilespmem:s3+$0xA498] =	vst.add.f32.msk @p1 $0xffff, v1  }
0x7e0: {  	v1 =	vld @p1 [tilespmem:$0xA3E8];
	_ =	sdelay $0x4  }
0x7e1: {  	[tilespmem:s3+$0xA4A8] =	vst.add.f32.msk @p1 $0xffff, v1  }
0x7e2: {  	v1 =	vld @p1 [tilespmem:$0xA3F8];
	_ =	sdelay $0x4  }
0x7e3: {  	[tilespmem:s3+$0xA4B8] =	vst.add.f32.msk @p1 $0xffff, v1  }
0x7e4: {  	v1 =	vld @p1 [tilespmem:$0xA408];
	_ =	sdelay $0x4  }
0x7e5: {  	[tilespmem:s3+$0xA4C8] =	vst.add.f32.msk @p1 $0xffff, v1  }
0x7e6: {  	v1 =	vld @p1 [tilespmem:$0xA418];
	_ =	sdelay $0x4  }
0x7e7: {  	[tilespmem:s3+$0xA4D8] =	vst.add.f32.msk @p1 $0xffff, v1  }
0x7e8: {  	v1 =	vld @p1 [tilespmem:$0xA428];
	_ =	sdelay $0x4  }
0x7e9: {  	[tilespmem:s3+$0xA4E8] =	vst.add.f32.msk @p1 $0xffff, v1  }
0x7ea: {  	v1 =	vld @p1 [tilespmem:$0xA438];
	_ =	sdelay $0x2  }
0x7eb: {  	s4 =	smul.u32 @!p1 $0x240, s2;
	_ =	sdelay $0x1  }
0x7ec: {  	s4 =	smov.u32 @p1 s0;
	[tilespmem:s3+$0xA4F8] =	vst.add.f32.msk @p1 $0xffff, v1  }
0x7ed: {  	s0 =	sshra.s32 s4, $0x2;
	[tilespmem:s1+$0xA458] =	vst.msk $0x1, v0  }
0x7ee: {  	v0 =	vld [tilespmem:s0+$0xA478];
	_ =	sdelay $0x1  }
0x7ef: {  	s31 =	smul.u32 $0x240, s1;
	_ =	sdelay $0x1  }
0x7f0: {  	s3 =	sshra.s32 s31, $0x2  }
0x7f1: {  	[tilespmem:s3+$0xA478] =	vst v0  }
0x7f2: {  	v0 =	vld [tilespmem:s0+$0xA488];
	_ =	sdelay $0x4  }
0x7f3: {  	[tilespmem:s3+$0xA488] =	vst v0  }
0x7f4: {  	v0 =	vld [tilespmem:s0+$0xA498];
	_ =	sdelay $0x4  }
0x7f5: {  	[tilespmem:s3+$0xA498] =	vst v0  }
0x7f6: {  	v0 =	vld [tilespmem:s0+$0xA4A8];
	_ =	sdelay $0x4  }
0x7f7: {  	[tilespmem:s3+$0xA4A8] =	vst v0  }
0x7f8: {  	v0 =	vld [tilespmem:s0+$0xA4B8];
	_ =	sdelay $0x4  }
0x7f9: {  	[tilespmem:s3+$0xA4B8] =	vst v0  }
0x7fa: {  	v0 =	vld [tilespmem:s0+$0xA4C8];
	_ =	sdelay $0x4  }
0x7fb: {  	[tilespmem:s3+$0xA4C8] =	vst v0  }
0x7fc: {  	v0 =	vld [tilespmem:s0+$0xA4D8];
	_ =	sdelay $0x4  }
0x7fd: {  	[tilespmem:s3+$0xA4D8] =	vst v0  }
0x7fe: {  	v0 =	vld [tilespmem:s0+$0xA4E8];
	_ =	sdelay $0x4  }
0x7ff: {  	[tilespmem:s3+$0xA4E8] =	vst v0  }
0x800: {  	v0 =	vld [tilespmem:s0+$0xA4F8];
	_ =	sdelay $0x4  }
0x801: {  	s1 =	sadd.s32 $0x1, s1;
	[tilespmem:s3+$0xA4F8] =	vst v0  }
.LBB3_52:
0x802: {  	s2 =	sadd.s32 $0x1, s2  }
0x803: {  	p1 =	sne.s32 s2, $0x20  }
.Ltmp45:
0x804: {  	_ = 	snop;
	(pc) =	sbr.rel @!p1 .LBB3_53-.Ltmp45, $1  }
0x805: {  	_ =	sdelay $0x3  }
.LBB3_45:
0x806: {  	v0 =	vld.msk [tilespmem:s2+$0xA458], $0x1;
	_ =	sdelay $0x4  }
0x807: {  	(v2sf) =	vpush v0, $0x0;
	_ =	sdelay $0xe  }
0x808: {  	s0 =	spop (v2sf)  }
0x809: {  	p1 =	seq.s32 s0, $0xFFFFFFFF  }
.Ltmp46:
0x80a: {  	_ = 	snop;
	(pc) =	sbr.rel @p1 .LBB3_52-.Ltmp46, $1  }
0x80b: {  	_ =	sdelay $0x3  }
0x80c: {  	p1 =	slt.s32 s1, $0x1  }
.Ltmp47:
0x80d: {  	_ = 	snop;
	(pc) =	sbr.rel @p1 .LBB3_51-.Ltmp47, $1  }
0x80e: {  	_ =	sdelay $0x3  }
0x80f: {  	s3 =	simm.s32 $0xA458;
	p1 =	por $0x0, $0x0  }
0x810: {  	v1 =	vld.msk @!p1 [tilespmem:s3+$0x0], $0x1;
	_ =	sdelay $0x4  }
0x811: {  	(v2sf) =	vpush @!p1 v1, $0x0;
	_ =	sdelay $0xd  }
0x812: {  	p3 =	sne.s32 s1, $0x1  }
.Ltmp48:
0x813: {  	s4 =	spop @!p1 (v2sf);
	(pc) =	sbr.rel @!p3 .LBB3_49-.Ltmp48, $4  }
0x814: {  	p2 =	seq.s32 @!p1 s0, s4  }
0x815: {  	s4 =	simm.s32 $0x0;
	p2 =	por !p2, p1  }
0x816: {  	s7 =	simm.s32 $0xFFFFFFFF;
	s4 =	simm.s32 @p2 $0xFFFFFFFF  }
0x817: {  	s6 =	simm.s32 $0x1;
	s4 =	smov.u32 @p1 s7  }
.LBB3_48:
0x818: {  	s7 =	smov.u32 s4;
	p1 =	sne.s32 s4, $0xFFFFFFFF  }
0x819: {  	s3 =	sadd.s32 $0x1, s3;
	s4 =	smov.u32 s6;
	s6 =	sadd.s32 $0x1, s6  }
0x81a: {  	p2 =	sne.s32 s1, s6;
	v1 =	vld.msk @!p1 [tilespmem:s3+$0x0], $0x1;
	_ =	sdelay $0x4  }
0x81b: {  	(v2sf) =	vpush @!p1 v1, $0x0;
	_ =	sdelay $0xe  }
.Ltmp49:
0x81c: {  	s8 =	spop @!p1 (v2sf);
	(pc) =	sbr.rel @p2 .LBB3_48-.Ltmp49, $4  }
0x81d: {  	p3 =	seq.s32 @!p1 s0, s8  }
0x81e: {  	p3 =	por !p3, p1  }
0x81f: {  	s4 =	simm.s32 @p3 $0xFFFFFFFF  }
0x820: {  	s4 =	smov.u32 @p1 s7  }
.LBB3_49:
0x821: {  	p1 =	seq.s32 s4, $0xFFFFFFFF  }
.Ltmp50:
0x822: {  	_ = 	snop;
	(pc) =	sbr.rel @p1 .LBB3_51-.Ltmp50, $1  }
0x823: {  	_ =	sdelay $0x3  }
0x824: {  	s0 =	smul.u32 $0x240, s2;
	_ =	sdelay $0x1  }
0x825: {  	s0 =	sshra.s32 s0, $0x2  }
0x826: {  	v0 =	vld [tilespmem:s0+$0xA478];
	_ =	sdelay $0x1  }
0x827: {  	s3 =	smul.u32 $0x240, s4;
	_ =	sdelay $0x1  }
0x828: {  	s3 =	sshra.s32 s3, $0x2  }
0x829: {  	[tilespmem:s3+$0xA478] =	vst.add.f32.msk $0xffff, v0  }
0x82a: {  	v0 =	vld [tilespmem:s0+$0xA488];
	_ =	sdelay $0x4  }
0x82b: {  	[tilespmem:s3+$0xA488] =	vst.add.f32.msk $0xffff, v0  }
0x82c: {  	v0 =	vld [tilespmem:s0+$0xA498];
	_ =	sdelay $0x4  }
0x82d: {  	[tilespmem:s3+$0xA498] =	vst.add.f32.msk $0xffff, v0  }
0x82e: {  	v0 =	vld [tilespmem:s0+$0xA4A8];
	_ =	sdelay $0x4  }
0x82f: {  	[tilespmem:s3+$0xA4A8] =	vst.add.f32.msk $0xffff, v0  }
0x830: {  	v0 =	vld [tilespmem:s0+$0xA4B8];
	_ =	sdelay $0x4  }
0x831: {  	[tilespmem:s3+$0xA4B8] =	vst.add.f32.msk $0xffff, v0  }
0x832: {  	v0 =	vld [tilespmem:s0+$0xA4C8];
	_ =	sdelay $0x4  }
0x833: {  	[tilespmem:s3+$0xA4C8] =	vst.add.f32.msk $0xffff, v0  }
0x834: {  	v0 =	vld [tilespmem:s0+$0xA4D8];
	_ =	sdelay $0x4  }
0x835: {  	[tilespmem:s3+$0xA4D8] =	vst.add.f32.msk $0xffff, v0  }
0x836: {  	v0 =	vld [tilespmem:s0+$0xA4E8];
	_ =	sdelay $0x4  }
0x837: {  	[tilespmem:s3+$0xA4E8] =	vst.add.f32.msk $0xffff, v0  }
0x838: {  	v0 =	vld [tilespmem:s0+$0xA4F8]  }
.Ltmp51:
0x839: {  	_ = 	snop;
	(pc) =	sbr.rel .LBB3_52-.Ltmp51, $2  }
0x83a: {  	_ =	sdelay $0x2  }
0x83b: {  	[tilespmem:s3+$0xA4F8] =	vst.add.f32.msk $0xffff, v0  }
.LBB3_53:
0x83c: {  	p1 =	slt.s32 s1, $0x1  }
.Ltmp52:
0x83d: {  	_ = 	snop;
	(pc) =	sbr.rel @p1 .LBB3_57-.Ltmp52, $3  }
0x83e: {  	_ =	sdelay $0x1  }
0x83f: {  	s0 =	simm.s32 $0x8  }
0x840: {  	s3 =	simm.s32 $0x0;
	[sflag:s0] =	ssyncpa.u1 $0x1  }
0x841: {  	s0 =	simm.s32 $0xA458  }
0x842: {  	v0 =	vld.msk [tilespmem:s0+$0x0], $0x1;
	_ =	sdelay $0x4  }
0x843: {  	(v2sf) =	vpush v0, $0x0;
	_ =	sdelay $0xe  }
0x844: {  	s0 =	sadd.s32 $0xFFFFFFFF, s1;
	s2 =	spop (v2sf)  }
0x845: {  	s6 =	simm.s32 $0xA478;
	p1 =	sne.s32 s0, $0x0;
	p2 =	sgt.u32 s2, $0x4E17F  }
.Ltmp53:
0x846: {  	s1 =	simm.s32 $0xA508;
	s4 =	sand.u32 @!p2 $0x7FFF8, s2;
	(pc) =	sbr.rel @!p1 .LBB3_56-.Ltmp53, $4  }
0x847: {  	s7 =	sadd.s32 @!p2 $0x80, s2;
	s3 =	simm.s32 @!p2 $0x208;
	s8 =	sadd.s32 @!p2 s5, s4  }
0x848: {  	s4 =	sand.u32 @!p2 $0x7, s2;
	s2 =	simm.s32 $0xA459;
	s7 =	sand.u32 @!p2 $0xFFFF8, s7  }
0x849: {  	[hbm4b:s8+s4] =	stream.linear.scatter @!p2 [tilespmem:s6], [sflag:$0x7], $0x80, $0x38;
	[tilespmem:$0x1D958] =	vst v63  }
0x84a: {  	s3 =	sadd.s32 $0x0, s3;
	s6 =	simm.s32 @!p2 $0xA4F8;
	s7 =	sadd.s32 @!p2 s5, s7  }
.LBB3_55:
0x84b: {  	[hbm4b:s7+s4] =	stream.linear.scatter @!p2 [tilespmem:s6], [sflag:$0x7], $0x2, $0x38;
	[tilespmem:$0x1D958] =	vst v63  }
0x84c: {  	s0 =	sadd.s32 $0xFFFFFFFF, s0;
	s6 =	smov.u32 s1;
	v0 =	vld.msk [tilespmem:s2+$0x0], $0x1  }
0x84d: {  	p1 =	sne.s32 s0, $0x0;
	_ =	sdelay $0x3  }
0x84e: {  	(v2sf) =	vpush v0, $0x0;
	_ =	sdelay $0xe  }
0x84f: {  	s1 =	sadd.s32 $0x90, s1;
	s8 =	simm.s32 $0x0;
	s4 =	spop (v2sf)  }
.Ltmp54:
0x850: {  	s2 =	sadd.s32 $0x1, s2;
	p2 =	sgt.u32 s4, $0x4E17F;
	(pc) =	sbr.rel @p1 .LBB3_55-.Ltmp54, $4  }
0x851: {  	s8 =	simm.s32 @!p2 $0x208;
	s7 =	sand.u32 @!p2 $0x7FFF8, s4;
	s9 =	sadd.s32 @!p2 $0x80, s4  }
0x852: {  	s4 =	sand.u32 @!p2 $0x7, s4;
	s7 =	sadd.s32 @!p2 s5, s7;
	s9 =	sand.u32 @!p2 $0xFFFF8, s9  }
0x853: {  	[hbm4b:s7+s4] =	stream.linear.scatter @!p2 [tilespmem:s6], [sflag:$0x7], $0x80, $0x38;
	[tilespmem:$0x1D958] =	vst v63  }
0x854: {  	s3 =	sadd.s32 s3, s8;
	s6 =	sadd.s32 @!p2 $0x80, s6;
	s7 =	sadd.s32 @!p2 s5, s9  }
.LBB3_56:
0x855: {  	[hbm4b:s7+s4] =	stream.linear.scatter @!p2 [tilespmem:s6], [sflag:$0x7], $0x2, $0x38;
	[tilespmem:$0x1D958] =	vst v63  }
0x856: {  	s3 =	sshrl.u32 s3, $0x2  }
.LBB3_57:
0x857: {  	s0 =	simm.s32 $0x7  }
0x858: {  	_ =	swait.ge [sflag:s0], s3  }
0x859: {  	s1 =	ssub.s32 $0x0, s3;
	[sflag:s0] =	ssyncset.done $0x0  }
0x85a: {  	[sflag:s0] =	ssyncadd.s32 s1  }
0x85b: {  	[sflag:s0] =	ssyncpa.u1 $0x1  }
.LBB3_58:
0x85c: {  	_ =	sfence;
	s0 =	simm.s32 $0x1  }
0x85d: {  	[sflag:s0] =	ssyncpa.u1 $0x1  }
0x85e: {  	_ =	strace $0x90000053  }
0x85f: {  	[bflag:$0x2] =	sbarrier.arrive $0xFFFF  }
0x860: {  	s0 =	rddreg [dreg:$0x3]  }
0x861: {  	s0 =	sadd.s32 @!p0 $0x100000, s0  }
0x862: {  	[sflag:s0] =	ssyncadd.tile.s32 @!p0 $0x1;
	_ =	shalt  }
.Lfunc_end3:
_tile_overlayer_lowered:
.L_overlay_start_3:
0x863: {  	(tag) =	ssettag $0x3  }
0x864: {  	s0 =	rddreg [dreg:$0x0];
	s2 =	stileid.u32  }
0x865: {  	s1 =	rddreg [dreg:$0x1];
	p0 =	sne.s32 s2, $0x0  }
0x866: {  	s3 =	rddreg [dreg:$0x2];
	[bflag:$0x3] =	sbarrier.arrive $0xFFFF;
	s2 =	simm.s32 @!p0 $0x1C01  }
0x867: {  	[timem:s3], [sflag:s2] =	dma.local @!p0 [hbm:s0], s1  }
0x868: {  	s0 =	simm.s32 @!p0 $0x1  }
0x869: {  	_ =	swait.ge @!p0 [sflag:s0], s1  }
0x86a: {  	s1 =	ssub.s32 @!p0 $0x0, s1;
	[sflag:s0] =	ssyncset.done @!p0 $0x0  }
0x86b: {  	[sflag:s0] =	ssyncadd.s32 @!p0 s1  }
0x86c: {  	[bflag:$0x3] =	sbarrier.arrive $0xFFFF  }
0x86d: {  	_ =	shalt  }

// kernel: scatter_offload_async_start
scs
__scs_entry_jumppad:
0x0: {  	(pc) =	sbr.rel $0x88, $3  }
0x1: {  	(tag) =	ssettag $0x0;
	lr =	simm.s32 $0x1  }
0x2: {  	[smem:$0x3F94] =	sst lr;
	_ =	strace $0xD0000000  }
0x3: {  	_ = 	snop  }
0x4: {  	_ = 	snop  }
0x5: {  	_ = 	snop  }
0x6: {  	_ = 	snop  }
0x7: {  	_ = 	snop  }
__scs_overlays_trampoline_lowered:
0x8: {  	[smem:$0x3FA3] =	sst s0  }
0x9: {  	[smem:$0x3FA4] =	sst s1  }
0xa: {  	[smem:$0x3FA5] =	sst s2  }
0xb: {  	[smem:$0x3FA6] =	sst s3  }
0xc: {  	[smem:$0x3FA7] =	sst s4  }
0xd: {  	[smem:$0x3FA8] =	sst s5  }
0xe: {  	[smem:$0x3FA9] =	sst s6  }
0xf: {  	[smem:$0x3FAA] =	sst s7  }
0x10: {  	[smem:$0x3FAB] =	sst s8  }
0x11: {  	[smem:$0x3FAC] =	sst s9;
	s0 =	simm.s32 @!p0 $0x0  }
0x12: {  	s1 =	sld [smem:$0x3F92];
	s0 =	simm.s32 @p0 $0x1  }
0x13: {  	[smem:$0x3FAD] =	sst s0;
	s0 =	simm.s32 @!p1 $0x0  }
0x14: {  	s2 =	sld [smem:$0x3F91];
	s0 =	simm.s32 @p1 $0x1  }
0x15: {  	[smem:$0x3FAE] =	sst s0;
	s0 =	simm.s32 @!p2 $0x0  }
0x16: {  	s3 =	sld [smem:$0x3FDB];
	s0 =	simm.s32 @p2 $0x1  }
0x17: {  	s4 =	simm.s32 $0x1BF5;
	[smem:$0x3FB0] =	sst s0  }
0x18: {  	s0 =	sld [smem:$0x3F93];
	_ =	swait.ge [sflag:s4], $0x0  }
0x19: {  	s7 =	sld [smem:$0x3F94]  }
0x1a: {  	s8 =	sadd.s32 $0xFFFFE003, lr  }
0x1b: {  	s9 =	sadd.s32 $0xFFFFFEF7, lr;
	s5 =	simm.s32 $0xFFFFFFFF;
	p2 =	slt.u32 s8, $0xFFFFF086  }
0x1c: {  	p1 =	slt.u32 s9, $0xF7A;
	s5 =	simm.s32 @!p2 $0x0  }
0x1d: {  	s5 =	simm.s32 @p1 $0x1;
	p0 =	seq.s32 s7, s2  }
0x1e: {  	s7 =	smul.u32 @!p0 $0xF7A, s2;
	p2 =	seq.s32 @!p0 s5, $0x0  }
0x1f: {  	s9 =	smul.u32 $0xF7A, s1;
	s8 =	simm.s32 @!p0 $0x1BF5;
	p2 =	por !p2, p0  }
0x20: {  	[sflag:s8] =	ssyncset.s32 @!p0 $0xFFFFF086;
	s6 =	sadd.s32 @!p0 s3, s7;
	s7 =	simm.s32 @!p0 $0x108  }
0x21: {  	s3 =	sadd.s32 s3, s9;
	s6 =	sadd.s32 @!p0 $0x88, s6;
	s7 =	simm.s32 @p2 $0x1082  }
0x22: {  	[simem:s7], [sflag:s8] =	dma.local @!p0 [hbm:s6], $0xF7A  }
0x23: {  	s9 =	sor.u32 $0xD0000000, s2;
	s6 =	simm.s32 $0x108;
	_ =	swait.ge @!p0 [sflag:s8], $0x0  }
0x24: {  	s3 =	sadd.s32 $0x88, s3;
	s6 =	simm.s32 @!p1 $0x1082;
	[sflag:s4] =	ssyncset.s32 $0xFFFFF086  }
0x25: {  	[simem:s6], [sflag:s4] =	dma.local [hbm:s3], $0xF7A  }
0x26: {  	[smem:$0x3F94] =	sst s1;
	(tag) =	ssettag s2;
	_ =	strace s9  }
0x27: {  	s1 =	sld [smem:$0x3FA4]  }
0x28: {  	s2 =	sld [smem:$0x3FA5]  }
0x29: {  	s4 =	sld [smem:$0x3FA7]  }
0x2a: {  	p0 =	seq.s32 s5, $0x0;
	s5 =	sld [smem:$0x3FA8]  }
0x2b: {  	s6 =	sld [smem:$0x3FA9]  }
0x2c: {  	s7 =	sld [smem:$0x3FAA]  }
0x2d: {  	s3 =	simm.s32 $0x108;
	s8 =	sld [smem:$0x3FAB]  }
0x2e: {  	s3 =	simm.s32 @!p0 $0x1082;
	s9 =	sld [smem:$0x3FAC]  }
0x2f: {  	lr =	sadd.s32 s0, s3;
	s0 =	sld [smem:$0x3FA3]  }
0x30: {  	s3 =	sld [smem:$0x3FA6]  }
0x31: {  	[smem:$0x3FAF] =	sst s10  }
0x32: {  	s10 =	sld [smem:$0x3FAD];
	_ =	sdelay $0x3  }
0x33: {  	p0 =	seq.s32 s10, $0x1;
	s10 =	sld [smem:$0x3FAF];
	_ =	sdelay $0x3  }
0x34: {  	[smem:$0x3FAF] =	sst s10  }
0x35: {  	s10 =	sld [smem:$0x3FAE];
	_ =	sdelay $0x3  }
0x36: {  	p1 =	seq.s32 s10, $0x1;
	s10 =	sld [smem:$0x3FAF];
	_ =	sdelay $0x3  }
0x37: {  	[smem:$0x3FAF] =	sst s10  }
0x38: {  	s10 =	sld [smem:$0x3FB0]  }
0x39: {  	_ = 	snop;
	(pc) =	sbr.ind lr, $3  }
0x3a: {  	_ = 	snop  }
0x3b: {  	_ = 	snop  }
0x3c: {  	p2 =	seq.s32 s10, $0x1;
	s10 =	sld [smem:$0x3FAF]  }
0x3d: {  	_ =	shalt  }
0x3e: {  	_ =	shalt  }
0x3f: {  	_ =	shalt  }
0x40: {  	_ =	shalt  }
0x41: {  	_ =	shalt  }
0x42: {  	_ =	shalt  }
0x43: {  	_ =	shalt  }
0x44: {  	_ =	shalt  }
0x45: {  	_ =	shalt  }
0x46: {  	_ =	shalt  }
0x47: {  	_ =	shalt  }
0x48: {  	_ =	shalt  }
0x49: {  	_ =	shalt  }
0x4a: {  	_ =	shalt  }
0x4b: {  	_ =	shalt  }
0x4c: {  	_ =	shalt  }
0x4d: {  	_ =	shalt  }
0x4e: {  	_ =	shalt  }
0x4f: {  	_ =	shalt  }
0x50: {  	_ =	shalt  }
0x51: {  	_ =	shalt  }
0x52: {  	_ =	shalt  }
0x53: {  	_ =	shalt  }
0x54: {  	_ =	shalt  }
0x55: {  	_ =	shalt  }
0x56: {  	_ =	shalt  }
0x57: {  	_ =	shalt  }
0x58: {  	_ =	shalt  }
0x59: {  	_ =	shalt  }
0x5a: {  	_ =	shalt  }
0x5b: {  	_ =	shalt  }
0x5c: {  	_ =	shalt  }
0x5d: {  	_ =	shalt  }
0x5e: {  	_ =	shalt  }
0x5f: {  	_ =	shalt  }
0x60: {  	_ =	shalt  }
0x61: {  	_ =	shalt  }
0x62: {  	_ =	shalt  }
0x63: {  	_ =	shalt  }
0x64: {  	_ =	shalt  }
0x65: {  	_ =	shalt  }
0x66: {  	_ =	shalt  }
0x67: {  	_ =	shalt  }
0x68: {  	_ =	shalt  }
0x69: {  	_ =	shalt  }
0x6a: {  	_ =	shalt  }
0x6b: {  	_ =	shalt  }
0x6c: {  	_ =	shalt  }
0x6d: {  	_ =	shalt  }
0x6e: {  	_ =	shalt  }
0x6f: {  	_ =	shalt  }
0x70: {  	_ =	shalt  }
0x71: {  	_ =	shalt  }
0x72: {  	_ =	shalt  }
0x73: {  	_ =	shalt  }
0x74: {  	_ =	shalt  }
0x75: {  	_ =	shalt  }
0x76: {  	_ =	shalt  }
0x77: {  	_ =	shalt  }
0x78: {  	_ =	shalt  }
0x79: {  	_ =	shalt  }
0x7a: {  	_ =	shalt  }
0x7b: {  	_ =	shalt  }
0x7c: {  	_ =	shalt  }
0x7d: {  	_ =	shalt  }
0x7e: {  	_ =	shalt  }
0x7f: {  	_ =	shalt  }
0x80: {  	_ =	shalt  }
0x81: {  	_ =	shalt  }
0x82: {  	_ =	shalt  }
0x83: {  	_ =	shalt  }
0x84: {  	_ =	shalt  }
0x85: {  	_ =	shalt  }
0x86: {  	_ =	shalt  }
0x87: {  	_ =	shalt  }
.Lfunc_end0:
.L_simem_size_0:
called_computation_lowered:
.L_overlay_start_0:
0x88: {  	s2 =	sld [smem:$0x3FD9]  }
0x89: {  	s3 =	sld [smem:$0x3FFE];
	_ =	sdelay $0x1  }
0x8a: {  	s1 =	srdreg.scid  }
0x8b: {  	s0 =	sand.u32 $0x1, s1  }
0x8c: {  	s10 =	sshll.u32 s0, $0xA;
	s2 =	sadd.s32 s3, s2  }
0x8d: {  	s2 =	sadd.s32 s2, s10  }
0x8e: {  	[smem:$0x3FBB] =	sst s2  }
0x8f: {  	_ = 	snop  }
0x90: {  	s2 =	sld [smem:$0x3FD0];
	_ =	sdelay $0x2  }
0x91: {  	s11 =	simm.s32 $0xD;
	s4 =	simm.s32 $0x10  }
0x92: {  	[smem:s4], [sflag:s11] =	dma.local [hbm:s2], $0x1  }
0x93: {  	_ =	swait.eq [sflag:s11], $0x1  }
0x94: {  	[sflag:s11] =	ssyncset.done $0x0  }
0x95: {  	[sflag:s11] =	ssyncadd.s32 $0xFFFFFFFF  }
0x96: {  	s12 =	sld [smem:$0x10];
	(tm) =	ssettm $0x1  }
0x97: {  	s13 =	sld [smem:$0x3FFB];
	_ =	sdelay $0x3  }
0x98: {  	_ =	strace s13  }
0x99: {  	s2 =	sld [smem:$0x3FFC];
	_ =	sdelay $0x3  }
0x9a: {  	_ =	strace s2  }
0x9b: {  	s2 =	sld [smem:$0x3FFD];
	_ =	sdelay $0x3  }
0x9c: {  	_ =	strace s2  }
0x9d: {  	_ =	strace $0x8FFFFFFF  }
0x9e: {  	s14 =	sld [smem:$0x3FDB];
	_ =	sdelay $0x1  }
0x9f: {  	s15 =	simm.s32 $_scs_section_size  }
0xa0: {  	s5 =	simm.s32 $_size__tile_overlayer_lowered;
	s6 =	simm.s32 $_tile_overlayer_lowered  }
0xa1: {  	s19 =	simm.s32 $0x1BFF;
	s17 =	sshll.u32 s6, $0x1;
	s7 =	sadd.s32 s15, s14  }
0xa2: {  	s20 =	simm.s32 $0x0;
	s16 =	sshll.u32 s5, $0x1;
	s18 =	sadd.s32 s17, s7  }
0xa3: {  	[timem:s20], [sflag:s19] =	dma.local [hbm:s18], s16  }
0xa4: {  	_ =	swait.ge [sflag:s19], s16  }
0xa5: {  	s4 =	ssub.s32 $0x0, s16;
	[sflag:s19] =	ssyncset.done $0x0  }
0xa6: {  	[sflag:s19] =	ssyncadd.s32 s4;
	_ =	sdelay $0x1  }
0xa7: {  	s21 =	simm.s32 $0x1B8B  }
0xa8: {  	_ =	swait.ge [sflag:s21], $0x1  }
0xa9: {  	[sflag:s21] =	ssyncset.done $0x0  }
0xaa: {  	[sflag:s21] =	ssyncadd.s32 $0xFFFFFFFF  }
0xab: {  	s4 =	sld [smem:$0x0]  }
0xac: {  	s5 =	sand.u32 $0xFFFFFFFE, s1  }
0xad: {  	p0 =	sne.s32 s1, s5  }
0xae: {  	s5 =	sshll.u32 @p0 s5, $0xE  }
0xaf: {  	s6 =	sadd.s32 @p0 $0x11B8D, s5;
	s8 =	sshll.u32 @p0 s4, $0x11  }
0xb0: {  	s6 =	sor.u32 @p0 s8, s6  }
0xb1: {  	[sflag:s6] =	ssyncadd.remote.s32 @p0 $0x1;
	_ =	sdelay $0x1  }
0xb2: {  	s6 =	simm.s32 @p0 $0x1B8D  }
0xb3: {  	_ =	swait.eq @p0 [sflag:s6], $0x1  }
0xb4: {  	[sflag:s6] =	ssyncadd.s32 @p0 $0xFFFFFFFF  }
0xb5: {  	s8 =	sshll.u32 @!p0 s1, $0xE  }
0xb6: {  	s8 =	sor.u32 @!p0 $0x4000, s8;
	s6 =	simm.s32 @!p0 $0x1B8D  }
0xb7: {  	s10 =	sshll.u32 @!p0 s4, $0x11;
	s9 =	sadd.s32 @!p0 $0x11B8D, s8;
	_ =	swait.eq @!p0 [sflag:s6], $0x1  }
0xb8: {  	[sflag:s6] =	ssyncadd.s32 @!p0 $0xFFFFFFFF;
	s6 =	sor.u32 @!p0 s10, s9  }
0xb9: {  	s23 =	simm.s32 $0x1B8E;
	s22 =	sld [smem:$0x3FFE];
	[sflag:s6] =	ssyncadd.remote.s32 @!p0 $0x1  }
0xba: {  	s24 =	simm.s32 $execute0_lowered;
	[smem:$0x3FD2] =	sst s23  }
0xbb: {  	s9 =	sshll.u32 s24, $0x1;
	_ =	strace $0x80000055;
	[dreg:$0x1] =	wrdreg $0xFFFFFFFF  }
0xbc: {  	s25 =	simm.s32 $_size_execute0_lowered;
	s9 =	sadd.s32 s7, s9;
	[dreg:$0x0] =	wrdreg $0x0  }
0xbd: {  	s10 =	sshll.u32 s25, $0x1;
	[dreg:$0x2] =	wrdreg s9  }
0xbe: {  	[dreg:$0x3] =	wrdreg s10  }
0xbf: {  	[dreg:$0x4] =	wrdreg $0xC0  }
0xc0: {  	s26 =	simm.s32 $execute1_lowered;
	_ =	task [dreg:s20], $0x5FFFF  }
0xc1: {  	s9 =	sshll.u32 s26, $0x1;
	[dreg:$0x1] =	wrdreg $0xFFFFFFFF  }
0xc2: {  	s7 =	sadd.s32 s7, s9;
	[dreg:$0x0] =	wrdreg $0x60  }
0xc3: {  	[dreg:$0x2] =	wrdreg s7  }
0xc4: {  	[dreg:$0x3] =	wrdreg s22  }
0xc5: {  	[dreg:$0x4] =	wrdreg $0x9  }
0xc6: {  	_ =	task.clear_ibuf [dreg:s20], $0x5FFFF;
	_ =	strace $0x90000055  }
0xc7: {  	s28 =	simm.s32 $0x9;
	_ =	strace $0x80000057  }
0xc8: {  	_ =	swait.ge [sflag:s28], $0x1  }
0xc9: {  	[sflag:s28] =	ssyncadd.s32 $0xFFFFFFFF  }
0xca: {  	_ =	strace $0x90000057  }
0xcb: {  	s7 =	sld [smem:$0x0];
	_ =	sdelay $0x3  }
0xcc: {  	s5 =	sadd.s32 @p0 $0x11BF3, s5;
	s9 =	sshll.u32 @p0 s7, $0x11  }
0xcd: {  	s5 =	sor.u32 @p0 s9, s5  }
0xce: {  	[sflag:s5] =	ssyncadd.remote.s32 @p0 $0x1;
	_ =	sdelay $0x1  }
0xcf: {  	s5 =	simm.s32 @p0 $0x1BF3  }
0xd0: {  	_ =	swait.eq @p0 [sflag:s5], $0x1  }
0xd1: {  	[sflag:s5] =	ssyncadd.s32 @p0 $0xFFFFFFFF;
	_ =	sdelay $0x1  }
0xd2: {  	s5 =	simm.s32 @!p0 $0x1BF3  }
0xd3: {  	s8 =	sadd.s32 @!p0 $0x11BF3, s8;
	s7 =	sshll.u32 @!p0 s7, $0x11;
	_ =	swait.eq @!p0 [sflag:s5], $0x1  }
0xd4: {  	[sflag:s5] =	ssyncadd.s32 @!p0 $0xFFFFFFFF;
	s5 =	sor.u32 @!p0 s7, s8  }
0xd5: {  	[sflag:s5] =	ssyncadd.remote.s32 @!p0 $0x1  }
0xd6: {  	_ =	strace $0x80000058;
	[dreg:$0x1] =	wrdreg $0xFFFFFFFF  }
0xd7: {  	[dreg:$0x0] =	wrdreg $0x2030  }
0xd8: {  	[dreg:$0x2] =	wrdreg s22  }
0xd9: {  	[dreg:$0x3] =	wrdreg s12  }
0xda: {  	[dreg:$0x4] =	wrdreg s1  }
0xdb: {  	[dreg:$0x5] =	wrdreg s4  }
0xdc: {  	[dreg:$0x6] =	wrdreg $0xA  }
0xdd: {  	_ =	task.clear_ibuf [dreg:s20], $0x7FFFF;
	_ =	strace $0x90000058  }
0xde: {  	s29 =	simm.s32 $0xA;
	_ =	strace $0x8000005A  }
0xdf: {  	_ =	swait.ge [sflag:s29], $0x1  }
0xe0: {  	[sflag:s29] =	ssyncadd.s32 $0xFFFFFFFF  }
0xe1: {  	_ =	strace $0x9000005A  }
0xe2: {  	_ =	sfence  }
0xe3: {  	s30 =	sld [smem:$0x0];
	_ =	sdelay $0x2  }
0xe4: {  	s31 =	sshll.u32 s1, $0xD;
	s1 =	sshrl.u32 s1, $0x2  }
0xe5: {  	s4 =	sand.u32 $0x4000, s31;
	s1 =	sadd.s32 s1, s30  }
0xe6: {  	s0 =	sor.u32 s4, s0;
	s1 =	sshll.u32 s1, $0x11  }
0xe7: {  	s0 =	sor.u32 s1, s0  }
0xe8: {  	s0 =	sadd.s32 $0x8F2B, s0  }
0xe9: {  	[sflag:s0] =	ssyncadd.remote.s32 $0x1  }
0xea: {  	_ =	sfence.sel $0xFFFF  }
0xeb: {  	[dreg:$0x0] =	wrdreg $0xFFFFFFFF;
	(pc) =	sbr.abs _section_cstart, $3  }
0xec: {  	[dreg:$0x1] =	wrdreg $0xFFFFFFFF  }
0xed: {  	_ =	task.clear_ibuf [dreg:s20], $0x2FFFF;
	_ =	strace $0x9FFFFFFF  }
0xee: {  	(tm) =	ssettm $0x7FFFFFFF  }
0xef: {  	_ =	shalt  }
tec
execute0_lowered:
.L_overlay_start_1:
0x0: {  	(tag) =	ssettag $0x1  }
0x1: {  	s2 =	rddreg [dreg:$0x0]  }
0x2: {  	s4 =	rddreg [dreg:$0x1]  }
0x3: {  	s0 =	rddreg [dreg:$0x2];
	s3 =	stileid.u32  }
0x4: {  	[bflag:$0x3] =	sbarrier.arrive $0xFFFF;
	s1 =	simm.s32 $_size_execute1_lowered;
	s29 =	srdreg.scid  }
0x5: {  	s7 =	simm.s32 $0x2;
	s8 =	simm.s32 $0x0;
	p0 =	sne.s32 s3, $0x0  }
0x6: {  	s1 =	sshll.u32 s1, $0x1;
	s5 =	simm.s32 @!p0 $0x1C3F;
	s6 =	simm.s32 @!p0 $0x4060  }
0x7: {  	[timem:s6], [sflag:s5] =	dma.local @!p0 [hbm:s2], s1  }
0x8: {  	s12 =	simm.s32 $0x0;
	s10 =	simm.s32 $0x0;
	s2 =	sshll.u32 s29, $0x6  }
.Ltmp0:
0x9: {  	s3 =	sshll.u32 s3, $0x7;
	s30 =	sand.u32 $0x40, s2;
	(pc) =	sbr.rel .LBB2_1-.Ltmp0, $4  }
0xa: {  	s11 =	simm.s32 $0x0;
	s5 =	simm.s32 $0x1;
	s3 =	sor.u32 s3, s30  }
0xb: {  	_ =	strace $0x80000056;
	s2 =	sadd.s32 $0x27E000, s4;
	s31 =	ssub.s32 $0x2700, s3  }
0xc: {  	s4 =	sadd.s32 $0x31A400, s4;
	[sflag:s5] =	ssyncpa.u1 $0x0;
	s6 =	sshrl.u32 s31, $0xB  }
0xd: {  	[sflag:s7] =	ssyncpa.u1 $0x0;
	s9 =	smov.u32 s3;
	s7 =	sadd.s32 $0x2, s6  }
.LBB2_4:
0xe: {  	_ = 	snop  }
.LBB2_7:
0xf: {  	_ =	sdelay $0x3  }
0x10: {  	[tilespmem:v0+s17+$0x0 ss:$0x1] =	vst.idx.msk @p1 $0xffff, v2  }
0x11: {  	s23 =	sor.u32 s26, s25;
	v2 =	vld.idx.msk @p1 [tilespmem:v1+s15+$0x0 ss:$0x1], $0xffff;
	[tilespmem:v0+s16+$0x0 ss:$0x1] =	vst.idx.msk @p1 $0xffff, v3  }
0x12: {  	[tilespmem:v0+s18+$0x0 ss:$0x1] =	vst.idx.msk @p1 $0xffff, v4;
	v55 =	vld.idx.msk [tilespmem:v1+s23+$0x0 ss:$0x1], $0xffff;
	s24 =	sor.u32 $0x400, s23  }
0x13: {  	[tilespmem:v0+s19+$0x0 ss:$0x1] =	vst.idx.msk @p1 $0xffff, v5;
	s25 =	sor.u32 $0x10, s23;
	v56 =	vld.idx.msk [tilespmem:v1+s24+$0x0 ss:$0x1], $0xffff  }
0x14: {  	[tilespmem:v0+s20+$0x0 ss:$0x1] =	vst.idx.msk @p1 $0xffff, v6;
	s26 =	sor.u32 $0x20, s23;
	v57 =	vld.idx.msk [tilespmem:v1+s25+$0x0 ss:$0x1], $0xffff  }
0x15: {  	[tilespmem:v0+s21+$0x0 ss:$0x1] =	vst.idx.msk @p1 $0xffff, v7;
	s28 =	sor.u32 $0x30, s23;
	v58 =	vld.idx.msk [tilespmem:v1+s26+$0x0 ss:$0x1], $0xffff  }
0x16: {  	s29 =	sor.u32 $0x40, s23;
	v59 =	vld.idx.msk [tilespmem:v1+s28+$0x0 ss:$0x1], $0xffff;
	[tilespmem:v0+s15+$0x0 ss:$0x1] =	vst.idx.msk @p1 $0xffff, v2  }
0x17: {  	s30 =	sor.u32 $0x50, s23;
	v60 =	vld.idx.msk [tilespmem:v1+s29+$0x0 ss:$0x1], $0xffff;
	[tilespmem:v0+s23+$0x0 ss:$0x1] =	vst.idx.msk $0xffff, v55  }
0x18: {  	s22 =	sor.u32 $0x60, s23;
	v61 =	vld.idx.msk [tilespmem:v1+s30+$0x0 ss:$0x1], $0xffff;
	[tilespmem:v0+s24+$0x0 ss:$0x1] =	vst.idx.msk $0xffff, v56  }
0x19: {  	s31 =	sor.u32 $0x70, s23;
	v62 =	vld.idx.msk [tilespmem:v1+s22+$0x0 ss:$0x1], $0xffff;
	[tilespmem:v0+s25+$0x0 ss:$0x1] =	vst.idx.msk $0xffff, v57  }
0x1a: {  	v63 =	vld.idx.msk [tilespmem:v1+s31+$0x0 ss:$0x1], $0xffff;
	[tilespmem:v0+s26+$0x0 ss:$0x1] =	vst.idx.msk $0xffff, v58  }
0x1b: {  	[tilespmem:v0+s28+$0x0 ss:$0x1] =	vst.idx.msk $0xffff, v59  }
0x1c: {  	[tilespmem:v0+s29+$0x0 ss:$0x1] =	vst.idx.msk $0xffff, v60  }
0x1d: {  	[tilespmem:v0+s30+$0x0 ss:$0x1] =	vst.idx.msk $0xffff, v61  }
0x1e: {  	[tilespmem:v0+s22+$0x0 ss:$0x1] =	vst.idx.msk $0xffff, v62  }
0x1f: {  	[tilespmem:v0+s31+$0x0 ss:$0x1] =	vst.idx.msk $0xffff, v63  }
.LBB2_8:
0x20: {  	s15 =	sshll.u32 s10, $0x8;
	s16 =	sshll.u32 s10, $0x7  }
0x21: {  	s15 =	sand.u32 $0xFFFFF800, s15;
	s16 =	sand.u32 $0x300, s16  }
0x22: {  	s15 =	sor.u32 s16, s15  }
0x23: {  	s15 =	sshrl.u32 s15, $0x8  }
0x24: {  	s30 =	smulhi.u32 $0x1A36E3, s15;
	_ =	sdelay $0x1  }
0x25: {  	s16 =	sshrl.u32 s30, $0x2  }
0x26: {  	s16 =	smul.u32 $0x2710, s16  }
0x27: {  	s17 =	sshll.u32 s10, $0x4  }
0x28: {  	s31 =	sand.u32 $0x10, s17;
	s15 =	ssub.s32 s15, s16  }
0x29: {  	s16 =	sadd.s32 s4, s31;
	s15 =	sshll.u32 s15, $0x5  }
0x2a: {  	s15 =	sadd.s32 s15, s16  }
0x2b: {  	[hbm4b:s15+s8] =	stream.linear.scatter [tilespmem:s14], [sflag:$0x2], s13, $0x38;
	[tilespmem:$0x10000] =	vst v63  }
.LBB2_9:
0x2c: {  	p1 =	slt.u32 s11, $0x2  }
0x2d: {  	p2 =	sgt.s32 @!p1 s12, $0x26D0  }
0x2e: {  	s13 =	smov.u32 s12;
	s14 =	sshra.s32 @!p1 s12, $0x1F;
	p2 =	por !p2, p1  }
0x2f: {  	s12 =	sand.u32 @!p1 s14, s12;
	s13 =	simm.s32 @p2 $0x26D0  }
0x30: {  	s12 =	ssub.s32 @!p1 s13, s12  }
0x31: {  	s12 =	sadd.s32 @!p1 $0xFFFFD930, s12  }
0x32: {  	s13 =	sshll.u32 @!p1 s12, $0xA  }
0x33: {  	p2 =	sgt.s32 @!p1 s12, $0x3F;
	s12 =	ssub.s32 @!p1 $0x10000, s13  }
0x34: {  	s14 =	sadd.s32 $0x800, s9;
	p2 =	por !p2, p1;
	s12 =	sshrl.u32 @!p1 s12, $0x2  }
0x35: {  	s12 =	simm.s32 @!p2 $0x0;
	p2 =	sgt.s32 s14, $0x270F  }
0x36: {  	s14 =	smov.u32 @p2 s3;
	p2 =	sne.s32 s11, s7  }
.Ltmp1:
0x37: {  	_ = 	snop;
	(pc) =	sbr.rel @!p2 .LBB2_10-.Ltmp1, $4  }
0x38: {  	s13 =	simm.s32 @!p1 $0x2  }
0x39: {  	_ =	swait.ge @!p1 [sflag:s13], s12;
	s15 =	ssub.s32 @!p1 $0x0, s12  }
0x3a: {  	s12 =	smov.u32 s10;
	s11 =	sadd.s32 $0x1, s11;
	[sflag:s13] =	ssyncset.done @!p1 $0x0  }
0x3b: {  	s10 =	smov.u32 s9;
	s9 =	smov.u32 s14;
	[sflag:s13] =	ssyncadd.s32 @!p1 s15  }
.LBB2_1:
0x3c: {  	p1 =	sgt.u32 s11, s6  }
0x3d: {  	s13 =	sshll.u32 @!p1 s9, $0x8;
	s14 =	sshll.u32 @!p1 s9, $0x7  }
0x3e: {  	s13 =	sand.u32 @!p1 $0xFFFFF800, s13;
	s14 =	sand.u32 @!p1 $0x300, s14  }
0x3f: {  	s13 =	sor.u32 @!p1 s14, s13  }
0x40: {  	s15 =	smov.u32 s9;
	p2 =	sgt.s32 @!p1 s9, $0x26D0;
	s13 =	sshrl.u32 @!p1 s13, $0x8  }
0x41: {  	s16 =	sshra.s32 @!p1 s9, $0x1F;
	p2 =	por !p2, p1;
	s14 =	smulhi.u32 @!p1 $0x1A36E3, s13  }
0x42: {  	s16 =	sand.u32 @!p1 s16, s9;
	s15 =	simm.s32 @p2 $0x26D0  }
0x43: {  	s15 =	ssub.s32 @!p1 s15, s16;
	s16 =	sxor.u32 @!p1 $0xFFFFFFFF, s11;
	s14 =	sshrl.u32 @!p1 s14, $0x2  }
0x44: {  	s15 =	sadd.s32 @!p1 $0xFFFFD930, s15;
	s16 =	sshll.u32 @!p1 s16, $0xE;
	s14 =	smul.u32 @!p1 $0x2710, s14  }
0x45: {  	p2 =	sgt.s32 @!p1 s15, $0x3F;
	s16 =	sand.u32 @!p1 $0x4000, s16  }
0x46: {  	s13 =	ssub.s32 @!p1 s13, s14;
	s14 =	sshll.u32 @!p1 s15, $0xA;
	s15 =	sshll.u32 @!p1 s9, $0x4  }
0x47: {  	p2 =	por !p2, p1;
	s14 =	ssub.s32 @!p1 $0x10000, s14;
	s15 =	sand.u32 @!p1 $0x10, s15  }
0x48: {  	s13 =	sshll.u32 @!p1 s13, $0x5;
	s14 =	sshrl.u32 @!p1 s14, $0x2;
	s15 =	sadd.s32 @!p1 s2, s15  }
0x49: {  	s14 =	simm.s32 @!p2 $0x0;
	s13 =	sadd.s32 @!p1 s13, s15;
	s15 =	simm.s32 @!p1 $0x0  }
0x4a: {  	[tilespmem:s16], [sflag:$0x1] =	stream.linear.gather @!p1 [hbm4b:s13+s15], s14, $0x38;
	[tilespmem:$0x10000] =	vst v63  }
0x4b: {  	p1 =	seq.s32 s11, $0x0  }
0x4c: {  	p2 =	sge.u32 @!p1 s11, s7  }
0x4d: {  	p1 =	por p1, p2  }
.Ltmp2:
0x4e: {  	_ = 	snop;
	(pc) =	sbr.rel @p1 .LBB2_9-.Ltmp2, $1  }
0x4f: {  	_ =	sdelay $0x3  }
0x50: {  	p1 =	sgt.s32 s10, $0x26D0;
	s13 =	smov.u32 s10;
	s14 =	sshra.s32 s10, $0x1F  }
0x51: {  	s13 =	simm.s32 @!p1 $0x26D0;
	s14 =	sand.u32 s14, s10  }
0x52: {  	s13 =	ssub.s32 s13, s14  }
0x53: {  	s13 =	sadd.s32 $0xFFFFD930, s13  }
0x54: {  	s31 =	sshll.u32 s13, $0xA  }
0x55: {  	s14 =	ssub.s32 $0x10000, s31  }
0x56: {  	p1 =	sgt.s32 s13, $0x3F;
	s13 =	sshrl.u32 s14, $0x2;
	s14 =	sadd.s32 $0x40, s10  }
0x57: {  	s13 =	simm.s32 @p1 $0x0;
	p1 =	slt.s32 s14, $0x2710  }
0x58: {  	s14 =	simm.s32 @!p1 $0x2710  }
0x59: {  	s15 =	ssub.s32 s14, s10  }
0x5a: {  	p1 =	slt.s32 s15, $0x1  }
.Ltmp3:
0x5b: {  	_ = 	snop;
	(pc) =	sbr.rel @p1 .LBB2_8-.Ltmp3, $4  }
0x5c: {  	_ = 	snop  }
0x5d: {  	s16 =	sshll.u32 s11, $0xE;
	_ =	swait.ge [sflag:s5], s13  }
0x5e: {  	s16 =	sand.u32 $0x4000, s16;
	s17 =	ssub.s32 $0x0, s13;
	[sflag:s5] =	ssyncset.done $0x0  }
0x5f: {  	s14 =	sor.u32 $0x8000, s16;
	[sflag:s5] =	ssyncadd.s32 s17  }
0x60: {  	p2 =	sne.s32 s15, $0x1  }
.Ltmp4:
0x61: {  	v1 =	vmov s16;
	v0 =	vmov s14;
	(pc) =	sbr.rel @!p2 .LBB2_4-.Ltmp4, $3  }
0x62: {  	_ =	sdelay $0x1  }
0x63: {  	s17 =	simm.s32 $0x0;
	s24 =	sadd.s32 $0xFFFFFFFF, s15  }
0x64: {  	p1 =	por $0x0, $0x0;
	s25 =	sand.u32 $0x3800, s17;
	s26 =	sand.u32 $0x380, s17  }
0x65: {  	_ =	sdelay $0x2  }
0x66: {  	s23 =	sor.u32 s26, s25  }
0x67: {  	v6 =	vld.idx.msk [tilespmem:v1+s23+$0x0 ss:$0x1], $0xffff;
	s28 =	sor.u32 $0x400, s23  }
0x68: {  	s17 =	sor.u32 $0x10, s23;
	v8 =	vld.idx.msk [tilespmem:v1+s28+$0x0 ss:$0x1], $0xffff  }
0x69: {  	p2 =	sne.s32 s24, $0x1;
	s16 =	sor.u32 $0x20, s23;
	v2 =	vld.idx.msk [tilespmem:v1+s17+$0x0 ss:$0x1], $0xffff  }
.Ltmp5:
0x6a: {  	s18 =	sor.u32 $0x30, s23;
	v3 =	vld.idx.msk [tilespmem:v1+s16+$0x0 ss:$0x1], $0xffff;
	(pc) =	sbr.rel @!p2 .LBB2_7-.Ltmp5, $4  }
0x6b: {  	s19 =	sor.u32 $0x40, s23;
	v4 =	vld.idx.msk [tilespmem:v1+s18+$0x0 ss:$0x1], $0xffff  }
0x6c: {  	s22 =	simm.s32 $0x100;
	s24 =	sadd.s32 $0xFFFFFFFF, s24;
	s21 =	sor.u32 $0x60, s23;
	v5 =	vld.idx.msk [tilespmem:v1+s19+$0x0 ss:$0x1], $0xffff  }
0x6d: {  	s20 =	sor.u32 $0x50, s23;
	s15 =	sor.u32 $0x70, s23;
	v7 =	vld.idx.msk [tilespmem:v1+s21+$0x0 ss:$0x1], $0xffff;
	[tilespmem:v0+s23+$0x0 ss:$0x1] =	vst.idx.msk $0xffff, v6;
	s23 =	simm.s32 $0x80  }
0x6e: {  	p1 =	por $0x1, $0x1;
	s25 =	sand.u32 $0x3800, s22;
	v6 =	vld.idx.msk [tilespmem:v1+s20+$0x0 ss:$0x1], $0xffff;
	s26 =	sand.u32 $0x380, s23;
	[tilespmem:v0+s28+$0x0 ss:$0x1] =	vst.idx.msk $0xffff, v8  }
.LBB2_6:
0x6f: {  	p2 =	sne.s32 s24, $0x1;
	s25 =	sor.u32 s26, s25;
	[tilespmem:v0+s17+$0x0 ss:$0x1] =	vst.idx.msk $0xffff, v2;
	v8 =	vld.idx.msk [tilespmem:v1+s15+$0x0 ss:$0x1], $0xffff  }
0x70: {  	v9 =	vld.idx.msk [tilespmem:v1+s25+$0x0 ss:$0x1], $0xffff;
	s17 =	sor.u32 $0x10, s25;
	s28 =	sor.u32 $0x400, s25;
	[tilespmem:v0+s16+$0x0 ss:$0x1] =	vst.idx.msk $0xffff, v3;
	s16 =	sor.u32 $0x20, s25  }
0x71: {  	s26 =	sor.u32 $0x40, s25;
	s29 =	sor.u32 $0x50, s25;
	v10 =	vld.idx.msk [tilespmem:v1+s28+$0x0 ss:$0x1], $0xffff;
	[tilespmem:v0+s18+$0x0 ss:$0x1] =	vst.idx.msk $0xffff, v4;
	s18 =	sor.u32 $0x30, s25  }
0x72: {  	s30 =	sor.u32 $0x60, s25;
	s31 =	sor.u32 $0x70, s25;
	v2 =	vld.idx.msk [tilespmem:v1+s17+$0x0 ss:$0x1], $0xffff;
	[tilespmem:v0+s19+$0x0 ss:$0x1] =	vst.idx.msk $0xffff, v5;
	s19 =	smov.u32 s26  }
.Ltmp6:
0x73: {  	v3 =	vld.idx.msk [tilespmem:v1+s16+$0x0 ss:$0x1], $0xffff;
	[tilespmem:v0+s20+$0x0 ss:$0x1] =	vst.idx.msk $0xffff, v6;
	s20 =	smov.u32 s29;
	(pc) =	sbr.rel @p2 .LBB2_6-.Ltmp6, $4  }
0x74: {  	v4 =	vld.idx.msk [tilespmem:v1+s18+$0x0 ss:$0x1], $0xffff;
	[tilespmem:v0+s21+$0x0 ss:$0x1] =	vst.idx.msk $0xffff, v7;
	s21 =	smov.u32 s30  }
0x75: {  	v5 =	vld.idx.msk [tilespmem:v1+s19+$0x0 ss:$0x1], $0xffff;
	[tilespmem:v0+s15+$0x0 ss:$0x1] =	vst.idx.msk $0xffff, v8;
	s15 =	smov.u32 s31  }
0x76: {  	s23 =	sadd.s32 $0x80, s23;
	s22 =	sadd.s32 $0x100, s22;
	[tilespmem:v0+s25+$0x0 ss:$0x1] =	vst.idx.msk $0xffff, v9;
	v6 =	vld.idx.msk [tilespmem:v1+s20+$0x0 ss:$0x1], $0xffff  }
0x77: {  	s24 =	sadd.s32 $0xFFFFFFFF, s24;
	s26 =	sand.u32 $0x380, s23;
	s25 =	sand.u32 $0x3800, s22;
	v7 =	vld.idx.msk [tilespmem:v1+s21+$0x0 ss:$0x1], $0xffff;
	[tilespmem:v0+s28+$0x0 ss:$0x1] =	vst.idx.msk $0xffff, v10  }
.Ltmp7:
0x78: {  	_ = 	snop;
	(pc) =	sbr.rel .LBB2_7-.Ltmp7, $1  }
0x79: {  	_ =	sdelay $0x3  }
.LBB2_10:
0x7a: {  	_ =	sfence.sel $0x180000  }
0x7b: {  	s2 =	simm.s32 $0x1;
	[bflag:$0x0] =	sbarrier.arrive $0xFFFF  }
0x7c: {  	s31 =	simm.s32 $0x2;
	[sflag:s2] =	ssyncpa.u1 $0x1  }
0x7d: {  	[sflag:s31] =	ssyncpa.u1 $0x1  }
0x7e: {  	_ =	strace $0x90000056  }
0x7f: {  	s0 =	sadd.s32 @!p0 $0x100000, s0;
	[bflag:$0x2] =	sbarrier.arrive $0xFFFF  }
0x80: {  	[sflag:s0] =	ssyncadd.tile.s32 @!p0 $0x1;
	s0 =	simm.s32 @!p0 $0x3F  }
0x81: {  	_ =	swait.ge @!p0 [sflag:s0], s1  }
0x82: {  	s1 =	ssub.s32 @!p0 $0x0, s1;
	[sflag:s0] =	ssyncset.done @!p0 $0x0  }
0x83: {  	[sflag:s0] =	ssyncadd.s32 @!p0 s1  }
0x84: {  	[bflag:$0x3] =	sbarrier.arrive $0xFFFF  }
0x85: {  	_ =	shalt  }
.Lfunc_end2:
execute1_lowered:
.L_overlay_start_2:
0x86: {  	(tag) =	ssettag $0x2  }
0x87: {  	s5 =	rddreg [dreg:$0x0]  }
0x88: {  	s4 =	rddreg [dreg:$0x1]  }
0x89: {  	s2 =	rddreg [dreg:$0x2];
	_ =	strace $0x80000059;
	s0 =	simm.s32 $0x1  }
0x8a: {  	v0 =	vimm.s32 $0x0;
	[sflag:s0] =	ssyncpa.u1 $0x0  }
0x8b: {  	[tilespmem:$0x128] =	vst v0  }
0x8c: {  	[tilespmem:$0x138] =	vst v0  }
0x8d: {  	[tilespmem:$0x148] =	vst v0  }
0x8e: {  	[tilespmem:$0x158] =	vst v0  }
0x8f: {  	[tilespmem:$0x168] =	vst v0  }
0x90: {  	[tilespmem:$0x178] =	vst v0  }
0x91: {  	[tilespmem:$0x188] =	vst v0  }
0x92: {  	[tilespmem:$0x198] =	vst v0  }
0x93: {  	[tilespmem:$0x1A8] =	vst v0  }
0x94: {  	[tilespmem:$0x1B8] =	vst v0  }
0x95: {  	[tilespmem:$0x1C8] =	vst v0  }
0x96: {  	[tilespmem:$0x1D8] =	vst v0  }
0x97: {  	[tilespmem:$0x1E8] =	vst v0  }
0x98: {  	[tilespmem:$0x1F8] =	vst v0  }
0x99: {  	[tilespmem:$0x208] =	vst v0  }
0x9a: {  	[tilespmem:$0x218] =	vst v0  }
0x9b: {  	[tilespmem:$0x228] =	vst v0  }
0x9c: {  	[tilespmem:$0x238] =	vst v0  }
0x9d: {  	[tilespmem:$0x248] =	vst v0  }
0x9e: {  	[tilespmem:$0x258] =	vst v0  }
0x9f: {  	[tilespmem:$0x268] =	vst v0  }
0xa0: {  	[tilespmem:$0x278] =	vst v0  }
0xa1: {  	[tilespmem:$0x288] =	vst v0  }
0xa2: {  	[tilespmem:$0x298] =	vst v0  }
0xa3: {  	[tilespmem:$0x2A8] =	vst v0  }
0xa4: {  	[tilespmem:$0x2B8] =	vst v0  }
0xa5: {  	[tilespmem:$0x2C8] =	vst v0  }
0xa6: {  	[tilespmem:$0x2D8] =	vst v0  }
0xa7: {  	[tilespmem:$0x2E8] =	vst v0  }
0xa8: {  	[tilespmem:$0x2F8] =	vst v0  }
0xa9: {  	[tilespmem:$0x308] =	vst v0  }
0xaa: {  	[tilespmem:$0x318] =	vst v0  }
0xab: {  	[tilespmem:$0x328] =	vst v0  }
0xac: {  	[tilespmem:$0x338] =	vst v0  }
0xad: {  	[tilespmem:$0x348] =	vst v0  }
0xae: {  	[tilespmem:$0x358] =	vst v0  }
0xaf: {  	[tilespmem:$0x368] =	vst v0  }
0xb0: {  	[tilespmem:$0x378] =	vst v0  }
0xb1: {  	[tilespmem:$0x388] =	vst v0  }
0xb2: {  	[tilespmem:$0x398] =	vst v0  }
0xb3: {  	[tilespmem:$0x3A8] =	vst v0  }
0xb4: {  	[tilespmem:$0x3B8] =	vst v0  }
0xb5: {  	[tilespmem:$0x3C8] =	vst v0  }
0xb6: {  	[tilespmem:$0x3D8] =	vst v0  }
0xb7: {  	[tilespmem:$0x3E8] =	vst v0  }
0xb8: {  	[tilespmem:$0x3F8] =	vst v0  }
0xb9: {  	[tilespmem:$0x408] =	vst v0  }
0xba: {  	[tilespmem:$0x418] =	vst v0  }
0xbb: {  	[tilespmem:$0x428] =	vst v0  }
0xbc: {  	[tilespmem:$0x438] =	vst v0  }
0xbd: {  	[tilespmem:$0x448] =	vst v0  }
0xbe: {  	[tilespmem:$0x458] =	vst v0  }
0xbf: {  	[tilespmem:$0x468] =	vst v0  }
0xc0: {  	[tilespmem:$0x478] =	vst v0  }
0xc1: {  	[tilespmem:$0x488] =	vst v0  }
0xc2: {  	[tilespmem:$0x498] =	vst v0  }
0xc3: {  	[tilespmem:$0x4A8] =	vst v0  }
0xc4: {  	[tilespmem:$0x4B8] =	vst v0  }
0xc5: {  	[tilespmem:$0x4C8] =	vst v0  }
0xc6: {  	[tilespmem:$0x4D8] =	vst v0  }
0xc7: {  	[tilespmem:$0x4E8] =	vst v0  }
0xc8: {  	[tilespmem:$0x4F8] =	vst v0  }
0xc9: {  	[tilespmem:$0x508] =	vst v0  }
0xca: {  	[tilespmem:$0x518] =	vst v0  }
0xcb: {  	[tilespmem:$0x528] =	vst v0  }
0xcc: {  	[tilespmem:$0x538] =	vst v0  }
0xcd: {  	[tilespmem:$0x548] =	vst v0  }
0xce: {  	[tilespmem:$0x558] =	vst v0  }
0xcf: {  	[tilespmem:$0x568] =	vst v0  }
0xd0: {  	[tilespmem:$0x578] =	vst v0  }
0xd1: {  	[tilespmem:$0x588] =	vst v0  }
0xd2: {  	[tilespmem:$0x598] =	vst v0  }
0xd3: {  	[tilespmem:$0x5A8] =	vst v0  }
0xd4: {  	[tilespmem:$0x5B8] =	vst v0  }
0xd5: {  	[tilespmem:$0x5C8] =	vst v0  }
0xd6: {  	[tilespmem:$0x5D8] =	vst v0  }
0xd7: {  	[tilespmem:$0x5E8] =	vst v0  }
0xd8: {  	[tilespmem:$0x5F8] =	vst v0  }
0xd9: {  	[tilespmem:$0x608] =	vst v0  }
0xda: {  	[tilespmem:$0x618] =	vst v0  }
0xdb: {  	[tilespmem:$0x628] =	vst v0  }
0xdc: {  	[tilespmem:$0x638] =	vst v0  }
0xdd: {  	[tilespmem:$0x648] =	vst v0  }
0xde: {  	[tilespmem:$0x658] =	vst v0  }
0xdf: {  	[tilespmem:$0x668] =	vst v0  }
0xe0: {  	[tilespmem:$0x678] =	vst v0  }
0xe1: {  	[tilespmem:$0x688] =	vst v0  }
0xe2: {  	[tilespmem:$0x698] =	vst v0  }
0xe3: {  	[tilespmem:$0x6A8] =	vst v0  }
0xe4: {  	[tilespmem:$0x6B8] =	vst v0  }
0xe5: {  	[tilespmem:$0x6C8] =	vst v0  }
0xe6: {  	[tilespmem:$0x6D8] =	vst v0  }
0xe7: {  	[tilespmem:$0x6E8] =	vst v0  }
0xe8: {  	[tilespmem:$0x6F8] =	vst v0  }
0xe9: {  	[tilespmem:$0x708] =	vst v0  }
0xea: {  	[tilespmem:$0x718] =	vst v0  }
0xeb: {  	[tilespmem:$0x728] =	vst v0  }
0xec: {  	[tilespmem:$0x738] =	vst v0  }
0xed: {  	[tilespmem:$0x748] =	vst v0  }
0xee: {  	[tilespmem:$0x758] =	vst v0  }
0xef: {  	[tilespmem:$0x768] =	vst v0  }
0xf0: {  	[tilespmem:$0x778] =	vst v0  }
0xf1: {  	[tilespmem:$0x788] =	vst v0  }
0xf2: {  	[tilespmem:$0x798] =	vst v0  }
0xf3: {  	[tilespmem:$0x7A8] =	vst v0  }
0xf4: {  	[tilespmem:$0x7B8] =	vst v0  }
0xf5: {  	[tilespmem:$0x7C8] =	vst v0  }
0xf6: {  	[tilespmem:$0x7D8] =	vst v0  }
0xf7: {  	[tilespmem:$0x7E8] =	vst v0  }
0xf8: {  	[tilespmem:$0x7F8] =	vst v0  }
0xf9: {  	[tilespmem:$0x808] =	vst v0  }
0xfa: {  	[tilespmem:$0x818] =	vst v0  }
0xfb: {  	[tilespmem:$0x828] =	vst v0  }
0xfc: {  	[tilespmem:$0x838] =	vst v0  }
0xfd: {  	[tilespmem:$0x848] =	vst v0  }
0xfe: {  	[tilespmem:$0x858] =	vst v0  }
0xff: {  	[tilespmem:$0x868] =	vst v0  }
0x100: {  	[tilespmem:$0x878] =	vst v0  }
0x101: {  	[tilespmem:$0x888] =	vst v0  }
0x102: {  	[tilespmem:$0x898] =	vst v0  }
0x103: {  	[tilespmem:$0x8A8] =	vst v0  }
0x104: {  	[tilespmem:$0x8B8] =	vst v0  }
0x105: {  	[tilespmem:$0x8C8] =	vst v0  }
0x106: {  	[tilespmem:$0x8D8] =	vst v0  }
0x107: {  	[tilespmem:$0x8E8] =	vst v0  }
0x108: {  	[tilespmem:$0x8F8] =	vst v0  }
0x109: {  	[tilespmem:$0x908] =	vst v0  }
0x10a: {  	[tilespmem:$0x918] =	vst v0  }
0x10b: {  	[tilespmem:$0x928] =	vst v0  }
0x10c: {  	[tilespmem:$0x938] =	vst v0  }
0x10d: {  	[tilespmem:$0x948] =	vst v0  }
0x10e: {  	[tilespmem:$0x958] =	vst v0  }
0x10f: {  	[tilespmem:$0x968] =	vst v0  }
0x110: {  	[tilespmem:$0x978] =	vst v0  }
0x111: {  	[tilespmem:$0x988] =	vst v0  }
0x112: {  	[tilespmem:$0x998] =	vst v0  }
0x113: {  	[tilespmem:$0x9A8] =	vst v0  }
0x114: {  	[tilespmem:$0x9B8] =	vst v0  }
0x115: {  	[tilespmem:$0x9C8] =	vst v0  }
0x116: {  	[tilespmem:$0x9D8] =	vst v0  }
0x117: {  	[tilespmem:$0x9E8] =	vst v0  }
0x118: {  	[tilespmem:$0x9F8] =	vst v0  }
0x119: {  	[tilespmem:$0xA08] =	vst v0  }
0x11a: {  	[tilespmem:$0xA18] =	vst v0  }
0x11b: {  	[tilespmem:$0xA28] =	vst v0  }
0x11c: {  	[tilespmem:$0xA38] =	vst v0  }
0x11d: {  	[tilespmem:$0xA48] =	vst v0  }
0x11e: {  	[tilespmem:$0xA58] =	vst v0  }
0x11f: {  	[tilespmem:$0xA68] =	vst v0  }
0x120: {  	[tilespmem:$0xA78] =	vst v0  }
0x121: {  	[tilespmem:$0xA88] =	vst v0  }
0x122: {  	[tilespmem:$0xA98] =	vst v0  }
0x123: {  	[tilespmem:$0xAA8] =	vst v0  }
0x124: {  	[tilespmem:$0xAB8] =	vst v0  }
0x125: {  	[tilespmem:$0xAC8] =	vst v0  }
0x126: {  	[tilespmem:$0xAD8] =	vst v0  }
0x127: {  	[tilespmem:$0xAE8] =	vst v0  }
0x128: {  	[tilespmem:$0xAF8] =	vst v0  }
0x129: {  	[tilespmem:$0xB08] =	vst v0  }
0x12a: {  	[tilespmem:$0xB18] =	vst v0  }
0x12b: {  	[tilespmem:$0xB28] =	vst v0  }
0x12c: {  	[tilespmem:$0xB38] =	vst v0  }
0x12d: {  	[tilespmem:$0xB48] =	vst v0  }
0x12e: {  	[tilespmem:$0xB58] =	vst v0  }
0x12f: {  	[tilespmem:$0xB68] =	vst v0  }
0x130: {  	[tilespmem:$0xB78] =	vst v0  }
0x131: {  	[tilespmem:$0xB88] =	vst v0  }
0x132: {  	[tilespmem:$0xB98] =	vst v0  }
0x133: {  	[tilespmem:$0xBA8] =	vst v0  }
0x134: {  	[tilespmem:$0xBB8] =	vst v0  }
0x135: {  	[tilespmem:$0xBC8] =	vst v0  }
0x136: {  	[tilespmem:$0xBD8] =	vst v0  }
0x137: {  	[tilespmem:$0xBE8] =	vst v0  }
0x138: {  	[tilespmem:$0xBF8] =	vst v0  }
0x139: {  	[tilespmem:$0xC08] =	vst v0  }
0x13a: {  	[tilespmem:$0xC18] =	vst v0  }
0x13b: {  	[tilespmem:$0xC28] =	vst v0  }
0x13c: {  	[tilespmem:$0xC38] =	vst v0  }
0x13d: {  	[tilespmem:$0xC48] =	vst v0  }
0x13e: {  	[tilespmem:$0xC58] =	vst v0  }
0x13f: {  	[tilespmem:$0xC68] =	vst v0  }
0x140: {  	[tilespmem:$0xC78] =	vst v0  }
0x141: {  	[tilespmem:$0xC88] =	vst v0  }
0x142: {  	[tilespmem:$0xC98] =	vst v0  }
0x143: {  	[tilespmem:$0xCA8] =	vst v0  }
0x144: {  	[tilespmem:$0xCB8] =	vst v0  }
0x145: {  	[tilespmem:$0xCC8] =	vst v0  }
0x146: {  	[tilespmem:$0xCD8] =	vst v0  }
0x147: {  	[tilespmem:$0xCE8] =	vst v0  }
0x148: {  	[tilespmem:$0xCF8] =	vst v0  }
0x149: {  	[tilespmem:$0xD08] =	vst v0  }
0x14a: {  	[tilespmem:$0xD18] =	vst v0  }
0x14b: {  	[tilespmem:$0xD28] =	vst v0  }
0x14c: {  	[tilespmem:$0xD38] =	vst v0  }
0x14d: {  	[tilespmem:$0xD48] =	vst v0  }
0x14e: {  	[tilespmem:$0xD58] =	vst v0  }
0x14f: {  	[tilespmem:$0xD68] =	vst v0  }
0x150: {  	[tilespmem:$0xD78] =	vst v0  }
0x151: {  	[tilespmem:$0xD88] =	vst v0  }
0x152: {  	[tilespmem:$0xD98] =	vst v0  }
0x153: {  	[tilespmem:$0xDA8] =	vst v0  }
0x154: {  	[tilespmem:$0xDB8] =	vst v0  }
0x155: {  	[tilespmem:$0xDC8] =	vst v0  }
0x156: {  	[tilespmem:$0xDD8] =	vst v0  }
0x157: {  	[tilespmem:$0xDE8] =	vst v0  }
0x158: {  	[tilespmem:$0xDF8] =	vst v0  }
0x159: {  	[tilespmem:$0xE08] =	vst v0  }
0x15a: {  	[tilespmem:$0xE18] =	vst v0  }
0x15b: {  	[tilespmem:$0xE28] =	vst v0  }
0x15c: {  	[tilespmem:$0xE38] =	vst v0  }
0x15d: {  	[tilespmem:$0xE48] =	vst v0  }
0x15e: {  	[tilespmem:$0xE58] =	vst v0  }
0x15f: {  	[tilespmem:$0xE68] =	vst v0  }
0x160: {  	[tilespmem:$0xE78] =	vst v0  }
0x161: {  	[tilespmem:$0xE88] =	vst v0  }
0x162: {  	[tilespmem:$0xE98] =	vst v0  }
0x163: {  	[tilespmem:$0xEA8] =	vst v0  }
0x164: {  	[tilespmem:$0xEB8] =	vst v0  }
0x165: {  	[tilespmem:$0xEC8] =	vst v0  }
0x166: {  	[tilespmem:$0xED8] =	vst v0  }
0x167: {  	[tilespmem:$0xEE8] =	vst v0  }
0x168: {  	[tilespmem:$0xEF8] =	vst v0  }
0x169: {  	[tilespmem:$0xF08] =	vst v0  }
0x16a: {  	[tilespmem:$0xF18] =	vst v0  }
0x16b: {  	[tilespmem:$0xF28] =	vst v0  }
0x16c: {  	[tilespmem:$0xF38] =	vst v0  }
0x16d: {  	[tilespmem:$0xF48] =	vst v0  }
0x16e: {  	[tilespmem:$0xF58] =	vst v0  }
0x16f: {  	[tilespmem:$0xF68] =	vst v0  }
0x170: {  	[tilespmem:$0xF78] =	vst v0  }
0x171: {  	[tilespmem:$0xF88] =	vst v0  }
0x172: {  	[tilespmem:$0xF98] =	vst v0  }
0x173: {  	[tilespmem:$0xFA8] =	vst v0  }
0x174: {  	[tilespmem:$0xFB8] =	vst v0  }
0x175: {  	[tilespmem:$0xFC8] =	vst v0  }
0x176: {  	[tilespmem:$0xFD8] =	vst v0  }
0x177: {  	[tilespmem:$0xFE8] =	vst v0  }
0x178: {  	[tilespmem:$0xFF8] =	vst v0  }
0x179: {  	[tilespmem:$0x1008] =	vst v0  }
0x17a: {  	[tilespmem:$0x1018] =	vst v0  }
0x17b: {  	[tilespmem:$0x1028] =	vst v0  }
0x17c: {  	[tilespmem:$0x1038] =	vst v0  }
0x17d: {  	[tilespmem:$0x1048] =	vst v0  }
0x17e: {  	[tilespmem:$0x1058] =	vst v0  }
0x17f: {  	[tilespmem:$0x1068] =	vst v0  }
0x180: {  	[tilespmem:$0x1078] =	vst v0  }
0x181: {  	[tilespmem:$0x1088] =	vst v0  }
0x182: {  	[tilespmem:$0x1098] =	vst v0  }
0x183: {  	[tilespmem:$0x10A8] =	vst v0  }
0x184: {  	[tilespmem:$0x10B8] =	vst v0  }
0x185: {  	[tilespmem:$0x10C8] =	vst v0  }
0x186: {  	[tilespmem:$0x10D8] =	vst v0  }
0x187: {  	[tilespmem:$0x10E8] =	vst v0  }
0x188: {  	[tilespmem:$0x10F8] =	vst v0  }
0x189: {  	[tilespmem:$0x1108] =	vst v0  }
0x18a: {  	[tilespmem:$0x1478] =	vst v0  }
0x18b: {  	[tilespmem:$0x1118] =	vst v0  }
0x18c: {  	[tilespmem:$0x1128] =	vst v0  }
0x18d: {  	[tilespmem:$0x1138] =	vst v0  }
0x18e: {  	[tilespmem:$0x1148] =	vst v0  }
0x18f: {  	[tilespmem:$0x1158] =	vst v0  }
0x190: {  	[tilespmem:$0x1168] =	vst v0  }
0x191: {  	[tilespmem:$0x1178] =	vst v0  }
0x192: {  	[tilespmem:$0x1188] =	vst v0  }
0x193: {  	[tilespmem:$0x1198] =	vst v0  }
0x194: {  	[tilespmem:$0x11A8] =	vst v0  }
0x195: {  	[tilespmem:$0x11B8] =	vst v0  }
0x196: {  	[tilespmem:$0x11C8] =	vst v0  }
0x197: {  	[tilespmem:$0x11D8] =	vst v0  }
0x198: {  	[tilespmem:$0x11E8] =	vst v0  }
0x199: {  	[tilespmem:$0x11F8] =	vst v0  }
0x19a: {  	[tilespmem:$0x1208] =	vst v0  }
0x19b: {  	[tilespmem:$0x1218] =	vst v0  }
0x19c: {  	[tilespmem:$0x1228] =	vst v0  }
0x19d: {  	[tilespmem:$0x1238] =	vst v0  }
0x19e: {  	[tilespmem:$0x1248] =	vst v0  }
0x19f: {  	[tilespmem:$0x1258] =	vst v0  }
0x1a0: {  	[tilespmem:$0x1268] =	vst v0  }
0x1a1: {  	[tilespmem:$0x1278] =	vst v0  }
0x1a2: {  	[tilespmem:$0x1288] =	vst v0  }
0x1a3: {  	[tilespmem:$0x1298] =	vst v0  }
0x1a4: {  	[tilespmem:$0x12A8] =	vst v0  }
0x1a5: {  	[tilespmem:$0x12B8] =	vst v0  }
0x1a6: {  	[tilespmem:$0x12C8] =	vst v0  }
0x1a7: {  	[tilespmem:$0x12D8] =	vst v0  }
0x1a8: {  	[tilespmem:$0x12E8] =	vst v0  }
0x1a9: {  	[tilespmem:$0x12F8] =	vst v0  }
0x1aa: {  	[tilespmem:$0x1308] =	vst v0  }
0x1ab: {  	[tilespmem:$0x1318] =	vst v0  }
0x1ac: {  	[tilespmem:$0x1328] =	vst v0  }
0x1ad: {  	[tilespmem:$0x1338] =	vst v0  }
0x1ae: {  	[tilespmem:$0x1348] =	vst v0  }
0x1af: {  	[tilespmem:$0x1358] =	vst v0  }
0x1b0: {  	[tilespmem:$0x1368] =	vst v0  }
0x1b1: {  	[tilespmem:$0x1378] =	vst v0  }
0x1b2: {  	[tilespmem:$0x1388] =	vst v0  }
0x1b3: {  	[tilespmem:$0x1398] =	vst v0  }
0x1b4: {  	[tilespmem:$0x13A8] =	vst v0  }
0x1b5: {  	[tilespmem:$0x13B8] =	vst v0  }
0x1b6: {  	[tilespmem:$0x13C8] =	vst v0  }
0x1b7: {  	[tilespmem:$0x13D8] =	vst v0  }
0x1b8: {  	[tilespmem:$0x13E8] =	vst v0  }
0x1b9: {  	[tilespmem:$0x13F8] =	vst v0  }
0x1ba: {  	[tilespmem:$0x1408] =	vst v0  }
0x1bb: {  	[tilespmem:$0x1418] =	vst v0  }
0x1bc: {  	[tilespmem:$0x1428] =	vst v0  }
0x1bd: {  	[tilespmem:$0x1438] =	vst v0  }
0x1be: {  	[tilespmem:$0x1448] =	vst v0  }
0x1bf: {  	[tilespmem:$0x1458] =	vst v0  }
0x1c0: {  	[tilespmem:$0x1468] =	vst v0  }
0x1c1: {  	[tilespmem:$0x1488] =	vst v0  }
0x1c2: {  	[tilespmem:$0x1498] =	vst v0  }
0x1c3: {  	[tilespmem:$0x14A8] =	vst v0  }
0x1c4: {  	[tilespmem:$0x14B8] =	vst v0  }
0x1c5: {  	[tilespmem:$0x14C8] =	vst v0  }
0x1c6: {  	[tilespmem:$0x14D8] =	vst v0  }
0x1c7: {  	[tilespmem:$0x14E8] =	vst v0  }
0x1c8: {  	[tilespmem:$0x14F8] =	vst v0  }
0x1c9: {  	[tilespmem:$0x1508] =	vst v0  }
0x1ca: {  	[tilespmem:$0x1518] =	vst v0  }
0x1cb: {  	[tilespmem:$0x1528] =	vst v0  }
0x1cc: {  	[tilespmem:$0x1538] =	vst v0  }
0x1cd: {  	[tilespmem:$0x1548] =	vst v0  }
0x1ce: {  	[tilespmem:$0x1558] =	vst v0  }
0x1cf: {  	[tilespmem:$0x1568] =	vst v0  }
0x1d0: {  	[tilespmem:$0x1578] =	vst v0  }
0x1d1: {  	[tilespmem:$0x1588] =	vst v0  }
0x1d2: {  	[tilespmem:$0x1598] =	vst v0  }
0x1d3: {  	[tilespmem:$0x15A8] =	vst v0  }
0x1d4: {  	[tilespmem:$0x15B8] =	vst v0  }
0x1d5: {  	[tilespmem:$0x15C8] =	vst v0  }
0x1d6: {  	[tilespmem:$0x15D8] =	vst v0  }
0x1d7: {  	[tilespmem:$0x15E8] =	vst v0  }
0x1d8: {  	[tilespmem:$0x15F8] =	vst v0  }
0x1d9: {  	[tilespmem:$0x1608] =	vst v0  }
0x1da: {  	[tilespmem:$0x1618] =	vst v0  }
0x1db: {  	[tilespmem:$0x1628] =	vst v0  }
0x1dc: {  	[tilespmem:$0x1638] =	vst v0  }
0x1dd: {  	[tilespmem:$0x1648] =	vst v0  }
0x1de: {  	[tilespmem:$0x1658] =	vst v0  }
0x1df: {  	[tilespmem:$0x1668] =	vst v0  }
0x1e0: {  	[tilespmem:$0x1678] =	vst v0  }
0x1e1: {  	[tilespmem:$0x1688] =	vst v0  }
0x1e2: {  	[tilespmem:$0x1698] =	vst v0  }
0x1e3: {  	[tilespmem:$0x16A8] =	vst v0  }
0x1e4: {  	[tilespmem:$0x16B8] =	vst v0  }
0x1e5: {  	[tilespmem:$0x16C8] =	vst v0  }
0x1e6: {  	[tilespmem:$0x16D8] =	vst v0  }
0x1e7: {  	[tilespmem:$0x16E8] =	vst v0  }
0x1e8: {  	[tilespmem:$0x16F8] =	vst v0  }
0x1e9: {  	[tilespmem:$0x1708] =	vst v0  }
0x1ea: {  	[tilespmem:$0x1718] =	vst v0  }
0x1eb: {  	[tilespmem:$0x1728] =	vst v0  }
0x1ec: {  	[tilespmem:$0x1738] =	vst v0  }
0x1ed: {  	[tilespmem:$0x1748] =	vst v0  }
0x1ee: {  	[tilespmem:$0x1758] =	vst v0  }
0x1ef: {  	[tilespmem:$0x1768] =	vst v0  }
0x1f0: {  	[tilespmem:$0x1778] =	vst v0  }
0x1f1: {  	[tilespmem:$0x1788] =	vst v0  }
0x1f2: {  	[tilespmem:$0x1798] =	vst v0  }
0x1f3: {  	[tilespmem:$0x17A8] =	vst v0  }
0x1f4: {  	[tilespmem:$0x17B8] =	vst v0  }
0x1f5: {  	[tilespmem:$0x17C8] =	vst v0  }
0x1f6: {  	[tilespmem:$0x17D8] =	vst v0  }
0x1f7: {  	[tilespmem:$0x17E8] =	vst v0  }
0x1f8: {  	[tilespmem:$0x17F8] =	vst v0  }
0x1f9: {  	[tilespmem:$0x1808] =	vst v0  }
0x1fa: {  	[tilespmem:$0x1818] =	vst v0  }
0x1fb: {  	[tilespmem:$0x1828] =	vst v0  }
0x1fc: {  	[tilespmem:$0x1838] =	vst v0  }
0x1fd: {  	[tilespmem:$0x1848] =	vst v0  }
0x1fe: {  	[tilespmem:$0x1858] =	vst v0  }
0x1ff: {  	[tilespmem:$0x1868] =	vst v0  }
0x200: {  	[tilespmem:$0x1878] =	vst v0  }
0x201: {  	[tilespmem:$0x1888] =	vst v0  }
0x202: {  	[tilespmem:$0x1898] =	vst v0  }
0x203: {  	[tilespmem:$0x18A8] =	vst v0  }
0x204: {  	[tilespmem:$0x18B8] =	vst v0  }
0x205: {  	[tilespmem:$0x18C8] =	vst v0  }
0x206: {  	[tilespmem:$0x18D8] =	vst v0  }
0x207: {  	[tilespmem:$0x18E8] =	vst v0  }
0x208: {  	[tilespmem:$0x18F8] =	vst v0  }
0x209: {  	[tilespmem:$0x1908] =	vst v0  }
0x20a: {  	[tilespmem:$0x1918] =	vst v0  }
0x20b: {  	[tilespmem:$0x1928] =	vst v0  }
0x20c: {  	[tilespmem:$0x1938] =	vst v0  }
0x20d: {  	[tilespmem:$0x1948] =	vst v0  }
0x20e: {  	[tilespmem:$0x1958] =	vst v0  }
0x20f: {  	[tilespmem:$0x1968] =	vst v0  }
0x210: {  	[tilespmem:$0x1978] =	vst v0  }
0x211: {  	[tilespmem:$0x1988] =	vst v0  }
0x212: {  	[tilespmem:$0x1998] =	vst v0  }
0x213: {  	[tilespmem:$0x19A8] =	vst v0  }
0x214: {  	[tilespmem:$0x19B8] =	vst v0  }
0x215: {  	[tilespmem:$0x19C8] =	vst v0  }
0x216: {  	[tilespmem:$0x19D8] =	vst v0  }
0x217: {  	[tilespmem:$0x19E8] =	vst v0  }
0x218: {  	[tilespmem:$0x19F8] =	vst v0  }
0x219: {  	[tilespmem:$0x1A08] =	vst v0  }
0x21a: {  	[tilespmem:$0x1A18] =	vst v0  }
0x21b: {  	[tilespmem:$0x1A28] =	vst v0  }
0x21c: {  	[tilespmem:$0x1A38] =	vst v0  }
0x21d: {  	[tilespmem:$0x1A48] =	vst v0  }
0x21e: {  	[tilespmem:$0x1A58] =	vst v0  }
0x21f: {  	[tilespmem:$0x1A68] =	vst v0  }
0x220: {  	[tilespmem:$0x1A78] =	vst v0  }
0x221: {  	[tilespmem:$0x1A88] =	vst v0  }
0x222: {  	[tilespmem:$0x1A98] =	vst v0  }
0x223: {  	[tilespmem:$0x1AA8] =	vst v0  }
0x224: {  	[tilespmem:$0x1AB8] =	vst v0  }
0x225: {  	[tilespmem:$0x1AC8] =	vst v0  }
0x226: {  	[tilespmem:$0x1AD8] =	vst v0  }
0x227: {  	[tilespmem:$0x1AE8] =	vst v0  }
0x228: {  	[tilespmem:$0x1AF8] =	vst v0  }
0x229: {  	[tilespmem:$0x1B08] =	vst v0  }
0x22a: {  	[tilespmem:$0x1B18] =	vst v0  }
0x22b: {  	[tilespmem:$0x1B28] =	vst v0  }
0x22c: {  	[tilespmem:$0x1B38] =	vst v0  }
0x22d: {  	[tilespmem:$0x1B48] =	vst v0  }
0x22e: {  	[tilespmem:$0x1B58] =	vst v0  }
0x22f: {  	[tilespmem:$0x1B68] =	vst v0  }
0x230: {  	[tilespmem:$0x1B78] =	vst v0  }
0x231: {  	[tilespmem:$0x1B88] =	vst v0  }
0x232: {  	[tilespmem:$0x1B98] =	vst v0  }
0x233: {  	[tilespmem:$0x1BA8] =	vst v0  }
0x234: {  	[tilespmem:$0x1BB8] =	vst v0  }
0x235: {  	[tilespmem:$0x1BC8] =	vst v0  }
0x236: {  	[tilespmem:$0x1BD8] =	vst v0  }
0x237: {  	[tilespmem:$0x1BE8] =	vst v0  }
0x238: {  	[tilespmem:$0x1BF8] =	vst v0  }
0x239: {  	[tilespmem:$0x1C08] =	vst v0  }
0x23a: {  	[tilespmem:$0x1C18] =	vst v0  }
0x23b: {  	[tilespmem:$0x1C28] =	vst v0  }
0x23c: {  	[tilespmem:$0x1C38] =	vst v0  }
0x23d: {  	[tilespmem:$0x1C48] =	vst v0  }
0x23e: {  	[tilespmem:$0x1C58] =	vst v0  }
0x23f: {  	[tilespmem:$0x1C68] =	vst v0  }
0x240: {  	[tilespmem:$0x1C78] =	vst v0  }
0x241: {  	[tilespmem:$0x1C88] =	vst v0  }
0x242: {  	[tilespmem:$0x1C98] =	vst v0  }
0x243: {  	[tilespmem:$0x1CA8] =	vst v0  }
0x244: {  	[tilespmem:$0x1CB8] =	vst v0  }
0x245: {  	[tilespmem:$0x1CC8] =	vst v0  }
0x246: {  	[tilespmem:$0x1CD8] =	vst v0  }
0x247: {  	[tilespmem:$0x1CE8] =	vst v0  }
0x248: {  	[tilespmem:$0x1CF8] =	vst v0  }
0x249: {  	[tilespmem:$0x1D08] =	vst v0  }
0x24a: {  	[tilespmem:$0x1D18] =	vst v0  }
0x24b: {  	[tilespmem:$0x1D28] =	vst v0  }
0x24c: {  	[tilespmem:$0x1D38] =	vst v0  }
0x24d: {  	[tilespmem:$0x1D48] =	vst v0  }
0x24e: {  	[tilespmem:$0x1D58] =	vst v0  }
0x24f: {  	[tilespmem:$0x1D68] =	vst v0  }
0x250: {  	[tilespmem:$0x1D78] =	vst v0  }
0x251: {  	[tilespmem:$0x1D88] =	vst v0  }
0x252: {  	[tilespmem:$0x1D98] =	vst v0  }
0x253: {  	[tilespmem:$0x1DA8] =	vst v0  }
0x254: {  	[tilespmem:$0x1DB8] =	vst v0  }
0x255: {  	[tilespmem:$0x1DC8] =	vst v0  }
0x256: {  	[tilespmem:$0x1DD8] =	vst v0  }
0x257: {  	[tilespmem:$0x1DE8] =	vst v0  }
0x258: {  	[tilespmem:$0x1DF8] =	vst v0  }
0x259: {  	[tilespmem:$0x1E08] =	vst v0  }
0x25a: {  	[tilespmem:$0x1E18] =	vst v0  }
0x25b: {  	[tilespmem:$0x1E28] =	vst v0  }
0x25c: {  	[tilespmem:$0x1E38] =	vst v0  }
0x25d: {  	[tilespmem:$0x1E48] =	vst v0  }
0x25e: {  	[tilespmem:$0x1E58] =	vst v0  }
0x25f: {  	[tilespmem:$0x1E68] =	vst v0  }
0x260: {  	[tilespmem:$0x1E78] =	vst v0  }
0x261: {  	[tilespmem:$0x1E88] =	vst v0  }
0x262: {  	[tilespmem:$0x1E98] =	vst v0  }
0x263: {  	[tilespmem:$0x1EA8] =	vst v0  }
0x264: {  	[tilespmem:$0x1EB8] =	vst v0  }
0x265: {  	[tilespmem:$0x1EC8] =	vst v0  }
0x266: {  	[tilespmem:$0x1ED8] =	vst v0  }
0x267: {  	[tilespmem:$0x1EE8] =	vst v0  }
0x268: {  	[tilespmem:$0x1EF8] =	vst v0  }
0x269: {  	[tilespmem:$0x1F08] =	vst v0  }
0x26a: {  	[tilespmem:$0x1F18] =	vst v0  }
0x26b: {  	[tilespmem:$0x1F28] =	vst v0  }
0x26c: {  	[tilespmem:$0x1F38] =	vst v0  }
0x26d: {  	[tilespmem:$0x1F48] =	vst v0  }
0x26e: {  	[tilespmem:$0x1F58] =	vst v0  }
0x26f: {  	[tilespmem:$0x1F68] =	vst v0  }
0x270: {  	[tilespmem:$0x1F78] =	vst v0  }
0x271: {  	[tilespmem:$0x1F88] =	vst v0  }
0x272: {  	[tilespmem:$0x1F98] =	vst v0  }
0x273: {  	[tilespmem:$0x1FA8] =	vst v0  }
0x274: {  	[tilespmem:$0x1FB8] =	vst v0  }
0x275: {  	[tilespmem:$0x1FC8] =	vst v0  }
0x276: {  	[tilespmem:$0x1FD8] =	vst v0  }
0x277: {  	[tilespmem:$0x1FE8] =	vst v0  }
0x278: {  	[tilespmem:$0x1FF8] =	vst v0  }
0x279: {  	[tilespmem:$0x2008] =	vst v0  }
0x27a: {  	[tilespmem:$0x2018] =	vst v0  }
0x27b: {  	[tilespmem:$0x2028] =	vst v0  }
0x27c: {  	[tilespmem:$0x2038] =	vst v0  }
0x27d: {  	[tilespmem:$0x2048] =	vst v0  }
0x27e: {  	[tilespmem:$0x2058] =	vst v0  }
0x27f: {  	[tilespmem:$0x2068] =	vst v0  }
0x280: {  	[tilespmem:$0x2078] =	vst v0  }
0x281: {  	[tilespmem:$0x2088] =	vst v0  }
0x282: {  	[tilespmem:$0x2098] =	vst v0  }
0x283: {  	[tilespmem:$0x20A8] =	vst v0  }
0x284: {  	[tilespmem:$0x20B8] =	vst v0  }
0x285: {  	[tilespmem:$0x20C8] =	vst v0  }
0x286: {  	[tilespmem:$0x20D8] =	vst v0  }
0x287: {  	[tilespmem:$0x20E8] =	vst v0  }
0x288: {  	[tilespmem:$0x20F8] =	vst v0  }
0x289: {  	[tilespmem:$0x2108] =	vst v0  }
0x28a: {  	[tilespmem:$0x2118] =	vst v0  }
0x28b: {  	[tilespmem:$0x2128] =	vst v0  }
0x28c: {  	[tilespmem:$0x2138] =	vst v0  }
0x28d: {  	[tilespmem:$0x2148] =	vst v0  }
0x28e: {  	[tilespmem:$0x2158] =	vst v0  }
0x28f: {  	[tilespmem:$0x2168] =	vst v0  }
0x290: {  	[tilespmem:$0x2178] =	vst v0  }
0x291: {  	[tilespmem:$0x2188] =	vst v0  }
0x292: {  	[tilespmem:$0x2198] =	vst v0  }
0x293: {  	[tilespmem:$0x21A8] =	vst v0  }
0x294: {  	[tilespmem:$0x21B8] =	vst v0  }
0x295: {  	[tilespmem:$0x21C8] =	vst v0  }
0x296: {  	[tilespmem:$0x21D8] =	vst v0  }
0x297: {  	[tilespmem:$0x21E8] =	vst v0  }
0x298: {  	[tilespmem:$0x21F8] =	vst v0  }
0x299: {  	[tilespmem:$0x2208] =	vst v0  }
0x29a: {  	[tilespmem:$0x2218] =	vst v0  }
0x29b: {  	[tilespmem:$0x2228] =	vst v0  }
0x29c: {  	[tilespmem:$0x2238] =	vst v0  }
0x29d: {  	[tilespmem:$0x2248] =	vst v0  }
0x29e: {  	[tilespmem:$0x2258] =	vst v0  }
0x29f: {  	[tilespmem:$0x2268] =	vst v0  }
0x2a0: {  	[tilespmem:$0x2278] =	vst v0  }
0x2a1: {  	[tilespmem:$0x2288] =	vst v0  }
0x2a2: {  	[tilespmem:$0x2298] =	vst v0  }
0x2a3: {  	[tilespmem:$0x22A8] =	vst v0  }
0x2a4: {  	[tilespmem:$0x22B8] =	vst v0  }
0x2a5: {  	[tilespmem:$0x22C8] =	vst v0  }
0x2a6: {  	[tilespmem:$0x22D8] =	vst v0  }
0x2a7: {  	[tilespmem:$0x22E8] =	vst v0  }
0x2a8: {  	[tilespmem:$0x22F8] =	vst v0  }
0x2a9: {  	[tilespmem:$0x2308] =	vst v0  }
0x2aa: {  	[tilespmem:$0x2318] =	vst v0  }
0x2ab: {  	[tilespmem:$0x2328] =	vst v0  }
0x2ac: {  	[tilespmem:$0x2338] =	vst v0  }
0x2ad: {  	[tilespmem:$0x2348] =	vst v0  }
0x2ae: {  	[tilespmem:$0x2358] =	vst v0  }
0x2af: {  	[tilespmem:$0x2368] =	vst v0  }
0x2b0: {  	[tilespmem:$0x2378] =	vst v0  }
0x2b1: {  	[tilespmem:$0x2388] =	vst v0  }
0x2b2: {  	[tilespmem:$0x2398] =	vst v0  }
0x2b3: {  	[tilespmem:$0x23A8] =	vst v0  }
0x2b4: {  	[tilespmem:$0x23B8] =	vst v0  }
0x2b5: {  	[tilespmem:$0x23C8] =	vst v0  }
0x2b6: {  	[tilespmem:$0x23D8] =	vst v0  }
0x2b7: {  	[tilespmem:$0x23E8] =	vst v0  }
0x2b8: {  	[tilespmem:$0x23F8] =	vst v0  }
0x2b9: {  	[tilespmem:$0x2408] =	vst v0  }
0x2ba: {  	[tilespmem:$0x2418] =	vst v0  }
0x2bb: {  	[tilespmem:$0x2428] =	vst v0  }
0x2bc: {  	[tilespmem:$0x2438] =	vst v0  }
0x2bd: {  	[tilespmem:$0x2448] =	vst v0  }
0x2be: {  	[tilespmem:$0x2458] =	vst v0  }
0x2bf: {  	[tilespmem:$0x2468] =	vst v0  }
0x2c0: {  	[tilespmem:$0x2478] =	vst v0  }
0x2c1: {  	[tilespmem:$0x33A8] =	vst v0  }
0x2c2: {  	[tilespmem:$0x33B8] =	vst v0  }
0x2c3: {  	[tilespmem:$0x2488] =	vst v0  }
0x2c4: {  	[tilespmem:$0x2498] =	vst v0  }
0x2c5: {  	[tilespmem:$0x24A8] =	vst v0  }
0x2c6: {  	[tilespmem:$0x24B8] =	vst v0  }
0x2c7: {  	[tilespmem:$0x24C8] =	vst v0  }
0x2c8: {  	[tilespmem:$0x24D8] =	vst v0  }
0x2c9: {  	[tilespmem:$0x24E8] =	vst v0  }
0x2ca: {  	[tilespmem:$0x24F8] =	vst v0  }
0x2cb: {  	[tilespmem:$0x2508] =	vst v0  }
0x2cc: {  	[tilespmem:$0x2518] =	vst v0  }
0x2cd: {  	[tilespmem:$0x2528] =	vst v0  }
0x2ce: {  	[tilespmem:$0x2538] =	vst v0  }
0x2cf: {  	[tilespmem:$0x2548] =	vst v0  }
0x2d0: {  	[tilespmem:$0x2558] =	vst v0  }
0x2d1: {  	[tilespmem:$0x2568] =	vst v0  }
0x2d2: {  	[tilespmem:$0x2578] =	vst v0  }
0x2d3: {  	[tilespmem:$0x2588] =	vst v0  }
0x2d4: {  	[tilespmem:$0x2598] =	vst v0  }
0x2d5: {  	[tilespmem:$0x25A8] =	vst v0  }
0x2d6: {  	[tilespmem:$0x25B8] =	vst v0  }
0x2d7: {  	[tilespmem:$0x25C8] =	vst v0  }
0x2d8: {  	[tilespmem:$0x25D8] =	vst v0  }
0x2d9: {  	[tilespmem:$0x25E8] =	vst v0  }
0x2da: {  	[tilespmem:$0x25F8] =	vst v0  }
0x2db: {  	[tilespmem:$0x2608] =	vst v0  }
0x2dc: {  	[tilespmem:$0x2618] =	vst v0  }
0x2dd: {  	[tilespmem:$0x2628] =	vst v0  }
0x2de: {  	[tilespmem:$0x2638] =	vst v0  }
0x2df: {  	[tilespmem:$0x2648] =	vst v0  }
0x2e0: {  	[tilespmem:$0x2658] =	vst v0  }
0x2e1: {  	[tilespmem:$0x2668] =	vst v0  }
0x2e2: {  	[tilespmem:$0x2678] =	vst v0  }
0x2e3: {  	[tilespmem:$0x2688] =	vst v0  }
0x2e4: {  	[tilespmem:$0x2698] =	vst v0  }
0x2e5: {  	[tilespmem:$0x26A8] =	vst v0  }
0x2e6: {  	[tilespmem:$0x26B8] =	vst v0  }
0x2e7: {  	[tilespmem:$0x26C8] =	vst v0  }
0x2e8: {  	[tilespmem:$0x26D8] =	vst v0  }
0x2e9: {  	[tilespmem:$0x26E8] =	vst v0  }
0x2ea: {  	[tilespmem:$0x26F8] =	vst v0  }
0x2eb: {  	[tilespmem:$0x2708] =	vst v0  }
0x2ec: {  	[tilespmem:$0x2718] =	vst v0  }
0x2ed: {  	[tilespmem:$0x2728] =	vst v0  }
0x2ee: {  	[tilespmem:$0x2738] =	vst v0  }
0x2ef: {  	[tilespmem:$0x2748] =	vst v0  }
0x2f0: {  	[tilespmem:$0x2758] =	vst v0  }
0x2f1: {  	[tilespmem:$0x2768] =	vst v0  }
0x2f2: {  	[tilespmem:$0x2778] =	vst v0  }
0x2f3: {  	[tilespmem:$0x2788] =	vst v0  }
0x2f4: {  	[tilespmem:$0x2798] =	vst v0  }
0x2f5: {  	[tilespmem:$0x27A8] =	vst v0  }
0x2f6: {  	[tilespmem:$0x27B8] =	vst v0  }
0x2f7: {  	[tilespmem:$0x27C8] =	vst v0  }
0x2f8: {  	[tilespmem:$0x27D8] =	vst v0  }
0x2f9: {  	[tilespmem:$0x27E8] =	vst v0  }
0x2fa: {  	[tilespmem:$0x27F8] =	vst v0  }
0x2fb: {  	[tilespmem:$0x2808] =	vst v0  }
0x2fc: {  	[tilespmem:$0x2818] =	vst v0  }
0x2fd: {  	[tilespmem:$0x2828] =	vst v0  }
0x2fe: {  	[tilespmem:$0x2838] =	vst v0  }
0x2ff: {  	[tilespmem:$0x2848] =	vst v0  }
0x300: {  	[tilespmem:$0x2858] =	vst v0  }
0x301: {  	[tilespmem:$0x2868] =	vst v0  }
0x302: {  	[tilespmem:$0x2878] =	vst v0  }
0x303: {  	[tilespmem:$0x2888] =	vst v0  }
0x304: {  	[tilespmem:$0x2898] =	vst v0  }
0x305: {  	[tilespmem:$0x28A8] =	vst v0  }
0x306: {  	[tilespmem:$0x28B8] =	vst v0  }
0x307: {  	[tilespmem:$0x28C8] =	vst v0  }
0x308: {  	[tilespmem:$0x28D8] =	vst v0  }
0x309: {  	[tilespmem:$0x28E8] =	vst v0  }
0x30a: {  	[tilespmem:$0x28F8] =	vst v0  }
0x30b: {  	[tilespmem:$0x2908] =	vst v0  }
0x30c: {  	[tilespmem:$0x2918] =	vst v0  }
0x30d: {  	[tilespmem:$0x2928] =	vst v0  }
0x30e: {  	[tilespmem:$0x2938] =	vst v0  }
0x30f: {  	[tilespmem:$0x2948] =	vst v0  }
0x310: {  	[tilespmem:$0x2958] =	vst v0  }
0x311: {  	[tilespmem:$0x2968] =	vst v0  }
0x312: {  	[tilespmem:$0x2978] =	vst v0  }
0x313: {  	[tilespmem:$0x2988] =	vst v0  }
0x314: {  	[tilespmem:$0x2998] =	vst v0  }
0x315: {  	[tilespmem:$0x29A8] =	vst v0  }
0x316: {  	[tilespmem:$0x29B8] =	vst v0  }
0x317: {  	[tilespmem:$0x29C8] =	vst v0  }
0x318: {  	[tilespmem:$0x29D8] =	vst v0  }
0x319: {  	[tilespmem:$0x29E8] =	vst v0  }
0x31a: {  	[tilespmem:$0x29F8] =	vst v0  }
0x31b: {  	[tilespmem:$0x2A08] =	vst v0  }
0x31c: {  	[tilespmem:$0x2A18] =	vst v0  }
0x31d: {  	[tilespmem:$0x2A28] =	vst v0  }
0x31e: {  	[tilespmem:$0x2A38] =	vst v0  }
0x31f: {  	[tilespmem:$0x2A48] =	vst v0  }
0x320: {  	[tilespmem:$0x2A58] =	vst v0  }
0x321: {  	[tilespmem:$0x2A68] =	vst v0  }
0x322: {  	[tilespmem:$0x2A78] =	vst v0  }
0x323: {  	[tilespmem:$0x2A88] =	vst v0  }
0x324: {  	[tilespmem:$0x2A98] =	vst v0  }
0x325: {  	[tilespmem:$0x2AA8] =	vst v0  }
0x326: {  	[tilespmem:$0x2AB8] =	vst v0  }
0x327: {  	[tilespmem:$0x2AC8] =	vst v0  }
0x328: {  	[tilespmem:$0x2AD8] =	vst v0  }
0x329: {  	[tilespmem:$0x2AE8] =	vst v0  }
0x32a: {  	[tilespmem:$0x2AF8] =	vst v0  }
0x32b: {  	[tilespmem:$0x2B08] =	vst v0  }
0x32c: {  	[tilespmem:$0x2B18] =	vst v0  }
0x32d: {  	[tilespmem:$0x2B28] =	vst v0  }
0x32e: {  	[tilespmem:$0x2B38] =	vst v0  }
0x32f: {  	[tilespmem:$0x2B48] =	vst v0  }
0x330: {  	[tilespmem:$0x2B58] =	vst v0  }
0x331: {  	[tilespmem:$0x2B68] =	vst v0  }
0x332: {  	[tilespmem:$0x2B78] =	vst v0  }
0x333: {  	[tilespmem:$0x2B88] =	vst v0  }
0x334: {  	[tilespmem:$0x2B98] =	vst v0  }
0x335: {  	[tilespmem:$0x2BA8] =	vst v0  }
0x336: {  	[tilespmem:$0x2BB8] =	vst v0  }
0x337: {  	[tilespmem:$0x2BC8] =	vst v0  }
0x338: {  	[tilespmem:$0x2BD8] =	vst v0  }
0x339: {  	[tilespmem:$0x2BE8] =	vst v0  }
0x33a: {  	[tilespmem:$0x2BF8] =	vst v0  }
0x33b: {  	[tilespmem:$0x2C08] =	vst v0  }
0x33c: {  	[tilespmem:$0x2C18] =	vst v0  }
0x33d: {  	[tilespmem:$0x2C28] =	vst v0  }
0x33e: {  	[tilespmem:$0x2C38] =	vst v0  }
0x33f: {  	[tilespmem:$0x2C48] =	vst v0  }
0x340: {  	[tilespmem:$0x2C58] =	vst v0  }
0x341: {  	[tilespmem:$0x2C68] =	vst v0  }
0x342: {  	[tilespmem:$0x2C78] =	vst v0  }
0x343: {  	[tilespmem:$0x2C88] =	vst v0  }
0x344: {  	[tilespmem:$0x2C98] =	vst v0  }
0x345: {  	[tilespmem:$0x2CA8] =	vst v0  }
0x346: {  	[tilespmem:$0x2CB8] =	vst v0  }
0x347: {  	[tilespmem:$0x2CC8] =	vst v0  }
0x348: {  	[tilespmem:$0x2CD8] =	vst v0  }
0x349: {  	[tilespmem:$0x2CE8] =	vst v0  }
0x34a: {  	[tilespmem:$0x2CF8] =	vst v0  }
0x34b: {  	[tilespmem:$0x2D08] =	vst v0  }
0x34c: {  	[tilespmem:$0x2D18] =	vst v0  }
0x34d: {  	[tilespmem:$0x2D28] =	vst v0  }
0x34e: {  	[tilespmem:$0x2D38] =	vst v0  }
0x34f: {  	[tilespmem:$0x2D48] =	vst v0  }
0x350: {  	[tilespmem:$0x2D58] =	vst v0  }
0x351: {  	[tilespmem:$0x2D68] =	vst v0  }
0x352: {  	[tilespmem:$0x2D78] =	vst v0  }
0x353: {  	[tilespmem:$0x2D88] =	vst v0  }
0x354: {  	[tilespmem:$0x2D98] =	vst v0  }
0x355: {  	[tilespmem:$0x2DA8] =	vst v0  }
0x356: {  	[tilespmem:$0x2DB8] =	vst v0  }
0x357: {  	[tilespmem:$0x2DC8] =	vst v0  }
0x358: {  	[tilespmem:$0x2DD8] =	vst v0  }
0x359: {  	[tilespmem:$0x2DE8] =	vst v0  }
0x35a: {  	[tilespmem:$0x2DF8] =	vst v0  }
0x35b: {  	[tilespmem:$0x2E08] =	vst v0  }
0x35c: {  	[tilespmem:$0x2E18] =	vst v0  }
0x35d: {  	[tilespmem:$0x2E28] =	vst v0  }
0x35e: {  	[tilespmem:$0x2E38] =	vst v0  }
0x35f: {  	[tilespmem:$0x2E48] =	vst v0  }
0x360: {  	[tilespmem:$0x2E58] =	vst v0  }
0x361: {  	[tilespmem:$0x2E68] =	vst v0  }
0x362: {  	[tilespmem:$0x2E78] =	vst v0  }
0x363: {  	[tilespmem:$0x2E88] =	vst v0  }
0x364: {  	[tilespmem:$0x2E98] =	vst v0  }
0x365: {  	[tilespmem:$0x2EA8] =	vst v0  }
0x366: {  	[tilespmem:$0x2EB8] =	vst v0  }
0x367: {  	[tilespmem:$0x2EC8] =	vst v0  }
0x368: {  	[tilespmem:$0x2ED8] =	vst v0  }
0x369: {  	[tilespmem:$0x2EE8] =	vst v0  }
0x36a: {  	[tilespmem:$0x2EF8] =	vst v0  }
0x36b: {  	[tilespmem:$0x2F08] =	vst v0  }
0x36c: {  	[tilespmem:$0x2F18] =	vst v0  }
0x36d: {  	[tilespmem:$0x2F28] =	vst v0  }
0x36e: {  	[tilespmem:$0x2F38] =	vst v0  }
0x36f: {  	[tilespmem:$0x2F48] =	vst v0  }
0x370: {  	[tilespmem:$0x2F58] =	vst v0  }
0x371: {  	[tilespmem:$0x2F68] =	vst v0  }
0x372: {  	[tilespmem:$0x2F78] =	vst v0  }
0x373: {  	[tilespmem:$0x2F88] =	vst v0  }
0x374: {  	[tilespmem:$0x2F98] =	vst v0  }
0x375: {  	[tilespmem:$0x2FA8] =	vst v0  }
0x376: {  	[tilespmem:$0x2FB8] =	vst v0  }
0x377: {  	[tilespmem:$0x2FC8] =	vst v0  }
0x378: {  	[tilespmem:$0x2FD8] =	vst v0  }
0x379: {  	[tilespmem:$0x2FE8] =	vst v0  }
0x37a: {  	[tilespmem:$0x2FF8] =	vst v0  }
0x37b: {  	[tilespmem:$0x3008] =	vst v0  }
0x37c: {  	[tilespmem:$0x3018] =	vst v0  }
0x37d: {  	[tilespmem:$0x3028] =	vst v0  }
0x37e: {  	[tilespmem:$0x3038] =	vst v0  }
0x37f: {  	[tilespmem:$0x3048] =	vst v0  }
0x380: {  	[tilespmem:$0x3058] =	vst v0  }
0x381: {  	[tilespmem:$0x3068] =	vst v0  }
0x382: {  	[tilespmem:$0x3078] =	vst v0  }
0x383: {  	[tilespmem:$0x3088] =	vst v0  }
0x384: {  	[tilespmem:$0x3098] =	vst v0  }
0x385: {  	[tilespmem:$0x30A8] =	vst v0  }
0x386: {  	[tilespmem:$0x30B8] =	vst v0  }
0x387: {  	[tilespmem:$0x30C8] =	vst v0  }
0x388: {  	[tilespmem:$0x30D8] =	vst v0  }
0x389: {  	[tilespmem:$0x30E8] =	vst v0  }
0x38a: {  	[tilespmem:$0x30F8] =	vst v0  }
0x38b: {  	[tilespmem:$0x3108] =	vst v0  }
0x38c: {  	[tilespmem:$0x3118] =	vst v0  }
0x38d: {  	[tilespmem:$0x3128] =	vst v0  }
0x38e: {  	[tilespmem:$0x3138] =	vst v0  }
0x38f: {  	[tilespmem:$0x3148] =	vst v0  }
0x390: {  	[tilespmem:$0x3158] =	vst v0  }
0x391: {  	[tilespmem:$0x3168] =	vst v0  }
0x392: {  	[tilespmem:$0x3178] =	vst v0  }
0x393: {  	[tilespmem:$0x3188] =	vst v0  }
0x394: {  	[tilespmem:$0x3198] =	vst v0  }
0x395: {  	[tilespmem:$0x31A8] =	vst v0  }
0x396: {  	[tilespmem:$0x31B8] =	vst v0  }
0x397: {  	[tilespmem:$0x31C8] =	vst v0  }
0x398: {  	[tilespmem:$0x31D8] =	vst v0  }
0x399: {  	[tilespmem:$0x31E8] =	vst v0  }
0x39a: {  	[tilespmem:$0x31F8] =	vst v0  }
0x39b: {  	[tilespmem:$0x3208] =	vst v0  }
0x39c: {  	[tilespmem:$0x3218] =	vst v0  }
0x39d: {  	[tilespmem:$0x3228] =	vst v0  }
0x39e: {  	[tilespmem:$0x3238] =	vst v0  }
0x39f: {  	[tilespmem:$0x3248] =	vst v0  }
0x3a0: {  	[tilespmem:$0x3258] =	vst v0  }
0x3a1: {  	[tilespmem:$0x3268] =	vst v0  }
0x3a2: {  	[tilespmem:$0x3278] =	vst v0  }
0x3a3: {  	[tilespmem:$0x3288] =	vst v0  }
0x3a4: {  	[tilespmem:$0x3298] =	vst v0  }
0x3a5: {  	[tilespmem:$0x32A8] =	vst v0  }
0x3a6: {  	[tilespmem:$0x32B8] =	vst v0  }
0x3a7: {  	[tilespmem:$0x32C8] =	vst v0  }
0x3a8: {  	[tilespmem:$0x32D8] =	vst v0  }
0x3a9: {  	[tilespmem:$0x32E8] =	vst v0  }
0x3aa: {  	[tilespmem:$0x32F8] =	vst v0  }
0x3ab: {  	[tilespmem:$0x3308] =	vst v0  }
0x3ac: {  	[tilespmem:$0x3318] =	vst v0  }
0x3ad: {  	[tilespmem:$0x3328] =	vst v0  }
0x3ae: {  	[tilespmem:$0x3338] =	vst v0  }
0x3af: {  	[tilespmem:$0x3348] =	vst v0  }
0x3b0: {  	[tilespmem:$0x3358] =	vst v0  }
0x3b1: {  	[tilespmem:$0x3368] =	vst v0  }
0x3b2: {  	[tilespmem:$0x3378] =	vst v0  }
0x3b3: {  	[tilespmem:$0x3388] =	vst v0  }
0x3b4: {  	[tilespmem:$0x3398] =	vst v0  }
0x3b5: {  	[tilespmem:$0x33C8] =	vst v0  }
0x3b6: {  	[tilespmem:$0x33D8] =	vst v0  }
0x3b7: {  	[tilespmem:$0x33E8] =	vst v0  }
0x3b8: {  	[tilespmem:$0x33F8] =	vst v0  }
0x3b9: {  	[tilespmem:$0x3408] =	vst v0  }
0x3ba: {  	[tilespmem:$0x3418] =	vst v0  }
0x3bb: {  	[tilespmem:$0x3428] =	vst v0  }
0x3bc: {  	[tilespmem:$0x3438] =	vst v0  }
0x3bd: {  	[tilespmem:$0x3448] =	vst v0  }
0x3be: {  	[tilespmem:$0x3458] =	vst v0  }
0x3bf: {  	[tilespmem:$0x3468] =	vst v0  }
0x3c0: {  	[tilespmem:$0x3478] =	vst v0  }
0x3c1: {  	[tilespmem:$0x3488] =	vst v0  }
0x3c2: {  	[tilespmem:$0x3498] =	vst v0  }
0x3c3: {  	[tilespmem:$0x34A8] =	vst v0  }
0x3c4: {  	[tilespmem:$0x34B8] =	vst v0  }
0x3c5: {  	[tilespmem:$0x34C8] =	vst v0  }
0x3c6: {  	[tilespmem:$0x34D8] =	vst v0  }
0x3c7: {  	[tilespmem:$0x34E8] =	vst v0  }
0x3c8: {  	[tilespmem:$0x34F8] =	vst v0  }
0x3c9: {  	[tilespmem:$0x3508] =	vst v0  }
0x3ca: {  	[tilespmem:$0x3518] =	vst v0  }
0x3cb: {  	[tilespmem:$0x3528] =	vst v0  }
0x3cc: {  	[tilespmem:$0x3538] =	vst v0  }
0x3cd: {  	[tilespmem:$0x3548] =	vst v0  }
0x3ce: {  	[tilespmem:$0x3558] =	vst v0  }
0x3cf: {  	[tilespmem:$0x3568] =	vst v0  }
0x3d0: {  	[tilespmem:$0x3578] =	vst v0  }
0x3d1: {  	[tilespmem:$0x3588] =	vst v0  }
0x3d2: {  	[tilespmem:$0x3598] =	vst v0  }
0x3d3: {  	[tilespmem:$0x35A8] =	vst v0  }
0x3d4: {  	[tilespmem:$0x35B8] =	vst v0  }
0x3d5: {  	[tilespmem:$0x35C8] =	vst v0  }
0x3d6: {  	[tilespmem:$0x35D8] =	vst v0  }
0x3d7: {  	[tilespmem:$0x35E8] =	vst v0  }
0x3d8: {  	[tilespmem:$0x35F8] =	vst v0  }
0x3d9: {  	[tilespmem:$0x3608] =	vst v0  }
0x3da: {  	[tilespmem:$0x3618] =	vst v0  }
0x3db: {  	[tilespmem:$0x3628] =	vst v0  }
0x3dc: {  	[tilespmem:$0x3638] =	vst v0  }
0x3dd: {  	[tilespmem:$0x3648] =	vst v0  }
0x3de: {  	[tilespmem:$0x3658] =	vst v0  }
0x3df: {  	[tilespmem:$0x3668] =	vst v0  }
0x3e0: {  	[tilespmem:$0x3678] =	vst v0  }
0x3e1: {  	[tilespmem:$0x3688] =	vst v0  }
0x3e2: {  	[tilespmem:$0x3698] =	vst v0  }
0x3e3: {  	[tilespmem:$0x36A8] =	vst v0  }
0x3e4: {  	[tilespmem:$0x36B8] =	vst v0  }
0x3e5: {  	[tilespmem:$0x36C8] =	vst v0  }
0x3e6: {  	[tilespmem:$0x36D8] =	vst v0  }
0x3e7: {  	[tilespmem:$0x36E8] =	vst v0  }
0x3e8: {  	[tilespmem:$0x36F8] =	vst v0  }
0x3e9: {  	[tilespmem:$0x3708] =	vst v0  }
0x3ea: {  	[tilespmem:$0x3718] =	vst v0  }
0x3eb: {  	[tilespmem:$0x3728] =	vst v0  }
0x3ec: {  	[tilespmem:$0x3738] =	vst v0  }
0x3ed: {  	[tilespmem:$0x3748] =	vst v0  }
0x3ee: {  	[tilespmem:$0x3758] =	vst v0  }
0x3ef: {  	[tilespmem:$0x3768] =	vst v0  }
0x3f0: {  	[tilespmem:$0x3778] =	vst v0  }
0x3f1: {  	[tilespmem:$0x3788] =	vst v0  }
0x3f2: {  	[tilespmem:$0x3798] =	vst v0  }
0x3f3: {  	[tilespmem:$0x37A8] =	vst v0  }
0x3f4: {  	[tilespmem:$0x37B8] =	vst v0  }
0x3f5: {  	[tilespmem:$0x37C8] =	vst v0  }
0x3f6: {  	[tilespmem:$0x37D8] =	vst v0  }
0x3f7: {  	[tilespmem:$0x37E8] =	vst v0  }
0x3f8: {  	[tilespmem:$0x37F8] =	vst v0  }
0x3f9: {  	[tilespmem:$0x3808] =	vst v0  }
0x3fa: {  	[tilespmem:$0x3818] =	vst v0  }
0x3fb: {  	[tilespmem:$0x3828] =	vst v0  }
0x3fc: {  	[tilespmem:$0x3838] =	vst v0  }
0x3fd: {  	[tilespmem:$0x3848] =	vst v0  }
0x3fe: {  	[tilespmem:$0x3858] =	vst v0  }
0x3ff: {  	[tilespmem:$0x3868] =	vst v0  }
0x400: {  	[tilespmem:$0x3878] =	vst v0  }
0x401: {  	[tilespmem:$0x3888] =	vst v0  }
0x402: {  	[tilespmem:$0x3898] =	vst v0  }
0x403: {  	[tilespmem:$0x38A8] =	vst v0  }
0x404: {  	[tilespmem:$0x38B8] =	vst v0  }
0x405: {  	[tilespmem:$0x38C8] =	vst v0  }
0x406: {  	[tilespmem:$0x38D8] =	vst v0  }
0x407: {  	[tilespmem:$0x38E8] =	vst v0  }
0x408: {  	[tilespmem:$0x38F8] =	vst v0  }
0x409: {  	[tilespmem:$0x3908] =	vst v0  }
0x40a: {  	[tilespmem:$0x3918] =	vst v0  }
0x40b: {  	[tilespmem:$0x3928] =	vst v0  }
0x40c: {  	[tilespmem:$0x3938] =	vst v0  }
0x40d: {  	[tilespmem:$0x3948] =	vst v0  }
0x40e: {  	[tilespmem:$0x3958] =	vst v0  }
0x40f: {  	[tilespmem:$0x3968] =	vst v0  }
0x410: {  	[tilespmem:$0x3978] =	vst v0  }
0x411: {  	[tilespmem:$0x3988] =	vst v0  }
0x412: {  	[tilespmem:$0x3998] =	vst v0  }
0x413: {  	[tilespmem:$0x39A8] =	vst v0  }
0x414: {  	[tilespmem:$0x39B8] =	vst v0  }
0x415: {  	[tilespmem:$0x39C8] =	vst v0  }
0x416: {  	[tilespmem:$0x39D8] =	vst v0  }
0x417: {  	[tilespmem:$0x39E8] =	vst v0  }
0x418: {  	[tilespmem:$0x39F8] =	vst v0  }
0x419: {  	[tilespmem:$0x3A08] =	vst v0  }
0x41a: {  	[tilespmem:$0x3A18] =	vst v0  }
0x41b: {  	[tilespmem:$0x3A28] =	vst v0  }
0x41c: {  	[tilespmem:$0x3A38] =	vst v0  }
0x41d: {  	[tilespmem:$0x3A48] =	vst v0  }
0x41e: {  	[tilespmem:$0x3A58] =	vst v0  }
0x41f: {  	[tilespmem:$0x3A68] =	vst v0  }
0x420: {  	[tilespmem:$0x3A78] =	vst v0  }
0x421: {  	[tilespmem:$0x3A88] =	vst v0  }
0x422: {  	[tilespmem:$0x3A98] =	vst v0  }
0x423: {  	[tilespmem:$0x3AA8] =	vst v0  }
0x424: {  	[tilespmem:$0x3AB8] =	vst v0  }
0x425: {  	[tilespmem:$0x3AC8] =	vst v0  }
0x426: {  	[tilespmem:$0x3AD8] =	vst v0  }
0x427: {  	[tilespmem:$0x3AE8] =	vst v0  }
0x428: {  	[tilespmem:$0x3AF8] =	vst v0  }
0x429: {  	[tilespmem:$0x3B08] =	vst v0  }
0x42a: {  	[tilespmem:$0x3B18] =	vst v0  }
0x42b: {  	[tilespmem:$0x3B28] =	vst v0  }
0x42c: {  	[tilespmem:$0x3B38] =	vst v0  }
0x42d: {  	[tilespmem:$0x3B48] =	vst v0  }
0x42e: {  	[tilespmem:$0x3B58] =	vst v0  }
0x42f: {  	[tilespmem:$0x3B68] =	vst v0  }
0x430: {  	[tilespmem:$0x3B78] =	vst v0  }
0x431: {  	[tilespmem:$0x3B88] =	vst v0  }
0x432: {  	[tilespmem:$0x3B98] =	vst v0  }
0x433: {  	[tilespmem:$0x3BA8] =	vst v0  }
0x434: {  	[tilespmem:$0x3BB8] =	vst v0  }
0x435: {  	[tilespmem:$0x3BC8] =	vst v0  }
0x436: {  	[tilespmem:$0x3BD8] =	vst v0  }
0x437: {  	[tilespmem:$0x3BE8] =	vst v0  }
0x438: {  	[tilespmem:$0x3BF8] =	vst v0  }
0x439: {  	[tilespmem:$0x3C08] =	vst v0  }
0x43a: {  	[tilespmem:$0x3C18] =	vst v0  }
0x43b: {  	[tilespmem:$0x3C28] =	vst v0  }
0x43c: {  	[tilespmem:$0x3C38] =	vst v0  }
0x43d: {  	[tilespmem:$0x3C48] =	vst v0  }
0x43e: {  	[tilespmem:$0x3C58] =	vst v0  }
0x43f: {  	[tilespmem:$0x3C68] =	vst v0  }
0x440: {  	[tilespmem:$0x3C78] =	vst v0  }
0x441: {  	[tilespmem:$0x3C88] =	vst v0  }
0x442: {  	[tilespmem:$0x3C98] =	vst v0  }
0x443: {  	[tilespmem:$0x3CA8] =	vst v0  }
0x444: {  	[tilespmem:$0x3CB8] =	vst v0  }
0x445: {  	[tilespmem:$0x3CC8] =	vst v0  }
0x446: {  	[tilespmem:$0x3CD8] =	vst v0  }
0x447: {  	[tilespmem:$0x3CE8] =	vst v0  }
0x448: {  	[tilespmem:$0x3CF8] =	vst v0  }
0x449: {  	[tilespmem:$0x3D08] =	vst v0  }
0x44a: {  	[tilespmem:$0x3D18] =	vst v0  }
0x44b: {  	[tilespmem:$0x3D28] =	vst v0  }
0x44c: {  	[tilespmem:$0x3D38] =	vst v0  }
0x44d: {  	[tilespmem:$0x3D48] =	vst v0  }
0x44e: {  	[tilespmem:$0x3D58] =	vst v0  }
0x44f: {  	[tilespmem:$0x3D68] =	vst v0  }
0x450: {  	[tilespmem:$0x3D78] =	vst v0  }
0x451: {  	[tilespmem:$0x3D88] =	vst v0  }
0x452: {  	[tilespmem:$0x3D98] =	vst v0  }
0x453: {  	[tilespmem:$0x3DA8] =	vst v0  }
0x454: {  	[tilespmem:$0x3DB8] =	vst v0  }
0x455: {  	[tilespmem:$0x3DC8] =	vst v0  }
0x456: {  	[tilespmem:$0x3DD8] =	vst v0  }
0x457: {  	[tilespmem:$0x3DE8] =	vst v0  }
0x458: {  	[tilespmem:$0x3DF8] =	vst v0  }
0x459: {  	[tilespmem:$0x3E08] =	vst v0  }
0x45a: {  	[tilespmem:$0x3E18] =	vst v0  }
0x45b: {  	[tilespmem:$0x3E28] =	vst v0  }
0x45c: {  	[tilespmem:$0x3E38] =	vst v0  }
0x45d: {  	[tilespmem:$0x3E48] =	vst v0  }
0x45e: {  	[tilespmem:$0x3E58] =	vst v0  }
0x45f: {  	[tilespmem:$0x3E68] =	vst v0  }
0x460: {  	[tilespmem:$0x3E78] =	vst v0  }
0x461: {  	[tilespmem:$0x3E88] =	vst v0  }
0x462: {  	[tilespmem:$0x3E98] =	vst v0  }
0x463: {  	[tilespmem:$0x3EA8] =	vst v0  }
0x464: {  	[tilespmem:$0x3EB8] =	vst v0  }
0x465: {  	[tilespmem:$0x3EC8] =	vst v0  }
0x466: {  	[tilespmem:$0x3ED8] =	vst v0  }
0x467: {  	[tilespmem:$0x3EE8] =	vst v0  }
0x468: {  	[tilespmem:$0x3EF8] =	vst v0  }
0x469: {  	[tilespmem:$0x3F08] =	vst v0  }
0x46a: {  	[tilespmem:$0x3F18] =	vst v0  }
0x46b: {  	[tilespmem:$0x3F28] =	vst v0  }
0x46c: {  	[tilespmem:$0x3F38] =	vst v0  }
0x46d: {  	[tilespmem:$0x3F48] =	vst v0  }
0x46e: {  	[tilespmem:$0x3F58] =	vst v0  }
0x46f: {  	[tilespmem:$0x3F68] =	vst v0  }
0x470: {  	[tilespmem:$0x3F78] =	vst v0  }
0x471: {  	[tilespmem:$0x3F88] =	vst v0  }
0x472: {  	[tilespmem:$0x3F98] =	vst v0  }
0x473: {  	[tilespmem:$0x3FA8] =	vst v0  }
0x474: {  	[tilespmem:$0x3FB8] =	vst v0  }
0x475: {  	[tilespmem:$0x3FC8] =	vst v0  }
0x476: {  	[tilespmem:$0x3FD8] =	vst v0  }
0x477: {  	[tilespmem:$0x3FE8] =	vst v0  }
0x478: {  	[tilespmem:$0x3FF8] =	vst v0  }
0x479: {  	[tilespmem:$0x4008] =	vst v0  }
0x47a: {  	[tilespmem:$0x4018] =	vst v0  }
0x47b: {  	[tilespmem:$0x4028] =	vst v0  }
0x47c: {  	[tilespmem:$0x4038] =	vst v0  }
0x47d: {  	[tilespmem:$0x4048] =	vst v0  }
0x47e: {  	[tilespmem:$0x4058] =	vst v0  }
0x47f: {  	[tilespmem:$0x4068] =	vst v0  }
0x480: {  	[tilespmem:$0x4078] =	vst v0  }
0x481: {  	[tilespmem:$0x4088] =	vst v0  }
0x482: {  	[tilespmem:$0x4098] =	vst v0  }
0x483: {  	[tilespmem:$0x40A8] =	vst v0  }
0x484: {  	[tilespmem:$0x40B8] =	vst v0  }
0x485: {  	[tilespmem:$0x40C8] =	vst v0  }
0x486: {  	[tilespmem:$0x40D8] =	vst v0  }
0x487: {  	[tilespmem:$0x40E8] =	vst v0  }
0x488: {  	[tilespmem:$0x40F8] =	vst v0  }
0x489: {  	[tilespmem:$0x4108] =	vst v0  }
0x48a: {  	[tilespmem:$0x4118] =	vst v0  }
0x48b: {  	[tilespmem:$0x4128] =	vst v0  }
0x48c: {  	[tilespmem:$0x4138] =	vst v0  }
0x48d: {  	[tilespmem:$0x4148] =	vst v0  }
0x48e: {  	[tilespmem:$0x4158] =	vst v0  }
0x48f: {  	[tilespmem:$0x4168] =	vst v0  }
0x490: {  	[tilespmem:$0x4178] =	vst v0  }
0x491: {  	[tilespmem:$0x4188] =	vst v0  }
0x492: {  	[tilespmem:$0x4198] =	vst v0  }
0x493: {  	[tilespmem:$0x41A8] =	vst v0  }
0x494: {  	[tilespmem:$0x41B8] =	vst v0  }
0x495: {  	[tilespmem:$0x41C8] =	vst v0  }
0x496: {  	[tilespmem:$0x41D8] =	vst v0  }
0x497: {  	[tilespmem:$0x41E8] =	vst v0  }
0x498: {  	[tilespmem:$0x41F8] =	vst v0  }
0x499: {  	[tilespmem:$0x4208] =	vst v0  }
0x49a: {  	[tilespmem:$0x4218] =	vst v0  }
0x49b: {  	[tilespmem:$0x4228] =	vst v0  }
0x49c: {  	[tilespmem:$0x4238] =	vst v0  }
0x49d: {  	[tilespmem:$0x4248] =	vst v0  }
0x49e: {  	[tilespmem:$0x4258] =	vst v0  }
0x49f: {  	[tilespmem:$0x4268] =	vst v0  }
0x4a0: {  	[tilespmem:$0x4278] =	vst v0  }
0x4a1: {  	[tilespmem:$0x4288] =	vst v0  }
0x4a2: {  	[tilespmem:$0x4298] =	vst v0  }
0x4a3: {  	[tilespmem:$0x42A8] =	vst v0  }
0x4a4: {  	[tilespmem:$0x42B8] =	vst v0  }
0x4a5: {  	[tilespmem:$0x42C8] =	vst v0  }
0x4a6: {  	[tilespmem:$0x42D8] =	vst v0  }
0x4a7: {  	[tilespmem:$0x42E8] =	vst v0  }
0x4a8: {  	[tilespmem:$0x42F8] =	vst v0  }
0x4a9: {  	[tilespmem:$0x4308] =	vst v0  }
0x4aa: {  	[tilespmem:$0x4318] =	vst v0  }
0x4ab: {  	[tilespmem:$0x4328] =	vst v0  }
0x4ac: {  	[tilespmem:$0x4338] =	vst v0  }
0x4ad: {  	[tilespmem:$0x4348] =	vst v0  }
0x4ae: {  	[tilespmem:$0x4358] =	vst v0  }
0x4af: {  	[tilespmem:$0x4368] =	vst v0  }
0x4b0: {  	[tilespmem:$0x4378] =	vst v0  }
0x4b1: {  	[tilespmem:$0x4388] =	vst v0  }
0x4b2: {  	[tilespmem:$0x4398] =	vst v0  }
0x4b3: {  	[tilespmem:$0x43A8] =	vst v0  }
0x4b4: {  	[tilespmem:$0x43C8] =	vst v0  }
0x4b5: {  	[tilespmem:$0x4478] =	vst v0  }
0x4b6: {  	[tilespmem:$0x52A8] =	vst v0  }
0x4b7: {  	[tilespmem:$0x5298] =	vst v0  }
0x4b8: {  	[tilespmem:$0x4408] =	vst v0  }
0x4b9: {  	[tilespmem:$0x5288] =	vst v0  }
0x4ba: {  	[tilespmem:$0x5278] =	vst v0  }
0x4bb: {  	[tilespmem:$0x5268] =	vst v0  }
0x4bc: {  	[tilespmem:$0x5258] =	vst v0  }
0x4bd: {  	[tilespmem:$0x5248] =	vst v0  }
0x4be: {  	[tilespmem:$0x5238] =	vst v0  }
0x4bf: {  	[tilespmem:$0x5228] =	vst v0  }
0x4c0: {  	[tilespmem:$0x5218] =	vst v0  }
0x4c1: {  	[tilespmem:$0x5208] =	vst v0  }
0x4c2: {  	[tilespmem:$0x51F8] =	vst v0  }
0x4c3: {  	[tilespmem:$0x51E8] =	vst v0  }
0x4c4: {  	[tilespmem:$0x51D8] =	vst v0  }
0x4c5: {  	[tilespmem:$0x51C8] =	vst v0  }
0x4c6: {  	[tilespmem:$0x51B8] =	vst v0  }
0x4c7: {  	[tilespmem:$0x51A8] =	vst v0  }
0x4c8: {  	[tilespmem:$0x5198] =	vst v0  }
0x4c9: {  	[tilespmem:$0x5188] =	vst v0  }
0x4ca: {  	[tilespmem:$0x5178] =	vst v0  }
0x4cb: {  	[tilespmem:$0x5168] =	vst v0  }
0x4cc: {  	[tilespmem:$0x5158] =	vst v0  }
0x4cd: {  	[tilespmem:$0x5148] =	vst v0  }
0x4ce: {  	[tilespmem:$0x5138] =	vst v0  }
0x4cf: {  	[tilespmem:$0x5128] =	vst v0  }
0x4d0: {  	[tilespmem:$0x5118] =	vst v0  }
0x4d1: {  	[tilespmem:$0x5108] =	vst v0  }
0x4d2: {  	[tilespmem:$0x50F8] =	vst v0  }
0x4d3: {  	[tilespmem:$0x50E8] =	vst v0  }
0x4d4: {  	[tilespmem:$0x50D8] =	vst v0  }
0x4d5: {  	[tilespmem:$0x50C8] =	vst v0  }
0x4d6: {  	[tilespmem:$0x50B8] =	vst v0  }
0x4d7: {  	[tilespmem:$0x50A8] =	vst v0  }
0x4d8: {  	[tilespmem:$0x5098] =	vst v0  }
0x4d9: {  	[tilespmem:$0x5088] =	vst v0  }
0x4da: {  	[tilespmem:$0x5078] =	vst v0  }
0x4db: {  	[tilespmem:$0x5068] =	vst v0  }
0x4dc: {  	[tilespmem:$0x5058] =	vst v0  }
0x4dd: {  	[tilespmem:$0x5048] =	vst v0  }
0x4de: {  	[tilespmem:$0x5038] =	vst v0  }
0x4df: {  	[tilespmem:$0x5028] =	vst v0  }
0x4e0: {  	[tilespmem:$0x5018] =	vst v0  }
0x4e1: {  	[tilespmem:$0x5008] =	vst v0  }
0x4e2: {  	[tilespmem:$0x4FF8] =	vst v0  }
0x4e3: {  	[tilespmem:$0x4FE8] =	vst v0  }
0x4e4: {  	[tilespmem:$0x4FD8] =	vst v0  }
0x4e5: {  	[tilespmem:$0x4FC8] =	vst v0  }
0x4e6: {  	[tilespmem:$0x4FB8] =	vst v0  }
0x4e7: {  	[tilespmem:$0x4FA8] =	vst v0  }
0x4e8: {  	[tilespmem:$0x4F98] =	vst v0  }
0x4e9: {  	[tilespmem:$0x4F88] =	vst v0  }
0x4ea: {  	[tilespmem:$0x4F78] =	vst v0  }
0x4eb: {  	[tilespmem:$0x4F68] =	vst v0  }
0x4ec: {  	[tilespmem:$0x4F58] =	vst v0  }
0x4ed: {  	[tilespmem:$0x4F48] =	vst v0  }
0x4ee: {  	[tilespmem:$0x4F38] =	vst v0  }
0x4ef: {  	[tilespmem:$0x4F28] =	vst v0  }
0x4f0: {  	[tilespmem:$0x4F18] =	vst v0  }
0x4f1: {  	[tilespmem:$0x4F08] =	vst v0  }
0x4f2: {  	[tilespmem:$0x4EF8] =	vst v0  }
0x4f3: {  	[tilespmem:$0x4EE8] =	vst v0  }
0x4f4: {  	[tilespmem:$0x4ED8] =	vst v0  }
0x4f5: {  	[tilespmem:$0x4EC8] =	vst v0  }
0x4f6: {  	[tilespmem:$0x4EB8] =	vst v0  }
0x4f7: {  	[tilespmem:$0x4EA8] =	vst v0  }
0x4f8: {  	[tilespmem:$0x4E98] =	vst v0  }
0x4f9: {  	[tilespmem:$0x4E88] =	vst v0  }
0x4fa: {  	[tilespmem:$0x4E78] =	vst v0  }
0x4fb: {  	[tilespmem:$0x4E68] =	vst v0  }
0x4fc: {  	[tilespmem:$0x4E58] =	vst v0  }
0x4fd: {  	[tilespmem:$0x4E48] =	vst v0  }
0x4fe: {  	[tilespmem:$0x4E38] =	vst v0  }
0x4ff: {  	[tilespmem:$0x4E28] =	vst v0  }
0x500: {  	[tilespmem:$0x4E18] =	vst v0  }
0x501: {  	[tilespmem:$0x4E08] =	vst v0  }
0x502: {  	[tilespmem:$0x4DF8] =	vst v0  }
0x503: {  	[tilespmem:$0x4DE8] =	vst v0  }
0x504: {  	[tilespmem:$0x4DD8] =	vst v0  }
0x505: {  	[tilespmem:$0x4DC8] =	vst v0  }
0x506: {  	[tilespmem:$0x4DB8] =	vst v0  }
0x507: {  	[tilespmem:$0x4DA8] =	vst v0  }
0x508: {  	[tilespmem:$0x4D98] =	vst v0  }
0x509: {  	[tilespmem:$0x4D88] =	vst v0  }
0x50a: {  	[tilespmem:$0x4D78] =	vst v0  }
0x50b: {  	[tilespmem:$0x4D68] =	vst v0  }
0x50c: {  	[tilespmem:$0x4D58] =	vst v0  }
0x50d: {  	[tilespmem:$0x4D48] =	vst v0  }
0x50e: {  	[tilespmem:$0x4D38] =	vst v0  }
0x50f: {  	[tilespmem:$0x4D28] =	vst v0  }
0x510: {  	[tilespmem:$0x4D18] =	vst v0  }
0x511: {  	[tilespmem:$0x4D08] =	vst v0  }
0x512: {  	[tilespmem:$0x4CF8] =	vst v0  }
0x513: {  	[tilespmem:$0x4CE8] =	vst v0  }
0x514: {  	[tilespmem:$0x4CD8] =	vst v0  }
0x515: {  	[tilespmem:$0x4CC8] =	vst v0  }
0x516: {  	[tilespmem:$0x4CB8] =	vst v0  }
0x517: {  	[tilespmem:$0x4CA8] =	vst v0  }
0x518: {  	[tilespmem:$0x4C98] =	vst v0  }
0x519: {  	[tilespmem:$0x4C88] =	vst v0  }
0x51a: {  	[tilespmem:$0x4C78] =	vst v0  }
0x51b: {  	[tilespmem:$0x4C68] =	vst v0  }
0x51c: {  	[tilespmem:$0x4C58] =	vst v0  }
0x51d: {  	[tilespmem:$0x4C48] =	vst v0  }
0x51e: {  	[tilespmem:$0x4C38] =	vst v0  }
0x51f: {  	[tilespmem:$0x4C28] =	vst v0  }
0x520: {  	[tilespmem:$0x4C18] =	vst v0  }
0x521: {  	[tilespmem:$0x4C08] =	vst v0  }
0x522: {  	[tilespmem:$0x4BF8] =	vst v0  }
0x523: {  	[tilespmem:$0x4BE8] =	vst v0  }
0x524: {  	[tilespmem:$0x4BD8] =	vst v0  }
0x525: {  	[tilespmem:$0x4BC8] =	vst v0  }
0x526: {  	[tilespmem:$0x4BB8] =	vst v0  }
0x527: {  	[tilespmem:$0x4BA8] =	vst v0  }
0x528: {  	[tilespmem:$0x4B98] =	vst v0  }
0x529: {  	[tilespmem:$0x4B88] =	vst v0  }
0x52a: {  	[tilespmem:$0x4B78] =	vst v0  }
0x52b: {  	[tilespmem:$0x4B68] =	vst v0  }
0x52c: {  	[tilespmem:$0x4B58] =	vst v0  }
0x52d: {  	[tilespmem:$0x4B48] =	vst v0  }
0x52e: {  	[tilespmem:$0x4B38] =	vst v0  }
0x52f: {  	[tilespmem:$0x4B28] =	vst v0  }
0x530: {  	[tilespmem:$0x4B18] =	vst v0  }
0x531: {  	[tilespmem:$0x4B08] =	vst v0  }
0x532: {  	[tilespmem:$0x4AF8] =	vst v0  }
0x533: {  	[tilespmem:$0x4AE8] =	vst v0  }
0x534: {  	[tilespmem:$0x4AD8] =	vst v0  }
0x535: {  	[tilespmem:$0x4AC8] =	vst v0  }
0x536: {  	[tilespmem:$0x4AB8] =	vst v0  }
0x537: {  	[tilespmem:$0x4AA8] =	vst v0  }
0x538: {  	[tilespmem:$0x4A98] =	vst v0  }
0x539: {  	[tilespmem:$0x4A88] =	vst v0  }
0x53a: {  	[tilespmem:$0x4A78] =	vst v0  }
0x53b: {  	[tilespmem:$0x4A68] =	vst v0  }
0x53c: {  	[tilespmem:$0x4A58] =	vst v0  }
0x53d: {  	[tilespmem:$0x4A48] =	vst v0  }
0x53e: {  	[tilespmem:$0x4A38] =	vst v0  }
0x53f: {  	[tilespmem:$0x4A28] =	vst v0  }
0x540: {  	[tilespmem:$0x4A18] =	vst v0  }
0x541: {  	[tilespmem:$0x4A08] =	vst v0  }
0x542: {  	[tilespmem:$0x49F8] =	vst v0  }
0x543: {  	[tilespmem:$0x49E8] =	vst v0  }
0x544: {  	[tilespmem:$0x49D8] =	vst v0  }
0x545: {  	[tilespmem:$0x49C8] =	vst v0  }
0x546: {  	[tilespmem:$0x49B8] =	vst v0  }
0x547: {  	[tilespmem:$0x49A8] =	vst v0  }
0x548: {  	[tilespmem:$0x4998] =	vst v0  }
0x549: {  	[tilespmem:$0x4988] =	vst v0  }
0x54a: {  	[tilespmem:$0x4978] =	vst v0  }
0x54b: {  	[tilespmem:$0x4968] =	vst v0  }
0x54c: {  	[tilespmem:$0x4958] =	vst v0  }
0x54d: {  	[tilespmem:$0x4948] =	vst v0  }
0x54e: {  	[tilespmem:$0x4938] =	vst v0  }
0x54f: {  	[tilespmem:$0x4928] =	vst v0  }
0x550: {  	[tilespmem:$0x4918] =	vst v0  }
0x551: {  	[tilespmem:$0x4908] =	vst v0  }
0x552: {  	[tilespmem:$0x48F8] =	vst v0  }
0x553: {  	[tilespmem:$0x48E8] =	vst v0  }
0x554: {  	[tilespmem:$0x48D8] =	vst v0  }
0x555: {  	[tilespmem:$0x48C8] =	vst v0  }
0x556: {  	[tilespmem:$0x48B8] =	vst v0  }
0x557: {  	[tilespmem:$0x48A8] =	vst v0  }
0x558: {  	[tilespmem:$0x4898] =	vst v0  }
0x559: {  	[tilespmem:$0x4888] =	vst v0  }
0x55a: {  	[tilespmem:$0x4878] =	vst v0  }
0x55b: {  	[tilespmem:$0x4868] =	vst v0  }
0x55c: {  	[tilespmem:$0x4858] =	vst v0  }
0x55d: {  	[tilespmem:$0x4848] =	vst v0  }
0x55e: {  	[tilespmem:$0x4838] =	vst v0  }
0x55f: {  	[tilespmem:$0x4828] =	vst v0  }
0x560: {  	[tilespmem:$0x4818] =	vst v0  }
0x561: {  	[tilespmem:$0x4808] =	vst v0  }
0x562: {  	[tilespmem:$0x47F8] =	vst v0  }
0x563: {  	[tilespmem:$0x47E8] =	vst v0  }
0x564: {  	[tilespmem:$0x47D8] =	vst v0  }
0x565: {  	[tilespmem:$0x47C8] =	vst v0  }
0x566: {  	[tilespmem:$0x47B8] =	vst v0  }
0x567: {  	[tilespmem:$0x47A8] =	vst v0  }
0x568: {  	[tilespmem:$0x4798] =	vst v0  }
0x569: {  	[tilespmem:$0x4788] =	vst v0  }
0x56a: {  	[tilespmem:$0x4778] =	vst v0  }
0x56b: {  	[tilespmem:$0x4768] =	vst v0  }
0x56c: {  	[tilespmem:$0x4758] =	vst v0  }
0x56d: {  	[tilespmem:$0x4748] =	vst v0  }
0x56e: {  	[tilespmem:$0x4738] =	vst v0  }
0x56f: {  	[tilespmem:$0x4728] =	vst v0  }
0x570: {  	[tilespmem:$0x4718] =	vst v0  }
0x571: {  	[tilespmem:$0x4708] =	vst v0  }
0x572: {  	[tilespmem:$0x46F8] =	vst v0  }
0x573: {  	[tilespmem:$0x46E8] =	vst v0  }
0x574: {  	[tilespmem:$0x46D8] =	vst v0  }
0x575: {  	[tilespmem:$0x46C8] =	vst v0  }
0x576: {  	[tilespmem:$0x46B8] =	vst v0  }
0x577: {  	[tilespmem:$0x46A8] =	vst v0  }
0x578: {  	[tilespmem:$0x4698] =	vst v0  }
0x579: {  	[tilespmem:$0x4688] =	vst v0  }
0x57a: {  	[tilespmem:$0x4678] =	vst v0  }
0x57b: {  	[tilespmem:$0x4668] =	vst v0  }
0x57c: {  	[tilespmem:$0x4658] =	vst v0  }
0x57d: {  	[tilespmem:$0x4648] =	vst v0  }
0x57e: {  	[tilespmem:$0x4638] =	vst v0  }
0x57f: {  	[tilespmem:$0x4628] =	vst v0  }
0x580: {  	[tilespmem:$0x4618] =	vst v0  }
0x581: {  	[tilespmem:$0x4608] =	vst v0  }
0x582: {  	[tilespmem:$0x45F8] =	vst v0  }
0x583: {  	[tilespmem:$0x45E8] =	vst v0  }
0x584: {  	[tilespmem:$0x45D8] =	vst v0  }
0x585: {  	[tilespmem:$0x45C8] =	vst v0  }
0x586: {  	[tilespmem:$0x45B8] =	vst v0  }
0x587: {  	[tilespmem:$0x45A8] =	vst v0  }
0x588: {  	[tilespmem:$0x4598] =	vst v0  }
0x589: {  	[tilespmem:$0x4588] =	vst v0  }
0x58a: {  	[tilespmem:$0x4578] =	vst v0  }
0x58b: {  	[tilespmem:$0x4568] =	vst v0  }
0x58c: {  	[tilespmem:$0x4558] =	vst v0  }
0x58d: {  	[tilespmem:$0x4548] =	vst v0  }
0x58e: {  	[tilespmem:$0x4538] =	vst v0  }
0x58f: {  	[tilespmem:$0x4528] =	vst v0  }
0x590: {  	[tilespmem:$0x4518] =	vst v0  }
0x591: {  	[tilespmem:$0x4508] =	vst v0  }
0x592: {  	[tilespmem:$0x44F8] =	vst v0  }
0x593: {  	[tilespmem:$0x44E8] =	vst v0  }
0x594: {  	[tilespmem:$0x44D8] =	vst v0  }
0x595: {  	[tilespmem:$0x44C8] =	vst v0  }
0x596: {  	s11 =	stileid.u32;
	[tilespmem:$0x44B8] =	vst v0  }
0x597: {  	s24 =	smul.u32 $0x22, s11;
	[tilespmem:$0x44A8] =	vst v0  }
0x598: {  	s1 =	smin.u32 s11, $0xC;
	[tilespmem:$0x4498] =	vst v0  }
0x599: {  	[tilespmem:$0x4488] =	vst v0;
	s0 =	sadd.s32 s1, s24  }
0x59a: {  	p0 =	slt.u32 s11, $0xC;
	[tilespmem:$0x4458] =	vst v0;
	s1 =	simm.s32 $0x13B0;
	s9 =	smul.u32 $0x90, s0  }
0x59b: {  	[tilespmem:$0x4468] =	vst v0;
	s1 =	simm.s32 @!p0 $0x1320  }
0x59c: {  	s7 =	simm.s32 $0x2;
	[tilespmem:$0x4448] =	vst v0;
	s0 =	sadd.s32 s1, s9  }
0x59d: {  	s8 =	simm.s32 $0x9;
	s29 =	simm.s32 $0xA;
	[tilespmem:$0x43D8] =	vst v0;
	s10 =	smin.u32 s0, $0x13880  }
0x59e: {  	s13 =	simm.s32 $0xB;
	p1 =	por $0x0, $0x0;
	[tilespmem:$0x4438] =	vst v0;
	s0 =	ssub.s32 s10, s9  }
0x59f: {  	s18 =	simm.s32 $0x80;
	s19 =	simm.s32 $0x400;
	[tilespmem:$0x4428] =	vst v0;
	p0 =	sgt.s32 s0, $0x0  }
0x5a0: {  	s20 =	simm.s32 $0xC;
	s21 =	simm.s32 $0x0;
	[tilespmem:$0x4418] =	vst v0;
	s0 =	simm.s32 @!p0 $0x0  }
0x5a1: {  	s23 =	simm.s32 $0x0;
	s6 =	sadd.s32 $0x31A400, s5;
	[tilespmem:$0x43F8] =	vst v0;
	s25 =	smulhi.u32 $0x38E38E39, s0  }
0x5a2: {  	s12 =	sadd.s32 $0x9D6200, s5;
	s26 =	sand.u32 $0x1, s2;
	s30 =	smul.u32 $0x480, s11;
	[tilespmem:$0x43E8] =	vst v0  }
0x5a3: {  	[tilespmem:$0x43B8] =	vst v0;
	[sflag:s7] =	ssyncpa.u1 $0x0;
	v0 =	vimm.s32 $0xFFFFFFFF;
	s7 =	smul.u32 $0x2710, s26;
	s1 =	sshrl.u32 s25, $0x5  }
0x5a4: {  	[dreg:$0x5] =	wrdreg s26;
	[tilespmem:$0xA448] =	vst v0;
	[sflag:s8] =	ssyncpa.u1 $0x0;
	s28 =	smul.u32 $0x90, s1  }
.Ltmp8:
0x5a5: {  	s16 =	sshrl.u32 s30, $0x2;
	s24 =	simm.s32 $0x0;
	(pc) =	sbr.rel .LBB3_1-.Ltmp8, $4  }
0x5a6: {  	[sflag:s29] =	ssyncpa.u1 $0x0;
	p0 =	sne.s32 s0, s28;
	s0 =	simm.s32 $0x1  }
0x5a7: {  	s31 =	sadd.s32 s7, s5;
	s17 =	sadd.s32 s7, s4;
	s0 =	simm.s32 @!p0 $0x0  }
0x5a8: {  	[sflag:s13] =	ssyncpa.u1 $0x0;
	s14 =	sadd.s32 $0x8000, s31;
	s5 =	sadd.s32 s0, s1  }
0x5a9: {  	v0 =	vlaneseq.u32;
	s22 =	smov.u32 s9;
	p0 =	por $0x1, $0x1;
	s15 =	sadd.s32 $0x1, s5  }
.LBB3_22:
0x5aa: {  	s1 =	sshrl.u32 s1, $0x2  }
.LBB3_24:
0x5ab: {  	_ =	swait.ge [sflag:s20], s1  }
0x5ac: {  	s31 =	ssub.s32 $0x0, s1;
	v1 =	vmov s26;
	vm0 =	veq.s32 v0, $0x0;
	[sflag:s20] =	ssyncset.done $0x0  }
0x5ad: {  	vm15 =	veq.s32 v0, $0x2;
	v1 =	vsel vm0, s0, v1;
	[sflag:s20] =	ssyncadd.s32 s31  }
0x5ae: {  	v1 =	vsel vm15, s24, v1;
	[sflag:s20] =	ssyncpa.u1 $0x1  }
0x5af: {  	[tilespmem:$0xA448] =	vst v1  }
.LBB3_25:
0x5b0: {  	s0 =	sadd.s32 $0x90, s22  }
0x5b1: {  	s1 =	smov.u32 s9;
	p2 =	slt.s32 s0, s10  }
0x5b2: {  	s1 =	smov.u32 @p2 s0;
	p2 =	sne.s32 s23, s15  }
.Ltmp9:
0x5b3: {  	_ = 	snop;
	(pc) =	sbr.rel @!p2 .LBB3_26-.Ltmp9, $4  }
0x5b4: {  	_ = 	snop  }
0x5b5: {  	s24 =	smov.u32 s21  }
0x5b6: {  	s31 =	sadd.s32 $0x1, s23;
	s21 =	smov.u32 s22;
	p0 =	por !p0, !p0  }
0x5b7: {  	p1 =	por !p1, !p1;
	s23 =	smov.u32 s31;
	s22 =	smov.u32 s1  }
.LBB3_1:
0x5b8: {  	p2 =	sge.u32 s23, s5  }
0x5b9: {  	s0 =	smulhi.u32 @!p2 $0xAAAAAAAB, s23  }
0x5ba: {  	s1 =	smov.u32 s22;
	p3 =	sgt.s32 @!p2 s22, $0x137F0  }
0x5bb: {  	s2 =	sshra.s32 @!p2 s22, $0x1F;
	p3 =	por !p3, p2;
	s0 =	sshrl.u32 @!p2 s0, $0x1  }
0x5bc: {  	s2 =	sand.u32 @!p2 s2, s22;
	s1 =	simm.s32 @p3 $0x137F0;
	s0 =	smul.u32 @!p2 $0x3, s0  }
0x5bd: {  	s1 =	ssub.s32 @!p2 s1, s2  }
0x5be: {  	s1 =	sadd.s32 @!p2 $0xFFFEC810, s1;
	s0 =	ssub.s32 @!p2 s23, s0  }
0x5bf: {  	s2 =	sshll.u32 @!p2 s1, $0x2;
	p3 =	sgt.s32 @!p2 s1, $0x8F;
	s0 =	smul.u32 @!p2 $0x240, s0  }
0x5c0: {  	s7 =	sand.u32 @!p2 $0x7, s22;
	s1 =	ssub.s32 @!p2 $0x240, s2;
	p3 =	por !p3, p2  }
0x5c1: {  	s2 =	sshrl.u32 @!p2 s22, $0x3;
	s1 =	sshrl.u32 @!p2 s1, $0x2;
	s0 =	sshrl.u32 @!p2 s0, $0x2  }
0x5c2: {  	s2 =	sadd.s32 @!p2 s2, s14;
	s1 =	simm.s32 @!p3 $0x0;
	s0 =	sadd.s32 @!p2 $0xB688, s0  }
0x5c3: {  	[tilespmem:s0], [sflag:$0xA] =	stream.linear.gather @!p2 [hbm4b:s2+s7], s1, $0x38;
	[tilespmem:$0x1D958] =	vst v63  }
0x5c4: {  	s1 =	sadd.s32 $0xFFFFFFFF, s23  }
0x5c5: {  	p2 =	sge.u32 s1, s5  }
0x5c6: {  	p3 =	sgt.s32 @!p2 s21, $0x137F0  }
0x5c7: {  	s0 =	smov.u32 s21;
	s2 =	sshra.s32 @!p2 s21, $0x1F;
	p3 =	por !p3, p2  }
0x5c8: {  	s2 =	sand.u32 @!p2 s2, s21;
	s0 =	simm.s32 @p3 $0x137F0  }
0x5c9: {  	s0 =	ssub.s32 @!p2 s0, s2  }
0x5ca: {  	s0 =	sadd.s32 @!p2 $0xFFFEC810, s0  }
0x5cb: {  	s2 =	sshll.u32 @!p2 s0, $0x2  }
0x5cc: {  	p3 =	sgt.s32 @!p2 s0, $0x8F;
	s0 =	ssub.s32 @!p2 $0x240, s2  }
0x5cd: {  	p3 =	por !p3, p2;
	s0 =	sshrl.u32 @!p2 s0, $0x2  }
0x5ce: {  	s7 =	simm.s32 @!p2 $0xA;
	s2 =	sand.u32 @!p2 $0x1, s1;
	s0 =	simm.s32 @!p3 $0x0  }
0x5cf: {  	s2 =	smul.u32 @!p2 $0x240, s2;
	_ =	swait.ge @!p2 [sflag:s7], s0  }
0x5d0: {  	s8 =	ssub.s32 @!p2 $0x0, s0;
	[sflag:s7] =	ssyncset.done @!p2 $0x0  }
0x5d1: {  	s2 =	sshrl.u32 @!p2 s2, $0x2;
	[sflag:s7] =	ssyncadd.s32 @!p2 s8;
	s7 =	sshrl.u32 @!p2 s21, $0x3  }
0x5d2: {  	s2 =	sadd.s32 @!p2 $0xB838, s2;
	s8 =	sand.u32 @!p2 $0x7, s21;
	s7 =	sadd.s32 @!p2 s7, s17  }
0x5d3: {  	[tilespmem:s2], [sflag:$0xB] =	stream.linear.gather @!p2 [hbm4b:s7+s8], s0, $0x38;
	[tilespmem:$0x1D958] =	vst v63  }
0x5d4: {  	s0 =	ssub.s32 @!p2 $0x13880, s21  }
0x5d5: {  	p3 =	slt.s32 @!p2 s0, $0x1  }
0x5d6: {  	p3 =	por p2, p3  }
.Ltmp10:
0x5d7: {  	_ = 	snop;
	(pc) =	sbr.rel @p3 .LBB3_7-.Ltmp10, $1  }
0x5d8: {  	_ =	sdelay $0x3  }
0x5d9: {  	s2 =	smulhi.u32 $0xAAAAAAAB, s1;
	_ =	sdelay $0x1  }
0x5da: {  	s2 =	sshrl.u32 s2, $0x1  }
0x5db: {  	s2 =	smul.u32 $0x3, s2;
	_ =	sdelay $0x1  }
0x5dc: {  	s29 =	ssub.s32 s1, s2  }
0x5dd: {  	s7 =	simm.s32 $0x1;
	s1 =	smul.u32 $0x240, s29  }
.Ltmp11:
0x5de: {  	s7 =	simm.s32 @!p0 $0x0;
	(pc) =	sbr.rel .LBB3_4-.Ltmp11, $4  }
0x5df: {  	s30 =	smul.u32 $0x24000, s7  }
0x5e0: {  	p3 =	slt.s32 @!p2 s0, $0x90;
	s1 =	sshrl.u32 s1, $0x2  }
0x5e1: {  	p2 =	por !p3, p2;
	s2 =	sshrl.u32 s30, $0x2;
	s31 =	sadd.s32 $0xB688, s1  }
0x5e2: {  	s0 =	simm.s32 @p2 $0x90;
	s1 =	sadd.s32 $0xB958, s2;
	s2 =	simm.s32 $0x0;
	v1 =	vmov s31  }
.LBB3_3:
0x5e3: {  	p2 =	sge.s32 s2, s0  }
.Ltmp12:
0x5e4: {  	_ = 	snop;
	(pc) =	sbr.rel @p2 .LBB3_7-.Ltmp12, $2  }
0x5e5: {  	_ =	sdelay $0x2  }
0x5e6: {  	s1 =	sadd.s32 $0x1000, s1  }
.LBB3_4:
0x5e7: {  	p2 =	sle.s32 s0, s2  }
.Ltmp13:
0x5e8: {  	_ = 	snop;
	(pc) =	sbr.rel @p2 .LBB3_3-.Ltmp13, $2  }
0x5e9: {  	_ =	sdelay $0x2  }
0x5ea: {  	s8 =	smov.u32 s2;
	s2 =	sadd.s32 $0x10, s2  }
0x5eb: {  	s7 =	ssub.s32 s0, s8  }
0x5ec: {  	p2 =	slt.s32 s7, $0x10  }
0x5ed: {  	s7 =	simm.s32 @!p2 $0x10  }
0x5ee: {  	v2 =	vmov s7  }
0x5ef: {  	vm0 =	vgt.s32 v2, v0;
	_ =	sdelay $0x5  }
0x5f0: {  	v2 =	vld.idx.msk [tilespmem:v1+s8+$0x0 ss:$0x1], vm0;
	_ =	sdelay $0x2  }
0x5f1: {  	p2 =	slt.s32 s2, s0;
	s7 =	smov.u32 s0  }
0x5f2: {  	s11 =	smov.u32 s1;
	s25 =	simm.s32 $0x0;
	s7 =	smov.u32 @p2 s2  }
.LBB3_6:
0x5f3: {  	(v2sf) =	vpush v2, s25;
	_ =	sdelay $0xe  }
0x5f4: {  	s25 =	sadd.s32 $0x1, s25;
	s13 =	spop (v2sf)  }
0x5f5: {  	s31 =	sadd.s32 s25, s8;
	s26 =	sshll.u32 s13, $0x8;
	s13 =	sshll.u32 s13, $0x7  }
0x5f6: {  	p2 =	slt.s32 s31, s7;
	s26 =	sand.u32 $0xFFFFF800, s26;
	s13 =	sand.u32 $0x380, s13  }
.Ltmp14:
0x5f7: {  	s13 =	sor.u32 s13, s26;
	(pc) =	sbr.rel @p2 .LBB3_6-.Ltmp14, $4  }
0x5f8: {  	s13 =	sshrl.u32 s13, $0x3  }
0x5f9: {  	s13 =	sadd.s32 s12, s13  }
0x5fa: {  	[tilespmem:s11], [sflag:$0x9] =	stream.strided.gather [hbm4b:s13+s18], $0x100, s19, s18, $0x38;
	[tilespmem:$0x1D958] =	vst v63  }
0x5fb: {  	s11 =	sadd.s32 $0x100, s11  }
.Ltmp15:
0x5fc: {  	_ = 	snop;
	(pc) =	sbr.rel .LBB3_3-.Ltmp15, $1  }
0x5fd: {  	_ =	sdelay $0x3  }
.LBB3_7:
0x5fe: {  	p2 =	slt.u32 s23, $0x2  }
.Ltmp16:
0x5ff: {  	_ = 	snop;
	(pc) =	sbr.rel @p2 .LBB3_25-.Ltmp16, $1  }
0x600: {  	_ =	sdelay $0x3  }
0x601: {  	p2 =	sgt.s32 s24, $0x137F0  }
0x602: {  	s0 =	smov.u32 s24;
	s1 =	sshra.s32 s24, $0x1F;
	s2 =	ssub.s32 $0x13880, s24  }
0x603: {  	s0 =	simm.s32 @!p2 $0x137F0;
	s1 =	sand.u32 s1, s24;
	p2 =	slt.s32 s2, $0x90  }
0x604: {  	s0 =	ssub.s32 s0, s1;
	s2 =	simm.s32 @!p2 $0x90  }
0x605: {  	s0 =	sadd.s32 $0xFFFEC810, s0;
	s13 =	sshll.u32 s2, $0x8  }
0x606: {  	s29 =	simm.s32 $0x9;
	s25 =	sshll.u32 s0, $0x2;
	s1 =	sand.u32 $0x3FFFFF00, s13  }
0x607: {  	p2 =	sgt.s32 s0, $0x8F;
	s26 =	ssub.s32 $0x240, s25;
	_ =	swait.ge [sflag:s29], s1  }
0x608: {  	s1 =	ssub.s32 $0x0, s1;
	[sflag:s29] =	ssyncset.done $0x0;
	s0 =	sshrl.u32 s26, $0x2  }
0x609: {  	s30 =	simm.s32 $0xB;
	[sflag:s29] =	ssyncadd.s32 s1;
	s0 =	simm.s32 @p2 $0x0  }
0x60a: {  	_ =	swait.ge [sflag:s30], s0  }
0x60b: {  	s0 =	ssub.s32 $0x0, s0;
	[sflag:s30] =	ssyncset.done $0x0  }
0x60c: {  	[sflag:s30] =	ssyncadd.s32 s0  }
0x60d: {  	v1 =	vld [tilespmem:$0xA448];
	_ =	sdelay $0x4  }
0x60e: {  	(v2sf) =	vpush v1, $0x0  }
0x60f: {  	(v2sf) =	vpush v1, $0x1  }
0x610: {  	(v2sf) =	vpush v1, $0x2;
	_ =	sdelay $0x3  }
0x611: {  	s0 =	sadd.s32 $0x90, s24  }
0x612: {  	s7 =	ssub.s32 $0x27100, s24;
	p2 =	slt.s32 s10, s0  }
0x613: {  	s0 =	smov.u32 @p2 s10;
	p2 =	sgt.s32 s7, $0x0  }
0x614: {  	s0 =	ssub.s32 s0, s24;
	s7 =	simm.s32 @!p2 $0x0  }
0x615: {  	p2 =	slt.s32 s7, s0  }
0x616: {  	s0 =	smov.u32 @p2 s7  }
0x617: {  	s1 =	simm.s32 $0x1;
	p2 =	slt.s32 s0, $0x1  }
.Ltmp17:
0x618: {  	s1 =	simm.s32 @!p1 $0x0;
	(pc) =	sbr.rel @p2 .LBB3_12-.Ltmp17, $4  }
0x619: {  	s8 =	smul.u32 $0x240, s1  }
0x61a: {  	s2 =	spop (v2sf)  }
0x61b: {  	s31 =	sshrl.u32 s8, $0x2;
	s28 =	spop (v2sf)  }
0x61c: {  	s25 =	sadd.s32 $0xB838, s31;
	s24 =	spop (v2sf)  }
0x61d: {  	s7 =	smin.u32 s0, $0x10  }
0x61e: {  	v1 =	vmov s7  }
0x61f: {  	vm1 =	vgt.u32 v1, v0  }
0x620: {  	p3 =	sgt.s32 s0, $0x10  }
.Ltmp18:
0x621: {  	_ = 	snop;
	(pc) =	sbr.rel @!p3 .LBB3_11-.Ltmp18, $2  }
0x622: {  	_ =	sdelay $0x2  }
0x623: {  	s26 =	simm.s32 $0x10;
	s29 =	sadd.s32 $0xFFFFFFF0, s0;
	s8 =	smov.u32 s25;
	vm0 =	vmmov vm1;
	v1 =	vld.msk [tilespmem:s25+$0x0 ss:$0x1], vm1  }
.LBB3_10:
0x624: {  	s7 =	smin.u32 s29, $0x10;
	s26 =	sadd.s32 $0x10, s26  }
0x625: {  	v2 =	vmov s7;
	p3 =	slt.s32 s26, s0  }
0x626: {  	vm1 =	vgt.u32 v2, v0;
	_ =	sdelay $0x1  }
0x627: {  	v2 =	vshll.u32 v1, $0x5;
	v1 =	vshll.u32 v1, $0x4  }
.Ltmp19:
0x628: {  	v2 =	vand.u32 $0xFFFFFF00, v2;
	v1 =	vand.u32 $0x70, v1;
	(pc) =	sbr.rel @p3 .LBB3_10-.Ltmp19, $4  }
0x629: {  	v1 =	vor.u32 v1, v2  }
0x62a: {  	[tilespmem:s8+$0x0] =	vst.msk vm0, v1;
	s8 =	sadd.s32 $0x10, s8;
	vm0 =	vmmov vm1  }
0x62b: {  	v1 =	vld.msk [tilespmem:s8+$0x0 ss:$0x1], vm1  }
0x62c: {  	s29 =	sadd.s32 $0xFFFFFFF0, s29  }
.LBB3_11:
0x62d: {  	_ =	sdelay $0x3  }
0x62e: {  	v2 =	vshll.u32 v1, $0x5;
	v1 =	vshll.u32 v1, $0x4  }
0x62f: {  	v2 =	vand.u32 $0xFFFFFF00, v2;
	v1 =	vand.u32 $0x70, v1  }
0x630: {  	v1 =	vor.u32 v1, v2  }
0x631: {  	[tilespmem:s8+$0x0] =	vst.msk vm0, v1  }
.LBB3_12:
0x632: {  	s7 =	sand.u32 $0x1, s23  }
0x633: {  	s7 =	smul.u32 $0x90, s7  }
0x634: {  	p3 =	sne.s32 s28, $0xFFFFFFFF  }
0x635: {  	v1 =	vld.msk @!p3 [tilespmem:s7+$0xB838], $0x1;
	_ =	sdelay $0x4  }
0x636: {  	(v2sf) =	vpush @!p3 v1, $0x0;
	_ =	sdelay $0xc  }
.Ltmp20:
0x637: {  	_ = 	snop;
	(pc) =	sbr.rel @p2 .LBB3_23-.Ltmp20, $4  }
0x638: {  	_ = 	snop  }
0x639: {  	s31 =	spop @!p3 (v2sf)  }
0x63a: {  	s24 =	simm.s32 @!p3 $0x0;
	s26 =	smov.u32 s31  }
0x63b: {  	[sflag:s20] =	ssyncpa.u1 $0x0;
	s31 =	smov.u32 @p3 s2;
	s26 =	smov.u32 @p3 s28  }
0x63c: {  	v1 =	vld.msk [tilespmem:s25+$0x0], $0x1;
	_ =	sdelay $0x4  }
0x63d: {  	(v2sf) =	vpush v1, $0x0;
	_ =	sdelay $0xd  }
0x63e: {  	s3 =	smov.u32 s9  }
0x63f: {  	s4 =	smov.u32 s14;
	s1 =	smul.u32 $0x24000, s1;
	s2 =	spop (v2sf)  }
0x640: {  	s28 =	simm.s32 $0x0;
	s8 =	smov.u32 s31;
	p2 =	seq.s32 s31, s2  }
0x641: {  	s30 =	ssub.s32 $0x0, s0;
	p3 =	sgt.s32 @!p2 s31, $0x0;
	s7 =	smul.u32 @!p2 $0x240, s28  }
0x642: {  	s0 =	sadd.s32 $0x1, s30;
	s1 =	sshrl.u32 s1, $0x2;
	p3 =	por !p3, p2  }
0x643: {  	s29 =	sadd.s32 $0xB998, s1;
	s8 =	simm.s32 @p3 $0x0;
	s1 =	sshra.s32 @!p2 s7, $0x2  }
0x644: {  	p3 =	seq.s32 s0, $0x0;
	s7 =	smin.u32 @!p2 s8, $0x4E17F;
	s8 =	simm.s32 @!p2 $0x1  }
.Ltmp21:
0x645: {  	s11 =	sadd.s32 @!p2 $0x52B8, s1;
	s13 =	sand.u32 @!p2 $0x7FFF8, s7;
	(pc) =	sbr.rel @p3 .LBB3_15-.Ltmp21, $4  }
0x646: {  	s14 =	sadd.s32 @!p2 $0x80, s7;
	s7 =	sand.u32 @!p2 $0x7, s7;
	s13 =	sadd.s32 @!p2 s6, s13  }
0x647: {  	[tilespmem:s11], [sflag:$0x2] =	stream.linear.gather @!p2 [hbm4b:s13+s7], $0x80, $0x38;
	[tilespmem:$0x1D958] =	vst v63  }
0x648: {  	s9 =	smov.u32 s15;
	s8 =	smov.u32 @p2 s28;
	s13 =	sand.u32 @!p2 $0xFFFF8, s14  }
0x649: {  	s11 =	sadd.s32 @!p2 $0x5338, s1;
	s1 =	sadd.s32 $0x1, s25;
	s13 =	sadd.s32 @!p2 s6, s13  }
.LBB3_14:
0x64a: {  	s14 =	smov.u32 s8  }
0x64b: {  	[tilespmem:s11], [sflag:$0x2] =	stream.linear.gather @!p2 [hbm4b:s13+s7], $0x2, $0x38;
	[tilespmem:$0x1D958] =	vst v63  }
0x64c: {  	s0 =	sadd.s32 $0x1, s0;
	s7 =	smov.u32 s2;
	v1 =	vld.msk [tilespmem:s1+$0x0], $0x1  }
0x64d: {  	p3 =	seq.s32 s0, $0x0;
	_ =	sdelay $0x3  }
0x64e: {  	(v2sf) =	vpush v1, $0x0;
	_ =	sdelay $0xe  }
0x64f: {  	s2 =	spop (v2sf)  }
0x650: {  	p2 =	seq.s32 s7, s2  }
0x651: {  	p4 =	sgt.s32 @!p2 s7, $0x0;
	s11 =	smul.u32 @!p2 $0x240, s8;
	s8 =	sadd.s32 @!p2 $0x1, s8  }
0x652: {  	p4 =	por !p4, p2;
	s8 =	smov.u32 @p2 s14  }
0x653: {  	s7 =	simm.s32 @p4 $0x0;
	s11 =	sshra.s32 @!p2 s11, $0x2  }
.Ltmp22:
0x654: {  	s7 =	smin.u32 @!p2 s7, $0x4E17F;
	s13 =	sadd.s32 @!p2 $0x52B8, s11;
	(pc) =	sbr.rel @!p3 .LBB3_14-.Ltmp22, $4  }
0x655: {  	s11 =	sadd.s32 @!p2 $0x5338, s11;
	s14 =	sand.u32 @!p2 $0x7FFF8, s7;
	s15 =	sadd.s32 @!p2 $0x80, s7  }
0x656: {  	s7 =	sand.u32 @!p2 $0x7, s7;
	s14 =	sadd.s32 @!p2 s6, s14;
	s15 =	sand.u32 @!p2 $0xFFFF8, s15  }
0x657: {  	[tilespmem:s13], [sflag:$0x2] =	stream.linear.gather @!p2 [hbm4b:s14+s7], $0x80, $0x38;
	[tilespmem:$0x1D958] =	vst v63  }
0x658: {  	s1 =	sadd.s32 $0x1, s1;
	s13 =	sadd.s32 @!p2 s6, s15  }
.LBB3_15:
0x659: {  	s0 =	smul.u32 $0x208, s8  }
0x65a: {  	[tilespmem:s11], [sflag:$0x2] =	stream.linear.gather @!p2 [hbm4b:s13+s7], $0x2, $0x38;
	[tilespmem:$0x1D958] =	vst v63  }
.Ltmp23:
0x65b: {  	_ = 	snop;
	(pc) =	sbr.rel .LBB3_16-.Ltmp23, $4  }
0x65c: {  	s1 =	simm.s32 $0x2;
	s0 =	sshrl.u32 s0, $0x2  }
0x65d: {  	s14 =	smov.u32 s4;
	s15 =	smov.u32 s9;
	_ =	swait.ge [sflag:s1], s0  }
0x65e: {  	s9 =	smov.u32 s3;
	s0 =	ssub.s32 $0x0, s0;
	[sflag:s1] =	ssyncset.done $0x0  }
0x65f: {  	s3 =	simm.s32 $0x1;
	[sflag:s1] =	ssyncadd.s32 s0;
	s1 =	simm.s32 $0x0  }
.LBB3_17:
0x660: {  	v1 =	vld [tilespmem:s29+$0xFFFFFFC0];
	_ =	sdelay $0x4  }
0x661: {  	[tilespmem:s2+$0x128] =	vst.add.f32.msk $0xffff, v1  }
0x662: {  	v1 =	vld [tilespmem:s29+$0xFFFFFFD0];
	_ =	sdelay $0x4  }
0x663: {  	[tilespmem:s2+$0x138] =	vst.add.f32.msk $0xffff, v1  }
0x664: {  	v1 =	vld [tilespmem:s29+$0xFFFFFFE0];
	_ =	sdelay $0x4  }
0x665: {  	[tilespmem:s2+$0x148] =	vst.add.f32.msk $0xffff, v1  }
0x666: {  	v1 =	vld [tilespmem:s29+$0xFFFFFFF0];
	_ =	sdelay $0x4  }
0x667: {  	[tilespmem:s2+$0x158] =	vst.add.f32.msk $0xffff, v1  }
0x668: {  	v1 =	vld [tilespmem:s29+$0x0];
	_ =	sdelay $0x4  }
0x669: {  	[tilespmem:s2+$0x168] =	vst.add.f32.msk $0xffff, v1  }
0x66a: {  	v1 =	vld [tilespmem:s29+$0x10];
	_ =	sdelay $0x4  }
0x66b: {  	[tilespmem:s2+$0x178] =	vst.add.f32.msk $0xffff, v1  }
0x66c: {  	v1 =	vld [tilespmem:s29+$0x20];
	_ =	sdelay $0x4  }
0x66d: {  	[tilespmem:s2+$0x188] =	vst.add.f32.msk $0xffff, v1  }
0x66e: {  	v1 =	vld [tilespmem:s29+$0x30];
	_ =	sdelay $0x4  }
0x66f: {  	[tilespmem:s2+$0x198] =	vst.add.f32.msk $0xffff, v1  }
0x670: {  	v1 =	vld.msk [tilespmem:s29+$0x40], $0x3;
	_ =	sdelay $0x4  }
0x671: {  	[tilespmem:s2+$0x1A8] =	vst.add.f32.msk $0x3, v1  }
.LBB3_21:
0x672: {  	s30 =	sadd.s32 $0x1, s30  }
0x673: {  	p2 =	seq.s32 s30, $0x0  }
.Ltmp24:
0x674: {  	_ = 	snop;
	(pc) =	sbr.rel @p2 .LBB3_22-.Ltmp24, $2  }
0x675: {  	_ =	sdelay $0x2  }
0x676: {  	s25 =	sadd.s32 $0x1, s25;
	s29 =	sadd.s32 $0x100, s29;
	s31 =	smov.u32 s0  }
.LBB3_16:
0x677: {  	v1 =	vld.msk [tilespmem:s25+$0x0], $0x1;
	_ =	sdelay $0x4  }
0x678: {  	(v2sf) =	vpush v1, $0x0;
	_ =	sdelay $0xe  }
0x679: {  	s0 =	spop (v2sf)  }
0x67a: {  	p2 =	sne.s32 s31, s0  }
.Ltmp25:
0x67b: {  	_ = 	snop;
	(pc) =	sbr.rel @!p2 .LBB3_17-.Ltmp25, $3  }
0x67c: {  	_ = 	snop  }
0x67d: {  	s2 =	smul.u32 $0x240, s24;
	_ =	sdelay $0x1  }
0x67e: {  	s2 =	sshra.s32 s2, $0x2  }
0x67f: {  	p2 =	seq.s32 s31, s26  }
.Ltmp26:
0x680: {  	_ = 	snop;
	(pc) =	sbr.rel @!p2 .LBB3_19-.Ltmp26, $1  }
0x681: {  	_ =	sdelay $0x3  }
.Ltmp27:
0x682: {  	s2 =	sadd.s32 $0x128, s2;
	(pc) =	sbr.rel .LBB3_20-.Ltmp27, $4  }
0x683: {  	[spmem:s16] =	stream.linear.scatter [tilespmem:s2], [sflag:$0x1], $0x82, $0x38;
	[tilespmem:$0x1D958] =	vst v63  }
0x684: {  	_ =	swait.ge [sflag:s3], $0x82  }
0x685: {  	[sflag:s3] =	ssyncset.done $0x0  }
0x686: {  	[sflag:s3] =	ssyncadd.s32 $0xFFFFFF7E  }
.LBB3_19:
0x687: {  	s7 =	smul.u32 $0x240, s28;
	_ =	sdelay $0x1  }
0x688: {  	s7 =	sshra.s32 s7, $0x2  }
0x689: {  	v1 =	vld [tilespmem:s7+$0x52B8];
	_ =	sdelay $0x4  }
0x68a: {  	[tilespmem:s2+$0x128] =	vst.add.f32.msk $0xffff, v1  }
0x68b: {  	v1 =	vld [tilespmem:s7+$0x52C8];
	_ =	sdelay $0x4  }
0x68c: {  	[tilespmem:s2+$0x138] =	vst.add.f32.msk $0xffff, v1  }
0x68d: {  	v1 =	vld [tilespmem:s7+$0x52D8];
	_ =	sdelay $0x4  }
0x68e: {  	[tilespmem:s2+$0x148] =	vst.add.f32.msk $0xffff, v1  }
0x68f: {  	v1 =	vld [tilespmem:s7+$0x52E8];
	_ =	sdelay $0x4  }
0x690: {  	[tilespmem:s2+$0x158] =	vst.add.f32.msk $0xffff, v1  }
0x691: {  	v1 =	vld [tilespmem:s7+$0x52F8];
	_ =	sdelay $0x4  }
0x692: {  	[tilespmem:s2+$0x168] =	vst.add.f32.msk $0xffff, v1  }
0x693: {  	v1 =	vld [tilespmem:s7+$0x5308];
	_ =	sdelay $0x4  }
0x694: {  	[tilespmem:s2+$0x178] =	vst.add.f32.msk $0xffff, v1  }
0x695: {  	v1 =	vld [tilespmem:s7+$0x5318];
	_ =	sdelay $0x4  }
0x696: {  	[tilespmem:s2+$0x188] =	vst.add.f32.msk $0xffff, v1  }
0x697: {  	v1 =	vld [tilespmem:s7+$0x5328];
	_ =	sdelay $0x4  }
0x698: {  	[tilespmem:s2+$0x198] =	vst.add.f32.msk $0xffff, v1  }
0x699: {  	v1 =	vld.msk [tilespmem:s7+$0x5338], $0x3;
	_ =	sdelay $0x2  }
0x69a: {  	p2 =	sgt.u32 s31, $0x4E17F  }
0x69b: {  	s7 =	sand.u32 @!p2 $0x7FFF8, s31  }
0x69c: {  	s8 =	sadd.s32 $0x128, s2;
	s11 =	sand.u32 @!p2 $0x7, s31;
	s7 =	sadd.s32 @!p2 s6, s7;
	[tilespmem:s2+$0x1A8] =	vst.add.f32.msk $0x3, v1  }
0x69d: {  	[hbm4b:s7+s11] =	stream.linear.scatter @!p2 [tilespmem:s8], [sflag:$0xC], $0x80, $0x38;
	[tilespmem:$0x1D958] =	vst v63  }
0x69e: {  	s7 =	sadd.s32 @!p2 $0x80, s31  }
0x69f: {  	s7 =	sand.u32 @!p2 $0xFFFF8, s7  }
0x6a0: {  	s2 =	sadd.s32 $0x1A8, s2;
	s7 =	sadd.s32 @!p2 s6, s7  }
0x6a1: {  	[hbm4b:s7+s11] =	stream.linear.scatter @!p2 [tilespmem:s2], [sflag:$0xC], $0x2, $0x38;
	[tilespmem:$0x1D958] =	vst v63  }
0x6a2: {  	s2 =	simm.s32 $0x0  }
0x6a3: {  	s2 =	simm.s32 @!p2 $0x208  }
0x6a4: {  	s1 =	sadd.s32 s2, s1  }
.LBB3_20:
0x6a5: {  	s2 =	sadd.s32 $0x1, s24  }
0x6a6: {  	s7 =	smulhi.u32 $0x38E38E39, s2;
	_ =	sdelay $0x1  }
0x6a7: {  	s7 =	sshrl.u32 s7, $0x5  }
0x6a8: {  	s7 =	smul.u32 $0x90, s7  }
0x6a9: {  	v1 =	vld [tilespmem:s29+$0xFFFFFFC0]  }
0x6aa: {  	s24 =	ssub.s32 s2, s7  }
0x6ab: {  	s2 =	smul.u32 $0x240, s24;
	_ =	sdelay $0x1  }
0x6ac: {  	s2 =	sshrl.u32 s2, $0x2  }
0x6ad: {  	[tilespmem:s2+$0x128] =	vst v1  }
0x6ae: {  	v1 =	vld [tilespmem:s29+$0xFFFFFFD0];
	_ =	sdelay $0x4  }
0x6af: {  	[tilespmem:s2+$0x138] =	vst v1  }
0x6b0: {  	v1 =	vld [tilespmem:s29+$0xFFFFFFE0];
	_ =	sdelay $0x4  }
0x6b1: {  	[tilespmem:s2+$0x148] =	vst v1  }
0x6b2: {  	v1 =	vld [tilespmem:s29+$0xFFFFFFF0];
	_ =	sdelay $0x4  }
0x6b3: {  	[tilespmem:s2+$0x158] =	vst v1  }
0x6b4: {  	v1 =	vld [tilespmem:s29+$0x0];
	_ =	sdelay $0x4  }
0x6b5: {  	[tilespmem:s2+$0x168] =	vst v1  }
0x6b6: {  	v1 =	vld [tilespmem:s29+$0x10];
	_ =	sdelay $0x4  }
0x6b7: {  	[tilespmem:s2+$0x178] =	vst v1  }
0x6b8: {  	v1 =	vld [tilespmem:s29+$0x20];
	_ =	sdelay $0x4  }
0x6b9: {  	[tilespmem:s2+$0x188] =	vst v1  }
0x6ba: {  	v1 =	vld [tilespmem:s29+$0x30];
	_ =	sdelay $0x4  }
0x6bb: {  	[tilespmem:s2+$0x198] =	vst v1  }
0x6bc: {  	v1 =	vld.msk [tilespmem:s29+$0x40], $0x3  }
.Ltmp28:
0x6bd: {  	_ = 	snop;
	(pc) =	sbr.rel .LBB3_21-.Ltmp28, $2  }
0x6be: {  	_ =	sdelay $0x2  }
0x6bf: {  	s28 =	sadd.s32 $0x1, s28;
	[tilespmem:s2+$0x1A8] =	vst.msk $0x3, v1  }
.LBB3_23:
.Ltmp29:
0x6c0: {  	(pc) =	sbr.rel .LBB3_24-.Ltmp29, $4  }
0x6c1: {  	_ = 	snop  }
0x6c2: {  	s0 =	simm.s32 $0x2  }
0x6c3: {  	_ =	swait.ge [sflag:s0], $0x0  }
0x6c4: {  	s1 =	simm.s32 $0x0;
	[sflag:s0] =	ssyncset.done $0x0;
	s0 =	smov.u32 s31  }
.LBB3_26:
0x6c5: {  	_ =	sfence.sel $0x180000  }
0x6c6: {  	s0 =	simm.s32 $0x9;
	[bflag:$0x0] =	sbarrier.arrive $0xFFFF  }
0x6c7: {  	s24 =	simm.s32 $0xA;
	[sflag:s0] =	ssyncpa.u1 $0x1  }
0x6c8: {  	s25 =	simm.s32 $0xB;
	[sflag:s24] =	ssyncpa.u1 $0x1  }
0x6c9: {  	s26 =	simm.s32 $0x2;
	[sflag:s25] =	ssyncpa.u1 $0x1  }
0x6ca: {  	[sflag:s26] =	ssyncpa.u1 $0x1  }
0x6cb: {  	v0 =	vld [tilespmem:$0xA448];
	_ =	sdelay $0x4  }
0x6cc: {  	(v2sf) =	vpush v0, $0x0  }
0x6cd: {  	(v2sf) =	vpush v0, $0x1  }
0x6ce: {  	(v2sf) =	vpush v0, $0x2;
	_ =	sdelay $0xc  }
0x6cf: {  	s0 =	spop (v2sf)  }
0x6d0: {  	s1 =	spop (v2sf)  }
0x6d1: {  	s2 =	smov.u32 s0;
	p0 =	sne.s32 s0, s1;
	s3 =	spop (v2sf)  }
0x6d2: {  	s2 =	simm.s32 @!p0 $0xFFFFFFFF;
	p0 =	seq.s32 s3, $0xFFFFFFFF  }
0x6d3: {  	v2 =	vimm.s32 $0x1;
	v3 =	vlaneseq.u32;
	v1 =	vmov s2;
	p1 =	sne.s32 @!p0 s0, s1  }
0x6d4: {  	s14 =	stileid.u32;
	v0 =	vperm.xlane v0, v2;
	s0 =	simm.s32 @!p0 $0x1;
	v1 =	vperm.xlane v1, v3;
	p1 =	por !p1, p0  }
0x6d5: {  	vm0 =	vcmask $0x3F04;
	s2 =	sshll.u32 s14, $0x1;
	s1 =	smul.u32 @!p0 $0x240, s3;
	s0 =	simm.s32 @p1 $0x0  }
0x6d6: {  	s5 =	simm.s32 $0xA448;
	v0 =	vsel vm0, v1, v0;
	s0 =	sor.u32 @!p0 s0, s2  }
0x6d7: {  	s4 =	sor.u32 $0x1200, s2;
	s1 =	sshra.s32 @!p0 s1, $0x2;
	[tilespmem:$0xA448] =	vst v0;
	s0 =	smul.u32 @!p0 $0x240, s0  }
0x6d8: {  	[spmem:s4] =	stream.linear.scatter [tilespmem:s5], [sflag:$0x1], $0x2, $0x38;
	[tilespmem:$0x1D958] =	vst v63  }
0x6d9: {  	s1 =	sadd.s32 @!p0 $0x128, s1;
	s0 =	sshrl.u32 @!p0 s0, $0x2  }
0x6da: {  	[spmem:s0] =	stream.linear.scatter @!p0 [tilespmem:s1], [sflag:$0x1], $0x90, $0x38;
	[tilespmem:$0x1D958] =	vst v63  }
0x6db: {  	s0 =	simm.s32 @!p0 $0x92  }
0x6dc: {  	s28 =	simm.s32 $0x1;
	s0 =	simm.s32 @p0 $0x2  }
0x6dd: {  	_ =	swait.ge [sflag:s28], s0  }
0x6de: {  	s0 =	ssub.s32 $0x0, s0;
	[sflag:s28] =	ssyncset.done $0x0  }
0x6df: {  	p0 =	sne.s32 s14, $0x0;
	[sflag:s28] =	ssyncadd.s32 s0  }
.Ltmp30:
0x6e0: {  	_ =	sfence.stream.spmem;
	(pc) =	sbr.rel @p0 .LBB3_43-.Ltmp30, $4  }
0x6e1: {  	s29 =	simm.s32 $0x3;
	[bflag:$0x0] =	sbarrier.arrive $0xFFFF  }
0x6e2: {  	s30 =	simm.s32 $0x4;
	[sflag:s29] =	ssyncpa.u1 $0x1  }
0x6e3: {  	s31 =	simm.s32 $0x3C;
	[sflag:s30] =	ssyncpa.u1 $0x1  }
0x6e4: {  	s15 =	rddreg [dreg:$0x5];
	[sflag:s31] =	ssyncpa.u1 $0x1  }
0x6e5: {  	_ =	sfence.stream.spmem;
	s0 =	simm.s32 $0x5  }
0x6e6: {  	s1 =	simm.s32 $0x1200;
	s2 =	simm.s32 $0xA458;
	[sflag:s0] =	ssyncpa.u1 $0x0  }
0x6e7: {  	[tilespmem:s2], [sflag:$0x5] =	stream.linear.gather [spmem:s1], $0x20, $0x38;
	[tilespmem:$0x1D958] =	vst v63  }
0x6e8: {  	s26 =	simm.s32 $0x0;
	s28 =	simm.s32 $0xA478  }
0x6e9: {  	[tilespmem:s28], [sflag:$0x5] =	stream.linear.gather [spmem:s26], $0x1200, $0x38;
	[tilespmem:$0x1D958] =	vst v63  }
0x6ea: {  	_ =	swait.ge [sflag:s0], $0x1220  }
0x6eb: {  	[sflag:s0] =	ssyncset.done $0x0  }
0x6ec: {  	s29 =	simm.s32 $0x0;
	[sflag:s0] =	ssyncadd.s32 $0xFFFFEDE0  }
0x6ed: {  	v0 =	vld.msk [tilespmem:s29+$0xA458], $0x1;
	_ =	sdelay $0x1  }
0x6ee: {  	s30 =	simm.s32 $0x1  }
0x6ef: {  	v1 =	vld.msk [tilespmem:s30+$0xA458], $0x1;
	_ =	sdelay $0x1  }
0x6f0: {  	(v2sf) =	vpush v0, $0x0;
	_ =	sdelay $0x2  }
0x6f1: {  	(v2sf) =	vpush v1, $0x0;
	_ =	sdelay $0x2  }
0x6f2: {  	s31 =	simm.s32 $0x2  }
0x6f3: {  	v0 =	vld.msk [tilespmem:s31+$0xA458], $0x1;
	_ =	sdelay $0x2  }
0x6f4: {  	s1 =	simm.s32 $0xFFFFFFFF;
	s2 =	simm.s32 $0xFFFFFFFF;
	s0 =	simm.s32 $0xC  }
.LBB3_28:
0x6f5: {  	s3 =	smov.u32 s2;
	s4 =	smov.u32 s1  }
0x6f6: {  	s1 =	sshra.s32 s0, $0x2;
	p1 =	sne.s32 s0, $0x7C;
	s0 =	sadd.s32 $0x4, s0;
	(v2sf) =	vpush v0, $0x0  }
0x6f7: {  	v0 =	vld.msk [tilespmem:s1+$0xA458], $0x1  }
.Ltmp31:
0x6f8: {  	(pc) =	sbr.rel @p1 .LBB3_28-.Ltmp31, $4  }
0x6f9: {  	s2 =	spop (v2sf)  }
0x6fa: {  	p2 =	sne.s32 s4, $0xFFFFFFFF;
	s1 =	smov.u32 s2  }
0x6fb: {  	p3 =	seq.s32 s2, $0xFFFFFFFF;
	s1 =	smov.u32 @p2 s4  }
0x6fc: {  	s2 =	smov.u32 @p3 s3;
	s1 =	smov.u32 @p3 s4  }
0x6fd: {  	(v2sf) =	vpush v0, $0x0;
	_ =	sdelay $0x8  }
0x6fe: {  	s0 =	spop (v2sf)  }
0x6ff: {  	p1 =	sne.s32 s1, $0xFFFFFFFF;
	s9 =	simm.s32 $0x6;
	s3 =	smov.u32 s0  }
0x700: {  	s10 =	simm.s32 $0xA3B8;
	p2 =	seq.s32 s0, $0xFFFFFFFF;
	s3 =	smov.u32 @p1 s1  }
0x701: {  	s11 =	simm.s32 $0xA438;
	s3 =	smov.u32 @p2 s1;
	s1 =	spop (v2sf)  }
0x702: {  	s0 =	smov.u32 @p2 s2;
	p1 =	sne.s32 s3, $0xFFFFFFFF;
	s7 =	smov.u32 s1  }
.Ltmp32:
0x703: {  	p2 =	seq.s32 s1, $0xFFFFFFFF;
	s7 =	smov.u32 @p1 s3;
	(pc) =	sbr.rel .LBB3_30-.Ltmp32, $4  }
0x704: {  	s12 =	simm.s32 $0x0;
	s7 =	smov.u32 @p2 s3;
	s4 =	spop (v2sf)  }
0x705: {  	[sflag:s9] =	ssyncpa.u1 $0x0;
	p1 =	sne.s32 s7, $0xFFFFFFFF;
	s5 =	smov.u32 s4  }
0x706: {  	s1 =	smov.u32 @p2 s0;
	p2 =	seq.s32 s4, $0xFFFFFFFF;
	s5 =	smov.u32 @p1 s7  }
0x707: {  	s3 =	simm.s32 $0x0;
	s4 =	smov.u32 @p2 s1;
	s5 =	smov.u32 @p2 s7  }
.LBB3_36:
0x708: {  	p1 =	sgt.u32 s0, $0x4E17F  }
0x709: {  	p2 =	seq.s32 @!p1 s0, s5  }
0x70a: {  	p1 =	por p1, p2  }
0x70b: {  	p2 =	sne.s32 @!p1 s0, s4  }
0x70c: {  	p1 =	por p1, !p2  }
0x70d: {  	s0 =	smul.u32 @p1 $0x240, s12;
	_ =	sdelay $0x1  }
0x70e: {  	s1 =	sand.u32 @!p1 $0x7FFF8, s0;
	s2 =	sand.u32 @!p1 $0x7, s0;
	s0 =	sadd.s32 @!p1 $0x80, s0  }
0x70f: {  	s1 =	sadd.s32 @!p1 s6, s1;
	s0 =	sand.u32 @!p1 $0xFFFF8, s0  }
0x710: {  	[tilespmem:s10], [sflag:$0x6] =	stream.linear.gather @!p1 [hbm4b:s1+s2], $0x80, $0x38;
	[tilespmem:$0x1D958] =	vst v63  }
0x711: {  	s0 =	sadd.s32 @!p1 s6, s0  }
0x712: {  	[tilespmem:s11], [sflag:$0x6] =	stream.linear.gather @!p1 [hbm4b:s0+s2], $0x2, $0x38;
	[tilespmem:$0x1D958] =	vst v63  }
0x713: {  	_ =	swait.ge @!p1 [sflag:s9], $0x82  }
0x714: {  	[sflag:s9] =	ssyncset.done @!p1 $0x0  }
0x715: {  	[sflag:s9] =	ssyncadd.s32 @!p1 $0xFFFFFF7E  }
0x716: {  	v1 =	vld @!p1 [tilespmem:$0xA3B8];
	_ =	sdelay $0x1  }
0x717: {  	s0 =	smul.u32 @!p1 $0x240, s12;
	_ =	sdelay $0x1  }
0x718: {  	s1 =	sshra.s32 @!p1 s0, $0x2  }
0x719: {  	[tilespmem:s1+$0xA478] =	vst.add.f32.msk @!p1 $0xffff, v1  }
0x71a: {  	v1 =	vld @!p1 [tilespmem:$0xA3C8];
	_ =	sdelay $0x4  }
0x71b: {  	[tilespmem:s1+$0xA488] =	vst.add.f32.msk @!p1 $0xffff, v1  }
0x71c: {  	v1 =	vld @!p1 [tilespmem:$0xA3D8];
	_ =	sdelay $0x4  }
0x71d: {  	[tilespmem:s1+$0xA498] =	vst.add.f32.msk @!p1 $0xffff, v1  }
0x71e: {  	v1 =	vld @!p1 [tilespmem:$0xA3E8];
	_ =	sdelay $0x4  }
0x71f: {  	[tilespmem:s1+$0xA4A8] =	vst.add.f32.msk @!p1 $0xffff, v1  }
0x720: {  	v1 =	vld @!p1 [tilespmem:$0xA3F8];
	_ =	sdelay $0x4  }
0x721: {  	[tilespmem:s1+$0xA4B8] =	vst.add.f32.msk @!p1 $0xffff, v1  }
0x722: {  	v1 =	vld @!p1 [tilespmem:$0xA408];
	_ =	sdelay $0x4  }
0x723: {  	[tilespmem:s1+$0xA4C8] =	vst.add.f32.msk @!p1 $0xffff, v1  }
0x724: {  	v1 =	vld @!p1 [tilespmem:$0xA418];
	_ =	sdelay $0x4  }
0x725: {  	[tilespmem:s1+$0xA4D8] =	vst.add.f32.msk @!p1 $0xffff, v1  }
0x726: {  	v1 =	vld @!p1 [tilespmem:$0xA428];
	_ =	sdelay $0x4  }
0x727: {  	[tilespmem:s1+$0xA4E8] =	vst.add.f32.msk @!p1 $0xffff, v1  }
0x728: {  	v1 =	vld @!p1 [tilespmem:$0xA438];
	_ =	sdelay $0x4  }
0x729: {  	[tilespmem:s1+$0xA4F8] =	vst.add.f32.msk @!p1 $0xffff, v1  }
0x72a: {  	s0 =	sshra.s32 s0, $0x2;
	[tilespmem:s3+$0xA458] =	vst.msk $0x1, v0  }
0x72b: {  	v0 =	vld [tilespmem:s0+$0xA478];
	_ =	sdelay $0x1  }
0x72c: {  	s31 =	smul.u32 $0x240, s3;
	_ =	sdelay $0x1  }
0x72d: {  	s1 =	sshra.s32 s31, $0x2  }
0x72e: {  	[tilespmem:s1+$0xA478] =	vst v0  }
0x72f: {  	v0 =	vld [tilespmem:s0+$0xA488];
	_ =	sdelay $0x4  }
0x730: {  	[tilespmem:s1+$0xA488] =	vst v0  }
0x731: {  	v0 =	vld [tilespmem:s0+$0xA498];
	_ =	sdelay $0x4  }
0x732: {  	[tilespmem:s1+$0xA498] =	vst v0  }
0x733: {  	v0 =	vld [tilespmem:s0+$0xA4A8];
	_ =	sdelay $0x4  }
0x734: {  	[tilespmem:s1+$0xA4A8] =	vst v0  }
0x735: {  	v0 =	vld [tilespmem:s0+$0xA4B8];
	_ =	sdelay $0x4  }
0x736: {  	[tilespmem:s1+$0xA4B8] =	vst v0  }
0x737: {  	v0 =	vld [tilespmem:s0+$0xA4C8];
	_ =	sdelay $0x4  }
0x738: {  	[tilespmem:s1+$0xA4C8] =	vst v0  }
0x739: {  	v0 =	vld [tilespmem:s0+$0xA4D8];
	_ =	sdelay $0x4  }
0x73a: {  	[tilespmem:s1+$0xA4D8] =	vst v0  }
0x73b: {  	v0 =	vld [tilespmem:s0+$0xA4E8];
	_ =	sdelay $0x4  }
0x73c: {  	[tilespmem:s1+$0xA4E8] =	vst v0  }
0x73d: {  	v0 =	vld [tilespmem:s0+$0xA4F8];
	_ =	sdelay $0x4  }
0x73e: {  	s3 =	sadd.s32 $0x1, s3;
	[tilespmem:s1+$0xA4F8] =	vst v0  }
.LBB3_37:
0x73f: {  	s12 =	sadd.s32 $0x1, s12  }
0x740: {  	p1 =	sne.s32 s12, $0x20  }
.Ltmp33:
0x741: {  	_ = 	snop;
	(pc) =	sbr.rel @!p1 .LBB3_38-.Ltmp33, $1  }
0x742: {  	_ =	sdelay $0x3  }
.LBB3_30:
0x743: {  	v0 =	vld.msk [tilespmem:s12+$0xA458], $0x1;
	_ =	sdelay $0x4  }
0x744: {  	(v2sf) =	vpush v0, $0x0;
	_ =	sdelay $0xe  }
0x745: {  	s0 =	spop (v2sf)  }
0x746: {  	p1 =	seq.s32 s0, $0xFFFFFFFF  }
.Ltmp34:
0x747: {  	_ = 	snop;
	(pc) =	sbr.rel @p1 .LBB3_37-.Ltmp34, $1  }
0x748: {  	_ =	sdelay $0x3  }
0x749: {  	p1 =	slt.s32 s3, $0x1  }
.Ltmp35:
0x74a: {  	_ = 	snop;
	(pc) =	sbr.rel @p1 .LBB3_36-.Ltmp35, $1  }
0x74b: {  	_ =	sdelay $0x3  }
0x74c: {  	s1 =	simm.s32 $0xA458;
	p1 =	por $0x0, $0x0  }
0x74d: {  	v1 =	vld.msk @!p1 [tilespmem:s1+$0x0], $0x1;
	_ =	sdelay $0x4  }
0x74e: {  	(v2sf) =	vpush @!p1 v1, $0x0;
	_ =	sdelay $0xd  }
0x74f: {  	p3 =	sne.s32 s3, $0x1  }
.Ltmp36:
0x750: {  	s2 =	spop @!p1 (v2sf);
	(pc) =	sbr.rel @!p3 .LBB3_34-.Ltmp36, $4  }
0x751: {  	p2 =	seq.s32 @!p1 s0, s2  }
0x752: {  	s2 =	simm.s32 $0x0;
	p2 =	por !p2, p1  }
0x753: {  	s7 =	simm.s32 $0xFFFFFFFF;
	s2 =	simm.s32 @p2 $0xFFFFFFFF  }
0x754: {  	s13 =	simm.s32 $0x1;
	s2 =	smov.u32 @p1 s7  }
.LBB3_33:
0x755: {  	s7 =	smov.u32 s2;
	p1 =	sne.s32 s2, $0xFFFFFFFF  }
0x756: {  	s1 =	sadd.s32 $0x1, s1;
	s2 =	smov.u32 s13;
	s13 =	sadd.s32 $0x1, s13  }
0x757: {  	p2 =	sne.s32 s3, s13;
	v1 =	vld.msk @!p1 [tilespmem:s1+$0x0], $0x1;
	_ =	sdelay $0x4  }
0x758: {  	(v2sf) =	vpush @!p1 v1, $0x0;
	_ =	sdelay $0xe  }
.Ltmp37:
0x759: {  	s8 =	spop @!p1 (v2sf);
	(pc) =	sbr.rel @p2 .LBB3_33-.Ltmp37, $4  }
0x75a: {  	p3 =	seq.s32 @!p1 s0, s8  }
0x75b: {  	p3 =	por !p3, p1  }
0x75c: {  	s2 =	simm.s32 @p3 $0xFFFFFFFF  }
0x75d: {  	s2 =	smov.u32 @p1 s7  }
.LBB3_34:
0x75e: {  	p1 =	seq.s32 s2, $0xFFFFFFFF  }
.Ltmp38:
0x75f: {  	_ = 	snop;
	(pc) =	sbr.rel @p1 .LBB3_36-.Ltmp38, $1  }
0x760: {  	_ =	sdelay $0x3  }
0x761: {  	s0 =	smul.u32 $0x240, s12;
	_ =	sdelay $0x1  }
0x762: {  	s0 =	sshra.s32 s0, $0x2  }
0x763: {  	v0 =	vld [tilespmem:s0+$0xA478];
	_ =	sdelay $0x1  }
0x764: {  	s1 =	smul.u32 $0x240, s2;
	_ =	sdelay $0x1  }
0x765: {  	s1 =	sshra.s32 s1, $0x2  }
0x766: {  	[tilespmem:s1+$0xA478] =	vst.add.f32.msk $0xffff, v0  }
0x767: {  	v0 =	vld [tilespmem:s0+$0xA488];
	_ =	sdelay $0x4  }
0x768: {  	[tilespmem:s1+$0xA488] =	vst.add.f32.msk $0xffff, v0  }
0x769: {  	v0 =	vld [tilespmem:s0+$0xA498];
	_ =	sdelay $0x4  }
0x76a: {  	[tilespmem:s1+$0xA498] =	vst.add.f32.msk $0xffff, v0  }
0x76b: {  	v0 =	vld [tilespmem:s0+$0xA4A8];
	_ =	sdelay $0x4  }
0x76c: {  	[tilespmem:s1+$0xA4A8] =	vst.add.f32.msk $0xffff, v0  }
0x76d: {  	v0 =	vld [tilespmem:s0+$0xA4B8];
	_ =	sdelay $0x4  }
0x76e: {  	[tilespmem:s1+$0xA4B8] =	vst.add.f32.msk $0xffff, v0  }
0x76f: {  	v0 =	vld [tilespmem:s0+$0xA4C8];
	_ =	sdelay $0x4  }
0x770: {  	[tilespmem:s1+$0xA4C8] =	vst.add.f32.msk $0xffff, v0  }
0x771: {  	v0 =	vld [tilespmem:s0+$0xA4D8];
	_ =	sdelay $0x4  }
0x772: {  	[tilespmem:s1+$0xA4D8] =	vst.add.f32.msk $0xffff, v0  }
0x773: {  	v0 =	vld [tilespmem:s0+$0xA4E8];
	_ =	sdelay $0x4  }
0x774: {  	[tilespmem:s1+$0xA4E8] =	vst.add.f32.msk $0xffff, v0  }
0x775: {  	v0 =	vld [tilespmem:s0+$0xA4F8]  }
.Ltmp39:
0x776: {  	_ = 	snop;
	(pc) =	sbr.rel .LBB3_37-.Ltmp39, $2  }
0x777: {  	_ =	sdelay $0x2  }
0x778: {  	[tilespmem:s1+$0xA4F8] =	vst.add.f32.msk $0xffff, v0  }
.LBB3_38:
0x779: {  	s0 =	simm.s32 $0x6;
	p1 =	seq.s32 s3, $0x0  }
0x77a: {  	[sflag:s0] =	ssyncpa.u1 $0x1;
	v0 =	vimm.s32 @p1 $0xFFFFFFFF  }
0x77b: {  	s0 =	sadd.s32 $0xFFFFFFFF, s3;
	[tilespmem:$0xB678] =	vst @p1 v0  }
0x77c: {  	v0 =	vld.msk @!p1 [tilespmem:s0+$0xA458], $0x1;
	_ =	sdelay $0x1  }
0x77d: {  	v1 =	vld.msk @!p1 [tilespmem:$0xA458], $0x1;
	_ =	sdelay $0x2  }
0x77e: {  	p2 =	seq.s32 @!p1 s0, $0x0;
	v0 =	vbroadcast @!p1 v0, $0x0  }
0x77f: {  	vm0 =	vmmov @!p1 $0x1;
	p3 =	por !p2, p1  }
0x780: {  	p2 =	sne.s32 @!p1 s5, s4;
	v1 =	vnsel @!p1 vm0, $0xFFFFFFFF, v1;
	vm0 =	vcmask @!p1 $0x308;
	v0 =	vpsel !p3, $0xFFFFFFFF, v0  }
0x781: {  	p3 =	por !p2, p1;
	v0 =	vsel @!p1 vm0, v1, v0  }
0x782: {  	s1 =	simm.s32 @!p1 $0xA478;
	s2 =	simm.s32 @!p1 $0x0;
	s4 =	smul.u32 @!p3 $0x240, s0;
	[tilespmem:$0xB678] =	vst @!p1 v0  }
0x783: {  	[spmem:s2] =	stream.linear.scatter @!p1 [tilespmem:s1], [sflag:$0x1], $0x90, $0x38;
	[tilespmem:$0x1D958] =	vst v63  }
0x784: {  	s1 =	sshra.s32 @!p3 s4, $0x2  }
0x785: {  	s2 =	simm.s32 @!p3 $0x90;
	s1 =	sadd.s32 @!p3 $0xA478, s1  }
0x786: {  	[spmem:s2] =	stream.linear.scatter @!p3 [tilespmem:s1], [sflag:$0x1], $0x90, $0x38;
	[tilespmem:$0x1D958] =	vst v63  }
0x787: {  	s1 =	simm.s32 @!p3 $0x1  }
0x788: {  	_ =	swait.ge @!p3 [sflag:s1], $0x120  }
0x789: {  	p1 =	por p2, p1;
	[sflag:s1] =	ssyncset.done @!p3 $0x0  }
0x78a: {  	[sflag:s1] =	ssyncadd.s32 @!p3 $0xFFFFFEE0;
	s1 =	simm.s32 @!p1 $0x1  }
0x78b: {  	_ =	swait.ge @!p1 [sflag:s1], $0x90  }
0x78c: {  	s29 =	simm.s32 $0xB678;
	[sflag:s1] =	ssyncset.done @!p1 $0x0  }
0x78d: {  	s30 =	simm.s32 $0x1200;
	s31 =	simm.s32 $0x1;
	[sflag:s1] =	ssyncadd.s32 @!p1 $0xFFFFFF70  }
0x78e: {  	[spmem:s30] =	stream.linear.scatter [tilespmem:s29], [sflag:$0x1], $0x10, $0x38;
	[tilespmem:$0x1D958] =	vst v63  }
0x78f: {  	_ =	swait.ge [sflag:s31], $0x10  }
0x790: {  	[sflag:s31] =	ssyncset.done $0x0  }
0x791: {  	p1 =	seq.s32 s15, $0x0;
	s9 =	rddreg [dreg:$0x2];
	[sflag:s31] =	ssyncadd.s32 $0xFFFFFFF0  }
0x792: {  	s2 =	sshll.u32 @p1 s9, $0xE;
	s8 =	rddreg [dreg:$0x3]  }
0x793: {  	s1 =	sadd.s32 @p1 $0x15C3C, s2;
	s2 =	sshll.u32 @p1 s8, $0x11  }
0x794: {  	_ =	sfence.stream.spmem;
	s1 =	sor.u32 @p1 s2, s1  }
0x795: {  	[sflag:s1] =	ssyncadd.remote.s32 @p1 $0x1;
	s1 =	simm.s32 @p1 $0x4  }
0x796: {  	s4 =	simm.s32 @!p1 $0x3C;
	s2 =	sand.u32 $0xFFFFFFFE, s9;
	_ =	swait.ge @p1 [sflag:s1], $0x26  }
0x797: {  	s5 =	simm.s32 @!p1 $0x0;
	s2 =	sadd.s32 @!p1 $0x4, s2;
	[sflag:s1] =	ssyncset.done @p1 $0x0  }
0x798: {  	s7 =	simm.s32 @!p1 $0x120;
	[sflag:s1] =	ssyncadd.s32 @p1 $0xFFFFFFDA;
	s1 =	sshll.u32 @!p1 s2, $0x1A  }
0x799: {  	s2 =	sshll.u32 @!p1 s2, $0xD;
	s1 =	sor.u32 @!p1 s1, s8;
	_ =	swait.eq @!p1 [sflag:s4], $0x1  }
0x79a: {  	s2 =	sor.u32 @!p1 $0x1C04, s2;
	s4 =	simm.s32 @!p1 $0x1C03;
	s1 =	sor.u32 @!p1 $0x80004000, s1  }
0x79b: {  	[spmem:s7], [sflag:s2] =	dma.general @!p1 [spmem:s5], [sflag:s4], length:$0x24, [dreg:$0x0], stride_count:$0x0, ici_dest:s1, dma_misc:DstOpCode:WRITE  }
0x79c: {  	p2 =	slt.s32 s0, $0x2;
	s5 =	simm.s32 @!p1 $0x240;
	s7 =	simm.s32 @!p1 $0x242  }
0x79d: {  	[spmem:s7], [sflag:s2] =	dma.general @!p1 [spmem:s5], [sflag:s4], length:$0x2, [dreg:$0x0], stride_count:$0x0, ici_dest:s1, dma_misc:DstOpCode:WRITE  }
.Ltmp40:
0x79e: {  	s1 =	simm.s32 @!p1 $0x3;
	(pc) =	sbr.rel @p2 .LBB3_42-.Ltmp40, $4  }
0x79f: {  	s2 =	sshll.u32 @!p1 s9, $0xE;
	_ =	swait.ge @!p1 [sflag:s1], $0x26  }
0x7a0: {  	s4 =	sshll.u32 @!p1 s8, $0x11;
	s2 =	sadd.s32 @!p1 $0x11C3C, s2;
	[sflag:s1] =	ssyncset.done @!p1 $0x0  }
0x7a1: {  	[sflag:s1] =	ssyncadd.s32 @!p1 $0xFFFFFFDA;
	s1 =	sor.u32 @!p1 s4, s2  }
0x7a2: {  	s0 =	simm.s32 $0x0;
	[sflag:s1] =	ssyncadd.remote.s32 @!p1 $0xFFFFFFFF  }
0x7a3: {  	s0 =	simm.s32 $0xA459  }
0x7a4: {  	v0 =	vld.msk [tilespmem:s0+$0x0], $0x1;
	_ =	sdelay $0x4  }
0x7a5: {  	(v2sf) =	vpush v0, $0x0;
	_ =	sdelay $0xd  }
0x7a6: {  	s31 =	sadd.s32 $0xFFFFFFFE, s3  }
0x7a7: {  	s3 =	simm.s32 $0x0;
	s0 =	sadd.s32 $0xFFFFFFFF, s31;
	s2 =	spop (v2sf)  }
0x7a8: {  	s5 =	simm.s32 $0xA508;
	p1 =	sne.s32 s0, $0x0;
	p2 =	sgt.u32 s2, $0x4E17F  }
.Ltmp41:
0x7a9: {  	s1 =	simm.s32 $0xA598;
	s4 =	sand.u32 @!p2 $0x7FFF8, s2;
	(pc) =	sbr.rel @!p1 .LBB3_41-.Ltmp41, $4  }
0x7aa: {  	s7 =	sadd.s32 @!p2 $0x80, s2;
	s3 =	simm.s32 @!p2 $0x208;
	s8 =	sadd.s32 @!p2 s6, s4  }
0x7ab: {  	s4 =	sand.u32 @!p2 $0x7, s2;
	s2 =	simm.s32 $0xA45A;
	s7 =	sand.u32 @!p2 $0xFFFF8, s7  }
0x7ac: {  	[hbm4b:s8+s4] =	stream.linear.scatter @!p2 [tilespmem:s5], [sflag:$0x5], $0x80, $0x38;
	[tilespmem:$0x1D958] =	vst v63  }
0x7ad: {  	s3 =	sadd.s32 $0x0, s3;
	s5 =	simm.s32 @!p2 $0xA588;
	s7 =	sadd.s32 @!p2 s6, s7  }
.LBB3_40:
0x7ae: {  	[hbm4b:s7+s4] =	stream.linear.scatter @!p2 [tilespmem:s5], [sflag:$0x5], $0x2, $0x38;
	[tilespmem:$0x1D958] =	vst v63  }
0x7af: {  	s0 =	sadd.s32 $0xFFFFFFFF, s0;
	s5 =	smov.u32 s1;
	v0 =	vld.msk [tilespmem:s2+$0x0], $0x1  }
0x7b0: {  	p1 =	sne.s32 s0, $0x0;
	_ =	sdelay $0x3  }
0x7b1: {  	(v2sf) =	vpush v0, $0x0;
	_ =	sdelay $0xe  }
0x7b2: {  	s1 =	sadd.s32 $0x90, s1;
	s8 =	simm.s32 $0x0;
	s4 =	spop (v2sf)  }
.Ltmp42:
0x7b3: {  	s2 =	sadd.s32 $0x1, s2;
	p2 =	sgt.u32 s4, $0x4E17F;
	(pc) =	sbr.rel @p1 .LBB3_40-.Ltmp42, $4  }
0x7b4: {  	s8 =	simm.s32 @!p2 $0x208;
	s7 =	sand.u32 @!p2 $0x7FFF8, s4;
	s9 =	sadd.s32 @!p2 $0x80, s4  }
0x7b5: {  	s4 =	sand.u32 @!p2 $0x7, s4;
	s7 =	sadd.s32 @!p2 s6, s7;
	s9 =	sand.u32 @!p2 $0xFFFF8, s9  }
0x7b6: {  	[hbm4b:s7+s4] =	stream.linear.scatter @!p2 [tilespmem:s5], [sflag:$0x5], $0x80, $0x38;
	[tilespmem:$0x1D958] =	vst v63  }
0x7b7: {  	s3 =	sadd.s32 s3, s8;
	s5 =	sadd.s32 @!p2 $0x80, s5;
	s7 =	sadd.s32 @!p2 s6, s9  }
.LBB3_41:
0x7b8: {  	[hbm4b:s7+s4] =	stream.linear.scatter @!p2 [tilespmem:s5], [sflag:$0x5], $0x2, $0x38;
	[tilespmem:$0x1D958] =	vst v63  }
0x7b9: {  	s0 =	sshrl.u32 s3, $0x2  }
.LBB3_42:
0x7ba: {  	s1 =	simm.s32 $0x5  }
0x7bb: {  	_ =	swait.ge [sflag:s1], s0  }
0x7bc: {  	s31 =	ssub.s32 $0x0, s0;
	[sflag:s1] =	ssyncset.done $0x0  }
0x7bd: {  	[sflag:s1] =	ssyncadd.s32 s31  }
0x7be: {  	[sflag:s1] =	ssyncpa.u1 $0x1  }
.LBB3_43:
0x7bf: {  	s0 =	sor.u32 s15, s14  }
0x7c0: {  	p1 =	sne.s32 s0, $0x0  }
.Ltmp43:
0x7c1: {  	_ = 	snop;
	(pc) =	sbr.rel @p1 .LBB3_58-.Ltmp43, $3  }
0x7c2: {  	_ =	sdelay $0x1  }
0x7c3: {  	[bflag:$0x0] =	sbarrier.arrive $0xFFFF  }
0x7c4: {  	_ =	sfence  }
0x7c5: {  	s0 =	simm.s32 $0x7  }
0x7c6: {  	s1 =	simm.s32 $0x1200;
	s2 =	simm.s32 $0xA458;
	[sflag:s0] =	ssyncpa.u1 $0x0  }
0x7c7: {  	[tilespmem:s2], [sflag:$0x7] =	stream.linear.gather [spmem:s1], $0x20, $0x38;
	[tilespmem:$0x1D958] =	vst v63  }
0x7c8: {  	s30 =	simm.s32 $0xA478;
	s1 =	simm.s32 $0x0  }
0x7c9: {  	[tilespmem:s30], [sflag:$0x7] =	stream.linear.gather [spmem:s1], $0x1200, $0x38;
	[tilespmem:$0x1D958] =	vst v63  }
.Ltmp44:
0x7ca: {  	_ = 	snop;
	(pc) =	sbr.rel .LBB3_45-.Ltmp44, $4  }
0x7cb: {  	_ =	swait.ge [sflag:s0], $0x1220  }
0x7cc: {  	[sflag:s0] =	ssyncset.done $0x0  }
0x7cd: {  	s31 =	simm.s32 $0x8;
	[sflag:s0] =	ssyncadd.s32 $0xFFFFEDE0  }
0x7ce: {  	s2 =	simm.s32 $0x0;
	[sflag:s31] =	ssyncpa.u1 $0x0  }
.LBB3_51:
0x7cf: {  	p1 =	slt.u32 s0, $0x4E180  }
0x7d0: {  	s3 =	sand.u32 @p1 $0x7FFF8, s0;
	s4 =	sand.u32 @p1 $0x7, s0;
	s0 =	sadd.s32 @p1 $0x80, s0  }
0x7d1: {  	s5 =	simm.s32 @p1 $0xA3B8;
	s3 =	sadd.s32 @p1 s6, s3;
	s0 =	sand.u32 @p1 $0xFFFF8, s0  }
0x7d2: {  	[tilespmem:s5], [sflag:$0x8] =	stream.linear.gather @p1 [hbm4b:s3+s4], $0x80, $0x38;
	[tilespmem:$0x1D958] =	vst v63  }
0x7d3: {  	s0 =	sadd.s32 @p1 s6, s0;
	s3 =	simm.s32 @p1 $0xA438  }
0x7d4: {  	[tilespmem:s3], [sflag:$0x8] =	stream.linear.gather @p1 [hbm4b:s0+s4], $0x2, $0x38;
	[tilespmem:$0x1D958] =	vst v63  }
0x7d5: {  	s0 =	simm.s32 @p1 $0x8  }
0x7d6: {  	_ =	swait.ge @p1 [sflag:s0], $0x82  }
0x7d7: {  	[sflag:s0] =	ssyncset.done @p1 $0x0  }
0x7d8: {  	[sflag:s0] =	ssyncadd.s32 @p1 $0xFFFFFF7E  }
0x7d9: {  	v1 =	vld @p1 [tilespmem:$0xA3B8];
	_ =	sdelay $0x1  }
0x7da: {  	s0 =	smul.u32 @p1 $0x240, s2;
	_ =	sdelay $0x1  }
0x7db: {  	s3 =	sshra.s32 @p1 s0, $0x2  }
0x7dc: {  	[tilespmem:s3+$0xA478] =	vst.add.f32.msk @p1 $0xffff, v1  }
0x7dd: {  	v1 =	vld @p1 [tilespmem:$0xA3C8];
	_ =	sdelay $0x4  }
0x7de: {  	[tilespmem:s3+$0xA488] =	vst.add.f32.msk @p1 $0xffff, v1  }
0x7df: {  	v1 =	vld @p1 [tilespmem:$0xA3D8];
	_ =	sdelay $0x4  }
0x7e0: {  	[tilespmem:s3+$0xA498] =	vst.add.f32.msk @p1 $0xffff, v1  }
0x7e1: {  	v1 =	vld @p1 [tilespmem:$0xA3E8];
	_ =	sdelay $0x4  }
0x7e2: {  	[tilespmem:s3+$0xA4A8] =	vst.add.f32.msk @p1 $0xffff, v1  }
0x7e3: {  	v1 =	vld @p1 [tilespmem:$0xA3F8];
	_ =	sdelay $0x4  }
0x7e4: {  	[tilespmem:s3+$0xA4B8] =	vst.add.f32.msk @p1 $0xffff, v1  }
0x7e5: {  	v1 =	vld @p1 [tilespmem:$0xA408];
	_ =	sdelay $0x4  }
0x7e6: {  	[tilespmem:s3+$0xA4C8] =	vst.add.f32.msk @p1 $0xffff, v1  }
0x7e7: {  	v1 =	vld @p1 [tilespmem:$0xA418];
	_ =	sdelay $0x4  }
0x7e8: {  	[tilespmem:s3+$0xA4D8] =	vst.add.f32.msk @p1 $0xffff, v1  }
0x7e9: {  	v1 =	vld @p1 [tilespmem:$0xA428];
	_ =	sdelay $0x4  }
0x7ea: {  	[tilespmem:s3+$0xA4E8] =	vst.add.f32.msk @p1 $0xffff, v1  }
0x7eb: {  	v1 =	vld @p1 [tilespmem:$0xA438];
	_ =	sdelay $0x2  }
0x7ec: {  	s4 =	smul.u32 @!p1 $0x240, s2;
	_ =	sdelay $0x1  }
0x7ed: {  	s4 =	smov.u32 @p1 s0;
	[tilespmem:s3+$0xA4F8] =	vst.add.f32.msk @p1 $0xffff, v1  }
0x7ee: {  	s0 =	sshra.s32 s4, $0x2;
	[tilespmem:s1+$0xA458] =	vst.msk $0x1, v0  }
0x7ef: {  	v0 =	vld [tilespmem:s0+$0xA478];
	_ =	sdelay $0x1  }
0x7f0: {  	s31 =	smul.u32 $0x240, s1;
	_ =	sdelay $0x1  }
0x7f1: {  	s3 =	sshra.s32 s31, $0x2  }
0x7f2: {  	[tilespmem:s3+$0xA478] =	vst v0  }
0x7f3: {  	v0 =	vld [tilespmem:s0+$0xA488];
	_ =	sdelay $0x4  }
0x7f4: {  	[tilespmem:s3+$0xA488] =	vst v0  }
0x7f5: {  	v0 =	vld [tilespmem:s0+$0xA498];
	_ =	sdelay $0x4  }
0x7f6: {  	[tilespmem:s3+$0xA498] =	vst v0  }
0x7f7: {  	v0 =	vld [tilespmem:s0+$0xA4A8];
	_ =	sdelay $0x4  }
0x7f8: {  	[tilespmem:s3+$0xA4A8] =	vst v0  }
0x7f9: {  	v0 =	vld [tilespmem:s0+$0xA4B8];
	_ =	sdelay $0x4  }
0x7fa: {  	[tilespmem:s3+$0xA4B8] =	vst v0  }
0x7fb: {  	v0 =	vld [tilespmem:s0+$0xA4C8];
	_ =	sdelay $0x4  }
0x7fc: {  	[tilespmem:s3+$0xA4C8] =	vst v0  }
0x7fd: {  	v0 =	vld [tilespmem:s0+$0xA4D8];
	_ =	sdelay $0x4  }
0x7fe: {  	[tilespmem:s3+$0xA4D8] =	vst v0  }
0x7ff: {  	v0 =	vld [tilespmem:s0+$0xA4E8];
	_ =	sdelay $0x4  }
0x800: {  	[tilespmem:s3+$0xA4E8] =	vst v0  }
0x801: {  	v0 =	vld [tilespmem:s0+$0xA4F8];
	_ =	sdelay $0x4  }
0x802: {  	s1 =	sadd.s32 $0x1, s1;
	[tilespmem:s3+$0xA4F8] =	vst v0  }
.LBB3_52:
0x803: {  	s2 =	sadd.s32 $0x1, s2  }
0x804: {  	p1 =	sne.s32 s2, $0x20  }
.Ltmp45:
0x805: {  	_ = 	snop;
	(pc) =	sbr.rel @!p1 .LBB3_53-.Ltmp45, $1  }
0x806: {  	_ =	sdelay $0x3  }
.LBB3_45:
0x807: {  	v0 =	vld.msk [tilespmem:s2+$0xA458], $0x1;
	_ =	sdelay $0x4  }
0x808: {  	(v2sf) =	vpush v0, $0x0;
	_ =	sdelay $0xe  }
0x809: {  	s0 =	spop (v2sf)  }
0x80a: {  	p1 =	seq.s32 s0, $0xFFFFFFFF  }
.Ltmp46:
0x80b: {  	_ = 	snop;
	(pc) =	sbr.rel @p1 .LBB3_52-.Ltmp46, $1  }
0x80c: {  	_ =	sdelay $0x3  }
0x80d: {  	p1 =	slt.s32 s1, $0x1  }
.Ltmp47:
0x80e: {  	_ = 	snop;
	(pc) =	sbr.rel @p1 .LBB3_51-.Ltmp47, $1  }
0x80f: {  	_ =	sdelay $0x3  }
0x810: {  	s3 =	simm.s32 $0xA458;
	p1 =	por $0x0, $0x0  }
0x811: {  	v1 =	vld.msk @!p1 [tilespmem:s3+$0x0], $0x1;
	_ =	sdelay $0x4  }
0x812: {  	(v2sf) =	vpush @!p1 v1, $0x0;
	_ =	sdelay $0xd  }
0x813: {  	p3 =	sne.s32 s1, $0x1  }
.Ltmp48:
0x814: {  	s4 =	spop @!p1 (v2sf);
	(pc) =	sbr.rel @!p3 .LBB3_49-.Ltmp48, $4  }
0x815: {  	p2 =	seq.s32 @!p1 s0, s4  }
0x816: {  	s4 =	simm.s32 $0x0;
	p2 =	por !p2, p1  }
0x817: {  	s7 =	simm.s32 $0xFFFFFFFF;
	s4 =	simm.s32 @p2 $0xFFFFFFFF  }
0x818: {  	s5 =	simm.s32 $0x1;
	s4 =	smov.u32 @p1 s7  }
.LBB3_48:
0x819: {  	s7 =	smov.u32 s4;
	p1 =	sne.s32 s4, $0xFFFFFFFF  }
0x81a: {  	s3 =	sadd.s32 $0x1, s3;
	s4 =	smov.u32 s5;
	s5 =	sadd.s32 $0x1, s5  }
0x81b: {  	p2 =	sne.s32 s1, s5;
	v1 =	vld.msk @!p1 [tilespmem:s3+$0x0], $0x1;
	_ =	sdelay $0x4  }
0x81c: {  	(v2sf) =	vpush @!p1 v1, $0x0;
	_ =	sdelay $0xe  }
.Ltmp49:
0x81d: {  	s8 =	spop @!p1 (v2sf);
	(pc) =	sbr.rel @p2 .LBB3_48-.Ltmp49, $4  }
0x81e: {  	p3 =	seq.s32 @!p1 s0, s8  }
0x81f: {  	p3 =	por !p3, p1  }
0x820: {  	s4 =	simm.s32 @p3 $0xFFFFFFFF  }
0x821: {  	s4 =	smov.u32 @p1 s7  }
.LBB3_49:
0x822: {  	p1 =	seq.s32 s4, $0xFFFFFFFF  }
.Ltmp50:
0x823: {  	_ = 	snop;
	(pc) =	sbr.rel @p1 .LBB3_51-.Ltmp50, $1  }
0x824: {  	_ =	sdelay $0x3  }
0x825: {  	s0 =	smul.u32 $0x240, s2;
	_ =	sdelay $0x1  }
0x826: {  	s0 =	sshra.s32 s0, $0x2  }
0x827: {  	v0 =	vld [tilespmem:s0+$0xA478];
	_ =	sdelay $0x1  }
0x828: {  	s3 =	smul.u32 $0x240, s4;
	_ =	sdelay $0x1  }
0x829: {  	s3 =	sshra.s32 s3, $0x2  }
0x82a: {  	[tilespmem:s3+$0xA478] =	vst.add.f32.msk $0xffff, v0  }
0x82b: {  	v0 =	vld [tilespmem:s0+$0xA488];
	_ =	sdelay $0x4  }
0x82c: {  	[tilespmem:s3+$0xA488] =	vst.add.f32.msk $0xffff, v0  }
0x82d: {  	v0 =	vld [tilespmem:s0+$0xA498];
	_ =	sdelay $0x4  }
0x82e: {  	[tilespmem:s3+$0xA498] =	vst.add.f32.msk $0xffff, v0  }
0x82f: {  	v0 =	vld [tilespmem:s0+$0xA4A8];
	_ =	sdelay $0x4  }
0x830: {  	[tilespmem:s3+$0xA4A8] =	vst.add.f32.msk $0xffff, v0  }
0x831: {  	v0 =	vld [tilespmem:s0+$0xA4B8];
	_ =	sdelay $0x4  }
0x832: {  	[tilespmem:s3+$0xA4B8] =	vst.add.f32.msk $0xffff, v0  }
0x833: {  	v0 =	vld [tilespmem:s0+$0xA4C8];
	_ =	sdelay $0x4  }
0x834: {  	[tilespmem:s3+$0xA4C8] =	vst.add.f32.msk $0xffff, v0  }
0x835: {  	v0 =	vld [tilespmem:s0+$0xA4D8];
	_ =	sdelay $0x4  }
0x836: {  	[tilespmem:s3+$0xA4D8] =	vst.add.f32.msk $0xffff, v0  }
0x837: {  	v0 =	vld [tilespmem:s0+$0xA4E8];
	_ =	sdelay $0x4  }
0x838: {  	[tilespmem:s3+$0xA4E8] =	vst.add.f32.msk $0xffff, v0  }
0x839: {  	v0 =	vld [tilespmem:s0+$0xA4F8]  }
.Ltmp51:
0x83a: {  	_ = 	snop;
	(pc) =	sbr.rel .LBB3_52-.Ltmp51, $2  }
0x83b: {  	_ =	sdelay $0x2  }
0x83c: {  	[tilespmem:s3+$0xA4F8] =	vst.add.f32.msk $0xffff, v0  }
.LBB3_53:
0x83d: {  	p1 =	slt.s32 s1, $0x1  }
.Ltmp52:
0x83e: {  	_ = 	snop;
	(pc) =	sbr.rel @p1 .LBB3_57-.Ltmp52, $3  }
0x83f: {  	_ =	sdelay $0x1  }
0x840: {  	s0 =	simm.s32 $0x8  }
0x841: {  	s3 =	simm.s32 $0x0;
	[sflag:s0] =	ssyncpa.u1 $0x1  }
0x842: {  	s0 =	simm.s32 $0xA458  }
0x843: {  	v0 =	vld.msk [tilespmem:s0+$0x0], $0x1;
	_ =	sdelay $0x4  }
0x844: {  	(v2sf) =	vpush v0, $0x0;
	_ =	sdelay $0xe  }
0x845: {  	s0 =	sadd.s32 $0xFFFFFFFF, s1;
	s2 =	spop (v2sf)  }
0x846: {  	s5 =	simm.s32 $0xA478;
	p1 =	sne.s32 s0, $0x0;
	p2 =	sgt.u32 s2, $0x4E17F  }
.Ltmp53:
0x847: {  	s1 =	simm.s32 $0xA508;
	s4 =	sand.u32 @!p2 $0x7FFF8, s2;
	(pc) =	sbr.rel @!p1 .LBB3_56-.Ltmp53, $4  }
0x848: {  	s7 =	sadd.s32 @!p2 $0x80, s2;
	s3 =	simm.s32 @!p2 $0x208;
	s8 =	sadd.s32 @!p2 s6, s4  }
0x849: {  	s4 =	sand.u32 @!p2 $0x7, s2;
	s2 =	simm.s32 $0xA459;
	s7 =	sand.u32 @!p2 $0xFFFF8, s7  }
0x84a: {  	[hbm4b:s8+s4] =	stream.linear.scatter @!p2 [tilespmem:s5], [sflag:$0x7], $0x80, $0x38;
	[tilespmem:$0x1D958] =	vst v63  }
0x84b: {  	s3 =	sadd.s32 $0x0, s3;
	s5 =	simm.s32 @!p2 $0xA4F8;
	s7 =	sadd.s32 @!p2 s6, s7  }
.LBB3_55:
0x84c: {  	[hbm4b:s7+s4] =	stream.linear.scatter @!p2 [tilespmem:s5], [sflag:$0x7], $0x2, $0x38;
	[tilespmem:$0x1D958] =	vst v63  }
0x84d: {  	s0 =	sadd.s32 $0xFFFFFFFF, s0;
	s5 =	smov.u32 s1;
	v0 =	vld.msk [tilespmem:s2+$0x0], $0x1  }
0x84e: {  	p1 =	sne.s32 s0, $0x0;
	_ =	sdelay $0x3  }
0x84f: {  	(v2sf) =	vpush v0, $0x0;
	_ =	sdelay $0xe  }
0x850: {  	s1 =	sadd.s32 $0x90, s1;
	s8 =	simm.s32 $0x0;
	s4 =	spop (v2sf)  }
.Ltmp54:
0x851: {  	s2 =	sadd.s32 $0x1, s2;
	p2 =	sgt.u32 s4, $0x4E17F;
	(pc) =	sbr.rel @p1 .LBB3_55-.Ltmp54, $4  }
0x852: {  	s8 =	simm.s32 @!p2 $0x208;
	s7 =	sand.u32 @!p2 $0x7FFF8, s4;
	s9 =	sadd.s32 @!p2 $0x80, s4  }
0x853: {  	s4 =	sand.u32 @!p2 $0x7, s4;
	s7 =	sadd.s32 @!p2 s6, s7;
	s9 =	sand.u32 @!p2 $0xFFFF8, s9  }
0x854: {  	[hbm4b:s7+s4] =	stream.linear.scatter @!p2 [tilespmem:s5], [sflag:$0x7], $0x80, $0x38;
	[tilespmem:$0x1D958] =	vst v63  }
0x855: {  	s3 =	sadd.s32 s3, s8;
	s5 =	sadd.s32 @!p2 $0x80, s5;
	s7 =	sadd.s32 @!p2 s6, s9  }
.LBB3_56:
0x856: {  	[hbm4b:s7+s4] =	stream.linear.scatter @!p2 [tilespmem:s5], [sflag:$0x7], $0x2, $0x38;
	[tilespmem:$0x1D958] =	vst v63  }
0x857: {  	s3 =	sshrl.u32 s3, $0x2  }
.LBB3_57:
0x858: {  	s0 =	simm.s32 $0x7  }
0x859: {  	_ =	swait.ge [sflag:s0], s3  }
0x85a: {  	s1 =	ssub.s32 $0x0, s3;
	[sflag:s0] =	ssyncset.done $0x0  }
0x85b: {  	[sflag:s0] =	ssyncadd.s32 s1  }
0x85c: {  	[sflag:s0] =	ssyncpa.u1 $0x1  }
.LBB3_58:
0x85d: {  	_ =	sfence;
	s0 =	simm.s32 $0x1  }
0x85e: {  	[sflag:s0] =	ssyncpa.u1 $0x1  }
0x85f: {  	_ =	strace $0x90000059  }
0x860: {  	[bflag:$0x2] =	sbarrier.arrive $0xFFFF  }
0x861: {  	s0 =	rddreg [dreg:$0x4]  }
0x862: {  	s0 =	sadd.s32 @!p0 $0x100000, s0  }
0x863: {  	[sflag:s0] =	ssyncadd.tile.s32 @!p0 $0x1;
	_ =	shalt  }
.Lfunc_end3:
_tile_overlayer_lowered:
.L_overlay_start_3:
0x864: {  	(tag) =	ssettag $0x3  }
0x865: {  	s0 =	rddreg [dreg:$0x0];
	s2 =	stileid.u32  }
0x866: {  	s1 =	rddreg [dreg:$0x1];
	p0 =	sne.s32 s2, $0x0  }
0x867: {  	s3 =	rddreg [dreg:$0x2];
	[bflag:$0x3] =	sbarrier.arrive $0xFFFF;
	s2 =	simm.s32 @!p0 $0x1C01  }
0x868: {  	[timem:s3], [sflag:s2] =	dma.local @!p0 [hbm:s0], s1  }
0x869: {  	s0 =	simm.s32 @!p0 $0x1  }
0x86a: {  	_ =	swait.ge @!p0 [sflag:s0], s1  }
0x86b: {  	s1 =	ssub.s32 @!p0 $0x0, s1;
	[sflag:s0] =	ssyncset.done @!p0 $0x0  }
0x86c: {  	[sflag:s0] =	ssyncadd.s32 @!p0 s1  }
0x86d: {  	[bflag:$0x3] =	sbarrier.arrive $0xFFFF  }
0x86e: {  	_ =	shalt  }

// kernel: sparse-core-data-format-call.1.cloned.1.call-start
scs
called_computation.3_lowered:
.L_overlay_start_0:
0x0: {  	s1 =	sld [smem:$0x3FD9]  }
0x1: {  	s2 =	sld [smem:$0x3FFE];
	_ =	sdelay $0x1  }
0x2: {  	s3 =	srdreg.scid  }
0x3: {  	s0 =	sand.u32 $0x1, s3  }
0x4: {  	s17 =	sshll.u32 s0, $0xA;
	s1 =	sadd.s32 s2, s1  }
0x5: {  	s1 =	sadd.s32 s1, s17  }
0x6: {  	[smem:$0x3FBB] =	sst s1  }
0x7: {  	_ = 	snop  }
0x8: {  	(tm) =	ssettm $0x1  }
0x9: {  	s18 =	sld [smem:$0x3FFB];
	_ =	sdelay $0x3  }
0xa: {  	_ =	strace s18  }
0xb: {  	s1 =	sld [smem:$0x3FFC];
	_ =	sdelay $0x3  }
0xc: {  	_ =	strace s1  }
0xd: {  	s1 =	sld [smem:$0x3FFD];
	_ =	sdelay $0x3  }
0xe: {  	_ =	strace s1  }
0xf: {  	_ =	strace $0x8FFFFFFF  }
0x10: {  	s19 =	sld [smem:$0x3FDB];
	_ =	sdelay $0x1  }
0x11: {  	s20 =	simm.s32 $_scs_section_size  }
0x12: {  	s4 =	simm.s32 $_size__tile_overlayer_lowered;
	s5 =	simm.s32 $_tile_overlayer_lowered  }
0x13: {  	s23 =	simm.s32 $0x1BFF;
	s22 =	sshll.u32 s5, $0x1;
	s1 =	sadd.s32 s20, s19  }
0x14: {  	s6 =	simm.s32 $0x0;
	s21 =	sshll.u32 s4, $0x1;
	s4 =	sadd.s32 s22, s1  }
0x15: {  	[timem:s6], [sflag:s23] =	dma.local [hbm:s4], s21  }
0x16: {  	_ =	swait.ge [sflag:s23], s21  }
0x17: {  	s2 =	ssub.s32 $0x0, s21;
	[sflag:s23] =	ssyncset.done $0x0  }
0x18: {  	[sflag:s23] =	ssyncadd.s32 s2;
	_ =	sdelay $0x1  }
0x19: {  	s24 =	simm.s32 $0x1B8B  }
0x1a: {  	_ =	swait.ge [sflag:s24], $0x1  }
0x1b: {  	[sflag:s24] =	ssyncset.done $0x0  }
0x1c: {  	s26 =	simm.s32 $0x1B8E;
	s25 =	sld [smem:$0x3FFE];
	[sflag:s24] =	ssyncadd.s32 $0xFFFFFFFF  }
0x1d: {  	s27 =	simm.s32 $execute0_lowered;
	[smem:$0x3FD2] =	sst s26  }
0x1e: {  	s4 =	sshll.u32 s27, $0x1;
	_ =	strace $0x80000049;
	[dreg:$0x1] =	wrdreg $0xFFFFFFFF  }
0x1f: {  	s28 =	simm.s32 $_size_execute0_lowered;
	s1 =	sadd.s32 s1, s4;
	[dreg:$0x0] =	wrdreg $0x0  }
0x20: {  	s4 =	sshll.u32 s28, $0x1;
	[dreg:$0x2] =	wrdreg s1  }
0x21: {  	[dreg:$0x3] =	wrdreg s4  }
0x22: {  	[dreg:$0x4] =	wrdreg $0xC0  }
0x23: {  	_ =	task [dreg:s6], $0x5FFFF  }
0x24: {  	[dreg:$0x1] =	wrdreg $0xFFFFFFFF  }
0x25: {  	[dreg:$0x0] =	wrdreg $0x60  }
0x26: {  	[dreg:$0x2] =	wrdreg s25  }
0x27: {  	[dreg:$0x3] =	wrdreg $0xA  }
0x28: {  	_ =	task.clear_ibuf [dreg:s6], $0x4FFFF;
	_ =	strace $0x90000049  }
0x29: {  	s29 =	simm.s32 $0xA;
	_ =	strace $0x8000004B  }
0x2a: {  	_ =	swait.ge [sflag:s29], $0x1  }
0x2b: {  	[sflag:s29] =	ssyncadd.s32 $0xFFFFFFFF  }
0x2c: {  	_ =	strace $0x9000004B  }
0x2d: {  	_ =	sfence  }
0x2e: {  	s30 =	sld [smem:$0x0];
	_ =	sdelay $0x2  }
0x2f: {  	s31 =	sshll.u32 s3, $0xD;
	s3 =	sshrl.u32 s3, $0x2  }
0x30: {  	s2 =	sand.u32 $0x4000, s31;
	s1 =	sadd.s32 s3, s30  }
0x31: {  	s0 =	sor.u32 s2, s0;
	s1 =	sshll.u32 s1, $0x11  }
0x32: {  	s0 =	sor.u32 s1, s0  }
0x33: {  	s0 =	sadd.s32 $0x8F2B, s0  }
0x34: {  	[sflag:s0] =	ssyncadd.remote.s32 $0x1  }
0x35: {  	_ =	sfence.sel $0xFFFF  }
0x36: {  	[dreg:$0x0] =	wrdreg $0xFFFFFFFF;
	(pc) =	sbr.abs _section_cstart, $3  }
0x37: {  	[dreg:$0x1] =	wrdreg $0xFFFFFFFF  }
0x38: {  	_ =	task.clear_ibuf [dreg:s6], $0x2FFFF;
	_ =	strace $0x9FFFFFFF  }
0x39: {  	(tm) =	ssettm $0x7FFFFFFF  }
tec
execute0_lowered:
.L_overlay_start_1:
0x0: {  	(tag) =	ssettag $0x1  }
0x1: {  	s0 =	srdreg.scid  }
0x2: {  	s5 =	rddreg [dreg:$0x0];
	s1 =	sshll.u32 s0, $0x4  }
0x3: {  	s4 =	simm.s32 $0x1;
	s0 =	stileid.u32;
	s1 =	sand.u32 $0x10, s1  }
0x4: {  	s8 =	simm.s32 $0x2;
	s12 =	simm.s32 $0x0;
	s2 =	sor.u32 s0, s1  }
0x5: {  	s11 =	simm.s32 $0x0;
	s9 =	simm.s32 $0x0;
	s2 =	sshll.u32 s2, $0x7  }
0x6: {  	s10 =	simm.s32 $0x0;
	s3 =	sadd.s32 $0x4EF200, s5;
	s6 =	ssub.s32 $0x27100, s2  }
.Ltmp0:
0x7: {  	s1 =	rddreg [dreg:$0x1];
	s7 =	sand.u32 $0xF80, s6;
	(pc) =	sbr.rel .LBB1_1-.Ltmp0, $4  }
0x8: {  	_ =	strace $0x8000004A;
	p0 =	sne.s32 s7, $0x0;
	s7 =	simm.s32 $0x1  }
0x9: {  	[sflag:s4] =	ssyncpa.u1 $0x0;
	s6 =	sshrl.u32 s6, $0xC;
	s7 =	simm.s32 @!p0 $0x0  }
0xa: {  	s5 =	sadd.s32 $0x9DB800, s5;
	[sflag:s8] =	ssyncpa.u1 $0x0;
	s6 =	sadd.s32 s7, s6  }
0xb: {  	s8 =	smov.u32 s2;
	p0 =	por $0x0, $0x0;
	s7 =	sadd.s32 $0x1, s6  }
.LBB1_4:
0xc: {  	s12 =	sshll.u32 s12, $0x7;
	s18 =	sshll.u32 s11, $0x3  }
0xd: {  	v5 =	vld [tilespmem:s16+$0xFFFFFFD0];
	[tilespmem:s15+$0x2040 ss:$0x81] =	vst.msk $0xffff, v4;
	s19 =	sand.u32 $0xFFFFFC00, s12;
	s18 =	sand.u32 $0xFFFFFC00, s18  }
0xe: {  	v58 =	vld [tilespmem:s16+$0xFFFFFFE0];
	[tilespmem:s15+$0x2850 ss:$0x81] =	vst.msk $0xffff, v3;
	s12 =	sand.u32 $0x380, s12;
	s18 =	sadd.s32 s18, s19  }
0xf: {  	s17 =	sshra.s32 s17, $0x2;
	v59 =	vld [tilespmem:s16+$0xFFFFFFF0];
	[tilespmem:s15+$0x3060 ss:$0x81] =	vst.msk $0xffff, v2;
	s12 =	sor.u32 s12, s18  }
0x10: {  	v60 =	vld [tilespmem:s16+$0x0];
	[tilespmem:s15+$0x0 ss:$0x81] =	vst.msk $0xffff, v0;
	s14 =	sadd.s32 s17, s14;
	s12 =	sshrl.u32 s12, $0x7  }
0x11: {  	v61 =	vld [tilespmem:s16+$0x10];
	[tilespmem:s14+$0x3870 ss:$0x81] =	vst.msk $0xffff, v1;
	s28 =	smulhi.u32 $0x1A36E2F, s12  }
0x12: {  	v62 =	vld [tilespmem:s16+$0x20];
	[tilespmem:s14+$0x810 ss:$0x81] =	vst.msk $0xffff, v5  }
0x13: {  	v63 =	vld [tilespmem:s16+$0xFFFFFFC0];
	[tilespmem:s14+$0x1020 ss:$0x81] =	vst.msk $0xffff, v58;
	s15 =	sshrl.u32 s28, $0xA  }
0x14: {  	[tilespmem:s14+$0x1830 ss:$0x81] =	vst.msk $0xffff, v59;
	s15 =	smul.u32 $0x27100, s15  }
0x15: {  	s29 =	sshrl.u32 s11, $0x3;
	[tilespmem:s14+$0x2040 ss:$0x81] =	vst.msk $0xffff, v60  }
0x16: {  	s30 =	sand.u32 $0xF, s29;
	[tilespmem:s14+$0x2850 ss:$0x81] =	vst.msk $0xffff, v61;
	s12 =	ssub.s32 s12, s15  }
0x17: {  	[tilespmem:s14+$0x3060 ss:$0x81] =	vst.msk $0xffff, v62;
	s15 =	sadd.s32 s5, s30;
	s12 =	sshll.u32 s12, $0x4  }
0x18: {  	s31 =	sand.u32 $0x7, s11;
	[tilespmem:s14+$0x0 ss:$0x81] =	vst.msk $0xffff, v63;
	s12 =	sadd.s32 s12, s15  }
0x19: {  	[hbm4b:s12+s31] =	stream.linear.scatter [tilespmem:s13], [sflag:$0x2], $0x4000, $0x20;
	[tilespmem:$0x10100] =	vst v63  }
.LBB1_5:
0x1a: {  	s13 =	sadd.s32 $0x1000, s8  }
0x1b: {  	s11 =	sadd.s32 $0x80, s9;
	s15 =	smov.u32 s9;
	p2 =	sgt.s32 s13, $0x270FF  }
0x1c: {  	s15 =	smov.u32 @p2 s11  }
0x1d: {  	s13 =	smov.u32 @p2 s2;
	p2 =	sgt.s32 s15, $0x7F  }
0x1e: {  	s15 =	simm.s32 @p2 $0x0;
	p2 =	sne.s32 s10, s7  }
.Ltmp1:
0x1f: {  	p1 =	slt.u32 s10, $0x2;
	(pc) =	sbr.rel @!p2 .LBB1_6-.Ltmp1, $4  }
0x20: {  	s14 =	simm.s32 @!p1 $0x2  }
0x21: {  	s12 =	smov.u32 s8;
	p0 =	por !p0, !p0;
	_ =	swait.ge @!p1 [sflag:s14], $0x4000  }
0x22: {  	s11 =	smov.u32 s9;
	[sflag:s14] =	ssyncset.done @!p1 $0x0;
	s8 =	smov.u32 s13  }
0x23: {  	s10 =	sadd.s32 $0x1, s10;
	[sflag:s14] =	ssyncadd.s32 @!p1 $0xFFFFC000;
	s9 =	smov.u32 s15  }
.LBB1_1:
0x24: {  	p1 =	sge.u32 s10, s6  }
0x25: {  	s13 =	sshrl.u32 @!p1 s9, $0x3  }
0x26: {  	s14 =	sshll.u32 @!p1 s8, $0x3;
	s13 =	smul.u32 @!p1 $0x138800, s13  }
0x27: {  	s15 =	sshll.u32 @!p1 s9, $0x7;
	s14 =	sand.u32 @!p1 $0xFFFFFC00, s14  }
0x28: {  	s13 =	sadd.s32 @!p1 s13, s14;
	s14 =	sand.u32 @!p1 $0x380, s15  }
0x29: {  	s15 =	sand.u32 @!p1 $0x7F, s8;
	s13 =	sor.u32 @!p1 s14, s13  }
0x2a: {  	s14 =	sor.u32 @!p1 s15, s13  }
0x2b: {  	s15 =	smulhi.u32 @!p1 $0xD1B71759, s14;
	_ =	sdelay $0x1  }
0x2c: {  	s13 =	smulhi.u32 @!p1 $0xD1B71759, s13;
	s15 =	sshrl.u32 @!p1 s15, $0x11  }
0x2d: {  	s15 =	smul.u32 @!p1 $0x27100, s15  }
0x2e: {  	s31 =	sadd.s32 $0xFFFFFFFF, s10;
	s16 =	sxor.u32 @!p1 $0xFFFFFFFF, s10;
	s13 =	sshrl.u32 @!p1 s13, $0x11  }
0x2f: {  	s16 =	sshll.u32 @!p1 s16, $0xE;
	s13 =	sand.u32 @!p1 $0x7F, s13;
	s14 =	ssub.s32 @!p1 s14, s15  }
0x30: {  	s13 =	smul.u32 @!p1 $0x4E20, s13;
	s15 =	sshrl.u32 @!p1 s14, $0x3;
	s14 =	sand.u32 @!p1 $0x7, s14  }
0x31: {  	s16 =	sand.u32 @!p1 $0x4000, s16;
	s15 =	sadd.s32 @!p1 s3, s15;
	s14 =	sshll.u32 @!p1 s14, $0x12  }
0x32: {  	s13 =	sadd.s32 @!p1 s13, s15;
	s14 =	sor.u32 @!p1 $0x400, s14;
	s15 =	simm.s32 @!p1 $0x138800  }
0x33: {  	[tilespmem:s16], [sflag:$0x1] =	stream.strided.gather @!p1 [hbm4b:s13+s14], $0x4000, s15, s14, $0x38;
	[tilespmem:$0x10100] =	vst v63  }
0x34: {  	p1 =	sge.u32 s31, s6  }
.Ltmp2:
0x35: {  	_ = 	snop;
	(pc) =	sbr.rel @p1 .LBB1_5-.Ltmp2, $1  }
0x36: {  	_ =	sdelay $0x3  }
0x37: {  	s13 =	simm.s32 $0x1  }
0x38: {  	_ =	swait.ge [sflag:s4], $0x4000;
	s13 =	simm.s32 @!p0 $0x0  }
0x39: {  	[sflag:s4] =	ssyncset.done $0x0;
	s14 =	sshll.u32 s13, $0xE  }
0x3a: {  	[sflag:s4] =	ssyncadd.s32 $0xFFFFC000;
	s16 =	sor.u32 $0x40, s14  }
0x3b: {  	s13 =	smul.u32 $0x10200, s13;
	v0 =	vld [tilespmem:s16+$0x30]  }
0x3c: {  	v1 =	vld [tilespmem:s16+$0xFFFFFFD0]  }
0x3d: {  	s13 =	sshrl.u32 s13, $0x2;
	v5 =	vld [tilespmem:s16+$0xFFFFFFE0]  }
0x3e: {  	v6 =	vld [tilespmem:s16+$0xFFFFFFF0];
	s14 =	sor.u32 $0x8000, s13  }
0x3f: {  	s31 =	sand.u32 $0x1, s10;
	v4 =	vld [tilespmem:s16+$0x0];
	s15 =	sadd.s32 $0x0, s14  }
0x40: {  	v3 =	vld [tilespmem:s16+$0x10];
	s13 =	smul.u32 $0x10200, s31;
	[tilespmem:s15+$0x3870 ss:$0x81] =	vst.msk $0xffff, v0  }
0x41: {  	v2 =	vld [tilespmem:s16+$0x20];
	[tilespmem:s15+$0x810 ss:$0x81] =	vst.msk $0xffff, v1  }
0x42: {  	s13 =	sshrl.u32 s13, $0x2;
	v0 =	vld [tilespmem:s16+$0xFFFFFFC0];
	[tilespmem:s15+$0x1020 ss:$0x81] =	vst.msk $0xffff, v5;
	s16 =	sadd.s32 $0x80, s16  }
0x43: {  	s17 =	simm.s32 $0x4;
	s18 =	simm.s32 $0x8;
	s13 =	sor.u32 $0x8000, s13;
	[tilespmem:s15+$0x1830 ss:$0x81] =	vst.msk $0xffff, v6;
	v1 =	vld [tilespmem:s16+$0x30]  }
.LBB1_3:
0x44: {  	p1 =	sne.s32 s18, $0x1FC;
	v5 =	vld [tilespmem:s16+$0xFFFFFFD0];
	[tilespmem:s15+$0x2040 ss:$0x81] =	vst.msk $0xffff, v4  }
0x45: {  	v6 =	vld [tilespmem:s16+$0xFFFFFFE0];
	[tilespmem:s15+$0x2850 ss:$0x81] =	vst.msk $0xffff, v3  }
0x46: {  	s19 =	sshra.s32 s17, $0x2;
	s17 =	smov.u32 s18;
	v7 =	vld [tilespmem:s16+$0xFFFFFFF0];
	[tilespmem:s15+$0x3060 ss:$0x81] =	vst.msk $0xffff, v2  }
.Ltmp3:
0x47: {  	v4 =	vld [tilespmem:s16+$0x0];
	[tilespmem:s15+$0x0 ss:$0x81] =	vst.msk $0xffff, v0;
	s15 =	sadd.s32 s19, s14;
	(pc) =	sbr.rel @p1 .LBB1_3-.Ltmp3, $4  }
0x48: {  	v3 =	vld [tilespmem:s16+$0x10];
	[tilespmem:s15+$0x3870 ss:$0x81] =	vst.msk $0xffff, v1  }
0x49: {  	[tilespmem:s15+$0x810 ss:$0x81] =	vst.msk $0xffff, v5;
	v2 =	vld [tilespmem:s16+$0x20]  }
0x4a: {  	v0 =	vld [tilespmem:s16+$0xFFFFFFC0];
	[tilespmem:s15+$0x1020 ss:$0x81] =	vst.msk $0xffff, v6;
	s16 =	sadd.s32 $0x80, s16  }
0x4b: {  	s18 =	sadd.s32 $0x4, s18;
	v1 =	vld [tilespmem:s16+$0x30];
	[tilespmem:s15+$0x1830 ss:$0x81] =	vst.msk $0xffff, v7  }
.Ltmp4:
0x4c: {  	_ = 	snop;
	(pc) =	sbr.rel .LBB1_4-.Ltmp4, $1  }
0x4d: {  	_ =	sdelay $0x3  }
.LBB1_6:
0x4e: {  	_ =	sfence.sel $0x180000  }
0x4f: {  	s2 =	simm.s32 $0x1;
	[bflag:$0x0] =	sbarrier.arrive $0xFFFF  }
0x50: {  	s31 =	simm.s32 $0x2;
	[sflag:s2] =	ssyncpa.u1 $0x1  }
0x51: {  	[sflag:s31] =	ssyncpa.u1 $0x1  }
0x52: {  	p0 =	sne.s32 s0, $0x0;
	_ =	strace $0x9000004A  }
0x53: {  	s0 =	sadd.s32 @!p0 $0x100000, s1;
	[bflag:$0x2] =	sbarrier.arrive $0xFFFF  }
0x54: {  	[sflag:s0] =	ssyncadd.tile.s32 @!p0 $0x1;
	_ =	shalt  }
.Lfunc_end1:
_tile_overlayer_lowered:
.L_overlay_start_2:
0x55: {  	(tag) =	ssettag $0x2  }
0x56: {  	s0 =	rddreg [dreg:$0x0];
	s2 =	stileid.u32  }
0x57: {  	s1 =	rddreg [dreg:$0x1];
	p0 =	sne.s32 s2, $0x0  }
0x58: {  	s3 =	rddreg [dreg:$0x2];
	[bflag:$0x3] =	sbarrier.arrive $0xFFFF;
	s2 =	simm.s32 @!p0 $0x1C01  }
0x59: {  	[timem:s3], [sflag:s2] =	dma.local @!p0 [hbm:s0], s1  }
0x5a: {  	s0 =	simm.s32 @!p0 $0x1  }
0x5b: {  	_ =	swait.ge @!p0 [sflag:s0], s1  }
0x5c: {  	s1 =	ssub.s32 @!p0 $0x0, s1;
	[sflag:s0] =	ssyncset.done @!p0 $0x0  }
0x5d: {  	[sflag:s0] =	ssyncadd.s32 @!p0 s1  }
0x5e: {  	[bflag:$0x3] =	sbarrier.arrive $0xFFFF  }
0x5f: {  	_ =	shalt  }

// kernel: sparse-core-data-format-call.cloned.1.call-start
scs
called_computation.2_lowered:
.L_overlay_start_0:
0x0: {  	s2 =	sld [smem:$0x3FD9]  }
0x1: {  	s3 =	sld [smem:$0x3FFE];
	_ =	sdelay $0x1  }
0x2: {  	s1 =	srdreg.scid  }
0x3: {  	s0 =	sand.u32 $0x1, s1  }
0x4: {  	s18 =	sshll.u32 s0, $0xA;
	s2 =	sadd.s32 s3, s2  }
0x5: {  	s2 =	sadd.s32 s2, s18  }
0x6: {  	[smem:$0x3FBB] =	sst s2  }
0x7: {  	_ = 	snop  }
0x8: {  	(tm) =	ssettm $0x1  }
0x9: {  	s19 =	sld [smem:$0x3FFB];
	_ =	sdelay $0x3  }
0xa: {  	_ =	strace s19  }
0xb: {  	s2 =	sld [smem:$0x3FFC];
	_ =	sdelay $0x3  }
0xc: {  	_ =	strace s2  }
0xd: {  	s2 =	sld [smem:$0x3FFD];
	_ =	sdelay $0x3  }
0xe: {  	_ =	strace s2  }
0xf: {  	_ =	strace $0x8FFFFFFF  }
0x10: {  	s20 =	sld [smem:$0x3FDB];
	_ =	sdelay $0x1  }
0x11: {  	s21 =	simm.s32 $_scs_section_size  }
0x12: {  	s4 =	simm.s32 $_size__tile_overlayer_lowered;
	s5 =	simm.s32 $_tile_overlayer_lowered  }
0x13: {  	s6 =	simm.s32 $0x1BFF;
	s22 =	sshll.u32 s5, $0x1;
	s3 =	sadd.s32 s21, s20  }
0x14: {  	s23 =	simm.s32 $0x0;
	s4 =	sshll.u32 s4, $0x1;
	s5 =	sadd.s32 s22, s3  }
0x15: {  	[timem:s23], [sflag:s6] =	dma.local [hbm:s5], s4  }
0x16: {  	_ =	swait.ge [sflag:s6], s4  }
0x17: {  	s4 =	ssub.s32 $0x0, s4;
	[sflag:s6] =	ssyncset.done $0x0  }
0x18: {  	[sflag:s6] =	ssyncadd.s32 s4;
	_ =	sdelay $0x1  }
0x19: {  	s24 =	simm.s32 $0x1B8B  }
0x1a: {  	_ =	swait.ge [sflag:s24], $0x1  }
0x1b: {  	[sflag:s24] =	ssyncset.done $0x0  }
0x1c: {  	[sflag:s24] =	ssyncadd.s32 $0xFFFFFFFF  }
0x1d: {  	s4 =	sld [smem:$0x0]  }
0x1e: {  	s5 =	sand.u32 $0xFFFFFFFE, s1  }
0x1f: {  	p0 =	sne.s32 s1, s5  }
0x20: {  	s5 =	sshll.u32 @p0 s5, $0xE  }
0x21: {  	s5 =	sadd.s32 @p0 $0x11B8D, s5;
	s6 =	sshll.u32 @p0 s4, $0x11  }
0x22: {  	s5 =	sor.u32 @p0 s6, s5  }
0x23: {  	[sflag:s5] =	ssyncadd.remote.s32 @p0 $0x1;
	_ =	sdelay $0x1  }
0x24: {  	s5 =	simm.s32 @p0 $0x1B8D  }
0x25: {  	_ =	swait.eq @p0 [sflag:s5], $0x1  }
0x26: {  	[sflag:s5] =	ssyncadd.s32 @p0 $0xFFFFFFFF  }
0x27: {  	s6 =	sshll.u32 @!p0 s1, $0xE  }
0x28: {  	s6 =	sor.u32 @!p0 $0x4000, s6;
	s5 =	simm.s32 @!p0 $0x1B8D  }
0x29: {  	s4 =	sshll.u32 @!p0 s4, $0x11;
	s6 =	sadd.s32 @!p0 $0x11B8D, s6;
	_ =	swait.eq @!p0 [sflag:s5], $0x1  }
0x2a: {  	s4 =	sor.u32 @!p0 s4, s6;
	[sflag:s5] =	ssyncadd.s32 @!p0 $0xFFFFFFFF  }
0x2b: {  	s26 =	simm.s32 $0x1B8E;
	s25 =	sld [smem:$0x3FFE];
	[sflag:s4] =	ssyncadd.remote.s32 @!p0 $0x1  }
0x2c: {  	s27 =	simm.s32 $execute0_lowered;
	[smem:$0x3FD2] =	sst s26  }
0x2d: {  	s5 =	sshll.u32 s27, $0x1;
	_ =	strace $0x8000004C;
	[dreg:$0x1] =	wrdreg $0xFFFFFFFF  }
0x2e: {  	s28 =	simm.s32 $_size_execute0_lowered;
	s3 =	sadd.s32 s3, s5;
	[dreg:$0x0] =	wrdreg $0x0  }
0x2f: {  	s5 =	sshll.u32 s28, $0x1;
	[dreg:$0x2] =	wrdreg s3  }
0x30: {  	[dreg:$0x3] =	wrdreg s5  }
0x31: {  	[dreg:$0x4] =	wrdreg $0xC0  }
0x32: {  	_ =	task [dreg:s23], $0x5FFFF  }
0x33: {  	[dreg:$0x1] =	wrdreg $0xFFFFFFFF  }
0x34: {  	[dreg:$0x0] =	wrdreg $0x60  }
0x35: {  	[dreg:$0x2] =	wrdreg s25  }
0x36: {  	[dreg:$0x3] =	wrdreg $0x9  }
0x37: {  	_ =	task.clear_ibuf [dreg:s23], $0x4FFFF;
	_ =	strace $0x9000004C  }
0x38: {  	s29 =	simm.s32 $0x9;
	_ =	strace $0x8000004E  }
0x39: {  	_ =	swait.ge [sflag:s29], $0x1  }
0x3a: {  	[sflag:s29] =	ssyncadd.s32 $0xFFFFFFFF  }
0x3b: {  	_ =	strace $0x9000004E  }
0x3c: {  	_ =	sfence  }
0x3d: {  	s30 =	sld [smem:$0x0];
	_ =	sdelay $0x2  }
0x3e: {  	s31 =	sshll.u32 s1, $0xD;
	s1 =	sshrl.u32 s1, $0x2  }
0x3f: {  	s4 =	sand.u32 $0x4000, s31;
	s1 =	sadd.s32 s1, s30  }
0x40: {  	s0 =	sor.u32 s4, s0;
	s1 =	sshll.u32 s1, $0x11  }
0x41: {  	s0 =	sor.u32 s1, s0  }
0x42: {  	s0 =	sadd.s32 $0x8F2B, s0  }
0x43: {  	[sflag:s0] =	ssyncadd.remote.s32 $0x1  }
0x44: {  	_ =	sfence.sel $0xFFFF  }
0x45: {  	[dreg:$0x0] =	wrdreg $0xFFFFFFFF;
	(pc) =	sbr.abs _section_cstart, $3  }
0x46: {  	[dreg:$0x1] =	wrdreg $0xFFFFFFFF  }
0x47: {  	_ =	task.clear_ibuf [dreg:s23], $0x2FFFF;
	_ =	strace $0x9FFFFFFF  }
0x48: {  	(tm) =	ssettm $0x7FFFFFFF  }
0x49: {  	_ =	shalt  }
tec
execute0_lowered:
.L_overlay_start_1:
0x0: {  	(tag) =	ssettag $0x1  }
0x1: {  	s0 =	srdreg.scid  }
0x2: {  	s5 =	rddreg [dreg:$0x0];
	s1 =	sshll.u32 s0, $0x4  }
0x3: {  	s4 =	simm.s32 $0x1;
	s0 =	stileid.u32;
	s1 =	sand.u32 $0x10, s1  }
0x4: {  	s8 =	simm.s32 $0x2;
	s12 =	simm.s32 $0x0;
	s2 =	sor.u32 s0, s1  }
0x5: {  	s11 =	simm.s32 $0x0;
	s9 =	simm.s32 $0x0;
	s2 =	sshll.u32 s2, $0x7  }
0x6: {  	s10 =	simm.s32 $0x0;
	s3 =	sadd.s32 $0xC4C800, s5;
	s6 =	ssub.s32 $0x27100, s2  }
.Ltmp0:
0x7: {  	s1 =	rddreg [dreg:$0x1];
	s7 =	sand.u32 $0xF80, s6;
	(pc) =	sbr.rel .LBB1_1-.Ltmp0, $4  }
0x8: {  	_ =	strace $0x8000004D;
	p0 =	sne.s32 s7, $0x0;
	s7 =	simm.s32 $0x1  }
0x9: {  	[sflag:s4] =	ssyncpa.u1 $0x0;
	s6 =	sshrl.u32 s6, $0xC;
	s7 =	simm.s32 @!p0 $0x0  }
0xa: {  	s5 =	sadd.s32 $0xEBD800, s5;
	[sflag:s8] =	ssyncpa.u1 $0x0;
	s6 =	sadd.s32 s7, s6  }
0xb: {  	s8 =	smov.u32 s2;
	p0 =	por $0x0, $0x0;
	s7 =	sadd.s32 $0x1, s6  }
.LBB1_4:
0xc: {  	s12 =	sshll.u32 s12, $0x7;
	s18 =	sshll.u32 s11, $0x3  }
0xd: {  	v5 =	vld [tilespmem:s16+$0xFFFFFFD0];
	[tilespmem:s15+$0x2040 ss:$0x81] =	vst.msk $0xffff, v4;
	s19 =	sand.u32 $0xFFFFFC00, s12;
	s18 =	sand.u32 $0xFFFFFC00, s18  }
0xe: {  	v58 =	vld [tilespmem:s16+$0xFFFFFFE0];
	[tilespmem:s15+$0x2850 ss:$0x81] =	vst.msk $0xffff, v3;
	s12 =	sand.u32 $0x380, s12;
	s18 =	sadd.s32 s18, s19  }
0xf: {  	s17 =	sshra.s32 s17, $0x2;
	v59 =	vld [tilespmem:s16+$0xFFFFFFF0];
	[tilespmem:s15+$0x3060 ss:$0x81] =	vst.msk $0xffff, v2;
	s12 =	sor.u32 s12, s18  }
0x10: {  	v60 =	vld [tilespmem:s16+$0x0];
	[tilespmem:s15+$0x0 ss:$0x81] =	vst.msk $0xffff, v0;
	s14 =	sadd.s32 s17, s14;
	s12 =	sshrl.u32 s12, $0x7  }
0x11: {  	v61 =	vld [tilespmem:s16+$0x10];
	[tilespmem:s14+$0x3870 ss:$0x81] =	vst.msk $0xffff, v1;
	s28 =	smulhi.u32 $0x1A36E2F, s12  }
0x12: {  	v62 =	vld [tilespmem:s16+$0x20];
	[tilespmem:s14+$0x810 ss:$0x81] =	vst.msk $0xffff, v5  }
0x13: {  	v63 =	vld [tilespmem:s16+$0xFFFFFFC0];
	[tilespmem:s14+$0x1020 ss:$0x81] =	vst.msk $0xffff, v58;
	s15 =	sshrl.u32 s28, $0xA  }
0x14: {  	[tilespmem:s14+$0x1830 ss:$0x81] =	vst.msk $0xffff, v59;
	s15 =	smul.u32 $0x27100, s15  }
0x15: {  	s29 =	sshrl.u32 s11, $0x3;
	[tilespmem:s14+$0x2040 ss:$0x81] =	vst.msk $0xffff, v60  }
0x16: {  	s30 =	sand.u32 $0xF, s29;
	[tilespmem:s14+$0x2850 ss:$0x81] =	vst.msk $0xffff, v61;
	s12 =	ssub.s32 s12, s15  }
0x17: {  	[tilespmem:s14+$0x3060 ss:$0x81] =	vst.msk $0xffff, v62;
	s15 =	sadd.s32 s5, s30;
	s12 =	sshll.u32 s12, $0x4  }
0x18: {  	s31 =	sand.u32 $0x7, s11;
	[tilespmem:s14+$0x0 ss:$0x81] =	vst.msk $0xffff, v63;
	s12 =	sadd.s32 s12, s15  }
0x19: {  	[hbm4b:s12+s31] =	stream.linear.scatter [tilespmem:s13], [sflag:$0x2], $0x4000, $0x20;
	[tilespmem:$0x10100] =	vst v63  }
.LBB1_5:
0x1a: {  	s13 =	sadd.s32 $0x1000, s8  }
0x1b: {  	s11 =	sadd.s32 $0x80, s9;
	s15 =	smov.u32 s9;
	p2 =	sgt.s32 s13, $0x270FF  }
0x1c: {  	s15 =	smov.u32 @p2 s11  }
0x1d: {  	s13 =	smov.u32 @p2 s2;
	p2 =	sgt.s32 s15, $0x7F  }
0x1e: {  	s15 =	simm.s32 @p2 $0x0;
	p2 =	sne.s32 s10, s7  }
.Ltmp1:
0x1f: {  	p1 =	slt.u32 s10, $0x2;
	(pc) =	sbr.rel @!p2 .LBB1_6-.Ltmp1, $4  }
0x20: {  	s14 =	simm.s32 @!p1 $0x2  }
0x21: {  	s12 =	smov.u32 s8;
	p0 =	por !p0, !p0;
	_ =	swait.ge @!p1 [sflag:s14], $0x4000  }
0x22: {  	s11 =	smov.u32 s9;
	[sflag:s14] =	ssyncset.done @!p1 $0x0;
	s8 =	smov.u32 s13  }
0x23: {  	s10 =	sadd.s32 $0x1, s10;
	[sflag:s14] =	ssyncadd.s32 @!p1 $0xFFFFC000;
	s9 =	smov.u32 s15  }
.LBB1_1:
0x24: {  	p1 =	sge.u32 s10, s6  }
0x25: {  	s13 =	sshrl.u32 @!p1 s9, $0x3  }
0x26: {  	s14 =	sshll.u32 @!p1 s8, $0x3;
	s13 =	smul.u32 @!p1 $0x138800, s13  }
0x27: {  	s15 =	sshll.u32 @!p1 s9, $0x7;
	s14 =	sand.u32 @!p1 $0xFFFFFC00, s14  }
0x28: {  	s13 =	sadd.s32 @!p1 s13, s14;
	s14 =	sand.u32 @!p1 $0x380, s15  }
0x29: {  	s15 =	sand.u32 @!p1 $0x7F, s8;
	s13 =	sor.u32 @!p1 s14, s13  }
0x2a: {  	s14 =	sor.u32 @!p1 s15, s13  }
0x2b: {  	s15 =	smulhi.u32 @!p1 $0xD1B71759, s14;
	_ =	sdelay $0x1  }
0x2c: {  	s13 =	smulhi.u32 @!p1 $0xD1B71759, s13;
	s15 =	sshrl.u32 @!p1 s15, $0x11  }
0x2d: {  	s15 =	smul.u32 @!p1 $0x27100, s15  }
0x2e: {  	s31 =	sadd.s32 $0xFFFFFFFF, s10;
	s16 =	sxor.u32 @!p1 $0xFFFFFFFF, s10;
	s13 =	sshrl.u32 @!p1 s13, $0x11  }
0x2f: {  	s16 =	sshll.u32 @!p1 s16, $0xE;
	s13 =	sand.u32 @!p1 $0x7F, s13;
	s14 =	ssub.s32 @!p1 s14, s15  }
0x30: {  	s13 =	smul.u32 @!p1 $0x4E20, s13;
	s15 =	sshrl.u32 @!p1 s14, $0x3;
	s14 =	sand.u32 @!p1 $0x7, s14  }
0x31: {  	s16 =	sand.u32 @!p1 $0x4000, s16;
	s15 =	sadd.s32 @!p1 s3, s15;
	s14 =	sshll.u32 @!p1 s14, $0x12  }
0x32: {  	s13 =	sadd.s32 @!p1 s13, s15;
	s14 =	sor.u32 @!p1 $0x400, s14;
	s15 =	simm.s32 @!p1 $0x138800  }
0x33: {  	[tilespmem:s16], [sflag:$0x1] =	stream.strided.gather @!p1 [hbm4b:s13+s14], $0x4000, s15, s14, $0x38;
	[tilespmem:$0x10100] =	vst v63  }
0x34: {  	p1 =	sge.u32 s31, s6  }
.Ltmp2:
0x35: {  	_ = 	snop;
	(pc) =	sbr.rel @p1 .LBB1_5-.Ltmp2, $1  }
0x36: {  	_ =	sdelay $0x3  }
0x37: {  	s13 =	simm.s32 $0x1  }
0x38: {  	_ =	swait.ge [sflag:s4], $0x4000;
	s13 =	simm.s32 @!p0 $0x0  }
0x39: {  	[sflag:s4] =	ssyncset.done $0x0;
	s14 =	sshll.u32 s13, $0xE  }
0x3a: {  	[sflag:s4] =	ssyncadd.s32 $0xFFFFC000;
	s16 =	sor.u32 $0x40, s14  }
0x3b: {  	s13 =	smul.u32 $0x10200, s13;
	v0 =	vld [tilespmem:s16+$0x30]  }
0x3c: {  	v1 =	vld [tilespmem:s16+$0xFFFFFFD0]  }
0x3d: {  	s13 =	sshrl.u32 s13, $0x2;
	v5 =	vld [tilespmem:s16+$0xFFFFFFE0]  }
0x3e: {  	v6 =	vld [tilespmem:s16+$0xFFFFFFF0];
	s14 =	sor.u32 $0x8000, s13  }
0x3f: {  	s31 =	sand.u32 $0x1, s10;
	v4 =	vld [tilespmem:s16+$0x0];
	s15 =	sadd.s32 $0x0, s14  }
0x40: {  	v3 =	vld [tilespmem:s16+$0x10];
	s13 =	smul.u32 $0x10200, s31;
	[tilespmem:s15+$0x3870 ss:$0x81] =	vst.msk $0xffff, v0  }
0x41: {  	v2 =	vld [tilespmem:s16+$0x20];
	[tilespmem:s15+$0x810 ss:$0x81] =	vst.msk $0xffff, v1  }
0x42: {  	s13 =	sshrl.u32 s13, $0x2;
	v0 =	vld [tilespmem:s16+$0xFFFFFFC0];
	[tilespmem:s15+$0x1020 ss:$0x81] =	vst.msk $0xffff, v5;
	s16 =	sadd.s32 $0x80, s16  }
0x43: {  	s17 =	simm.s32 $0x4;
	s18 =	simm.s32 $0x8;
	s13 =	sor.u32 $0x8000, s13;
	[tilespmem:s15+$0x1830 ss:$0x81] =	vst.msk $0xffff, v6;
	v1 =	vld [tilespmem:s16+$0x30]  }
.LBB1_3:
0x44: {  	p1 =	sne.s32 s18, $0x1FC;
	v5 =	vld [tilespmem:s16+$0xFFFFFFD0];
	[tilespmem:s15+$0x2040 ss:$0x81] =	vst.msk $0xffff, v4  }
0x45: {  	v6 =	vld [tilespmem:s16+$0xFFFFFFE0];
	[tilespmem:s15+$0x2850 ss:$0x81] =	vst.msk $0xffff, v3  }
0x46: {  	s19 =	sshra.s32 s17, $0x2;
	s17 =	smov.u32 s18;
	v7 =	vld [tilespmem:s16+$0xFFFFFFF0];
	[tilespmem:s15+$0x3060 ss:$0x81] =	vst.msk $0xffff, v2  }
.Ltmp3:
0x47: {  	v4 =	vld [tilespmem:s16+$0x0];
	[tilespmem:s15+$0x0 ss:$0x81] =	vst.msk $0xffff, v0;
	s15 =	sadd.s32 s19, s14;
	(pc) =	sbr.rel @p1 .LBB1_3-.Ltmp3, $4  }
0x48: {  	v3 =	vld [tilespmem:s16+$0x10];
	[tilespmem:s15+$0x3870 ss:$0x81] =	vst.msk $0xffff, v1  }
0x49: {  	[tilespmem:s15+$0x810 ss:$0x81] =	vst.msk $0xffff, v5;
	v2 =	vld [tilespmem:s16+$0x20]  }
0x4a: {  	v0 =	vld [tilespmem:s16+$0xFFFFFFC0];
	[tilespmem:s15+$0x1020 ss:$0x81] =	vst.msk $0xffff, v6;
	s16 =	sadd.s32 $0x80, s16  }
0x4b: {  	s18 =	sadd.s32 $0x4, s18;
	v1 =	vld [tilespmem:s16+$0x30];
	[tilespmem:s15+$0x1830 ss:$0x81] =	vst.msk $0xffff, v7  }
.Ltmp4:
0x4c: {  	_ = 	snop;
	(pc) =	sbr.rel .LBB1_4-.Ltmp4, $1  }
0x4d: {  	_ =	sdelay $0x3  }
.LBB1_6:
0x4e: {  	_ =	sfence.sel $0x180000  }
0x4f: {  	s2 =	simm.s32 $0x1;
	[bflag:$0x0] =	sbarrier.arrive $0xFFFF  }
0x50: {  	s31 =	simm.s32 $0x2;
	[sflag:s2] =	ssyncpa.u1 $0x1  }
0x51: {  	[sflag:s31] =	ssyncpa.u1 $0x1  }
0x52: {  	p0 =	sne.s32 s0, $0x0;
	_ =	strace $0x9000004D  }
0x53: {  	s0 =	sadd.s32 @!p0 $0x100000, s1;
	[bflag:$0x2] =	sbarrier.arrive $0xFFFF  }
0x54: {  	[sflag:s0] =	ssyncadd.tile.s32 @!p0 $0x1;
	_ =	shalt  }
.Lfunc_end1:
_tile_overlayer_lowered:
.L_overlay_start_2:
0x55: {  	(tag) =	ssettag $0x2  }
0x56: {  	s0 =	rddreg [dreg:$0x0];
	s2 =	stileid.u32  }
0x57: {  	s1 =	rddreg [dreg:$0x1];
	p0 =	sne.s32 s2, $0x0  }
0x58: {  	s3 =	rddreg [dreg:$0x2];
	[bflag:$0x3] =	sbarrier.arrive $0xFFFF;
	s2 =	simm.s32 @!p0 $0x1C01  }
0x59: {  	[timem:s3], [sflag:s2] =	dma.local @!p0 [hbm:s0], s1  }
0x5a: {  	s0 =	simm.s32 @!p0 $0x1  }
0x5b: {  	_ =	swait.ge @!p0 [sflag:s0], s1  }
0x5c: {  	s1 =	ssub.s32 @!p0 $0x0, s1;
	[sflag:s0] =	ssyncset.done @!p0 $0x0  }
0x5d: {  	[sflag:s0] =	ssyncadd.s32 @!p0 s1  }
0x5e: {  	[bflag:$0x3] =	sbarrier.arrive $0xFFFF  }
0x5f: {  	_ =	shalt  }

</sc_bundles>
